<compile_context>
chip_gen: v7x
topology: tpu7x:2x2x1
jax: 0.10.2.dev20260603
libtpu: 0.0.44.dev20260713+nightly
codegen_flags: <defaults>
</compile_context>

<pallas_src>
import functools

import jax
import jax.numpy as jnp
from jax import lax
from jax.experimental import pallas as pl
from jax.experimental.pallas import tpu as pltpu
from jax.experimental.pallas import tpu_sc as plsc

N_SIDE = 5000
D = 128
E_SIDE = 160000
NC, NS, L = 2, 16, 16
NP = 5120
RPT = NP // NS
K = 128
EP = 163840
CH = EP // (NS * K)
CHH = CH // 2
NQ = RPT // 64

_f32 = jnp.float32
_i32 = jnp.int32

_mesh = plsc.VectorSubcoreMesh(core_axis_name="c", subcore_axis_name="s",
                               num_cores=NC, num_subcores=NS)

_SCRATCH = [
    pltpu.VMEM_SHARED((NP, D), _f32),
    pltpu.VMEM_SHARED((NP, D), _f32),
    pltpu.VMEM((CHH, K), _i32),
    pltpu.VMEM((CHH, K), _i32),
    pltpu.VMEM((K, D), _f32),
    pltpu.VMEM((K, D), _f32),
    pltpu.SemaphoreType.DMA,
]


def _nr_rsqrt(x):
    i = lax.bitcast_convert_type(x, _i32)
    i = jnp.int32(0x5F3759DF) - lax.shift_right_logical(i, 1)
    y = lax.bitcast_convert_type(i, _f32)
    for _ in range(3):
        y = y * (jnp.float32(1.5) - jnp.float32(0.5) * x * y * y)
    return y


def _sum_loop(tab_s, acc, src2, dst2, srcv, dstv, rows0, rows1, sem, c, s):
    for h in range(2):
        pltpu.sync_copy(src2.at[c, s, pl.ds(h * CHH, CHH)], srcv)
        pltpu.sync_copy(dst2.at[c, s, pl.ds(h * CHH, CHH)], dstv)
        pltpu.async_copy(tab_s.at[srcv.at[0]], rows0, sem)

        def body(i, carry):
            j = 2 * i
            pltpu.make_async_copy(tab_s.at[srcv.at[j]], rows0, sem).wait()
            pltpu.async_copy(tab_s.at[srcv.at[j + 1]], rows1, sem)
            pltpu.sync_copy(rows0, acc.at[dstv.at[j]], add=True)
            pltpu.make_async_copy(tab_s.at[srcv.at[j]], rows1, sem).wait()

            @pl.when(j + 2 < CHH)
            def _():
                pltpu.async_copy(tab_s.at[srcv.at[j + 2]], rows0, sem)

            pltpu.sync_copy(rows1, acc.at[dstv.at[j + 1]], add=True)
            return carry

        lax.fori_loop(0, CHH // 2, body, 0)


@functools.partial(
    pl.kernel,
    out_type=[jax.ShapeDtypeStruct((NC, NP, D), _f32),
              jax.ShapeDtypeStruct((NC, NP, D), _f32)],
    mesh=_mesh,
    scratch_types=_SCRATCH,
)
def _layer1_sc(z2, src2, dst2, ones_hbm, zero_hbm, t1out, degout,
               acc, tab_s, srcv, dstv, rows0, rows1, sem):
    c = lax.axis_index("c")
    s = lax.axis_index("s")
    sl_own = pl.ds(s * RPT, RPT)
    pltpu.sync_copy(zero_hbm, acc.at[sl_own])
    pltpu.sync_copy(zero_hbm, tab_s.at[sl_own])
    pltpu.sync_copy(ones_hbm, rows0)
    plsc.subcore_barrier()

    for h in range(2):
        pltpu.sync_copy(dst2.at[1 - c, s, pl.ds(h * CHH, CHH)], dstv)

        def dbody(j, carry):
            pltpu.sync_copy(rows0, tab_s.at[dstv.at[j]], add=True)
            return carry

        lax.fori_loop(0, CHH, dbody, 0)

    plsc.subcore_barrier()

    def stage(q, carry):
        base = s * RPT + q * 64
        pltpu.sync_copy(tab_s.at[pl.ds(base, 64)], rows0.at[pl.ds(0, 64)])
        pltpu.sync_copy(z2.at[c, pl.ds(base, 64)], rows1.at[pl.ds(0, 64)])
        pltpu.sync_copy(rows0.at[pl.ds(0, 64)], degout.at[c, pl.ds(base, 64)])

        def row(r, carry2):
            d16 = rows0[r, pl.ds(0, 16)]
            dis = jnp.where(d16 > 0, _nr_rsqrt(d16), jnp.float32(0.0))
            for q2 in range(8):
                sl = pl.ds(16 * q2, 16)
                rows1[r, sl] = rows1[r, sl] * dis
            return carry2

        lax.fori_loop(0, 64, row, 0)
        pltpu.sync_copy(rows1.at[pl.ds(0, 64)], tab_s.at[pl.ds(base, 64)])
        return carry

    lax.fori_loop(0, NQ, stage, 0)
    plsc.subcore_barrier()

    _sum_loop(tab_s, acc, src2, dst2, srcv, dstv, rows0, rows1, sem, c, s)
    plsc.subcore_barrier()
    pltpu.sync_copy(acc.at[sl_own], t1out.at[c, sl_own])


@functools.partial(
    pl.kernel,
    out_type=[jax.ShapeDtypeStruct((N_SIDE, D), _f32),
              jax.ShapeDtypeStruct((N_SIDE, D), _f32)],
    mesh=_mesh,
    scratch_types=_SCRATCH,
)
def _layer2_sc(t1_2, deg2, z2, src2, dst2, zero_hbm, fu_out, fi_out,
               acc, tab_s, srcv, dstv, rows0, rows1, sem):
    c = lax.axis_index("c")
    s = lax.axis_index("s")
    sl_own = pl.ds(s * RPT, RPT)
    pltpu.sync_copy(zero_hbm, acc.at[sl_own])

    def stage(q, carry):
        base = s * RPT + q * 64
        pltpu.sync_copy(t1_2.at[1 - c, pl.ds(base, 64)], rows0.at[pl.ds(0, 64)])
        pltpu.sync_copy(deg2.at[c, pl.ds(base, 64)], rows1.at[pl.ds(0, 64)])

        def row(r, carry2):
            d16 = rows1[r, pl.ds(0, 16)]
            y = _nr_rsqrt(d16)
            rec = jnp.where(d16 > 0, y * y, jnp.float32(0.0))
            for q2 in range(8):
                sl = pl.ds(16 * q2, 16)
                rows0[r, sl] = rows0[r, sl] * rec
            return carry2

        lax.fori_loop(0, 64, row, 0)
        pltpu.sync_copy(rows0.at[pl.ds(0, 64)], tab_s.at[pl.ds(base, 64)])
        return carry

    lax.fori_loop(0, NQ, stage, 0)
    plsc.subcore_barrier()

    _sum_loop(tab_s, acc, src2, dst2, srcv, dstv, rows0, rows1, sem, c, s)
    plsc.subcore_barrier()

    tile_base = jnp.minimum(s * RPT, N_SIDE - RPT)

    def drain_to(out_ref):
        def drain(q, carry):
            base = tile_base + q * 64
            pltpu.sync_copy(acc.at[pl.ds(base, 64)], rows0.at[pl.ds(0, 64)])
            pltpu.sync_copy(t1_2.at[c, pl.ds(base, 64)], rows0.at[pl.ds(64, 64)])
            pltpu.sync_copy(z2.at[1 - c, pl.ds(base, 64)], rows1.at[pl.ds(0, 64)])
            pltpu.sync_copy(deg2.at[1 - c, pl.ds(base, 64)],
                            rows1.at[pl.ds(64, 64)])

            def row(r, carry2):
                d16 = rows1[r + 64, pl.ds(0, 16)]
                dis = jnp.where(d16 > 0, _nr_rsqrt(d16), jnp.float32(0.0))
                for q2 in range(8):
                    sl = pl.ds(16 * q2, 16)
                    t2v = rows0[r, sl]
                    t1v = rows0[r + 64, sl]
                    zv = rows1[r, sl]
                    rows0[r, sl] = ((zv + dis * (t1v + t2v))
                                    * jnp.float32(1.0 / 3.0))
                return carry2

            lax.fori_loop(0, 64, row, 0)
            pltpu.sync_copy(rows0.at[pl.ds(0, 64)], out_ref.at[pl.ds(base, 64)])
            return carry

        lax.fori_loop(0, NQ, drain, 0)

    @pl.when(c == 0)
    def _():
        drain_to(fi_out)

    @pl.when(c == 1)
    def _():
        drain_to(fu_out)


def _proj_tc(xu, wu, bu, xi, wi, bi, z2):
    dn = (((1,), (1,)), ((), ()))
    z2[0, pl.ds(0, N_SIDE)] = lax.dot_general(
        xu[...], wu[...], dn, preferred_element_type=_f32) + bu[...]
    z2[1, pl.ds(0, N_SIDE)] = lax.dot_general(
        xi[...], wi[...], dn, preferred_element_type=_f32) + bi[...]


_sds = jax.ShapeDtypeStruct
_proj_call = pl.pallas_call(_proj_tc, out_shape=_sds((NC, NP, D), _f32))


def kernel(x_user, x_item, edge_index_user_item, edge_index_item_user,
           W_user, b_user, W_item, b_item):
    pade = EP - E_SIDE

    def edges4(a, b, fa, fb):
        a = jnp.concatenate([a, jnp.full((pade,), fa, _i32)]).reshape(NS, CH, K)
        b = jnp.concatenate([b, jnp.full((pade,), fb, _i32)]).reshape(NS, CH, K)
        return jnp.stack([a, b], axis=0)

    src2 = edges4(edge_index_user_item[0], edge_index_item_user[0], 0, 0)
    dst2 = edges4(edge_index_user_item[1], edge_index_item_user[1],
                  NP - 1, NP - 1)

    onesK = jnp.ones((K, D), _f32)
    zeroD = jnp.zeros((RPT, D), _f32)

    z2 = _proj_call(x_user, W_user, b_user.reshape(1, D),
                    x_item, W_item, b_item.reshape(1, D))

    t1_2, deg2 = _layer1_sc(z2, src2, dst2, onesK, zeroD)
    fu, fi = _layer2_sc(t1_2, deg2, z2, src2, dst2, zeroD)
    return (fu, fi)

# --- scband reference (transcript-rebuilt; emitter-appended) ---
"""Pipeline reference for scband-light-gcn-10754598109945 (READ-ONLY COPY).

The authoritative reference and input builder live on the scoring server;
editing this copy changes nothing except your own understanding.
"""

import jax, jax.numpy as jnp
import numpy as np

NUM_USERS = 5000
NUM_ITEMS = 5000
D_IN = 128
D_H = 128
E = 160000
NUM_LAYERS = 2


def setup_inputs(seed: int = 0) -> dict:
    key = jax.random.key(seed)
    ks = jax.random.split(key, 10)
    x_user = jax.random.normal(ks[0], (NUM_USERS, D_IN), dtype=jnp.float32)
    x_item = jax.random.normal(ks[1], (NUM_ITEMS, D_IN), dtype=jnp.float32)
    edge_index_user_item = jnp.stack([
        jax.random.randint(ks[2], (E,), 0, NUM_USERS, dtype=jnp.int32),
        jax.random.randint(ks[3], (E,), 0, NUM_ITEMS, dtype=jnp.int32),
    ], axis=0)
    edge_index_item_user = jnp.stack([
        jax.random.randint(ks[4], (E,), 0, NUM_ITEMS, dtype=jnp.int32),
        jax.random.randint(ks[5], (E,), 0, NUM_USERS, dtype=jnp.int32),
    ], axis=0)
    # TypeProjector params (Linear per node type), xavier_uniform-style init
    limit = float(np.sqrt(6.0 / (D_IN + D_H)))
    W_user = jax.random.uniform(ks[6], (D_H, D_IN), dtype=jnp.float32, minval=-limit, maxval=limit)
    W_item = jax.random.uniform(ks[7], (D_H, D_IN), dtype=jnp.float32, minval=-limit, maxval=limit)
    b_user = jnp.zeros((D_H,), dtype=jnp.float32)
    b_item = jnp.zeros((D_H,), dtype=jnp.float32)
    return {
        'x_user': x_user,
        'x_item': x_item,
        'edge_index_user_item': edge_index_user_item,
        'edge_index_item_user': edge_index_item_user,
        'W_user': W_user,
        'b_user': b_user,
        'W_item': W_item,
        'b_item': b_item,
    }


def _lgconv(x, src, dst, n):
    # PyG LGConv: gcn_norm, symmetric, no self-loops
    deg = jnp.zeros((n,), dtype=x.dtype).at[dst].add(1.0)
    deg_inv_sqrt = jnp.where(deg > 0, deg ** -0.5, 0.0)
    norm = deg_inv_sqrt[src] * deg_inv_sqrt[dst]
    msg = x[src] * norm[:, None]
    return jnp.zeros_like(x).at[dst].add(msg)


def reference(x_user, x_item, edge_index_user_item, edge_index_item_user, W_user, b_user, W_item, b_item):
    # TypeProjector: per-type linear projection
    zu = x_user @ W_user.T + b_user
    zi = x_item @ W_item.T + b_item
    num_users = zu.shape[0]
    n_total = zu.shape[0] + zi.shape[0]
    # Shift item node ids into combined index space
    ui_src = edge_index_user_item[0]
    ui_dst = edge_index_user_item[1] + num_users
    iu_src = edge_index_item_user[0] + num_users
    iu_dst = edge_index_item_user[1]
    src = jnp.concatenate([ui_src, iu_src], axis=0)
    dst = jnp.concatenate([ui_dst, iu_dst], axis=0)
    x = jnp.concatenate([zu, zi], axis=0)
    all_embeddings = [x]
    for _ in range(NUM_LAYERS):
        x = _lgconv(x, src, dst, n_total)
        # dropout is identity in eval mode
        all_embeddings.append(x)
    final_x = jnp.mean(jnp.stack(all_embeddings, axis=0), axis=0)
    return (final_x[:num_users], final_x[num_users:])

if __name__ == "__main__":
    import jax
    _d = setup_inputs()
    print(jax.jit(kernel)(*tuple(_d.values())))

</pallas_src>

<mosaic_0001>
#map = affine_map<(d0, d1) -> (0, 0, 0)>
#map1 = affine_map<(d0, d1) -> (0, 0, 0, 0)>
#map2 = affine_map<(d0, d1) -> (0, 0)>
module attributes {stable_mosaic.version = 14 : i64} {
  func.func @_layer1_sc(%arg0: i32, %arg1: i32, %arg2: memref<2x5120x128xf32, #tpu.memory_space<hbm>>, %arg3: memref<2x16x80x128xi32, #tpu.memory_space<hbm>>, %arg4: memref<2x16x80x128xi32, #tpu.memory_space<hbm>>, %arg5: memref<128x128xf32, #tpu.memory_space<hbm>>, %arg6: memref<320x128xf32, #tpu.memory_space<hbm>>, %arg7: memref<2x5120x128xf32, #tpu.memory_space<hbm>>, %arg8: memref<2x5120x128xf32, #tpu.memory_space<hbm>>, %arg9: memref<5120x128xf32, #tpu.memory_space<vmem_shared>>, %arg10: memref<5120x128xf32, #tpu.memory_space<vmem_shared>>, %arg11: memref<40x128xi32, #tpu.memory_space<vmem>>, %arg12: memref<40x128xi32, #tpu.memory_space<vmem>>, %arg13: memref<128x128xf32, #tpu.memory_space<vmem>>, %arg14: memref<128x128xf32, #tpu.memory_space<vmem>>, %arg15: memref<!tpu.dma_semaphore, #tpu.memory_space<semaphore_mem>>) attributes {dimension_semantics = [#tpu.dimension_semantics<core_parallel>, #tpu.dimension_semantics<subcore_parallel>], iteration_bounds = array<i64: 2, 16>, scalar_prefetch = 0 : i64, scratch_operands = 7 : i64, tpu.core_type = #tpu.core_type<sc_vector_subcore>, window_params = [{transform_indices = #map}, {transform_indices = #map1}, {transform_indices = #map1}, {transform_indices = #map2}, {transform_indices = #map2}, {transform_indices = #map}, {transform_indices = #map}]} {
    %mul3A = arith.constant 320 : i32
    %mul3A_0 = arith.muli %arg1, %mul3A : i32
    "tpu.region"() ({
      %run_scoped3A = tpu.sem_alloc : memref<!tpu.dma_semaphore, #tpu.memory_space<semaphore_mem>>
      %dma_start3A_49 = arith.constant 0 : i32
      %dma_start3A_50 = tpu.memref_slice %arg9[%mul3A_0, %dma_start3A_49] : memref<5120x128xf32, #tpu.memory_space<vmem_shared>> -> memref<320x128xf32, #tpu.memory_space<vmem_shared>>
      tpu.enqueue_dma source(%arg6 : memref<320x128xf32, #tpu.memory_space<hbm>>) target(%dma_start3A_50 : memref<320x128xf32, #tpu.memory_space<vmem_shared>>) target_semaphore(%run_scoped3A : memref<!tpu.dma_semaphore, #tpu.memory_space<semaphore_mem>>)
      %dma_wait3A = arith.constant 0 : i32
      %dma_wait3A_51 = tpu.memref_slice %arg9[%mul3A_0, %dma_wait3A] : memref<5120x128xf32, #tpu.memory_space<vmem_shared>> -> memref<320x128xf32, #tpu.memory_space<vmem_shared>>
      tpu.wait_dma2 semaphore(%run_scoped3A : memref<!tpu.dma_semaphore, #tpu.memory_space<semaphore_mem>>) src(%arg6 : memref<320x128xf32, #tpu.memory_space<hbm>>) dst(%dma_wait3A_51 : memref<320x128xf32, #tpu.memory_space<vmem_shared>>)
      tpu.yield
    }) : () -> ()
    "tpu.region"() ({
      %run_scoped3A = tpu.sem_alloc : memref<!tpu.dma_semaphore, #tpu.memory_space<semaphore_mem>>
      %dma_start3A_49 = arith.constant 0 : i32
      %dma_start3A_50 = tpu.memref_slice %arg10[%mul3A_0, %dma_start3A_49] : memref<5120x128xf32, #tpu.memory_space<vmem_shared>> -> memref<320x128xf32, #tpu.memory_space<vmem_shared>>
      tpu.enqueue_dma source(%arg6 : memref<320x128xf32, #tpu.memory_space<hbm>>) target(%dma_start3A_50 : memref<320x128xf32, #tpu.memory_space<vmem_shared>>) target_semaphore(%run_scoped3A : memref<!tpu.dma_semaphore, #tpu.memory_space<semaphore_mem>>)
      %dma_wait3A = arith.constant 0 : i32
      %dma_wait3A_51 = tpu.memref_slice %arg10[%mul3A_0, %dma_wait3A] : memref<5120x128xf32, #tpu.memory_space<vmem_shared>> -> memref<320x128xf32, #tpu.memory_space<vmem_shared>>
      tpu.wait_dma2 semaphore(%run_scoped3A : memref<!tpu.dma_semaphore, #tpu.memory_space<semaphore_mem>>) src(%arg6 : memref<320x128xf32, #tpu.memory_space<hbm>>) dst(%dma_wait3A_51 : memref<320x128xf32, #tpu.memory_space<vmem_shared>>)
      tpu.yield
    }) : () -> ()
    "tpu.region"() ({
      %run_scoped3A = tpu.sem_alloc : memref<!tpu.dma_semaphore, #tpu.memory_space<semaphore_mem>>
      tpu.enqueue_dma source(%arg5 : memref<128x128xf32, #tpu.memory_space<hbm>>) target(%arg13 : memref<128x128xf32, #tpu.memory_space<vmem>>) target_semaphore(%run_scoped3A : memref<!tpu.dma_semaphore, #tpu.memory_space<semaphore_mem>>)
      tpu.wait_dma2 semaphore(%run_scoped3A : memref<!tpu.dma_semaphore, #tpu.memory_space<semaphore_mem>>) src(%arg5 : memref<128x128xf32, #tpu.memory_space<hbm>>) dst(%arg13 : memref<128x128xf32, #tpu.memory_space<vmem>>)
      tpu.yield
    }) : () -> ()
    %barrier3A = arith.constant 0 : index
    tpu.barrier barrier_id(%barrier3A)
    %sub3A = arith.constant 1 : i32
    %sub3A_1 = arith.subi %sub3A, %arg0 : i32
    "tpu.region"() ({
      %run_scoped3A = tpu.sem_alloc : memref<!tpu.dma_semaphore, #tpu.memory_space<semaphore_mem>>
      %dma_start3A_49 = arith.constant 0 : i32
      %dma_start3A_50 = arith.constant 0 : i32
      %dma_start3A_51 = tpu.memref_slice %arg4[%sub3A_1, %arg1, %dma_start3A_49, %dma_start3A_50] : memref<2x16x80x128xi32, #tpu.memory_space<hbm>> -> memref<1x1x40x128xi32, #tpu.memory_space<hbm>>
      %dma_start3A_52 = tpu.memref_squeeze %dma_start3A_51 : memref<1x1x40x128xi32, #tpu.memory_space<hbm>> -> memref<40x128xi32, #tpu.memory_space<hbm>>
      %dma_start3A_53 = arith.constant 0 : i32
      %dma_start3A_54 = arith.constant 0 : i32
      %dma_start3A_55 = tpu.memref_slice %arg4[%sub3A_1, %arg1, %dma_start3A_53, %dma_start3A_54] : memref<2x16x80x128xi32, #tpu.memory_space<hbm>> -> memref<1x1x40x128xi32, #tpu.memory_space<hbm>>
      %dma_start3A_56 = tpu.memref_squeeze %dma_start3A_55 : memref<1x1x40x128xi32, #tpu.memory_space<hbm>> -> memref<40x128xi32, #tpu.memory_space<hbm>>
      tpu.enqueue_dma source(%dma_start3A_56 : memref<40x128xi32, #tpu.memory_space<hbm>>) target(%arg12 : memref<40x128xi32, #tpu.memory_space<vmem>>) target_semaphore(%run_scoped3A : memref<!tpu.dma_semaphore, #tpu.memory_space<semaphore_mem>>)
      %dma_wait3A = arith.constant 0 : i32
      %dma_wait3A_57 = arith.constant 0 : i32
      %dma_wait3A_58 = tpu.memref_slice %arg4[%sub3A_1, %arg1, %dma_wait3A, %dma_wait3A_57] : memref<2x16x80x128xi32, #tpu.memory_space<hbm>> -> memref<1x1x40x128xi32, #tpu.memory_space<hbm>>
      %dma_wait3A_59 = tpu.memref_squeeze %dma_wait3A_58 : memref<1x1x40x128xi32, #tpu.memory_space<hbm>> -> memref<40x128xi32, #tpu.memory_space<hbm>>
      %dma_wait3A_60 = arith.constant 0 : i32
      %dma_wait3A_61 = arith.constant 0 : i32
      %dma_wait3A_62 = tpu.memref_slice %arg4[%sub3A_1, %arg1, %dma_wait3A_60, %dma_wait3A_61] : memref<2x16x80x128xi32, #tpu.memory_space<hbm>> -> memref<1x1x40x128xi32, #tpu.memory_space<hbm>>
      %dma_wait3A_63 = tpu.memref_squeeze %dma_wait3A_62 : memref<1x1x40x128xi32, #tpu.memory_space<hbm>> -> memref<40x128xi32, #tpu.memory_space<hbm>>
      tpu.wait_dma2 semaphore(%run_scoped3A : memref<!tpu.dma_semaphore, #tpu.memory_space<semaphore_mem>>) src(%dma_wait3A_63 : memref<40x128xi32, #tpu.memory_space<hbm>>) dst(%arg12 : memref<40x128xi32, #tpu.memory_space<vmem>>)
      tpu.yield
    }) : () -> ()
    %scan3A = arith.constant 0 : i32
    %scan3A_2 = arith.constant 0 : i32
    %scan3A_3 = arith.constant 40 : i32
    %scan3A_4 = arith.addi %scan3A_2, %scan3A_3 : i32
    %scan3A_5 = arith.constant 1 : i32
    scf.for %scan3A_49 = %scan3A_2 to %scan3A_4 step %scan3A_5  : i32 {
      "tpu.region"() ({
        %run_scoped3A = tpu.sem_alloc : memref<!tpu.dma_semaphore, #tpu.memory_space<semaphore_mem>>
        %dma_start3A_50 = arith.constant 0 : i32
        %dma_start3A_51 = tpu.memref_slice %arg12[%scan3A_49, %dma_start3A_50] : memref<40x128xi32, #tpu.memory_space<vmem>> -> memref<1x128xi32, #tpu.memory_space<vmem>>
        %dma_start3A_52 = tpu.memref_squeeze %dma_start3A_51 : memref<1x128xi32, #tpu.memory_space<vmem>> -> memref<128xi32, #tpu.memory_space<vmem>>
        %dma_start3A_53 = arith.constant 0 : i32
        %dma_start3A_54 = arith.constant 0 : i32
        %dma_start3A_55 = tpu.memref_slice %arg10[%dma_start3A_53, %dma_start3A_54] : memref<5120x128xf32, #tpu.memory_space<vmem_shared>> -> memref<5120x128xf32, #tpu.memory_space<vmem_shared>>
        tpu.enqueue_indirect_dma source(%arg13 : memref<128x128xf32, #tpu.memory_space<vmem>>) target(%dma_start3A_55 : memref<5120x128xf32, #tpu.memory_space<vmem_shared>>) offsets(%dma_start3A_52 : memref<128xi32, #tpu.memory_space<vmem>>) semaphore(%run_scoped3A : memref<!tpu.dma_semaphore, #tpu.memory_space<semaphore_mem>>) {add = true}
        %dma_wait3A = arith.constant 0 : i32
        %dma_wait3A_56 = tpu.memref_slice %arg12[%scan3A_49, %dma_wait3A] : memref<40x128xi32, #tpu.memory_space<vmem>> -> memref<1x128xi32, #tpu.memory_space<vmem>>
        %dma_wait3A_57 = tpu.memref_squeeze %dma_wait3A_56 : memref<1x128xi32, #tpu.memory_space<vmem>> -> memref<128xi32, #tpu.memory_space<vmem>>
        %dma_wait3A_58 = arith.constant 0 : i32
        %dma_wait3A_59 = arith.constant 0 : i32
        %dma_wait3A_60 = tpu.memref_slice %arg10[%dma_wait3A_58, %dma_wait3A_59] : memref<5120x128xf32, #tpu.memory_space<vmem_shared>> -> memref<5120x128xf32, #tpu.memory_space<vmem_shared>>
        tpu.wait_indirect_dma semaphore(%run_scoped3A : memref<!tpu.dma_semaphore, #tpu.memory_space<semaphore_mem>>) src(%arg13 : memref<128x128xf32, #tpu.memory_space<vmem>>) dst(%dma_wait3A_60 : memref<5120x128xf32, #tpu.memory_space<vmem_shared>>)
        tpu.yield
      }) : () -> ()
    }
    %scan3A_6 = arith.constant 40 : i32
    %sub3A_7 = arith.constant 1 : i32
    %sub3A_8 = arith.subi %sub3A_7, %arg0 : i32
    "tpu.region"() ({
      %run_scoped3A = tpu.sem_alloc : memref<!tpu.dma_semaphore, #tpu.memory_space<semaphore_mem>>
      %dma_start3A_49 = arith.constant 40 : i32
      %dma_start3A_50 = arith.constant 0 : i32
      %dma_start3A_51 = tpu.memref_slice %arg4[%sub3A_8, %arg1, %dma_start3A_49, %dma_start3A_50] : memref<2x16x80x128xi32, #tpu.memory_space<hbm>> -> memref<1x1x40x128xi32, #tpu.memory_space<hbm>>
      %dma_start3A_52 = tpu.memref_squeeze %dma_start3A_51 : memref<1x1x40x128xi32, #tpu.memory_space<hbm>> -> memref<40x128xi32, #tpu.memory_space<hbm>>
      %dma_start3A_53 = arith.constant 40 : i32
      %dma_start3A_54 = arith.constant 0 : i32
      %dma_start3A_55 = tpu.memref_slice %arg4[%sub3A_8, %arg1, %dma_start3A_53, %dma_start3A_54] : memref<2x16x80x128xi32, #tpu.memory_space<hbm>> -> memref<1x1x40x128xi32, #tpu.memory_space<hbm>>
      %dma_start3A_56 = tpu.memref_squeeze %dma_start3A_55 : memref<1x1x40x128xi32, #tpu.memory_space<hbm>> -> memref<40x128xi32, #tpu.memory_space<hbm>>
      tpu.enqueue_dma source(%dma_start3A_56 : memref<40x128xi32, #tpu.memory_space<hbm>>) target(%arg12 : memref<40x128xi32, #tpu.memory_space<vmem>>) target_semaphore(%run_scoped3A : memref<!tpu.dma_semaphore, #tpu.memory_space<semaphore_mem>>)
      %dma_wait3A = arith.constant 40 : i32
      %dma_wait3A_57 = arith.constant 0 : i32
      %dma_wait3A_58 = tpu.memref_slice %arg4[%sub3A_8, %arg1, %dma_wait3A, %dma_wait3A_57] : memref<2x16x80x128xi32, #tpu.memory_space<hbm>> -> memref<1x1x40x128xi32, #tpu.memory_space<hbm>>
      %dma_wait3A_59 = tpu.memref_squeeze %dma_wait3A_58 : memref<1x1x40x128xi32, #tpu.memory_space<hbm>> -> memref<40x128xi32, #tpu.memory_space<hbm>>
      %dma_wait3A_60 = arith.constant 40 : i32
      %dma_wait3A_61 = arith.constant 0 : i32
      %dma_wait3A_62 = tpu.memref_slice %arg4[%sub3A_8, %arg1, %dma_wait3A_60, %dma_wait3A_61] : memref<2x16x80x128xi32, #tpu.memory_space<hbm>> -> memref<1x1x40x128xi32, #tpu.memory_space<hbm>>
      %dma_wait3A_63 = tpu.memref_squeeze %dma_wait3A_62 : memref<1x1x40x128xi32, #tpu.memory_space<hbm>> -> memref<40x128xi32, #tpu.memory_space<hbm>>
      tpu.wait_dma2 semaphore(%run_scoped3A : memref<!tpu.dma_semaphore, #tpu.memory_space<semaphore_mem>>) src(%dma_wait3A_63 : memref<40x128xi32, #tpu.memory_space<hbm>>) dst(%arg12 : memref<40x128xi32, #tpu.memory_space<vmem>>)
      tpu.yield
    }) : () -> ()
    %scan3A_9 = arith.constant 0 : i32
    %scan3A_10 = arith.constant 0 : i32
    %scan3A_11 = arith.constant 40 : i32
    %scan3A_12 = arith.addi %scan3A_10, %scan3A_11 : i32
    %scan3A_13 = arith.constant 1 : i32
    scf.for %scan3A_49 = %scan3A_10 to %scan3A_12 step %scan3A_13  : i32 {
      "tpu.region"() ({
        %run_scoped3A = tpu.sem_alloc : memref<!tpu.dma_semaphore, #tpu.memory_space<semaphore_mem>>
        %dma_start3A_50 = arith.constant 0 : i32
        %dma_start3A_51 = tpu.memref_slice %arg12[%scan3A_49, %dma_start3A_50] : memref<40x128xi32, #tpu.memory_space<vmem>> -> memref<1x128xi32, #tpu.memory_space<vmem>>
        %dma_start3A_52 = tpu.memref_squeeze %dma_start3A_51 : memref<1x128xi32, #tpu.memory_space<vmem>> -> memref<128xi32, #tpu.memory_space<vmem>>
        %dma_start3A_53 = arith.constant 0 : i32
        %dma_start3A_54 = arith.constant 0 : i32
        %dma_start3A_55 = tpu.memref_slice %arg10[%dma_start3A_53, %dma_start3A_54] : memref<5120x128xf32, #tpu.memory_space<vmem_shared>> -> memref<5120x128xf32, #tpu.memory_space<vmem_shared>>
        tpu.enqueue_indirect_dma source(%arg13 : memref<128x128xf32, #tpu.memory_space<vmem>>) target(%dma_start3A_55 : memref<5120x128xf32, #tpu.memory_space<vmem_shared>>) offsets(%dma_start3A_52 : memref<128xi32, #tpu.memory_space<vmem>>) semaphore(%run_scoped3A : memref<!tpu.dma_semaphore, #tpu.memory_space<semaphore_mem>>) {add = true}
        %dma_wait3A = arith.constant 0 : i32
        %dma_wait3A_56 = tpu.memref_slice %arg12[%scan3A_49, %dma_wait3A] : memref<40x128xi32, #tpu.memory_space<vmem>> -> memref<1x128xi32, #tpu.memory_space<vmem>>
        %dma_wait3A_57 = tpu.memref_squeeze %dma_wait3A_56 : memref<1x128xi32, #tpu.memory_space<vmem>> -> memref<128xi32, #tpu.memory_space<vmem>>
        %dma_wait3A_58 = arith.constant 0 : i32
        %dma_wait3A_59 = arith.constant 0 : i32
        %dma_wait3A_60 = tpu.memref_slice %arg10[%dma_wait3A_58, %dma_wait3A_59] : memref<5120x128xf32, #tpu.memory_space<vmem_shared>> -> memref<5120x128xf32, #tpu.memory_space<vmem_shared>>
        tpu.wait_indirect_dma semaphore(%run_scoped3A : memref<!tpu.dma_semaphore, #tpu.memory_space<semaphore_mem>>) src(%arg13 : memref<128x128xf32, #tpu.memory_space<vmem>>) dst(%dma_wait3A_60 : memref<5120x128xf32, #tpu.memory_space<vmem_shared>>)
        tpu.yield
      }) : () -> ()
    }
    %scan3A_14 = arith.constant 40 : i32
    %barrier3A_15 = arith.constant 0 : index
    tpu.barrier barrier_id(%barrier3A_15)
    %scan3A_16 = arith.constant 0 : i32
    %scan3A_17 = arith.constant 0 : i32
    %scan3A_18 = arith.constant 5 : i32
    %scan3A_19 = arith.addi %scan3A_17, %scan3A_18 : i32
    %scan3A_20 = arith.constant 1 : i32
    scf.for %scan3A_49 = %scan3A_17 to %scan3A_19 step %scan3A_20  : i32 {
      %mul3A_50 = arith.constant 320 : i32
      %mul3A_51 = arith.muli %arg1, %mul3A_50 : i32
      %mul3A_52 = arith.constant 64 : i32
      %mul3A_53 = arith.muli %scan3A_49, %mul3A_52 : i32
      %add3A = arith.addi %mul3A_51, %mul3A_53 : i32
      "tpu.region"() ({
        %run_scoped3A = tpu.sem_alloc : memref<!tpu.dma_semaphore, #tpu.memory_space<semaphore_mem>>
        %dma_start3A_60 = arith.constant 0 : i32
        %dma_start3A_61 = arith.constant 0 : i32
        %dma_start3A_62 = tpu.memref_slice %arg13[%dma_start3A_60, %dma_start3A_61] : memref<128x128xf32, #tpu.memory_space<vmem>> -> memref<64x128xf32, #tpu.memory_space<vmem>>
        %dma_start3A_63 = arith.constant 0 : i32
        %dma_start3A_64 = tpu.memref_slice %arg10[%add3A, %dma_start3A_63] : memref<5120x128xf32, #tpu.memory_space<vmem_shared>> -> memref<64x128xf32, #tpu.memory_space<vmem_shared>>
        %dma_start3A_65 = arith.constant 0 : i32
        %dma_start3A_66 = arith.constant 0 : i32
        %dma_start3A_67 = tpu.memref_slice %arg13[%dma_start3A_65, %dma_start3A_66] : memref<128x128xf32, #tpu.memory_space<vmem>> -> memref<64x128xf32, #tpu.memory_space<vmem>>
        %dma_start3A_68 = arith.constant 0 : i32
        %dma_start3A_69 = tpu.memref_slice %arg10[%add3A, %dma_start3A_68] : memref<5120x128xf32, #tpu.memory_space<vmem_shared>> -> memref<64x128xf32, #tpu.memory_space<vmem_shared>>
        tpu.enqueue_dma source(%dma_start3A_69 : memref<64x128xf32, #tpu.memory_space<vmem_shared>>) target(%dma_start3A_67 : memref<64x128xf32, #tpu.memory_space<vmem>>) target_semaphore(%run_scoped3A : memref<!tpu.dma_semaphore, #tpu.memory_space<semaphore_mem>>)
        %dma_wait3A = arith.constant 0 : i32
        %dma_wait3A_70 = arith.constant 0 : i32
        %dma_wait3A_71 = tpu.memref_slice %arg13[%dma_wait3A, %dma_wait3A_70] : memref<128x128xf32, #tpu.memory_space<vmem>> -> memref<64x128xf32, #tpu.memory_space<vmem>>
        %dma_wait3A_72 = arith.constant 0 : i32
        %dma_wait3A_73 = tpu.memref_slice %arg10[%add3A, %dma_wait3A_72] : memref<5120x128xf32, #tpu.memory_space<vmem_shared>> -> memref<64x128xf32, #tpu.memory_space<vmem_shared>>
        %dma_wait3A_74 = arith.constant 0 : i32
        %dma_wait3A_75 = arith.constant 0 : i32
        %dma_wait3A_76 = tpu.memref_slice %arg13[%dma_wait3A_74, %dma_wait3A_75] : memref<128x128xf32, #tpu.memory_space<vmem>> -> memref<64x128xf32, #tpu.memory_space<vmem>>
        %dma_wait3A_77 = arith.constant 0 : i32
        %dma_wait3A_78 = tpu.memref_slice %arg10[%add3A, %dma_wait3A_77] : memref<5120x128xf32, #tpu.memory_space<vmem_shared>> -> memref<64x128xf32, #tpu.memory_space<vmem_shared>>
        tpu.wait_dma2 semaphore(%run_scoped3A : memref<!tpu.dma_semaphore, #tpu.memory_space<semaphore_mem>>) src(%dma_wait3A_78 : memref<64x128xf32, #tpu.memory_space<vmem_shared>>) dst(%dma_wait3A_76 : memref<64x128xf32, #tpu.memory_space<vmem>>)
        tpu.yield
      }) : () -> ()
      "tpu.region"() ({
        %run_scoped3A = tpu.sem_alloc : memref<!tpu.dma_semaphore, #tpu.memory_space<semaphore_mem>>
        %dma_start3A_60 = arith.constant 0 : i32
        %dma_start3A_61 = arith.constant 0 : i32
        %dma_start3A_62 = tpu.memref_slice %arg14[%dma_start3A_60, %dma_start3A_61] : memref<128x128xf32, #tpu.memory_space<vmem>> -> memref<64x128xf32, #tpu.memory_space<vmem>>
        %dma_start3A_63 = arith.constant 0 : i32
        %dma_start3A_64 = tpu.memref_slice %arg2[%arg0, %add3A, %dma_start3A_63] : memref<2x5120x128xf32, #tpu.memory_space<hbm>> -> memref<1x64x128xf32, #tpu.memory_space<hbm>>
        %dma_start3A_65 = tpu.memref_squeeze %dma_start3A_64 : memref<1x64x128xf32, #tpu.memory_space<hbm>> -> memref<64x128xf32, #tpu.memory_space<hbm>>
        %dma_start3A_66 = arith.constant 0 : i32
        %dma_start3A_67 = arith.constant 0 : i32
        %dma_start3A_68 = tpu.memref_slice %arg14[%dma_start3A_66, %dma_start3A_67] : memref<128x128xf32, #tpu.memory_space<vmem>> -> memref<64x128xf32, #tpu.memory_space<vmem>>
        %dma_start3A_69 = arith.constant 0 : i32
        %dma_start3A_70 = tpu.memref_slice %arg2[%arg0, %add3A, %dma_start3A_69] : memref<2x5120x128xf32, #tpu.memory_space<hbm>> -> memref<1x64x128xf32, #tpu.memory_space<hbm>>
        %dma_start3A_71 = tpu.memref_squeeze %dma_start3A_70 : memref<1x64x128xf32, #tpu.memory_space<hbm>> -> memref<64x128xf32, #tpu.memory_space<hbm>>
        tpu.enqueue_dma source(%dma_start3A_71 : memref<64x128xf32, #tpu.memory_space<hbm>>) target(%dma_start3A_68 : memref<64x128xf32, #tpu.memory_space<vmem>>) target_semaphore(%run_scoped3A : memref<!tpu.dma_semaphore, #tpu.memory_space<semaphore_mem>>)
        %dma_wait3A = arith.constant 0 : i32
        %dma_wait3A_72 = arith.constant 0 : i32
        %dma_wait3A_73 = tpu.memref_slice %arg14[%dma_wait3A, %dma_wait3A_72] : memref<128x128xf32, #tpu.memory_space<vmem>> -> memref<64x128xf32, #tpu.memory_space<vmem>>
        %dma_wait3A_74 = arith.constant 0 : i32
        %dma_wait3A_75 = tpu.memref_slice %arg2[%arg0, %add3A, %dma_wait3A_74] : memref<2x5120x128xf32, #tpu.memory_space<hbm>> -> memref<1x64x128xf32, #tpu.memory_space<hbm>>
        %dma_wait3A_76 = tpu.memref_squeeze %dma_wait3A_75 : memref<1x64x128xf32, #tpu.memory_space<hbm>> -> memref<64x128xf32, #tpu.memory_space<hbm>>
        %dma_wait3A_77 = arith.constant 0 : i32
        %dma_wait3A_78 = arith.constant 0 : i32
        %dma_wait3A_79 = tpu.memref_slice %arg14[%dma_wait3A_77, %dma_wait3A_78] : memref<128x128xf32, #tpu.memory_space<vmem>> -> memref<64x128xf32, #tpu.memory_space<vmem>>
        %dma_wait3A_80 = arith.constant 0 : i32
        %dma_wait3A_81 = tpu.memref_slice %arg2[%arg0, %add3A, %dma_wait3A_80] : memref<2x5120x128xf32, #tpu.memory_space<hbm>> -> memref<1x64x128xf32, #tpu.memory_space<hbm>>
        %dma_wait3A_82 = tpu.memref_squeeze %dma_wait3A_81 : memref<1x64x128xf32, #tpu.memory_space<hbm>> -> memref<64x128xf32, #tpu.memory_space<hbm>>
        tpu.wait_dma2 semaphore(%run_scoped3A : memref<!tpu.dma_semaphore, #tpu.memory_space<semaphore_mem>>) src(%dma_wait3A_82 : memref<64x128xf32, #tpu.memory_space<hbm>>) dst(%dma_wait3A_79 : memref<64x128xf32, #tpu.memory_space<vmem>>)
        tpu.yield
      }) : () -> ()
      "tpu.region"() ({
        %run_scoped3A = tpu.sem_alloc : memref<!tpu.dma_semaphore, #tpu.memory_space<semaphore_mem>>
        %dma_start3A_60 = arith.constant 0 : i32
        %dma_start3A_61 = arith.constant 0 : i32
        %dma_start3A_62 = tpu.memref_slice %arg13[%dma_start3A_60, %dma_start3A_61] : memref<128x128xf32, #tpu.memory_space<vmem>> -> memref<64x128xf32, #tpu.memory_space<vmem>>
        %dma_start3A_63 = arith.constant 0 : i32
        %dma_start3A_64 = tpu.memref_slice %arg8[%arg0, %add3A, %dma_start3A_63] : memref<2x5120x128xf32, #tpu.memory_space<hbm>> -> memref<1x64x128xf32, #tpu.memory_space<hbm>>
        %dma_start3A_65 = tpu.memref_squeeze %dma_start3A_64 : memref<1x64x128xf32, #tpu.memory_space<hbm>> -> memref<64x128xf32, #tpu.memory_space<hbm>>
        %dma_start3A_66 = arith.constant 0 : i32
        %dma_start3A_67 = tpu.memref_slice %arg8[%arg0, %add3A, %dma_start3A_66] : memref<2x5120x128xf32, #tpu.memory_space<hbm>> -> memref<1x64x128xf32, #tpu.memory_space<hbm>>
        %dma_start3A_68 = tpu.memref_squeeze %dma_start3A_67 : memref<1x64x128xf32, #tpu.memory_space<hbm>> -> memref<64x128xf32, #tpu.memory_space<hbm>>
        %dma_start3A_69 = arith.constant 0 : i32
        %dma_start3A_70 = arith.constant 0 : i32
        %dma_start3A_71 = tpu.memref_slice %arg13[%dma_start3A_69, %dma_start3A_70] : memref<128x128xf32, #tpu.memory_space<vmem>> -> memref<64x128xf32, #tpu.memory_space<vmem>>
        tpu.enqueue_dma source(%dma_start3A_71 : memref<64x128xf32, #tpu.memory_space<vmem>>) target(%dma_start3A_68 : memref<64x128xf32, #tpu.memory_space<hbm>>) target_semaphore(%run_scoped3A : memref<!tpu.dma_semaphore, #tpu.memory_space<semaphore_mem>>)
        %dma_wait3A = arith.constant 0 : i32
        %dma_wait3A_72 = arith.constant 0 : i32
        %dma_wait3A_73 = tpu.memref_slice %arg13[%dma_wait3A, %dma_wait3A_72] : memref<128x128xf32, #tpu.memory_space<vmem>> -> memref<64x128xf32, #tpu.memory_space<vmem>>
        %dma_wait3A_74 = arith.constant 0 : i32
        %dma_wait3A_75 = tpu.memref_slice %arg8[%arg0, %add3A, %dma_wait3A_74] : memref<2x5120x128xf32, #tpu.memory_space<hbm>> -> memref<1x64x128xf32, #tpu.memory_space<hbm>>
        %dma_wait3A_76 = tpu.memref_squeeze %dma_wait3A_75 : memref<1x64x128xf32, #tpu.memory_space<hbm>> -> memref<64x128xf32, #tpu.memory_space<hbm>>
        %dma_wait3A_77 = arith.constant 0 : i32
        %dma_wait3A_78 = tpu.memref_slice %arg8[%arg0, %add3A, %dma_wait3A_77] : memref<2x5120x128xf32, #tpu.memory_space<hbm>> -> memref<1x64x128xf32, #tpu.memory_space<hbm>>
        %dma_wait3A_79 = tpu.memref_squeeze %dma_wait3A_78 : memref<1x64x128xf32, #tpu.memory_space<hbm>> -> memref<64x128xf32, #tpu.memory_space<hbm>>
        %dma_wait3A_80 = arith.constant 0 : i32
        %dma_wait3A_81 = arith.constant 0 : i32
        %dma_wait3A_82 = tpu.memref_slice %arg13[%dma_wait3A_80, %dma_wait3A_81] : memref<128x128xf32, #tpu.memory_space<vmem>> -> memref<64x128xf32, #tpu.memory_space<vmem>>
        tpu.wait_dma2 semaphore(%run_scoped3A : memref<!tpu.dma_semaphore, #tpu.memory_space<semaphore_mem>>) src(%dma_wait3A_82 : memref<64x128xf32, #tpu.memory_space<vmem>>) dst(%dma_wait3A_79 : memref<64x128xf32, #tpu.memory_space<hbm>>)
        tpu.yield
      }) : () -> ()
      %scan3A_54 = arith.constant 0 : i32
      %scan3A_55 = arith.constant 0 : i32
      %scan3A_56 = arith.constant 64 : i32
      %scan3A_57 = arith.addi %scan3A_55, %scan3A_56 : i32
      %scan3A_58 = arith.constant 1 : i32
      scf.for %scan3A_60 = %scan3A_55 to %scan3A_57 step %scan3A_58  : i32 {
        %get3A = arith.index_cast %scan3A_60 : i32 to index
        %get3A_61 = arith.constant 0 : index
        %get3A_62 = tpu.vector_load %arg13[%get3A, %get3A_61] {strides = array<i32>} : memref<128x128xf32, #tpu.memory_space<vmem>>, vector<1x16xf32>,
        %get3A_63 = vector.shape_cast %get3A_62 : vector<1x16xf32> to vector<16xf32>
        %gt3A = arith.constant 0.000000e+00 : f32
        %gt3A_64 = vector.broadcast %gt3A : f32 to vector<16xf32>
        %gt3A_65 = arith.cmpf ogt, %get3A_63, %gt3A_64 : vector<16xf32>
        %bitcast_convert_type3A = tpu.bitcast %get3A_63 : vector<16xf32> -> vector<16xi32>
        %shift_right_logical3A = arith.constant 1 : i32
        %shift_right_logical3A_66 = vector.broadcast %shift_right_logical3A : i32 to vector<16xi32>
        %shift_right_logical3A_67 = arith.shrui %bitcast_convert_type3A, %shift_right_logical3A_66 : vector<16xi32>
        %sub3A_68 = arith.constant 1597463007 : i32
        %sub3A_69 = vector.broadcast %sub3A_68 : i32 to vector<16xi32>
        %sub3A_70 = arith.subi %sub3A_69, %shift_right_logical3A_67 : vector<16xi32>
        %bitcast_convert_type3A_71 = tpu.bitcast %sub3A_70 : vector<16xi32> -> vector<16xf32>
        %mul3A_72 = arith.constant 5.000000e-01 : f32
        %mul3A_73 = vector.broadcast %mul3A_72 : f32 to vector<16xf32>
        %mul3A_74 = arith.mulf %mul3A_73, %get3A_63 : vector<16xf32>
        %mul3A_75 = arith.mulf %mul3A_74, %bitcast_convert_type3A_71 : vector<16xf32>
        %mul3A_76 = arith.mulf %mul3A_75, %bitcast_convert_type3A_71 : vector<16xf32>
        %sub3A_77 = arith.constant 1.500000e+00 : f32
        %sub3A_78 = vector.broadcast %sub3A_77 : f32 to vector<16xf32>
        %sub3A_79 = arith.subf %sub3A_78, %mul3A_76 : vector<16xf32>
        %mul3A_80 = arith.mulf %bitcast_convert_type3A_71, %sub3A_79 : vector<16xf32>
        %mul3A_81 = arith.constant 5.000000e-01 : f32
        %mul3A_82 = vector.broadcast %mul3A_81 : f32 to vector<16xf32>
        %mul3A_83 = arith.mulf %mul3A_82, %get3A_63 : vector<16xf32>
        %mul3A_84 = arith.mulf %mul3A_83, %mul3A_80 : vector<16xf32>
        %mul3A_85 = arith.mulf %mul3A_84, %mul3A_80 : vector<16xf32>
        %sub3A_86 = arith.constant 1.500000e+00 : f32
        %sub3A_87 = vector.broadcast %sub3A_86 : f32 to vector<16xf32>
        %sub3A_88 = arith.subf %sub3A_87, %mul3A_85 : vector<16xf32>
        %mul3A_89 = arith.mulf %mul3A_80, %sub3A_88 : vector<16xf32>
        %mul3A_90 = arith.constant 5.000000e-01 : f32
        %mul3A_91 = vector.broadcast %mul3A_90 : f32 to vector<16xf32>
        %mul3A_92 = arith.mulf %mul3A_91, %get3A_63 : vector<16xf32>
        %mul3A_93 = arith.mulf %mul3A_92, %mul3A_89 : vector<16xf32>
        %mul3A_94 = arith.mulf %mul3A_93, %mul3A_89 : vector<16xf32>
        %sub3A_95 = arith.constant 1.500000e+00 : f32
        %sub3A_96 = vector.broadcast %sub3A_95 : f32 to vector<16xf32>
        %sub3A_97 = arith.subf %sub3A_96, %mul3A_94 : vector<16xf32>
        %mul3A_98 = arith.mulf %mul3A_89, %sub3A_97 : vector<16xf32>
        %jit3A = arith.constant 0.000000e+00 : f32
        %broadcast_in_dim3A = vector.broadcast %jit3A : f32 to vector<16xf32>
        %select_n3A = arith.select %gt3A_65, %mul3A_98, %broadcast_in_dim3A : vector<16xi1>, vector<16xf32>
        %get3A_99 = arith.index_cast %scan3A_60 : i32 to index
        %get3A_100 = arith.constant 0 : index
        %get3A_101 = tpu.vector_load %arg14[%get3A_99, %get3A_100] {strides = array<i32>} : memref<128x128xf32, #tpu.memory_space<vmem>>, vector<1x16xf32>,
        %get3A_102 = vector.shape_cast %get3A_101 : vector<1x16xf32> to vector<16xf32>
        %mul3A_103 = arith.mulf %get3A_102, %select_n3A : vector<16xf32>
        %swap3A = arith.index_cast %scan3A_60 : i32 to index
        %swap3A_104 = arith.constant 0 : index
        %swap3A_105 = tpu.vector_load %arg14[%swap3A, %swap3A_104] {strides = array<i32>} : memref<128x128xf32, #tpu.memory_space<vmem>>, vector<1x16xf32>,
        %swap3A_106 = vector.shape_cast %swap3A_105 : vector<1x16xf32> to vector<16xf32>
        %swap3A_107 = vector.shape_cast %mul3A_103 : vector<16xf32> to vector<1x16xf32>
        tpu.vector_store %arg14[%swap3A, %swap3A_104], %swap3A_107 {strides = array<i32>} : memref<128x128xf32, #tpu.memory_space<vmem>>, vector<1x16xf32>,
        %get3A_108 = arith.index_cast %scan3A_60 : i32 to index
        %get3A_109 = arith.constant 16 : index
        %get3A_110 = tpu.vector_load %arg14[%get3A_108, %get3A_109] {strides = array<i32>} : memref<128x128xf32, #tpu.memory_space<vmem>>, vector<1x16xf32>,
        %get3A_111 = vector.shape_cast %get3A_110 : vector<1x16xf32> to vector<16xf32>
        %mul3A_112 = arith.mulf %get3A_111, %select_n3A : vector<16xf32>
        %swap3A_113 = arith.index_cast %scan3A_60 : i32 to index
        %swap3A_114 = arith.constant 16 : index
        %swap3A_115 = tpu.vector_load %arg14[%swap3A_113, %swap3A_114] {strides = array<i32>} : memref<128x128xf32, #tpu.memory_space<vmem>>, vector<1x16xf32>,
        %swap3A_116 = vector.shape_cast %swap3A_115 : vector<1x16xf32> to vector<16xf32>
        %swap3A_117 = vector.shape_cast %mul3A_112 : vector<16xf32> to vector<1x16xf32>
        tpu.vector_store %arg14[%swap3A_113, %swap3A_114], %swap3A_117 {strides = array<i32>} : memref<128x128xf32, #tpu.memory_space<vmem>>, vector<1x16xf32>,
        %get3A_118 = arith.index_cast %scan3A_60 : i32 to index
        %get3A_119 = arith.constant 32 : index
        %get3A_120 = tpu.vector_load %arg14[%get3A_118, %get3A_119] {strides = array<i32>} : memref<128x128xf32, #tpu.memory_space<vmem>>, vector<1x16xf32>,
        %get3A_121 = vector.shape_cast %get3A_120 : vector<1x16xf32> to vector<16xf32>
        %mul3A_122 = arith.mulf %get3A_121, %select_n3A : vector<16xf32>
        %swap3A_123 = arith.index_cast %scan3A_60 : i32 to index
        %swap3A_124 = arith.constant 32 : index
        %swap3A_125 = tpu.vector_load %arg14[%swap3A_123, %swap3A_124] {strides = array<i32>} : memref<128x128xf32, #tpu.memory_space<vmem>>, vector<1x16xf32>,
        %swap3A_126 = vector.shape_cast %swap3A_125 : vector<1x16xf32> to vector<16xf32>
        %swap3A_127 = vector.shape_cast %mul3A_122 : vector<16xf32> to vector<1x16xf32>
        tpu.vector_store %arg14[%swap3A_123, %swap3A_124], %swap3A_127 {strides = array<i32>} : memref<128x128xf32, #tpu.memory_space<vmem>>, vector<1x16xf32>,
        %get3A_128 = arith.index_cast %scan3A_60 : i32 to index
        %get3A_129 = arith.constant 48 : index
        %get3A_130 = tpu.vector_load %arg14[%get3A_128, %get3A_129] {strides = array<i32>} : memref<128x128xf32, #tpu.memory_space<vmem>>, vector<1x16xf32>,
        %get3A_131 = vector.shape_cast %get3A_130 : vector<1x16xf32> to vector<16xf32>
        %mul3A_132 = arith.mulf %get3A_131, %select_n3A : vector<16xf32>
        %swap3A_133 = arith.index_cast %scan3A_60 : i32 to index
        %swap3A_134 = arith.constant 48 : index
        %swap3A_135 = tpu.vector_load %arg14[%swap3A_133, %swap3A_134] {strides = array<i32>} : memref<128x128xf32, #tpu.memory_space<vmem>>, vector<1x16xf32>,
        %swap3A_136 = vector.shape_cast %swap3A_135 : vector<1x16xf32> to vector<16xf32>
        %swap3A_137 = vector.shape_cast %mul3A_132 : vector<16xf32> to vector<1x16xf32>
        tpu.vector_store %arg14[%swap3A_133, %swap3A_134], %swap3A_137 {strides = array<i32>} : memref<128x128xf32, #tpu.memory_space<vmem>>, vector<1x16xf32>,
        %get3A_138 = arith.index_cast %scan3A_60 : i32 to index
        %get3A_139 = arith.constant 64 : index
        %get3A_140 = tpu.vector_load %arg14[%get3A_138, %get3A_139] {strides = array<i32>} : memref<128x128xf32, #tpu.memory_space<vmem>>, vector<1x16xf32>,
        %get3A_141 = vector.shape_cast %get3A_140 : vector<1x16xf32> to vector<16xf32>
        %mul3A_142 = arith.mulf %get3A_141, %select_n3A : vector<16xf32>
        %swap3A_143 = arith.index_cast %scan3A_60 : i32 to index
        %swap3A_144 = arith.constant 64 : index
        %swap3A_145 = tpu.vector_load %arg14[%swap3A_143, %swap3A_144] {strides = array<i32>} : memref<128x128xf32, #tpu.memory_space<vmem>>, vector<1x16xf32>,
        %swap3A_146 = vector.shape_cast %swap3A_145 : vector<1x16xf32> to vector<16xf32>
        %swap3A_147 = vector.shape_cast %mul3A_142 : vector<16xf32> to vector<1x16xf32>
        tpu.vector_store %arg14[%swap3A_143, %swap3A_144], %swap3A_147 {strides = array<i32>} : memref<128x128xf32, #tpu.memory_space<vmem>>, vector<1x16xf32>,
        %get3A_148 = arith.index_cast %scan3A_60 : i32 to index
        %get3A_149 = arith.constant 80 : index
        %get3A_150 = tpu.vector_load %arg14[%get3A_148, %get3A_149] {strides = array<i32>} : memref<128x128xf32, #tpu.memory_space<vmem>>, vector<1x16xf32>,
        %get3A_151 = vector.shape_cast %get3A_150 : vector<1x16xf32> to vector<16xf32>
        %mul3A_152 = arith.mulf %get3A_151, %select_n3A : vector<16xf32>
        %swap3A_153 = arith.index_cast %scan3A_60 : i32 to index
        %swap3A_154 = arith.constant 80 : index
        %swap3A_155 = tpu.vector_load %arg14[%swap3A_153, %swap3A_154] {strides = array<i32>} : memref<128x128xf32, #tpu.memory_space<vmem>>, vector<1x16xf32>,
        %swap3A_156 = vector.shape_cast %swap3A_155 : vector<1x16xf32> to vector<16xf32>
        %swap3A_157 = vector.shape_cast %mul3A_152 : vector<16xf32> to vector<1x16xf32>
        tpu.vector_store %arg14[%swap3A_153, %swap3A_154], %swap3A_157 {strides = array<i32>} : memref<128x128xf32, #tpu.memory_space<vmem>>, vector<1x16xf32>,
        %get3A_158 = arith.index_cast %scan3A_60 : i32 to index
        %get3A_159 = arith.constant 96 : index
        %get3A_160 = tpu.vector_load %arg14[%get3A_158, %get3A_159] {strides = array<i32>} : memref<128x128xf32, #tpu.memory_space<vmem>>, vector<1x16xf32>,
        %get3A_161 = vector.shape_cast %get3A_160 : vector<1x16xf32> to vector<16xf32>
        %mul3A_162 = arith.mulf %get3A_161, %select_n3A : vector<16xf32>
        %swap3A_163 = arith.index_cast %scan3A_60 : i32 to index
        %swap3A_164 = arith.constant 96 : index
        %swap3A_165 = tpu.vector_load %arg14[%swap3A_163, %swap3A_164] {strides = array<i32>} : memref<128x128xf32, #tpu.memory_space<vmem>>, vector<1x16xf32>,
        %swap3A_166 = vector.shape_cast %swap3A_165 : vector<1x16xf32> to vector<16xf32>
        %swap3A_167 = vector.shape_cast %mul3A_162 : vector<16xf32> to vector<1x16xf32>
        tpu.vector_store %arg14[%swap3A_163, %swap3A_164], %swap3A_167 {strides = array<i32>} : memref<128x128xf32, #tpu.memory_space<vmem>>, vector<1x16xf32>,
        %get3A_168 = arith.index_cast %scan3A_60 : i32 to index
        %get3A_169 = arith.constant 112 : index
        %get3A_170 = tpu.vector_load %arg14[%get3A_168, %get3A_169] {strides = array<i32>} : memref<128x128xf32, #tpu.memory_space<vmem>>, vector<1x16xf32>,
        %get3A_171 = vector.shape_cast %get3A_170 : vector<1x16xf32> to vector<16xf32>
        %mul3A_172 = arith.mulf %get3A_171, %select_n3A : vector<16xf32>
        %swap3A_173 = arith.index_cast %scan3A_60 : i32 to index
        %swap3A_174 = arith.constant 112 : index
        %swap3A_175 = tpu.vector_load %arg14[%swap3A_173, %swap3A_174] {strides = array<i32>} : memref<128x128xf32, #tpu.memory_space<vmem>>, vector<1x16xf32>,
        %swap3A_176 = vector.shape_cast %swap3A_175 : vector<1x16xf32> to vector<16xf32>
        %swap3A_177 = vector.shape_cast %mul3A_172 : vector<16xf32> to vector<1x16xf32>
        tpu.vector_store %arg14[%swap3A_173, %swap3A_174], %swap3A_177 {strides = array<i32>} : memref<128x128xf32, #tpu.memory_space<vmem>>, vector<1x16xf32>,
      }
      %scan3A_59 = arith.constant 64 : i32
      "tpu.region"() ({
        %run_scoped3A = tpu.sem_alloc : memref<!tpu.dma_semaphore, #tpu.memory_space<semaphore_mem>>
        %dma_start3A_60 = arith.constant 0 : i32
        %dma_start3A_61 = arith.constant 0 : i32
        %dma_start3A_62 = tpu.memref_slice %arg14[%dma_start3A_60, %dma_start3A_61] : memref<128x128xf32, #tpu.memory_space<vmem>> -> memref<64x128xf32, #tpu.memory_space<vmem>>
        %dma_start3A_63 = arith.constant 0 : i32
        %dma_start3A_64 = tpu.memref_slice %arg10[%add3A, %dma_start3A_63] : memref<5120x128xf32, #tpu.memory_space<vmem_shared>> -> memref<64x128xf32, #tpu.memory_space<vmem_shared>>
        %dma_start3A_65 = arith.constant 0 : i32
        %dma_start3A_66 = tpu.memref_slice %arg10[%add3A, %dma_start3A_65] : memref<5120x128xf32, #tpu.memory_space<vmem_shared>> -> memref<64x128xf32, #tpu.memory_space<vmem_shared>>
        %dma_start3A_67 = arith.constant 0 : i32
        %dma_start3A_68 = arith.constant 0 : i32
        %dma_start3A_69 = tpu.memref_slice %arg14[%dma_start3A_67, %dma_start3A_68] : memref<128x128xf32, #tpu.memory_space<vmem>> -> memref<64x128xf32, #tpu.memory_space<vmem>>
        tpu.enqueue_dma source(%dma_start3A_69 : memref<64x128xf32, #tpu.memory_space<vmem>>) target(%dma_start3A_66 : memref<64x128xf32, #tpu.memory_space<vmem_shared>>) target_semaphore(%run_scoped3A : memref<!tpu.dma_semaphore, #tpu.memory_space<semaphore_mem>>)
        %dma_wait3A = arith.constant 0 : i32
        %dma_wait3A_70 = arith.constant 0 : i32
        %dma_wait3A_71 = tpu.memref_slice %arg14[%dma_wait3A, %dma_wait3A_70] : memref<128x128xf32, #tpu.memory_space<vmem>> -> memref<64x128xf32, #tpu.memory_space<vmem>>
        %dma_wait3A_72 = arith.constant 0 : i32
        %dma_wait3A_73 = tpu.memref_slice %arg10[%add3A, %dma_wait3A_72] : memref<5120x128xf32, #tpu.memory_space<vmem_shared>> -> memref<64x128xf32, #tpu.memory_space<vmem_shared>>
        %dma_wait3A_74 = arith.constant 0 : i32
        %dma_wait3A_75 = tpu.memref_slice %arg10[%add3A, %dma_wait3A_74] : memref<5120x128xf32, #tpu.memory_space<vmem_shared>> -> memref<64x128xf32, #tpu.memory_space<vmem_shared>>
        %dma_wait3A_76 = arith.constant 0 : i32
        %dma_wait3A_77 = arith.constant 0 : i32
        %dma_wait3A_78 = tpu.memref_slice %arg14[%dma_wait3A_76, %dma_wait3A_77] : memref<128x128xf32, #tpu.memory_space<vmem>> -> memref<64x128xf32, #tpu.memory_space<vmem>>
        tpu.wait_dma2 semaphore(%run_scoped3A : memref<!tpu.dma_semaphore, #tpu.memory_space<semaphore_mem>>) src(%dma_wait3A_78 : memref<64x128xf32, #tpu.memory_space<vmem>>) dst(%dma_wait3A_75 : memref<64x128xf32, #tpu.memory_space<vmem_shared>>)
        tpu.yield
      }) : () -> ()
    }
    %scan3A_21 = arith.constant 5 : i32
    %barrier3A_22 = arith.constant 0 : index
    tpu.barrier barrier_id(%barrier3A_22)
    "tpu.region"() ({
      %run_scoped3A = tpu.sem_alloc : memref<!tpu.dma_semaphore, #tpu.memory_space<semaphore_mem>>
      %dma_start3A_49 = arith.constant 0 : i32
      %dma_start3A_50 = arith.constant 0 : i32
      %dma_start3A_51 = tpu.memref_slice %arg3[%arg0, %arg1, %dma_start3A_49, %dma_start3A_50] : memref<2x16x80x128xi32, #tpu.memory_space<hbm>> -> memref<1x1x40x128xi32, #tpu.memory_space<hbm>>
      %dma_start3A_52 = tpu.memref_squeeze %dma_start3A_51 : memref<1x1x40x128xi32, #tpu.memory_space<hbm>> -> memref<40x128xi32, #tpu.memory_space<hbm>>
      %dma_start3A_53 = arith.constant 0 : i32
      %dma_start3A_54 = arith.constant 0 : i32
      %dma_start3A_55 = tpu.memref_slice %arg3[%arg0, %arg1, %dma_start3A_53, %dma_start3A_54] : memref<2x16x80x128xi32, #tpu.memory_space<hbm>> -> memref<1x1x40x128xi32, #tpu.memory_space<hbm>>
      %dma_start3A_56 = tpu.memref_squeeze %dma_start3A_55 : memref<1x1x40x128xi32, #tpu.memory_space<hbm>> -> memref<40x128xi32, #tpu.memory_space<hbm>>
      tpu.enqueue_dma source(%dma_start3A_56 : memref<40x128xi32, #tpu.memory_space<hbm>>) target(%arg11 : memref<40x128xi32, #tpu.memory_space<vmem>>) target_semaphore(%run_scoped3A : memref<!tpu.dma_semaphore, #tpu.memory_space<semaphore_mem>>)
      %dma_wait3A = arith.constant 0 : i32
      %dma_wait3A_57 = arith.constant 0 : i32
      %dma_wait3A_58 = tpu.memref_slice %arg3[%arg0, %arg1, %dma_wait3A, %dma_wait3A_57] : memref<2x16x80x128xi32, #tpu.memory_space<hbm>> -> memref<1x1x40x128xi32, #tpu.memory_space<hbm>>
      %dma_wait3A_59 = tpu.memref_squeeze %dma_wait3A_58 : memref<1x1x40x128xi32, #tpu.memory_space<hbm>> -> memref<40x128xi32, #tpu.memory_space<hbm>>
      %dma_wait3A_60 = arith.constant 0 : i32
      %dma_wait3A_61 = arith.constant 0 : i32
      %dma_wait3A_62 = tpu.memref_slice %arg3[%arg0, %arg1, %dma_wait3A_60, %dma_wait3A_61] : memref<2x16x80x128xi32, #tpu.memory_space<hbm>> -> memref<1x1x40x128xi32, #tpu.memory_space<hbm>>
      %dma_wait3A_63 = tpu.memref_squeeze %dma_wait3A_62 : memref<1x1x40x128xi32, #tpu.memory_space<hbm>> -> memref<40x128xi32, #tpu.memory_space<hbm>>
      tpu.wait_dma2 semaphore(%run_scoped3A : memref<!tpu.dma_semaphore, #tpu.memory_space<semaphore_mem>>) src(%dma_wait3A_63 : memref<40x128xi32, #tpu.memory_space<hbm>>) dst(%arg11 : memref<40x128xi32, #tpu.memory_space<vmem>>)
      tpu.yield
    }) : () -> ()
    "tpu.region"() ({
      %run_scoped3A = tpu.sem_alloc : memref<!tpu.dma_semaphore, #tpu.memory_space<semaphore_mem>>
      %dma_start3A_49 = arith.constant 0 : i32
      %dma_start3A_50 = arith.constant 0 : i32
      %dma_start3A_51 = tpu.memref_slice %arg4[%arg0, %arg1, %dma_start3A_49, %dma_start3A_50] : memref<2x16x80x128xi32, #tpu.memory_space<hbm>> -> memref<1x1x40x128xi32, #tpu.memory_space<hbm>>
      %dma_start3A_52 = tpu.memref_squeeze %dma_start3A_51 : memref<1x1x40x128xi32, #tpu.memory_space<hbm>> -> memref<40x128xi32, #tpu.memory_space<hbm>>
      %dma_start3A_53 = arith.constant 0 : i32
      %dma_start3A_54 = arith.constant 0 : i32
      %dma_start3A_55 = tpu.memref_slice %arg4[%arg0, %arg1, %dma_start3A_53, %dma_start3A_54] : memref<2x16x80x128xi32, #tpu.memory_space<hbm>> -> memref<1x1x40x128xi32, #tpu.memory_space<hbm>>
      %dma_start3A_56 = tpu.memref_squeeze %dma_start3A_55 : memref<1x1x40x128xi32, #tpu.memory_space<hbm>> -> memref<40x128xi32, #tpu.memory_space<hbm>>
      tpu.enqueue_dma source(%dma_start3A_56 : memref<40x128xi32, #tpu.memory_space<hbm>>) target(%arg12 : memref<40x128xi32, #tpu.memory_space<vmem>>) target_semaphore(%run_scoped3A : memref<!tpu.dma_semaphore, #tpu.memory_space<semaphore_mem>>)
      %dma_wait3A = arith.constant 0 : i32
      %dma_wait3A_57 = arith.constant 0 : i32
      %dma_wait3A_58 = tpu.memref_slice %arg4[%arg0, %arg1, %dma_wait3A, %dma_wait3A_57] : memref<2x16x80x128xi32, #tpu.memory_space<hbm>> -> memref<1x1x40x128xi32, #tpu.memory_space<hbm>>
      %dma_wait3A_59 = tpu.memref_squeeze %dma_wait3A_58 : memref<1x1x40x128xi32, #tpu.memory_space<hbm>> -> memref<40x128xi32, #tpu.memory_space<hbm>>
      %dma_wait3A_60 = arith.constant 0 : i32
      %dma_wait3A_61 = arith.constant 0 : i32
      %dma_wait3A_62 = tpu.memref_slice %arg4[%arg0, %arg1, %dma_wait3A_60, %dma_wait3A_61] : memref<2x16x80x128xi32, #tpu.memory_space<hbm>> -> memref<1x1x40x128xi32, #tpu.memory_space<hbm>>
      %dma_wait3A_63 = tpu.memref_squeeze %dma_wait3A_62 : memref<1x1x40x128xi32, #tpu.memory_space<hbm>> -> memref<40x128xi32, #tpu.memory_space<hbm>>
      tpu.wait_dma2 semaphore(%run_scoped3A : memref<!tpu.dma_semaphore, #tpu.memory_space<semaphore_mem>>) src(%dma_wait3A_63 : memref<40x128xi32, #tpu.memory_space<hbm>>) dst(%arg12 : memref<40x128xi32, #tpu.memory_space<vmem>>)
      tpu.yield
    }) : () -> ()
    %dma_start3A = arith.constant 0 : i32
    %dma_start3A_23 = arith.constant 0 : i32
    %dma_start3A_24 = tpu.memref_slice %arg11[%dma_start3A, %dma_start3A_23] : memref<40x128xi32, #tpu.memory_space<vmem>> -> memref<1x128xi32, #tpu.memory_space<vmem>>
    %dma_start3A_25 = tpu.memref_squeeze %dma_start3A_24 : memref<1x128xi32, #tpu.memory_space<vmem>> -> memref<128xi32, #tpu.memory_space<vmem>>
    %dma_start3A_26 = arith.constant 0 : i32
    %dma_start3A_27 = arith.constant 0 : i32
    %dma_start3A_28 = tpu.memref_slice %arg10[%dma_start3A_26, %dma_start3A_27] : memref<5120x128xf32, #tpu.memory_space<vmem_shared>> -> memref<5120x128xf32, #tpu.memory_space<vmem_shared>>
    tpu.enqueue_indirect_dma source(%dma_start3A_28 : memref<5120x128xf32, #tpu.memory_space<vmem_shared>>) target(%arg13 : memref<128x128xf32, #tpu.memory_space<vmem>>) offsets(%dma_start3A_25 : memref<128xi32, #tpu.memory_space<vmem>>) semaphore(%arg15 : memref<!tpu.dma_semaphore, #tpu.memory_space<semaphore_mem>>)
    %scan3A_29 = arith.constant 0 : i32
    %scan3A_30 = arith.constant 0 : i32
    %scan3A_31 = arith.constant 20 : i32
    %scan3A_32 = arith.addi %scan3A_30, %scan3A_31 : i32
    %scan3A_33 = arith.constant 1 : i32
    scf.for %scan3A_49 = %scan3A_30 to %scan3A_32 step %scan3A_33  : i32 {
      %mul3A_50 = arith.constant 2 : i32
      %mul3A_51 = arith.muli %mul3A_50, %scan3A_49 : i32
      %dma_wait3A = arith.constant 0 : i32
      %dma_wait3A_52 = tpu.memref_slice %arg11[%mul3A_51, %dma_wait3A] : memref<40x128xi32, #tpu.memory_space<vmem>> -> memref<1x128xi32, #tpu.memory_space<vmem>>
      %dma_wait3A_53 = tpu.memref_squeeze %dma_wait3A_52 : memref<1x128xi32, #tpu.memory_space<vmem>> -> memref<128xi32, #tpu.memory_space<vmem>>
      %dma_wait3A_54 = arith.constant 0 : i32
      %dma_wait3A_55 = arith.constant 0 : i32
      %dma_wait3A_56 = tpu.memref_slice %arg10[%dma_wait3A_54, %dma_wait3A_55] : memref<5120x128xf32, #tpu.memory_space<vmem_shared>> -> memref<5120x128xf32, #tpu.memory_space<vmem_shared>>
      tpu.wait_indirect_dma semaphore(%arg15 : memref<!tpu.dma_semaphore, #tpu.memory_space<semaphore_mem>>) src(%dma_wait3A_56 : memref<5120x128xf32, #tpu.memory_space<vmem_shared>>) dst(%arg13 : memref<128x128xf32, #tpu.memory_space<vmem>>)
      %add3A = arith.constant 1 : i32
      %add3A_57 = arith.addi %mul3A_51, %add3A : i32
      %dma_start3A_58 = arith.constant 0 : i32
      %dma_start3A_59 = tpu.memref_slice %arg11[%add3A_57, %dma_start3A_58] : memref<40x128xi32, #tpu.memory_space<vmem>> -> memref<1x128xi32, #tpu.memory_space<vmem>>
      %dma_start3A_60 = tpu.memref_squeeze %dma_start3A_59 : memref<1x128xi32, #tpu.memory_space<vmem>> -> memref<128xi32, #tpu.memory_space<vmem>>
      %dma_start3A_61 = arith.constant 0 : i32
      %dma_start3A_62 = arith.constant 0 : i32
      %dma_start3A_63 = tpu.memref_slice %arg10[%dma_start3A_61, %dma_start3A_62] : memref<5120x128xf32, #tpu.memory_space<vmem_shared>> -> memref<5120x128xf32, #tpu.memory_space<vmem_shared>>
      tpu.enqueue_indirect_dma source(%dma_start3A_63 : memref<5120x128xf32, #tpu.memory_space<vmem_shared>>) target(%arg14 : memref<128x128xf32, #tpu.memory_space<vmem>>) offsets(%dma_start3A_60 : memref<128xi32, #tpu.memory_space<vmem>>) semaphore(%arg15 : memref<!tpu.dma_semaphore, #tpu.memory_space<semaphore_mem>>)
      "tpu.region"() ({
        %run_scoped3A = tpu.sem_alloc : memref<!tpu.dma_semaphore, #tpu.memory_space<semaphore_mem>>
        %dma_start3A_76 = arith.constant 0 : i32
        %dma_start3A_77 = tpu.memref_slice %arg12[%mul3A_51, %dma_start3A_76] : memref<40x128xi32, #tpu.memory_space<vmem>> -> memref<1x128xi32, #tpu.memory_space<vmem>>
        %dma_start3A_78 = tpu.memref_squeeze %dma_start3A_77 : memref<1x128xi32, #tpu.memory_space<vmem>> -> memref<128xi32, #tpu.memory_space<vmem>>
        %dma_start3A_79 = arith.constant 0 : i32
        %dma_start3A_80 = arith.constant 0 : i32
        %dma_start3A_81 = tpu.memref_slice %arg9[%dma_start3A_79, %dma_start3A_80] : memref<5120x128xf32, #tpu.memory_space<vmem_shared>> -> memref<5120x128xf32, #tpu.memory_space<vmem_shared>>
        tpu.enqueue_indirect_dma source(%arg13 : memref<128x128xf32, #tpu.memory_space<vmem>>) target(%dma_start3A_81 : memref<5120x128xf32, #tpu.memory_space<vmem_shared>>) offsets(%dma_start3A_78 : memref<128xi32, #tpu.memory_space<vmem>>) semaphore(%run_scoped3A : memref<!tpu.dma_semaphore, #tpu.memory_space<semaphore_mem>>) {add = true}
        %dma_wait3A_82 = arith.constant 0 : i32
        %dma_wait3A_83 = tpu.memref_slice %arg12[%mul3A_51, %dma_wait3A_82] : memref<40x128xi32, #tpu.memory_space<vmem>> -> memref<1x128xi32, #tpu.memory_space<vmem>>
        %dma_wait3A_84 = tpu.memref_squeeze %dma_wait3A_83 : memref<1x128xi32, #tpu.memory_space<vmem>> -> memref<128xi32, #tpu.memory_space<vmem>>
        %dma_wait3A_85 = arith.constant 0 : i32
        %dma_wait3A_86 = arith.constant 0 : i32
        %dma_wait3A_87 = tpu.memref_slice %arg9[%dma_wait3A_85, %dma_wait3A_86] : memref<5120x128xf32, #tpu.memory_space<vmem_shared>> -> memref<5120x128xf32, #tpu.memory_space<vmem_shared>>
        tpu.wait_indirect_dma semaphore(%run_scoped3A : memref<!tpu.dma_semaphore, #tpu.memory_space<semaphore_mem>>) src(%arg13 : memref<128x128xf32, #tpu.memory_space<vmem>>) dst(%dma_wait3A_87 : memref<5120x128xf32, #tpu.memory_space<vmem_shared>>)
        tpu.yield
      }) : () -> ()
      %dma_wait3A_64 = arith.constant 0 : i32
      %dma_wait3A_65 = tpu.memref_slice %arg11[%mul3A_51, %dma_wait3A_64] : memref<40x128xi32, #tpu.memory_space<vmem>> -> memref<1x128xi32, #tpu.memory_space<vmem>>
      %dma_wait3A_66 = tpu.memref_squeeze %dma_wait3A_65 : memref<1x128xi32, #tpu.memory_space<vmem>> -> memref<128xi32, #tpu.memory_space<vmem>>
      %dma_wait3A_67 = arith.constant 0 : i32
      %dma_wait3A_68 = arith.constant 0 : i32
      %dma_wait3A_69 = tpu.memref_slice %arg10[%dma_wait3A_67, %dma_wait3A_68] : memref<5120x128xf32, #tpu.memory_space<vmem_shared>> -> memref<5120x128xf32, #tpu.memory_space<vmem_shared>>
      tpu.wait_indirect_dma semaphore(%arg15 : memref<!tpu.dma_semaphore, #tpu.memory_space<semaphore_mem>>) src(%dma_wait3A_69 : memref<5120x128xf32, #tpu.memory_space<vmem_shared>>) dst(%arg14 : memref<128x128xf32, #tpu.memory_space<vmem>>)
      %add3A_70 = arith.constant 2 : i32
      %add3A_71 = arith.addi %mul3A_51, %add3A_70 : i32
      %lt3A = arith.constant 40 : i32
      %lt3A_72 = arith.cmpi slt, %add3A_71, %lt3A : i32
      %convert_element_type3A = arith.extui %lt3A_72 : i1 to i32
      %cond3A = arith.constant 0 : i32
      %cond3A_73 = arith.cmpi ne, %convert_element_type3A, %cond3A : i32
      scf.if %cond3A_73 {
        %add3A_76 = arith.constant 2 : i32
        %add3A_77 = arith.addi %mul3A_51, %add3A_76 : i32
        %dma_start3A_78 = arith.constant 0 : i32
        %dma_start3A_79 = tpu.memref_slice %arg11[%add3A_77, %dma_start3A_78] : memref<40x128xi32, #tpu.memory_space<vmem>> -> memref<1x128xi32, #tpu.memory_space<vmem>>
        %dma_start3A_80 = tpu.memref_squeeze %dma_start3A_79 : memref<1x128xi32, #tpu.memory_space<vmem>> -> memref<128xi32, #tpu.memory_space<vmem>>
        %dma_start3A_81 = arith.constant 0 : i32
        %dma_start3A_82 = arith.constant 0 : i32
        %dma_start3A_83 = tpu.memref_slice %arg10[%dma_start3A_81, %dma_start3A_82] : memref<5120x128xf32, #tpu.memory_space<vmem_shared>> -> memref<5120x128xf32, #tpu.memory_space<vmem_shared>>
        tpu.enqueue_indirect_dma source(%dma_start3A_83 : memref<5120x128xf32, #tpu.memory_space<vmem_shared>>) target(%arg13 : memref<128x128xf32, #tpu.memory_space<vmem>>) offsets(%dma_start3A_80 : memref<128xi32, #tpu.memory_space<vmem>>) semaphore(%arg15 : memref<!tpu.dma_semaphore, #tpu.memory_space<semaphore_mem>>)
      } else {
      }
      %add3A_74 = arith.constant 1 : i32
      %add3A_75 = arith.addi %mul3A_51, %add3A_74 : i32
      "tpu.region"() ({
        %run_scoped3A = tpu.sem_alloc : memref<!tpu.dma_semaphore, #tpu.memory_space<semaphore_mem>>
        %dma_start3A_76 = arith.constant 0 : i32
        %dma_start3A_77 = tpu.memref_slice %arg12[%add3A_75, %dma_start3A_76] : memref<40x128xi32, #tpu.memory_space<vmem>> -> memref<1x128xi32, #tpu.memory_space<vmem>>
        %dma_start3A_78 = tpu.memref_squeeze %dma_start3A_77 : memref<1x128xi32, #tpu.memory_space<vmem>> -> memref<128xi32, #tpu.memory_space<vmem>>
        %dma_start3A_79 = arith.constant 0 : i32
        %dma_start3A_80 = arith.constant 0 : i32
        %dma_start3A_81 = tpu.memref_slice %arg9[%dma_start3A_79, %dma_start3A_80] : memref<5120x128xf32, #tpu.memory_space<vmem_shared>> -> memref<5120x128xf32, #tpu.memory_space<vmem_shared>>
        tpu.enqueue_indirect_dma source(%arg14 : memref<128x128xf32, #tpu.memory_space<vmem>>) target(%dma_start3A_81 : memref<5120x128xf32, #tpu.memory_space<vmem_shared>>) offsets(%dma_start3A_78 : memref<128xi32, #tpu.memory_space<vmem>>) semaphore(%run_scoped3A : memref<!tpu.dma_semaphore, #tpu.memory_space<semaphore_mem>>) {add = true}
        %dma_wait3A_82 = arith.constant 0 : i32
        %dma_wait3A_83 = tpu.memref_slice %arg12[%add3A_75, %dma_wait3A_82] : memref<40x128xi32, #tpu.memory_space<vmem>> -> memref<1x128xi32, #tpu.memory_space<vmem>>
        %dma_wait3A_84 = tpu.memref_squeeze %dma_wait3A_83 : memref<1x128xi32, #tpu.memory_space<vmem>> -> memref<128xi32, #tpu.memory_space<vmem>>
        %dma_wait3A_85 = arith.constant 0 : i32
        %dma_wait3A_86 = arith.constant 0 : i32
        %dma_wait3A_87 = tpu.memref_slice %arg9[%dma_wait3A_85, %dma_wait3A_86] : memref<5120x128xf32, #tpu.memory_space<vmem_shared>> -> memref<5120x128xf32, #tpu.memory_space<vmem_shared>>
        tpu.wait_indirect_dma semaphore(%run_scoped3A : memref<!tpu.dma_semaphore, #tpu.memory_space<semaphore_mem>>) src(%arg14 : memref<128x128xf32, #tpu.memory_space<vmem>>) dst(%dma_wait3A_87 : memref<5120x128xf32, #tpu.memory_space<vmem_shared>>)
        tpu.yield
      }) : () -> ()
    }
    %scan3A_34 = arith.constant 20 : i32
    "tpu.region"() ({
      %run_scoped3A = tpu.sem_alloc : memref<!tpu.dma_semaphore, #tpu.memory_space<semaphore_mem>>
      %dma_start3A_49 = arith.constant 40 : i32
      %dma_start3A_50 = arith.constant 0 : i32
      %dma_start3A_51 = tpu.memref_slice %arg3[%arg0, %arg1, %dma_start3A_49, %dma_start3A_50] : memref<2x16x80x128xi32, #tpu.memory_space<hbm>> -> memref<1x1x40x128xi32, #tpu.memory_space<hbm>>
      %dma_start3A_52 = tpu.memref_squeeze %dma_start3A_51 : memref<1x1x40x128xi32, #tpu.memory_space<hbm>> -> memref<40x128xi32, #tpu.memory_space<hbm>>
      %dma_start3A_53 = arith.constant 40 : i32
      %dma_start3A_54 = arith.constant 0 : i32
      %dma_start3A_55 = tpu.memref_slice %arg3[%arg0, %arg1, %dma_start3A_53, %dma_start3A_54] : memref<2x16x80x128xi32, #tpu.memory_space<hbm>> -> memref<1x1x40x128xi32, #tpu.memory_space<hbm>>
      %dma_start3A_56 = tpu.memref_squeeze %dma_start3A_55 : memref<1x1x40x128xi32, #tpu.memory_space<hbm>> -> memref<40x128xi32, #tpu.memory_space<hbm>>
      tpu.enqueue_dma source(%dma_start3A_56 : memref<40x128xi32, #tpu.memory_space<hbm>>) target(%arg11 : memref<40x128xi32, #tpu.memory_space<vmem>>) target_semaphore(%run_scoped3A : memref<!tpu.dma_semaphore, #tpu.memory_space<semaphore_mem>>)
      %dma_wait3A = arith.constant 40 : i32
      %dma_wait3A_57 = arith.constant 0 : i32
      %dma_wait3A_58 = tpu.memref_slice %arg3[%arg0, %arg1, %dma_wait3A, %dma_wait3A_57] : memref<2x16x80x128xi32, #tpu.memory_space<hbm>> -> memref<1x1x40x128xi32, #tpu.memory_space<hbm>>
      %dma_wait3A_59 = tpu.memref_squeeze %dma_wait3A_58 : memref<1x1x40x128xi32, #tpu.memory_space<hbm>> -> memref<40x128xi32, #tpu.memory_space<hbm>>
      %dma_wait3A_60 = arith.constant 40 : i32
      %dma_wait3A_61 = arith.constant 0 : i32
      %dma_wait3A_62 = tpu.memref_slice %arg3[%arg0, %arg1, %dma_wait3A_60, %dma_wait3A_61] : memref<2x16x80x128xi32, #tpu.memory_space<hbm>> -> memref<1x1x40x128xi32, #tpu.memory_space<hbm>>
      %dma_wait3A_63 = tpu.memref_squeeze %dma_wait3A_62 : memref<1x1x40x128xi32, #tpu.memory_space<hbm>> -> memref<40x128xi32, #tpu.memory_space<hbm>>
      tpu.wait_dma2 semaphore(%run_scoped3A : memref<!tpu.dma_semaphore, #tpu.memory_space<semaphore_mem>>) src(%dma_wait3A_63 : memref<40x128xi32, #tpu.memory_space<hbm>>) dst(%arg11 : memref<40x128xi32, #tpu.memory_space<vmem>>)
      tpu.yield
    }) : () -> ()
    "tpu.region"() ({
      %run_scoped3A = tpu.sem_alloc : memref<!tpu.dma_semaphore, #tpu.memory_space<semaphore_mem>>
      %dma_start3A_49 = arith.constant 40 : i32
      %dma_start3A_50 = arith.constant 0 : i32
      %dma_start3A_51 = tpu.memref_slice %arg4[%arg0, %arg1, %dma_start3A_49, %dma_start3A_50] : memref<2x16x80x128xi32, #tpu.memory_space<hbm>> -> memref<1x1x40x128xi32, #tpu.memory_space<hbm>>
      %dma_start3A_52 = tpu.memref_squeeze %dma_start3A_51 : memref<1x1x40x128xi32, #tpu.memory_space<hbm>> -> memref<40x128xi32, #tpu.memory_space<hbm>>
      %dma_start3A_53 = arith.constant 40 : i32
      %dma_start3A_54 = arith.constant 0 : i32
      %dma_start3A_55 = tpu.memref_slice %arg4[%arg0, %arg1, %dma_start3A_53, %dma_start3A_54] : memref<2x16x80x128xi32, #tpu.memory_space<hbm>> -> memref<1x1x40x128xi32, #tpu.memory_space<hbm>>
      %dma_start3A_56 = tpu.memref_squeeze %dma_start3A_55 : memref<1x1x40x128xi32, #tpu.memory_space<hbm>> -> memref<40x128xi32, #tpu.memory_space<hbm>>
      tpu.enqueue_dma source(%dma_start3A_56 : memref<40x128xi32, #tpu.memory_space<hbm>>) target(%arg12 : memref<40x128xi32, #tpu.memory_space<vmem>>) target_semaphore(%run_scoped3A : memref<!tpu.dma_semaphore, #tpu.memory_space<semaphore_mem>>)
      %dma_wait3A = arith.constant 40 : i32
      %dma_wait3A_57 = arith.constant 0 : i32
      %dma_wait3A_58 = tpu.memref_slice %arg4[%arg0, %arg1, %dma_wait3A, %dma_wait3A_57] : memref<2x16x80x128xi32, #tpu.memory_space<hbm>> -> memref<1x1x40x128xi32, #tpu.memory_space<hbm>>
      %dma_wait3A_59 = tpu.memref_squeeze %dma_wait3A_58 : memref<1x1x40x128xi32, #tpu.memory_space<hbm>> -> memref<40x128xi32, #tpu.memory_space<hbm>>
      %dma_wait3A_60 = arith.constant 40 : i32
      %dma_wait3A_61 = arith.constant 0 : i32
      %dma_wait3A_62 = tpu.memref_slice %arg4[%arg0, %arg1, %dma_wait3A_60, %dma_wait3A_61] : memref<2x16x80x128xi32, #tpu.memory_space<hbm>> -> memref<1x1x40x128xi32, #tpu.memory_space<hbm>>
      %dma_wait3A_63 = tpu.memref_squeeze %dma_wait3A_62 : memref<1x1x40x128xi32, #tpu.memory_space<hbm>> -> memref<40x128xi32, #tpu.memory_space<hbm>>
      tpu.wait_dma2 semaphore(%run_scoped3A : memref<!tpu.dma_semaphore, #tpu.memory_space<semaphore_mem>>) src(%dma_wait3A_63 : memref<40x128xi32, #tpu.memory_space<hbm>>) dst(%arg12 : memref<40x128xi32, #tpu.memory_space<vmem>>)
      tpu.yield
    }) : () -> ()
    %dma_start3A_35 = arith.constant 0 : i32
    %dma_start3A_36 = arith.constant 0 : i32
    %dma_start3A_37 = tpu.memref_slice %arg11[%dma_start3A_35, %dma_start3A_36] : memref<40x128xi32, #tpu.memory_space<vmem>> -> memref<1x128xi32, #tpu.memory_space<vmem>>
    %dma_start3A_38 = tpu.memref_squeeze %dma_start3A_37 : memref<1x128xi32, #tpu.memory_space<vmem>> -> memref<128xi32, #tpu.memory_space<vmem>>
    %dma_start3A_39 = arith.constant 0 : i32
    %dma_start3A_40 = arith.constant 0 : i32
    %dma_start3A_41 = tpu.memref_slice %arg10[%dma_start3A_39, %dma_start3A_40] : memref<5120x128xf32, #tpu.memory_space<vmem_shared>> -> memref<5120x128xf32, #tpu.memory_space<vmem_shared>>
    tpu.enqueue_indirect_dma source(%dma_start3A_41 : memref<5120x128xf32, #tpu.memory_space<vmem_shared>>) target(%arg13 : memref<128x128xf32, #tpu.memory_space<vmem>>) offsets(%dma_start3A_38 : memref<128xi32, #tpu.memory_space<vmem>>) semaphore(%arg15 : memref<!tpu.dma_semaphore, #tpu.memory_space<semaphore_mem>>)
    %scan3A_42 = arith.constant 0 : i32
    %scan3A_43 = arith.constant 0 : i32
    %scan3A_44 = arith.constant 20 : i32
    %scan3A_45 = arith.addi %scan3A_43, %scan3A_44 : i32
    %scan3A_46 = arith.constant 1 : i32
    scf.for %scan3A_49 = %scan3A_43 to %scan3A_45 step %scan3A_46  : i32 {
      %mul3A_50 = arith.constant 2 : i32
      %mul3A_51 = arith.muli %mul3A_50, %scan3A_49 : i32
      %dma_wait3A = arith.constant 0 : i32
      %dma_wait3A_52 = tpu.memref_slice %arg11[%mul3A_51, %dma_wait3A] : memref<40x128xi32, #tpu.memory_space<vmem>> -> memref<1x128xi32, #tpu.memory_space<vmem>>
      %dma_wait3A_53 = tpu.memref_squeeze %dma_wait3A_52 : memref<1x128xi32, #tpu.memory_space<vmem>> -> memref<128xi32, #tpu.memory_space<vmem>>
      %dma_wait3A_54 = arith.constant 0 : i32
      %dma_wait3A_55 = arith.constant 0 : i32
      %dma_wait3A_56 = tpu.memref_slice %arg10[%dma_wait3A_54, %dma_wait3A_55] : memref<5120x128xf32, #tpu.memory_space<vmem_shared>> -> memref<5120x128xf32, #tpu.memory_space<vmem_shared>>
      tpu.wait_indirect_dma semaphore(%arg15 : memref<!tpu.dma_semaphore, #tpu.memory_space<semaphore_mem>>) src(%dma_wait3A_56 : memref<5120x128xf32, #tpu.memory_space<vmem_shared>>) dst(%arg13 : memref<128x128xf32, #tpu.memory_space<vmem>>)
      %add3A = arith.constant 1 : i32
      %add3A_57 = arith.addi %mul3A_51, %add3A : i32
      %dma_start3A_58 = arith.constant 0 : i32
      %dma_start3A_59 = tpu.memref_slice %arg11[%add3A_57, %dma_start3A_58] : memref<40x128xi32, #tpu.memory_space<vmem>> -> memref<1x128xi32, #tpu.memory_space<vmem>>
      %dma_start3A_60 = tpu.memref_squeeze %dma_start3A_59 : memref<1x128xi32, #tpu.memory_space<vmem>> -> memref<128xi32, #tpu.memory_space<vmem>>
      %dma_start3A_61 = arith.constant 0 : i32
      %dma_start3A_62 = arith.constant 0 : i32
      %dma_start3A_63 = tpu.memref_slice %arg10[%dma_start3A_61, %dma_start3A_62] : memref<5120x128xf32, #tpu.memory_space<vmem_shared>> -> memref<5120x128xf32, #tpu.memory_space<vmem_shared>>
      tpu.enqueue_indirect_dma source(%dma_start3A_63 : memref<5120x128xf32, #tpu.memory_space<vmem_shared>>) target(%arg14 : memref<128x128xf32, #tpu.memory_space<vmem>>) offsets(%dma_start3A_60 : memref<128xi32, #tpu.memory_space<vmem>>) semaphore(%arg15 : memref<!tpu.dma_semaphore, #tpu.memory_space<semaphore_mem>>)
      "tpu.region"() ({
        %run_scoped3A = tpu.sem_alloc : memref<!tpu.dma_semaphore, #tpu.memory_space<semaphore_mem>>
        %dma_start3A_76 = arith.constant 0 : i32
        %dma_start3A_77 = tpu.memref_slice %arg12[%mul3A_51, %dma_start3A_76] : memref<40x128xi32, #tpu.memory_space<vmem>> -> memref<1x128xi32, #tpu.memory_space<vmem>>
        %dma_start3A_78 = tpu.memref_squeeze %dma_start3A_77 : memref<1x128xi32, #tpu.memory_space<vmem>> -> memref<128xi32, #tpu.memory_space<vmem>>
        %dma_start3A_79 = arith.constant 0 : i32
        %dma_start3A_80 = arith.constant 0 : i32
        %dma_start3A_81 = tpu.memref_slice %arg9[%dma_start3A_79, %dma_start3A_80] : memref<5120x128xf32, #tpu.memory_space<vmem_shared>> -> memref<5120x128xf32, #tpu.memory_space<vmem_shared>>
        tpu.enqueue_indirect_dma source(%arg13 : memref<128x128xf32, #tpu.memory_space<vmem>>) target(%dma_start3A_81 : memref<5120x128xf32, #tpu.memory_space<vmem_shared>>) offsets(%dma_start3A_78 : memref<128xi32, #tpu.memory_space<vmem>>) semaphore(%run_scoped3A : memref<!tpu.dma_semaphore, #tpu.memory_space<semaphore_mem>>) {add = true}
        %dma_wait3A_82 = arith.constant 0 : i32
        %dma_wait3A_83 = tpu.memref_slice %arg12[%mul3A_51, %dma_wait3A_82] : memref<40x128xi32, #tpu.memory_space<vmem>> -> memref<1x128xi32, #tpu.memory_space<vmem>>
        %dma_wait3A_84 = tpu.memref_squeeze %dma_wait3A_83 : memref<1x128xi32, #tpu.memory_space<vmem>> -> memref<128xi32, #tpu.memory_space<vmem>>
        %dma_wait3A_85 = arith.constant 0 : i32
        %dma_wait3A_86 = arith.constant 0 : i32
        %dma_wait3A_87 = tpu.memref_slice %arg9[%dma_wait3A_85, %dma_wait3A_86] : memref<5120x128xf32, #tpu.memory_space<vmem_shared>> -> memref<5120x128xf32, #tpu.memory_space<vmem_shared>>
        tpu.wait_indirect_dma semaphore(%run_scoped3A : memref<!tpu.dma_semaphore, #tpu.memory_space<semaphore_mem>>) src(%arg13 : memref<128x128xf32, #tpu.memory_space<vmem>>) dst(%dma_wait3A_87 : memref<5120x128xf32, #tpu.memory_space<vmem_shared>>)
        tpu.yield
      }) : () -> ()
      %dma_wait3A_64 = arith.constant 0 : i32
      %dma_wait3A_65 = tpu.memref_slice %arg11[%mul3A_51, %dma_wait3A_64] : memref<40x128xi32, #tpu.memory_space<vmem>> -> memref<1x128xi32, #tpu.memory_space<vmem>>
      %dma_wait3A_66 = tpu.memref_squeeze %dma_wait3A_65 : memref<1x128xi32, #tpu.memory_space<vmem>> -> memref<128xi32, #tpu.memory_space<vmem>>
      %dma_wait3A_67 = arith.constant 0 : i32
      %dma_wait3A_68 = arith.constant 0 : i32
      %dma_wait3A_69 = tpu.memref_slice %arg10[%dma_wait3A_67, %dma_wait3A_68] : memref<5120x128xf32, #tpu.memory_space<vmem_shared>> -> memref<5120x128xf32, #tpu.memory_space<vmem_shared>>
      tpu.wait_indirect_dma semaphore(%arg15 : memref<!tpu.dma_semaphore, #tpu.memory_space<semaphore_mem>>) src(%dma_wait3A_69 : memref<5120x128xf32, #tpu.memory_space<vmem_shared>>) dst(%arg14 : memref<128x128xf32, #tpu.memory_space<vmem>>)
      %add3A_70 = arith.constant 2 : i32
      %add3A_71 = arith.addi %mul3A_51, %add3A_70 : i32
      %lt3A = arith.constant 40 : i32
      %lt3A_72 = arith.cmpi slt, %add3A_71, %lt3A : i32
      %convert_element_type3A = arith.extui %lt3A_72 : i1 to i32
      %cond3A = arith.constant 0 : i32
      %cond3A_73 = arith.cmpi ne, %convert_element_type3A, %cond3A : i32
      scf.if %cond3A_73 {
        %add3A_76 = arith.constant 2 : i32
        %add3A_77 = arith.addi %mul3A_51, %add3A_76 : i32
        %dma_start3A_78 = arith.constant 0 : i32
        %dma_start3A_79 = tpu.memref_slice %arg11[%add3A_77, %dma_start3A_78] : memref<40x128xi32, #tpu.memory_space<vmem>> -> memref<1x128xi32, #tpu.memory_space<vmem>>
        %dma_start3A_80 = tpu.memref_squeeze %dma_start3A_79 : memref<1x128xi32, #tpu.memory_space<vmem>> -> memref<128xi32, #tpu.memory_space<vmem>>
        %dma_start3A_81 = arith.constant 0 : i32
        %dma_start3A_82 = arith.constant 0 : i32
        %dma_start3A_83 = tpu.memref_slice %arg10[%dma_start3A_81, %dma_start3A_82] : memref<5120x128xf32, #tpu.memory_space<vmem_shared>> -> memref<5120x128xf32, #tpu.memory_space<vmem_shared>>
        tpu.enqueue_indirect_dma source(%dma_start3A_83 : memref<5120x128xf32, #tpu.memory_space<vmem_shared>>) target(%arg13 : memref<128x128xf32, #tpu.memory_space<vmem>>) offsets(%dma_start3A_80 : memref<128xi32, #tpu.memory_space<vmem>>) semaphore(%arg15 : memref<!tpu.dma_semaphore, #tpu.memory_space<semaphore_mem>>)
      } else {
      }
      %add3A_74 = arith.constant 1 : i32
      %add3A_75 = arith.addi %mul3A_51, %add3A_74 : i32
      "tpu.region"() ({
        %run_scoped3A = tpu.sem_alloc : memref<!tpu.dma_semaphore, #tpu.memory_space<semaphore_mem>>
        %dma_start3A_76 = arith.constant 0 : i32
        %dma_start3A_77 = tpu.memref_slice %arg12[%add3A_75, %dma_start3A_76] : memref<40x128xi32, #tpu.memory_space<vmem>> -> memref<1x128xi32, #tpu.memory_space<vmem>>
        %dma_start3A_78 = tpu.memref_squeeze %dma_start3A_77 : memref<1x128xi32, #tpu.memory_space<vmem>> -> memref<128xi32, #tpu.memory_space<vmem>>
        %dma_start3A_79 = arith.constant 0 : i32
        %dma_start3A_80 = arith.constant 0 : i32
        %dma_start3A_81 = tpu.memref_slice %arg9[%dma_start3A_79, %dma_start3A_80] : memref<5120x128xf32, #tpu.memory_space<vmem_shared>> -> memref<5120x128xf32, #tpu.memory_space<vmem_shared>>
        tpu.enqueue_indirect_dma source(%arg14 : memref<128x128xf32, #tpu.memory_space<vmem>>) target(%dma_start3A_81 : memref<5120x128xf32, #tpu.memory_space<vmem_shared>>) offsets(%dma_start3A_78 : memref<128xi32, #tpu.memory_space<vmem>>) semaphore(%run_scoped3A : memref<!tpu.dma_semaphore, #tpu.memory_space<semaphore_mem>>) {add = true}
        %dma_wait3A_82 = arith.constant 0 : i32
        %dma_wait3A_83 = tpu.memref_slice %arg12[%add3A_75, %dma_wait3A_82] : memref<40x128xi32, #tpu.memory_space<vmem>> -> memref<1x128xi32, #tpu.memory_space<vmem>>
        %dma_wait3A_84 = tpu.memref_squeeze %dma_wait3A_83 : memref<1x128xi32, #tpu.memory_space<vmem>> -> memref<128xi32, #tpu.memory_space<vmem>>
        %dma_wait3A_85 = arith.constant 0 : i32
        %dma_wait3A_86 = arith.constant 0 : i32
        %dma_wait3A_87 = tpu.memref_slice %arg9[%dma_wait3A_85, %dma_wait3A_86] : memref<5120x128xf32, #tpu.memory_space<vmem_shared>> -> memref<5120x128xf32, #tpu.memory_space<vmem_shared>>
        tpu.wait_indirect_dma semaphore(%run_scoped3A : memref<!tpu.dma_semaphore, #tpu.memory_space<semaphore_mem>>) src(%arg14 : memref<128x128xf32, #tpu.memory_space<vmem>>) dst(%dma_wait3A_87 : memref<5120x128xf32, #tpu.memory_space<vmem_shared>>)
        tpu.yield
      }) : () -> ()
    }
    %scan3A_47 = arith.constant 20 : i32
    %barrier3A_48 = arith.constant 0 : index
    tpu.barrier barrier_id(%barrier3A_48)
    "tpu.region"() ({
      %run_scoped3A = tpu.sem_alloc : memref<!tpu.dma_semaphore, #tpu.memory_space<semaphore_mem>>
      %dma_start3A_49 = arith.constant 0 : i32
      %dma_start3A_50 = tpu.memref_slice %arg7[%arg0, %mul3A_0, %dma_start3A_49] : memref<2x5120x128xf32, #tpu.memory_space<hbm>> -> memref<1x320x128xf32, #tpu.memory_space<hbm>>
      %dma_start3A_51 = tpu.memref_squeeze %dma_start3A_50 : memref<1x320x128xf32, #tpu.memory_space<hbm>> -> memref<320x128xf32, #tpu.memory_space<hbm>>
      %dma_start3A_52 = arith.constant 0 : i32
      %dma_start3A_53 = tpu.memref_slice %arg9[%mul3A_0, %dma_start3A_52] : memref<5120x128xf32, #tpu.memory_space<vmem_shared>> -> memref<320x128xf32, #tpu.memory_space<vmem_shared>>
      tpu.enqueue_dma source(%dma_start3A_53 : memref<320x128xf32, #tpu.memory_space<vmem_shared>>) target(%dma_start3A_51 : memref<320x128xf32, #tpu.memory_space<hbm>>) target_semaphore(%run_scoped3A : memref<!tpu.dma_semaphore, #tpu.memory_space<semaphore_mem>>)
      %dma_wait3A = arith.constant 0 : i32
      %dma_wait3A_54 = tpu.memref_slice %arg7[%arg0, %mul3A_0, %dma_wait3A] : memref<2x5120x128xf32, #tpu.memory_space<hbm>> -> memref<1x320x128xf32, #tpu.memory_space<hbm>>
      %dma_wait3A_55 = tpu.memref_squeeze %dma_wait3A_54 : memref<1x320x128xf32, #tpu.memory_space<hbm>> -> memref<320x128xf32, #tpu.memory_space<hbm>>
      %dma_wait3A_56 = arith.constant 0 : i32
      %dma_wait3A_57 = tpu.memref_slice %arg9[%mul3A_0, %dma_wait3A_56] : memref<5120x128xf32, #tpu.memory_space<vmem_shared>> -> memref<320x128xf32, #tpu.memory_space<vmem_shared>>
      tpu.wait_dma2 semaphore(%run_scoped3A : memref<!tpu.dma_semaphore, #tpu.memory_space<semaphore_mem>>) src(%dma_wait3A_57 : memref<320x128xf32, #tpu.memory_space<vmem_shared>>) dst(%dma_wait3A_55 : memref<320x128xf32, #tpu.memory_space<hbm>>)
      tpu.yield
    }) : () -> ()
    return
  }
}

#map = affine_map<(d0, d1) -> (0, 0, 0)>
#map1 = affine_map<(d0, d1) -> (0, 0, 0, 0)>
#map2 = affine_map<(d0, d1) -> (0, 0)>
module attributes {stable_mosaic.version = 14 : i64} {
  func.func @_layer2_sc(%arg0: i32, %arg1: i32, %arg2: memref<2x5120x128xf32, #tpu.memory_space<hbm>>, %arg3: memref<2x5120x128xf32, #tpu.memory_space<hbm>>, %arg4: memref<2x5120x128xf32, #tpu.memory_space<hbm>>, %arg5: memref<2x16x80x128xi32, #tpu.memory_space<hbm>>, %arg6: memref<2x16x80x128xi32, #tpu.memory_space<hbm>>, %arg7: memref<320x128xf32, #tpu.memory_space<hbm>>, %arg8: memref<5000x128xf32, #tpu.memory_space<hbm>>, %arg9: memref<5000x128xf32, #tpu.memory_space<hbm>>, %arg10: memref<5120x128xf32, #tpu.memory_space<vmem_shared>>, %arg11: memref<5120x128xf32, #tpu.memory_space<vmem_shared>>, %arg12: memref<40x128xi32, #tpu.memory_space<vmem>>, %arg13: memref<40x128xi32, #tpu.memory_space<vmem>>, %arg14: memref<128x128xf32, #tpu.memory_space<vmem>>, %arg15: memref<128x128xf32, #tpu.memory_space<vmem>>, %arg16: memref<!tpu.dma_semaphore, #tpu.memory_space<semaphore_mem>>) attributes {dimension_semantics = [#tpu.dimension_semantics<core_parallel>, #tpu.dimension_semantics<subcore_parallel>], iteration_bounds = array<i64: 2, 16>, scalar_prefetch = 0 : i64, scratch_operands = 7 : i64, tpu.core_type = #tpu.core_type<sc_vector_subcore>, window_params = [{transform_indices = #map}, {transform_indices = #map}, {transform_indices = #map}, {transform_indices = #map1}, {transform_indices = #map1}, {transform_indices = #map2}, {transform_indices = #map2}, {transform_indices = #map2}]} {
    %mul3A = arith.constant 320 : i32
    %mul3A_0 = arith.muli %arg1, %mul3A : i32
    "tpu.region"() ({
      %run_scoped3A = tpu.sem_alloc : memref<!tpu.dma_semaphore, #tpu.memory_space<semaphore_mem>>
      %dma_start3A_42 = arith.constant 0 : i32
      %dma_start3A_43 = tpu.memref_slice %arg10[%mul3A_0, %dma_start3A_42] : memref<5120x128xf32, #tpu.memory_space<vmem_shared>> -> memref<320x128xf32, #tpu.memory_space<vmem_shared>>
      tpu.enqueue_dma source(%arg7 : memref<320x128xf32, #tpu.memory_space<hbm>>) target(%dma_start3A_43 : memref<320x128xf32, #tpu.memory_space<vmem_shared>>) target_semaphore(%run_scoped3A : memref<!tpu.dma_semaphore, #tpu.memory_space<semaphore_mem>>)
      %dma_wait3A = arith.constant 0 : i32
      %dma_wait3A_44 = tpu.memref_slice %arg10[%mul3A_0, %dma_wait3A] : memref<5120x128xf32, #tpu.memory_space<vmem_shared>> -> memref<320x128xf32, #tpu.memory_space<vmem_shared>>
      tpu.wait_dma2 semaphore(%run_scoped3A : memref<!tpu.dma_semaphore, #tpu.memory_space<semaphore_mem>>) src(%arg7 : memref<320x128xf32, #tpu.memory_space<hbm>>) dst(%dma_wait3A_44 : memref<320x128xf32, #tpu.memory_space<vmem_shared>>)
      tpu.yield
    }) : () -> ()
    %scan3A = arith.constant 0 : i32
    %scan3A_1 = arith.constant 0 : i32
    %scan3A_2 = arith.constant 5 : i32
    %scan3A_3 = arith.addi %scan3A_1, %scan3A_2 : i32
    %scan3A_4 = arith.constant 1 : i32
    scf.for %scan3A_42 = %scan3A_1 to %scan3A_3 step %scan3A_4  : i32 {
      %mul3A_43 = arith.constant 320 : i32
      %mul3A_44 = arith.muli %arg1, %mul3A_43 : i32
      %mul3A_45 = arith.constant 64 : i32
      %mul3A_46 = arith.muli %scan3A_42, %mul3A_45 : i32
      %add3A = arith.addi %mul3A_44, %mul3A_46 : i32
      %sub3A = arith.constant 1 : i32
      %sub3A_47 = arith.subi %sub3A, %arg0 : i32
      "tpu.region"() ({
        %run_scoped3A = tpu.sem_alloc : memref<!tpu.dma_semaphore, #tpu.memory_space<semaphore_mem>>
        %dma_start3A_54 = arith.constant 0 : i32
        %dma_start3A_55 = arith.constant 0 : i32
        %dma_start3A_56 = tpu.memref_slice %arg14[%dma_start3A_54, %dma_start3A_55] : memref<128x128xf32, #tpu.memory_space<vmem>> -> memref<64x128xf32, #tpu.memory_space<vmem>>
        %dma_start3A_57 = arith.constant 0 : i32
        %dma_start3A_58 = tpu.memref_slice %arg2[%sub3A_47, %add3A, %dma_start3A_57] : memref<2x5120x128xf32, #tpu.memory_space<hbm>> -> memref<1x64x128xf32, #tpu.memory_space<hbm>>
        %dma_start3A_59 = tpu.memref_squeeze %dma_start3A_58 : memref<1x64x128xf32, #tpu.memory_space<hbm>> -> memref<64x128xf32, #tpu.memory_space<hbm>>
        %dma_start3A_60 = arith.constant 0 : i32
        %dma_start3A_61 = arith.constant 0 : i32
        %dma_start3A_62 = tpu.memref_slice %arg14[%dma_start3A_60, %dma_start3A_61] : memref<128x128xf32, #tpu.memory_space<vmem>> -> memref<64x128xf32, #tpu.memory_space<vmem>>
        %dma_start3A_63 = arith.constant 0 : i32
        %dma_start3A_64 = tpu.memref_slice %arg2[%sub3A_47, %add3A, %dma_start3A_63] : memref<2x5120x128xf32, #tpu.memory_space<hbm>> -> memref<1x64x128xf32, #tpu.memory_space<hbm>>
        %dma_start3A_65 = tpu.memref_squeeze %dma_start3A_64 : memref<1x64x128xf32, #tpu.memory_space<hbm>> -> memref<64x128xf32, #tpu.memory_space<hbm>>
        tpu.enqueue_dma source(%dma_start3A_65 : memref<64x128xf32, #tpu.memory_space<hbm>>) target(%dma_start3A_62 : memref<64x128xf32, #tpu.memory_space<vmem>>) target_semaphore(%run_scoped3A : memref<!tpu.dma_semaphore, #tpu.memory_space<semaphore_mem>>)
        %dma_wait3A = arith.constant 0 : i32
        %dma_wait3A_66 = arith.constant 0 : i32
        %dma_wait3A_67 = tpu.memref_slice %arg14[%dma_wait3A, %dma_wait3A_66] : memref<128x128xf32, #tpu.memory_space<vmem>> -> memref<64x128xf32, #tpu.memory_space<vmem>>
        %dma_wait3A_68 = arith.constant 0 : i32
        %dma_wait3A_69 = tpu.memref_slice %arg2[%sub3A_47, %add3A, %dma_wait3A_68] : memref<2x5120x128xf32, #tpu.memory_space<hbm>> -> memref<1x64x128xf32, #tpu.memory_space<hbm>>
        %dma_wait3A_70 = tpu.memref_squeeze %dma_wait3A_69 : memref<1x64x128xf32, #tpu.memory_space<hbm>> -> memref<64x128xf32, #tpu.memory_space<hbm>>
        %dma_wait3A_71 = arith.constant 0 : i32
        %dma_wait3A_72 = arith.constant 0 : i32
        %dma_wait3A_73 = tpu.memref_slice %arg14[%dma_wait3A_71, %dma_wait3A_72] : memref<128x128xf32, #tpu.memory_space<vmem>> -> memref<64x128xf32, #tpu.memory_space<vmem>>
        %dma_wait3A_74 = arith.constant 0 : i32
        %dma_wait3A_75 = tpu.memref_slice %arg2[%sub3A_47, %add3A, %dma_wait3A_74] : memref<2x5120x128xf32, #tpu.memory_space<hbm>> -> memref<1x64x128xf32, #tpu.memory_space<hbm>>
        %dma_wait3A_76 = tpu.memref_squeeze %dma_wait3A_75 : memref<1x64x128xf32, #tpu.memory_space<hbm>> -> memref<64x128xf32, #tpu.memory_space<hbm>>
        tpu.wait_dma2 semaphore(%run_scoped3A : memref<!tpu.dma_semaphore, #tpu.memory_space<semaphore_mem>>) src(%dma_wait3A_76 : memref<64x128xf32, #tpu.memory_space<hbm>>) dst(%dma_wait3A_73 : memref<64x128xf32, #tpu.memory_space<vmem>>)
        tpu.yield
      }) : () -> ()
      "tpu.region"() ({
        %run_scoped3A = tpu.sem_alloc : memref<!tpu.dma_semaphore, #tpu.memory_space<semaphore_mem>>
        %dma_start3A_54 = arith.constant 0 : i32
        %dma_start3A_55 = arith.constant 0 : i32
        %dma_start3A_56 = tpu.memref_slice %arg15[%dma_start3A_54, %dma_start3A_55] : memref<128x128xf32, #tpu.memory_space<vmem>> -> memref<64x128xf32, #tpu.memory_space<vmem>>
        %dma_start3A_57 = arith.constant 0 : i32
        %dma_start3A_58 = tpu.memref_slice %arg3[%arg0, %add3A, %dma_start3A_57] : memref<2x5120x128xf32, #tpu.memory_space<hbm>> -> memref<1x64x128xf32, #tpu.memory_space<hbm>>
        %dma_start3A_59 = tpu.memref_squeeze %dma_start3A_58 : memref<1x64x128xf32, #tpu.memory_space<hbm>> -> memref<64x128xf32, #tpu.memory_space<hbm>>
        %dma_start3A_60 = arith.constant 0 : i32
        %dma_start3A_61 = arith.constant 0 : i32
        %dma_start3A_62 = tpu.memref_slice %arg15[%dma_start3A_60, %dma_start3A_61] : memref<128x128xf32, #tpu.memory_space<vmem>> -> memref<64x128xf32, #tpu.memory_space<vmem>>
        %dma_start3A_63 = arith.constant 0 : i32
        %dma_start3A_64 = tpu.memref_slice %arg3[%arg0, %add3A, %dma_start3A_63] : memref<2x5120x128xf32, #tpu.memory_space<hbm>> -> memref<1x64x128xf32, #tpu.memory_space<hbm>>
        %dma_start3A_65 = tpu.memref_squeeze %dma_start3A_64 : memref<1x64x128xf32, #tpu.memory_space<hbm>> -> memref<64x128xf32, #tpu.memory_space<hbm>>
        tpu.enqueue_dma source(%dma_start3A_65 : memref<64x128xf32, #tpu.memory_space<hbm>>) target(%dma_start3A_62 : memref<64x128xf32, #tpu.memory_space<vmem>>) target_semaphore(%run_scoped3A : memref<!tpu.dma_semaphore, #tpu.memory_space<semaphore_mem>>)
        %dma_wait3A = arith.constant 0 : i32
        %dma_wait3A_66 = arith.constant 0 : i32
        %dma_wait3A_67 = tpu.memref_slice %arg15[%dma_wait3A, %dma_wait3A_66] : memref<128x128xf32, #tpu.memory_space<vmem>> -> memref<64x128xf32, #tpu.memory_space<vmem>>
        %dma_wait3A_68 = arith.constant 0 : i32
        %dma_wait3A_69 = tpu.memref_slice %arg3[%arg0, %add3A, %dma_wait3A_68] : memref<2x5120x128xf32, #tpu.memory_space<hbm>> -> memref<1x64x128xf32, #tpu.memory_space<hbm>>
        %dma_wait3A_70 = tpu.memref_squeeze %dma_wait3A_69 : memref<1x64x128xf32, #tpu.memory_space<hbm>> -> memref<64x128xf32, #tpu.memory_space<hbm>>
        %dma_wait3A_71 = arith.constant 0 : i32
        %dma_wait3A_72 = arith.constant 0 : i32
        %dma_wait3A_73 = tpu.memref_slice %arg15[%dma_wait3A_71, %dma_wait3A_72] : memref<128x128xf32, #tpu.memory_space<vmem>> -> memref<64x128xf32, #tpu.memory_space<vmem>>
        %dma_wait3A_74 = arith.constant 0 : i32
        %dma_wait3A_75 = tpu.memref_slice %arg3[%arg0, %add3A, %dma_wait3A_74] : memref<2x5120x128xf32, #tpu.memory_space<hbm>> -> memref<1x64x128xf32, #tpu.memory_space<hbm>>
        %dma_wait3A_76 = tpu.memref_squeeze %dma_wait3A_75 : memref<1x64x128xf32, #tpu.memory_space<hbm>> -> memref<64x128xf32, #tpu.memory_space<hbm>>
        tpu.wait_dma2 semaphore(%run_scoped3A : memref<!tpu.dma_semaphore, #tpu.memory_space<semaphore_mem>>) src(%dma_wait3A_76 : memref<64x128xf32, #tpu.memory_space<hbm>>) dst(%dma_wait3A_73 : memref<64x128xf32, #tpu.memory_space<vmem>>)
        tpu.yield
      }) : () -> ()
      %scan3A_48 = arith.constant 0 : i32
      %scan3A_49 = arith.constant 0 : i32
      %scan3A_50 = arith.constant 64 : i32
      %scan3A_51 = arith.addi %scan3A_49, %scan3A_50 : i32
      %scan3A_52 = arith.constant 1 : i32
      scf.for %scan3A_54 = %scan3A_49 to %scan3A_51 step %scan3A_52  : i32 {
        %get3A = arith.index_cast %scan3A_54 : i32 to index
        %get3A_55 = arith.constant 0 : index
        %get3A_56 = tpu.vector_load %arg15[%get3A, %get3A_55] {strides = array<i32>} : memref<128x128xf32, #tpu.memory_space<vmem>>, vector<1x16xf32>,
        %get3A_57 = vector.shape_cast %get3A_56 : vector<1x16xf32> to vector<16xf32>
        %bitcast_convert_type3A = tpu.bitcast %get3A_57 : vector<16xf32> -> vector<16xi32>
        %shift_right_logical3A = arith.constant 1 : i32
        %shift_right_logical3A_58 = vector.broadcast %shift_right_logical3A : i32 to vector<16xi32>
        %shift_right_logical3A_59 = arith.shrui %bitcast_convert_type3A, %shift_right_logical3A_58 : vector<16xi32>
        %sub3A_60 = arith.constant 1597463007 : i32
        %sub3A_61 = vector.broadcast %sub3A_60 : i32 to vector<16xi32>
        %sub3A_62 = arith.subi %sub3A_61, %shift_right_logical3A_59 : vector<16xi32>
        %bitcast_convert_type3A_63 = tpu.bitcast %sub3A_62 : vector<16xi32> -> vector<16xf32>
        %mul3A_64 = arith.constant 5.000000e-01 : f32
        %mul3A_65 = vector.broadcast %mul3A_64 : f32 to vector<16xf32>
        %mul3A_66 = arith.mulf %mul3A_65, %get3A_57 : vector<16xf32>
        %mul3A_67 = arith.mulf %mul3A_66, %bitcast_convert_type3A_63 : vector<16xf32>
        %mul3A_68 = arith.mulf %mul3A_67, %bitcast_convert_type3A_63 : vector<16xf32>
        %sub3A_69 = arith.constant 1.500000e+00 : f32
        %sub3A_70 = vector.broadcast %sub3A_69 : f32 to vector<16xf32>
        %sub3A_71 = arith.subf %sub3A_70, %mul3A_68 : vector<16xf32>
        %mul3A_72 = arith.mulf %bitcast_convert_type3A_63, %sub3A_71 : vector<16xf32>
        %mul3A_73 = arith.constant 5.000000e-01 : f32
        %mul3A_74 = vector.broadcast %mul3A_73 : f32 to vector<16xf32>
        %mul3A_75 = arith.mulf %mul3A_74, %get3A_57 : vector<16xf32>
        %mul3A_76 = arith.mulf %mul3A_75, %mul3A_72 : vector<16xf32>
        %mul3A_77 = arith.mulf %mul3A_76, %mul3A_72 : vector<16xf32>
        %sub3A_78 = arith.constant 1.500000e+00 : f32
        %sub3A_79 = vector.broadcast %sub3A_78 : f32 to vector<16xf32>
        %sub3A_80 = arith.subf %sub3A_79, %mul3A_77 : vector<16xf32>
        %mul3A_81 = arith.mulf %mul3A_72, %sub3A_80 : vector<16xf32>
        %mul3A_82 = arith.constant 5.000000e-01 : f32
        %mul3A_83 = vector.broadcast %mul3A_82 : f32 to vector<16xf32>
        %mul3A_84 = arith.mulf %mul3A_83, %get3A_57 : vector<16xf32>
        %mul3A_85 = arith.mulf %mul3A_84, %mul3A_81 : vector<16xf32>
        %mul3A_86 = arith.mulf %mul3A_85, %mul3A_81 : vector<16xf32>
        %sub3A_87 = arith.constant 1.500000e+00 : f32
        %sub3A_88 = vector.broadcast %sub3A_87 : f32 to vector<16xf32>
        %sub3A_89 = arith.subf %sub3A_88, %mul3A_86 : vector<16xf32>
        %mul3A_90 = arith.mulf %mul3A_81, %sub3A_89 : vector<16xf32>
        %gt3A = arith.constant 0.000000e+00 : f32
        %gt3A_91 = vector.broadcast %gt3A : f32 to vector<16xf32>
        %gt3A_92 = arith.cmpf ogt, %get3A_57, %gt3A_91 : vector<16xf32>
        %mul3A_93 = arith.mulf %mul3A_90, %mul3A_90 : vector<16xf32>
        %jit3A = arith.constant 0.000000e+00 : f32
        %broadcast_in_dim3A = vector.broadcast %jit3A : f32 to vector<16xf32>
        %select_n3A = arith.select %gt3A_92, %mul3A_93, %broadcast_in_dim3A : vector<16xi1>, vector<16xf32>
        %get3A_94 = arith.index_cast %scan3A_54 : i32 to index
        %get3A_95 = arith.constant 0 : index
        %get3A_96 = tpu.vector_load %arg14[%get3A_94, %get3A_95] {strides = array<i32>} : memref<128x128xf32, #tpu.memory_space<vmem>>, vector<1x16xf32>,
        %get3A_97 = vector.shape_cast %get3A_96 : vector<1x16xf32> to vector<16xf32>
        %mul3A_98 = arith.mulf %get3A_97, %select_n3A : vector<16xf32>
        %swap3A = arith.index_cast %scan3A_54 : i32 to index
        %swap3A_99 = arith.constant 0 : index
        %swap3A_100 = tpu.vector_load %arg14[%swap3A, %swap3A_99] {strides = array<i32>} : memref<128x128xf32, #tpu.memory_space<vmem>>, vector<1x16xf32>,
        %swap3A_101 = vector.shape_cast %swap3A_100 : vector<1x16xf32> to vector<16xf32>
        %swap3A_102 = vector.shape_cast %mul3A_98 : vector<16xf32> to vector<1x16xf32>
        tpu.vector_store %arg14[%swap3A, %swap3A_99], %swap3A_102 {strides = array<i32>} : memref<128x128xf32, #tpu.memory_space<vmem>>, vector<1x16xf32>,
        %get3A_103 = arith.index_cast %scan3A_54 : i32 to index
        %get3A_104 = arith.constant 16 : index
        %get3A_105 = tpu.vector_load %arg14[%get3A_103, %get3A_104] {strides = array<i32>} : memref<128x128xf32, #tpu.memory_space<vmem>>, vector<1x16xf32>,
        %get3A_106 = vector.shape_cast %get3A_105 : vector<1x16xf32> to vector<16xf32>
        %mul3A_107 = arith.mulf %get3A_106, %select_n3A : vector<16xf32>
        %swap3A_108 = arith.index_cast %scan3A_54 : i32 to index
        %swap3A_109 = arith.constant 16 : index
        %swap3A_110 = tpu.vector_load %arg14[%swap3A_108, %swap3A_109] {strides = array<i32>} : memref<128x128xf32, #tpu.memory_space<vmem>>, vector<1x16xf32>,
        %swap3A_111 = vector.shape_cast %swap3A_110 : vector<1x16xf32> to vector<16xf32>
        %swap3A_112 = vector.shape_cast %mul3A_107 : vector<16xf32> to vector<1x16xf32>
        tpu.vector_store %arg14[%swap3A_108, %swap3A_109], %swap3A_112 {strides = array<i32>} : memref<128x128xf32, #tpu.memory_space<vmem>>, vector<1x16xf32>,
        %get3A_113 = arith.index_cast %scan3A_54 : i32 to index
        %get3A_114 = arith.constant 32 : index
        %get3A_115 = tpu.vector_load %arg14[%get3A_113, %get3A_114] {strides = array<i32>} : memref<128x128xf32, #tpu.memory_space<vmem>>, vector<1x16xf32>,
        %get3A_116 = vector.shape_cast %get3A_115 : vector<1x16xf32> to vector<16xf32>
        %mul3A_117 = arith.mulf %get3A_116, %select_n3A : vector<16xf32>
        %swap3A_118 = arith.index_cast %scan3A_54 : i32 to index
        %swap3A_119 = arith.constant 32 : index
        %swap3A_120 = tpu.vector_load %arg14[%swap3A_118, %swap3A_119] {strides = array<i32>} : memref<128x128xf32, #tpu.memory_space<vmem>>, vector<1x16xf32>,
        %swap3A_121 = vector.shape_cast %swap3A_120 : vector<1x16xf32> to vector<16xf32>
        %swap3A_122 = vector.shape_cast %mul3A_117 : vector<16xf32> to vector<1x16xf32>
        tpu.vector_store %arg14[%swap3A_118, %swap3A_119], %swap3A_122 {strides = array<i32>} : memref<128x128xf32, #tpu.memory_space<vmem>>, vector<1x16xf32>,
        %get3A_123 = arith.index_cast %scan3A_54 : i32 to index
        %get3A_124 = arith.constant 48 : index
        %get3A_125 = tpu.vector_load %arg14[%get3A_123, %get3A_124] {strides = array<i32>} : memref<128x128xf32, #tpu.memory_space<vmem>>, vector<1x16xf32>,
        %get3A_126 = vector.shape_cast %get3A_125 : vector<1x16xf32> to vector<16xf32>
        %mul3A_127 = arith.mulf %get3A_126, %select_n3A : vector<16xf32>
        %swap3A_128 = arith.index_cast %scan3A_54 : i32 to index
        %swap3A_129 = arith.constant 48 : index
        %swap3A_130 = tpu.vector_load %arg14[%swap3A_128, %swap3A_129] {strides = array<i32>} : memref<128x128xf32, #tpu.memory_space<vmem>>, vector<1x16xf32>,
        %swap3A_131 = vector.shape_cast %swap3A_130 : vector<1x16xf32> to vector<16xf32>
        %swap3A_132 = vector.shape_cast %mul3A_127 : vector<16xf32> to vector<1x16xf32>
        tpu.vector_store %arg14[%swap3A_128, %swap3A_129], %swap3A_132 {strides = array<i32>} : memref<128x128xf32, #tpu.memory_space<vmem>>, vector<1x16xf32>,
        %get3A_133 = arith.index_cast %scan3A_54 : i32 to index
        %get3A_134 = arith.constant 64 : index
        %get3A_135 = tpu.vector_load %arg14[%get3A_133, %get3A_134] {strides = array<i32>} : memref<128x128xf32, #tpu.memory_space<vmem>>, vector<1x16xf32>,
        %get3A_136 = vector.shape_cast %get3A_135 : vector<1x16xf32> to vector<16xf32>
        %mul3A_137 = arith.mulf %get3A_136, %select_n3A : vector<16xf32>
        %swap3A_138 = arith.index_cast %scan3A_54 : i32 to index
        %swap3A_139 = arith.constant 64 : index
        %swap3A_140 = tpu.vector_load %arg14[%swap3A_138, %swap3A_139] {strides = array<i32>} : memref<128x128xf32, #tpu.memory_space<vmem>>, vector<1x16xf32>,
        %swap3A_141 = vector.shape_cast %swap3A_140 : vector<1x16xf32> to vector<16xf32>
        %swap3A_142 = vector.shape_cast %mul3A_137 : vector<16xf32> to vector<1x16xf32>
        tpu.vector_store %arg14[%swap3A_138, %swap3A_139], %swap3A_142 {strides = array<i32>} : memref<128x128xf32, #tpu.memory_space<vmem>>, vector<1x16xf32>,
        %get3A_143 = arith.index_cast %scan3A_54 : i32 to index
        %get3A_144 = arith.constant 80 : index
        %get3A_145 = tpu.vector_load %arg14[%get3A_143, %get3A_144] {strides = array<i32>} : memref<128x128xf32, #tpu.memory_space<vmem>>, vector<1x16xf32>,
        %get3A_146 = vector.shape_cast %get3A_145 : vector<1x16xf32> to vector<16xf32>
        %mul3A_147 = arith.mulf %get3A_146, %select_n3A : vector<16xf32>
        %swap3A_148 = arith.index_cast %scan3A_54 : i32 to index
        %swap3A_149 = arith.constant 80 : index
        %swap3A_150 = tpu.vector_load %arg14[%swap3A_148, %swap3A_149] {strides = array<i32>} : memref<128x128xf32, #tpu.memory_space<vmem>>, vector<1x16xf32>,
        %swap3A_151 = vector.shape_cast %swap3A_150 : vector<1x16xf32> to vector<16xf32>
        %swap3A_152 = vector.shape_cast %mul3A_147 : vector<16xf32> to vector<1x16xf32>
        tpu.vector_store %arg14[%swap3A_148, %swap3A_149], %swap3A_152 {strides = array<i32>} : memref<128x128xf32, #tpu.memory_space<vmem>>, vector<1x16xf32>,
        %get3A_153 = arith.index_cast %scan3A_54 : i32 to index
        %get3A_154 = arith.constant 96 : index
        %get3A_155 = tpu.vector_load %arg14[%get3A_153, %get3A_154] {strides = array<i32>} : memref<128x128xf32, #tpu.memory_space<vmem>>, vector<1x16xf32>,
        %get3A_156 = vector.shape_cast %get3A_155 : vector<1x16xf32> to vector<16xf32>
        %mul3A_157 = arith.mulf %get3A_156, %select_n3A : vector<16xf32>
        %swap3A_158 = arith.index_cast %scan3A_54 : i32 to index
        %swap3A_159 = arith.constant 96 : index
        %swap3A_160 = tpu.vector_load %arg14[%swap3A_158, %swap3A_159] {strides = array<i32>} : memref<128x128xf32, #tpu.memory_space<vmem>>, vector<1x16xf32>,
        %swap3A_161 = vector.shape_cast %swap3A_160 : vector<1x16xf32> to vector<16xf32>
        %swap3A_162 = vector.shape_cast %mul3A_157 : vector<16xf32> to vector<1x16xf32>
        tpu.vector_store %arg14[%swap3A_158, %swap3A_159], %swap3A_162 {strides = array<i32>} : memref<128x128xf32, #tpu.memory_space<vmem>>, vector<1x16xf32>,
        %get3A_163 = arith.index_cast %scan3A_54 : i32 to index
        %get3A_164 = arith.constant 112 : index
        %get3A_165 = tpu.vector_load %arg14[%get3A_163, %get3A_164] {strides = array<i32>} : memref<128x128xf32, #tpu.memory_space<vmem>>, vector<1x16xf32>,
        %get3A_166 = vector.shape_cast %get3A_165 : vector<1x16xf32> to vector<16xf32>
        %mul3A_167 = arith.mulf %get3A_166, %select_n3A : vector<16xf32>
        %swap3A_168 = arith.index_cast %scan3A_54 : i32 to index
        %swap3A_169 = arith.constant 112 : index
        %swap3A_170 = tpu.vector_load %arg14[%swap3A_168, %swap3A_169] {strides = array<i32>} : memref<128x128xf32, #tpu.memory_space<vmem>>, vector<1x16xf32>,
        %swap3A_171 = vector.shape_cast %swap3A_170 : vector<1x16xf32> to vector<16xf32>
        %swap3A_172 = vector.shape_cast %mul3A_167 : vector<16xf32> to vector<1x16xf32>
        tpu.vector_store %arg14[%swap3A_168, %swap3A_169], %swap3A_172 {strides = array<i32>} : memref<128x128xf32, #tpu.memory_space<vmem>>, vector<1x16xf32>,
      }
      %scan3A_53 = arith.constant 64 : i32
      "tpu.region"() ({
        %run_scoped3A = tpu.sem_alloc : memref<!tpu.dma_semaphore, #tpu.memory_space<semaphore_mem>>
        %dma_start3A_54 = arith.constant 0 : i32
        %dma_start3A_55 = arith.constant 0 : i32
        %dma_start3A_56 = tpu.memref_slice %arg14[%dma_start3A_54, %dma_start3A_55] : memref<128x128xf32, #tpu.memory_space<vmem>> -> memref<64x128xf32, #tpu.memory_space<vmem>>
        %dma_start3A_57 = arith.constant 0 : i32
        %dma_start3A_58 = tpu.memref_slice %arg11[%add3A, %dma_start3A_57] : memref<5120x128xf32, #tpu.memory_space<vmem_shared>> -> memref<64x128xf32, #tpu.memory_space<vmem_shared>>
        %dma_start3A_59 = arith.constant 0 : i32
        %dma_start3A_60 = tpu.memref_slice %arg11[%add3A, %dma_start3A_59] : memref<5120x128xf32, #tpu.memory_space<vmem_shared>> -> memref<64x128xf32, #tpu.memory_space<vmem_shared>>
        %dma_start3A_61 = arith.constant 0 : i32
        %dma_start3A_62 = arith.constant 0 : i32
        %dma_start3A_63 = tpu.memref_slice %arg14[%dma_start3A_61, %dma_start3A_62] : memref<128x128xf32, #tpu.memory_space<vmem>> -> memref<64x128xf32, #tpu.memory_space<vmem>>
        tpu.enqueue_dma source(%dma_start3A_63 : memref<64x128xf32, #tpu.memory_space<vmem>>) target(%dma_start3A_60 : memref<64x128xf32, #tpu.memory_space<vmem_shared>>) target_semaphore(%run_scoped3A : memref<!tpu.dma_semaphore, #tpu.memory_space<semaphore_mem>>)
        %dma_wait3A = arith.constant 0 : i32
        %dma_wait3A_64 = arith.constant 0 : i32
        %dma_wait3A_65 = tpu.memref_slice %arg14[%dma_wait3A, %dma_wait3A_64] : memref<128x128xf32, #tpu.memory_space<vmem>> -> memref<64x128xf32, #tpu.memory_space<vmem>>
        %dma_wait3A_66 = arith.constant 0 : i32
        %dma_wait3A_67 = tpu.memref_slice %arg11[%add3A, %dma_wait3A_66] : memref<5120x128xf32, #tpu.memory_space<vmem_shared>> -> memref<64x128xf32, #tpu.memory_space<vmem_shared>>
        %dma_wait3A_68 = arith.constant 0 : i32
        %dma_wait3A_69 = tpu.memref_slice %arg11[%add3A, %dma_wait3A_68] : memref<5120x128xf32, #tpu.memory_space<vmem_shared>> -> memref<64x128xf32, #tpu.memory_space<vmem_shared>>
        %dma_wait3A_70 = arith.constant 0 : i32
        %dma_wait3A_71 = arith.constant 0 : i32
        %dma_wait3A_72 = tpu.memref_slice %arg14[%dma_wait3A_70, %dma_wait3A_71] : memref<128x128xf32, #tpu.memory_space<vmem>> -> memref<64x128xf32, #tpu.memory_space<vmem>>
        tpu.wait_dma2 semaphore(%run_scoped3A : memref<!tpu.dma_semaphore, #tpu.memory_space<semaphore_mem>>) src(%dma_wait3A_72 : memref<64x128xf32, #tpu.memory_space<vmem>>) dst(%dma_wait3A_69 : memref<64x128xf32, #tpu.memory_space<vmem_shared>>)
        tpu.yield
      }) : () -> ()
    }
    %scan3A_5 = arith.constant 5 : i32
    %barrier3A = arith.constant 0 : index
    tpu.barrier barrier_id(%barrier3A)
    "tpu.region"() ({
      %run_scoped3A = tpu.sem_alloc : memref<!tpu.dma_semaphore, #tpu.memory_space<semaphore_mem>>
      %dma_start3A_42 = arith.constant 0 : i32
      %dma_start3A_43 = arith.constant 0 : i32
      %dma_start3A_44 = tpu.memref_slice %arg5[%arg0, %arg1, %dma_start3A_42, %dma_start3A_43] : memref<2x16x80x128xi32, #tpu.memory_space<hbm>> -> memref<1x1x40x128xi32, #tpu.memory_space<hbm>>
      %dma_start3A_45 = tpu.memref_squeeze %dma_start3A_44 : memref<1x1x40x128xi32, #tpu.memory_space<hbm>> -> memref<40x128xi32, #tpu.memory_space<hbm>>
      %dma_start3A_46 = arith.constant 0 : i32
      %dma_start3A_47 = arith.constant 0 : i32
      %dma_start3A_48 = tpu.memref_slice %arg5[%arg0, %arg1, %dma_start3A_46, %dma_start3A_47] : memref<2x16x80x128xi32, #tpu.memory_space<hbm>> -> memref<1x1x40x128xi32, #tpu.memory_space<hbm>>
      %dma_start3A_49 = tpu.memref_squeeze %dma_start3A_48 : memref<1x1x40x128xi32, #tpu.memory_space<hbm>> -> memref<40x128xi32, #tpu.memory_space<hbm>>
      tpu.enqueue_dma source(%dma_start3A_49 : memref<40x128xi32, #tpu.memory_space<hbm>>) target(%arg12 : memref<40x128xi32, #tpu.memory_space<vmem>>) target_semaphore(%run_scoped3A : memref<!tpu.dma_semaphore, #tpu.memory_space<semaphore_mem>>)
      %dma_wait3A = arith.constant 0 : i32
      %dma_wait3A_50 = arith.constant 0 : i32
      %dma_wait3A_51 = tpu.memref_slice %arg5[%arg0, %arg1, %dma_wait3A, %dma_wait3A_50] : memref<2x16x80x128xi32, #tpu.memory_space<hbm>> -> memref<1x1x40x128xi32, #tpu.memory_space<hbm>>
      %dma_wait3A_52 = tpu.memref_squeeze %dma_wait3A_51 : memref<1x1x40x128xi32, #tpu.memory_space<hbm>> -> memref<40x128xi32, #tpu.memory_space<hbm>>
      %dma_wait3A_53 = arith.constant 0 : i32
      %dma_wait3A_54 = arith.constant 0 : i32
      %dma_wait3A_55 = tpu.memref_slice %arg5[%arg0, %arg1, %dma_wait3A_53, %dma_wait3A_54] : memref<2x16x80x128xi32, #tpu.memory_space<hbm>> -> memref<1x1x40x128xi32, #tpu.memory_space<hbm>>
      %dma_wait3A_56 = tpu.memref_squeeze %dma_wait3A_55 : memref<1x1x40x128xi32, #tpu.memory_space<hbm>> -> memref<40x128xi32, #tpu.memory_space<hbm>>
      tpu.wait_dma2 semaphore(%run_scoped3A : memref<!tpu.dma_semaphore, #tpu.memory_space<semaphore_mem>>) src(%dma_wait3A_56 : memref<40x128xi32, #tpu.memory_space<hbm>>) dst(%arg12 : memref<40x128xi32, #tpu.memory_space<vmem>>)
      tpu.yield
    }) : () -> ()
    "tpu.region"() ({
      %run_scoped3A = tpu.sem_alloc : memref<!tpu.dma_semaphore, #tpu.memory_space<semaphore_mem>>
      %dma_start3A_42 = arith.constant 0 : i32
      %dma_start3A_43 = arith.constant 0 : i32
      %dma_start3A_44 = tpu.memref_slice %arg6[%arg0, %arg1, %dma_start3A_42, %dma_start3A_43] : memref<2x16x80x128xi32, #tpu.memory_space<hbm>> -> memref<1x1x40x128xi32, #tpu.memory_space<hbm>>
      %dma_start3A_45 = tpu.memref_squeeze %dma_start3A_44 : memref<1x1x40x128xi32, #tpu.memory_space<hbm>> -> memref<40x128xi32, #tpu.memory_space<hbm>>
      %dma_start3A_46 = arith.constant 0 : i32
      %dma_start3A_47 = arith.constant 0 : i32
      %dma_start3A_48 = tpu.memref_slice %arg6[%arg0, %arg1, %dma_start3A_46, %dma_start3A_47] : memref<2x16x80x128xi32, #tpu.memory_space<hbm>> -> memref<1x1x40x128xi32, #tpu.memory_space<hbm>>
      %dma_start3A_49 = tpu.memref_squeeze %dma_start3A_48 : memref<1x1x40x128xi32, #tpu.memory_space<hbm>> -> memref<40x128xi32, #tpu.memory_space<hbm>>
      tpu.enqueue_dma source(%dma_start3A_49 : memref<40x128xi32, #tpu.memory_space<hbm>>) target(%arg13 : memref<40x128xi32, #tpu.memory_space<vmem>>) target_semaphore(%run_scoped3A : memref<!tpu.dma_semaphore, #tpu.memory_space<semaphore_mem>>)
      %dma_wait3A = arith.constant 0 : i32
      %dma_wait3A_50 = arith.constant 0 : i32
      %dma_wait3A_51 = tpu.memref_slice %arg6[%arg0, %arg1, %dma_wait3A, %dma_wait3A_50] : memref<2x16x80x128xi32, #tpu.memory_space<hbm>> -> memref<1x1x40x128xi32, #tpu.memory_space<hbm>>
      %dma_wait3A_52 = tpu.memref_squeeze %dma_wait3A_51 : memref<1x1x40x128xi32, #tpu.memory_space<hbm>> -> memref<40x128xi32, #tpu.memory_space<hbm>>
      %dma_wait3A_53 = arith.constant 0 : i32
      %dma_wait3A_54 = arith.constant 0 : i32
      %dma_wait3A_55 = tpu.memref_slice %arg6[%arg0, %arg1, %dma_wait3A_53, %dma_wait3A_54] : memref<2x16x80x128xi32, #tpu.memory_space<hbm>> -> memref<1x1x40x128xi32, #tpu.memory_space<hbm>>
      %dma_wait3A_56 = tpu.memref_squeeze %dma_wait3A_55 : memref<1x1x40x128xi32, #tpu.memory_space<hbm>> -> memref<40x128xi32, #tpu.memory_space<hbm>>
      tpu.wait_dma2 semaphore(%run_scoped3A : memref<!tpu.dma_semaphore, #tpu.memory_space<semaphore_mem>>) src(%dma_wait3A_56 : memref<40x128xi32, #tpu.memory_space<hbm>>) dst(%arg13 : memref<40x128xi32, #tpu.memory_space<vmem>>)
      tpu.yield
    }) : () -> ()
    %dma_start3A = arith.constant 0 : i32
    %dma_start3A_6 = arith.constant 0 : i32
    %dma_start3A_7 = tpu.memref_slice %arg12[%dma_start3A, %dma_start3A_6] : memref<40x128xi32, #tpu.memory_space<vmem>> -> memref<1x128xi32, #tpu.memory_space<vmem>>
    %dma_start3A_8 = tpu.memref_squeeze %dma_start3A_7 : memref<1x128xi32, #tpu.memory_space<vmem>> -> memref<128xi32, #tpu.memory_space<vmem>>
    %dma_start3A_9 = arith.constant 0 : i32
    %dma_start3A_10 = arith.constant 0 : i32
    %dma_start3A_11 = tpu.memref_slice %arg11[%dma_start3A_9, %dma_start3A_10] : memref<5120x128xf32, #tpu.memory_space<vmem_shared>> -> memref<5120x128xf32, #tpu.memory_space<vmem_shared>>
    tpu.enqueue_indirect_dma source(%dma_start3A_11 : memref<5120x128xf32, #tpu.memory_space<vmem_shared>>) target(%arg14 : memref<128x128xf32, #tpu.memory_space<vmem>>) offsets(%dma_start3A_8 : memref<128xi32, #tpu.memory_space<vmem>>) semaphore(%arg16 : memref<!tpu.dma_semaphore, #tpu.memory_space<semaphore_mem>>)
    %scan3A_12 = arith.constant 0 : i32
    %scan3A_13 = arith.constant 0 : i32
    %scan3A_14 = arith.constant 20 : i32
    %scan3A_15 = arith.addi %scan3A_13, %scan3A_14 : i32
    %scan3A_16 = arith.constant 1 : i32
    scf.for %scan3A_42 = %scan3A_13 to %scan3A_15 step %scan3A_16  : i32 {
      %mul3A_43 = arith.constant 2 : i32
      %mul3A_44 = arith.muli %mul3A_43, %scan3A_42 : i32
      %dma_wait3A = arith.constant 0 : i32
      %dma_wait3A_45 = tpu.memref_slice %arg12[%mul3A_44, %dma_wait3A] : memref<40x128xi32, #tpu.memory_space<vmem>> -> memref<1x128xi32, #tpu.memory_space<vmem>>
      %dma_wait3A_46 = tpu.memref_squeeze %dma_wait3A_45 : memref<1x128xi32, #tpu.memory_space<vmem>> -> memref<128xi32, #tpu.memory_space<vmem>>
      %dma_wait3A_47 = arith.constant 0 : i32
      %dma_wait3A_48 = arith.constant 0 : i32
      %dma_wait3A_49 = tpu.memref_slice %arg11[%dma_wait3A_47, %dma_wait3A_48] : memref<5120x128xf32, #tpu.memory_space<vmem_shared>> -> memref<5120x128xf32, #tpu.memory_space<vmem_shared>>
      tpu.wait_indirect_dma semaphore(%arg16 : memref<!tpu.dma_semaphore, #tpu.memory_space<semaphore_mem>>) src(%dma_wait3A_49 : memref<5120x128xf32, #tpu.memory_space<vmem_shared>>) dst(%arg14 : memref<128x128xf32, #tpu.memory_space<vmem>>)
      %add3A = arith.constant 1 : i32
      %add3A_50 = arith.addi %mul3A_44, %add3A : i32
      %dma_start3A_51 = arith.constant 0 : i32
      %dma_start3A_52 = tpu.memref_slice %arg12[%add3A_50, %dma_start3A_51] : memref<40x128xi32, #tpu.memory_space<vmem>> -> memref<1x128xi32, #tpu.memory_space<vmem>>
      %dma_start3A_53 = tpu.memref_squeeze %dma_start3A_52 : memref<1x128xi32, #tpu.memory_space<vmem>> -> memref<128xi32, #tpu.memory_space<vmem>>
      %dma_start3A_54 = arith.constant 0 : i32
      %dma_start3A_55 = arith.constant 0 : i32
      %dma_start3A_56 = tpu.memref_slice %arg11[%dma_start3A_54, %dma_start3A_55] : memref<5120x128xf32, #tpu.memory_space<vmem_shared>> -> memref<5120x128xf32, #tpu.memory_space<vmem_shared>>
      tpu.enqueue_indirect_dma source(%dma_start3A_56 : memref<5120x128xf32, #tpu.memory_space<vmem_shared>>) target(%arg15 : memref<128x128xf32, #tpu.memory_space<vmem>>) offsets(%dma_start3A_53 : memref<128xi32, #tpu.memory_space<vmem>>) semaphore(%arg16 : memref<!tpu.dma_semaphore, #tpu.memory_space<semaphore_mem>>)
      "tpu.region"() ({
        %run_scoped3A = tpu.sem_alloc : memref<!tpu.dma_semaphore, #tpu.memory_space<semaphore_mem>>
        %dma_start3A_71 = arith.constant 0 : i32
        %dma_start3A_72 = tpu.memref_slice %arg13[%mul3A_44, %dma_start3A_71] : memref<40x128xi32, #tpu.memory_space<vmem>> -> memref<1x128xi32, #tpu.memory_space<vmem>>
        %dma_start3A_73 = tpu.memref_squeeze %dma_start3A_72 : memref<1x128xi32, #tpu.memory_space<vmem>> -> memref<128xi32, #tpu.memory_space<vmem>>
        %dma_start3A_74 = arith.constant 0 : i32
        %dma_start3A_75 = arith.constant 0 : i32
        %dma_start3A_76 = tpu.memref_slice %arg10[%dma_start3A_74, %dma_start3A_75] : memref<5120x128xf32, #tpu.memory_space<vmem_shared>> -> memref<5120x128xf32, #tpu.memory_space<vmem_shared>>
        tpu.enqueue_indirect_dma source(%arg14 : memref<128x128xf32, #tpu.memory_space<vmem>>) target(%dma_start3A_76 : memref<5120x128xf32, #tpu.memory_space<vmem_shared>>) offsets(%dma_start3A_73 : memref<128xi32, #tpu.memory_space<vmem>>) semaphore(%run_scoped3A : memref<!tpu.dma_semaphore, #tpu.memory_space<semaphore_mem>>) {add = true}
        %dma_wait3A_77 = arith.constant 0 : i32
        %dma_wait3A_78 = tpu.memref_slice %arg13[%mul3A_44, %dma_wait3A_77] : memref<40x128xi32, #tpu.memory_space<vmem>> -> memref<1x128xi32, #tpu.memory_space<vmem>>
        %dma_wait3A_79 = tpu.memref_squeeze %dma_wait3A_78 : memref<1x128xi32, #tpu.memory_space<vmem>> -> memref<128xi32, #tpu.memory_space<vmem>>
        %dma_wait3A_80 = arith.constant 0 : i32
        %dma_wait3A_81 = arith.constant 0 : i32
        %dma_wait3A_82 = tpu.memref_slice %arg10[%dma_wait3A_80, %dma_wait3A_81] : memref<5120x128xf32, #tpu.memory_space<vmem_shared>> -> memref<5120x128xf32, #tpu.memory_space<vmem_shared>>
        tpu.wait_indirect_dma semaphore(%run_scoped3A : memref<!tpu.dma_semaphore, #tpu.memory_space<semaphore_mem>>) src(%arg14 : memref<128x128xf32, #tpu.memory_space<vmem>>) dst(%dma_wait3A_82 : memref<5120x128xf32, #tpu.memory_space<vmem_shared>>)
        tpu.yield
      }) : () -> ()
      %dma_wait3A_57 = arith.constant 0 : i32
      %dma_wait3A_58 = tpu.memref_slice %arg12[%mul3A_44, %dma_wait3A_57] : memref<40x128xi32, #tpu.memory_space<vmem>> -> memref<1x128xi32, #tpu.memory_space<vmem>>
      %dma_wait3A_59 = tpu.memref_squeeze %dma_wait3A_58 : memref<1x128xi32, #tpu.memory_space<vmem>> -> memref<128xi32, #tpu.memory_space<vmem>>
      %dma_wait3A_60 = arith.constant 0 : i32
      %dma_wait3A_61 = arith.constant 0 : i32
      %dma_wait3A_62 = tpu.memref_slice %arg11[%dma_wait3A_60, %dma_wait3A_61] : memref<5120x128xf32, #tpu.memory_space<vmem_shared>> -> memref<5120x128xf32, #tpu.memory_space<vmem_shared>>
      tpu.wait_indirect_dma semaphore(%arg16 : memref<!tpu.dma_semaphore, #tpu.memory_space<semaphore_mem>>) src(%dma_wait3A_62 : memref<5120x128xf32, #tpu.memory_space<vmem_shared>>) dst(%arg15 : memref<128x128xf32, #tpu.memory_space<vmem>>)
      %add3A_63 = arith.constant 2 : i32
      %add3A_64 = arith.addi %mul3A_44, %add3A_63 : i32
      %lt3A = arith.constant 40 : i32
      %lt3A_65 = arith.cmpi slt, %add3A_64, %lt3A : i32
      %convert_element_type3A_66 = arith.extui %lt3A_65 : i1 to i32
      %cond3A_67 = arith.constant 0 : i32
      %cond3A_68 = arith.cmpi ne, %convert_element_type3A_66, %cond3A_67 : i32
      scf.if %cond3A_68 {
        %add3A_71 = arith.constant 2 : i32
        %add3A_72 = arith.addi %mul3A_44, %add3A_71 : i32
        %dma_start3A_73 = arith.constant 0 : i32
        %dma_start3A_74 = tpu.memref_slice %arg12[%add3A_72, %dma_start3A_73] : memref<40x128xi32, #tpu.memory_space<vmem>> -> memref<1x128xi32, #tpu.memory_space<vmem>>
        %dma_start3A_75 = tpu.memref_squeeze %dma_start3A_74 : memref<1x128xi32, #tpu.memory_space<vmem>> -> memref<128xi32, #tpu.memory_space<vmem>>
        %dma_start3A_76 = arith.constant 0 : i32
        %dma_start3A_77 = arith.constant 0 : i32
        %dma_start3A_78 = tpu.memref_slice %arg11[%dma_start3A_76, %dma_start3A_77] : memref<5120x128xf32, #tpu.memory_space<vmem_shared>> -> memref<5120x128xf32, #tpu.memory_space<vmem_shared>>
        tpu.enqueue_indirect_dma source(%dma_start3A_78 : memref<5120x128xf32, #tpu.memory_space<vmem_shared>>) target(%arg14 : memref<128x128xf32, #tpu.memory_space<vmem>>) offsets(%dma_start3A_75 : memref<128xi32, #tpu.memory_space<vmem>>) semaphore(%arg16 : memref<!tpu.dma_semaphore, #tpu.memory_space<semaphore_mem>>)
      } else {
      }
      %add3A_69 = arith.constant 1 : i32
      %add3A_70 = arith.addi %mul3A_44, %add3A_69 : i32
      "tpu.region"() ({
        %run_scoped3A = tpu.sem_alloc : memref<!tpu.dma_semaphore, #tpu.memory_space<semaphore_mem>>
        %dma_start3A_71 = arith.constant 0 : i32
        %dma_start3A_72 = tpu.memref_slice %arg13[%add3A_70, %dma_start3A_71] : memref<40x128xi32, #tpu.memory_space<vmem>> -> memref<1x128xi32, #tpu.memory_space<vmem>>
        %dma_start3A_73 = tpu.memref_squeeze %dma_start3A_72 : memref<1x128xi32, #tpu.memory_space<vmem>> -> memref<128xi32, #tpu.memory_space<vmem>>
        %dma_start3A_74 = arith.constant 0 : i32
        %dma_start3A_75 = arith.constant 0 : i32
        %dma_start3A_76 = tpu.memref_slice %arg10[%dma_start3A_74, %dma_start3A_75] : memref<5120x128xf32, #tpu.memory_space<vmem_shared>> -> memref<5120x128xf32, #tpu.memory_space<vmem_shared>>
        tpu.enqueue_indirect_dma source(%arg15 : memref<128x128xf32, #tpu.memory_space<vmem>>) target(%dma_start3A_76 : memref<5120x128xf32, #tpu.memory_space<vmem_shared>>) offsets(%dma_start3A_73 : memref<128xi32, #tpu.memory_space<vmem>>) semaphore(%run_scoped3A : memref<!tpu.dma_semaphore, #tpu.memory_space<semaphore_mem>>) {add = true}
        %dma_wait3A_77 = arith.constant 0 : i32
        %dma_wait3A_78 = tpu.memref_slice %arg13[%add3A_70, %dma_wait3A_77] : memref<40x128xi32, #tpu.memory_space<vmem>> -> memref<1x128xi32, #tpu.memory_space<vmem>>
        %dma_wait3A_79 = tpu.memref_squeeze %dma_wait3A_78 : memref<1x128xi32, #tpu.memory_space<vmem>> -> memref<128xi32, #tpu.memory_space<vmem>>
        %dma_wait3A_80 = arith.constant 0 : i32
        %dma_wait3A_81 = arith.constant 0 : i32
        %dma_wait3A_82 = tpu.memref_slice %arg10[%dma_wait3A_80, %dma_wait3A_81] : memref<5120x128xf32, #tpu.memory_space<vmem_shared>> -> memref<5120x128xf32, #tpu.memory_space<vmem_shared>>
        tpu.wait_indirect_dma semaphore(%run_scoped3A : memref<!tpu.dma_semaphore, #tpu.memory_space<semaphore_mem>>) src(%arg15 : memref<128x128xf32, #tpu.memory_space<vmem>>) dst(%dma_wait3A_82 : memref<5120x128xf32, #tpu.memory_space<vmem_shared>>)
        tpu.yield
      }) : () -> ()
    }
    %scan3A_17 = arith.constant 20 : i32
    "tpu.region"() ({
      %run_scoped3A = tpu.sem_alloc : memref<!tpu.dma_semaphore, #tpu.memory_space<semaphore_mem>>
      %dma_start3A_42 = arith.constant 40 : i32
      %dma_start3A_43 = arith.constant 0 : i32
      %dma_start3A_44 = tpu.memref_slice %arg5[%arg0, %arg1, %dma_start3A_42, %dma_start3A_43] : memref<2x16x80x128xi32, #tpu.memory_space<hbm>> -> memref<1x1x40x128xi32, #tpu.memory_space<hbm>>
      %dma_start3A_45 = tpu.memref_squeeze %dma_start3A_44 : memref<1x1x40x128xi32, #tpu.memory_space<hbm>> -> memref<40x128xi32, #tpu.memory_space<hbm>>
      %dma_start3A_46 = arith.constant 40 : i32
      %dma_start3A_47 = arith.constant 0 : i32
      %dma_start3A_48 = tpu.memref_slice %arg5[%arg0, %arg1, %dma_start3A_46, %dma_start3A_47] : memref<2x16x80x128xi32, #tpu.memory_space<hbm>> -> memref<1x1x40x128xi32, #tpu.memory_space<hbm>>
      %dma_start3A_49 = tpu.memref_squeeze %dma_start3A_48 : memref<1x1x40x128xi32, #tpu.memory_space<hbm>> -> memref<40x128xi32, #tpu.memory_space<hbm>>
      tpu.enqueue_dma source(%dma_start3A_49 : memref<40x128xi32, #tpu.memory_space<hbm>>) target(%arg12 : memref<40x128xi32, #tpu.memory_space<vmem>>) target_semaphore(%run_scoped3A : memref<!tpu.dma_semaphore, #tpu.memory_space<semaphore_mem>>)
      %dma_wait3A = arith.constant 40 : i32
      %dma_wait3A_50 = arith.constant 0 : i32
      %dma_wait3A_51 = tpu.memref_slice %arg5[%arg0, %arg1, %dma_wait3A, %dma_wait3A_50] : memref<2x16x80x128xi32, #tpu.memory_space<hbm>> -> memref<1x1x40x128xi32, #tpu.memory_space<hbm>>
      %dma_wait3A_52 = tpu.memref_squeeze %dma_wait3A_51 : memref<1x1x40x128xi32, #tpu.memory_space<hbm>> -> memref<40x128xi32, #tpu.memory_space<hbm>>
      %dma_wait3A_53 = arith.constant 40 : i32
      %dma_wait3A_54 = arith.constant 0 : i32
      %dma_wait3A_55 = tpu.memref_slice %arg5[%arg0, %arg1, %dma_wait3A_53, %dma_wait3A_54] : memref<2x16x80x128xi32, #tpu.memory_space<hbm>> -> memref<1x1x40x128xi32, #tpu.memory_space<hbm>>
      %dma_wait3A_56 = tpu.memref_squeeze %dma_wait3A_55 : memref<1x1x40x128xi32, #tpu.memory_space<hbm>> -> memref<40x128xi32, #tpu.memory_space<hbm>>
      tpu.wait_dma2 semaphore(%run_scoped3A : memref<!tpu.dma_semaphore, #tpu.memory_space<semaphore_mem>>) src(%dma_wait3A_56 : memref<40x128xi32, #tpu.memory_space<hbm>>) dst(%arg12 : memref<40x128xi32, #tpu.memory_space<vmem>>)
      tpu.yield
    }) : () -> ()
    "tpu.region"() ({
      %run_scoped3A = tpu.sem_alloc : memref<!tpu.dma_semaphore, #tpu.memory_space<semaphore_mem>>
      %dma_start3A_42 = arith.constant 40 : i32
      %dma_start3A_43 = arith.constant 0 : i32
      %dma_start3A_44 = tpu.memref_slice %arg6[%arg0, %arg1, %dma_start3A_42, %dma_start3A_43] : memref<2x16x80x128xi32, #tpu.memory_space<hbm>> -> memref<1x1x40x128xi32, #tpu.memory_space<hbm>>
      %dma_start3A_45 = tpu.memref_squeeze %dma_start3A_44 : memref<1x1x40x128xi32, #tpu.memory_space<hbm>> -> memref<40x128xi32, #tpu.memory_space<hbm>>
      %dma_start3A_46 = arith.constant 40 : i32
      %dma_start3A_47 = arith.constant 0 : i32
      %dma_start3A_48 = tpu.memref_slice %arg6[%arg0, %arg1, %dma_start3A_46, %dma_start3A_47] : memref<2x16x80x128xi32, #tpu.memory_space<hbm>> -> memref<1x1x40x128xi32, #tpu.memory_space<hbm>>
      %dma_start3A_49 = tpu.memref_squeeze %dma_start3A_48 : memref<1x1x40x128xi32, #tpu.memory_space<hbm>> -> memref<40x128xi32, #tpu.memory_space<hbm>>
      tpu.enqueue_dma source(%dma_start3A_49 : memref<40x128xi32, #tpu.memory_space<hbm>>) target(%arg13 : memref<40x128xi32, #tpu.memory_space<vmem>>) target_semaphore(%run_scoped3A : memref<!tpu.dma_semaphore, #tpu.memory_space<semaphore_mem>>)
      %dma_wait3A = arith.constant 40 : i32
      %dma_wait3A_50 = arith.constant 0 : i32
      %dma_wait3A_51 = tpu.memref_slice %arg6[%arg0, %arg1, %dma_wait3A, %dma_wait3A_50] : memref<2x16x80x128xi32, #tpu.memory_space<hbm>> -> memref<1x1x40x128xi32, #tpu.memory_space<hbm>>
      %dma_wait3A_52 = tpu.memref_squeeze %dma_wait3A_51 : memref<1x1x40x128xi32, #tpu.memory_space<hbm>> -> memref<40x128xi32, #tpu.memory_space<hbm>>
      %dma_wait3A_53 = arith.constant 40 : i32
      %dma_wait3A_54 = arith.constant 0 : i32
      %dma_wait3A_55 = tpu.memref_slice %arg6[%arg0, %arg1, %dma_wait3A_53, %dma_wait3A_54] : memref<2x16x80x128xi32, #tpu.memory_space<hbm>> -> memref<1x1x40x128xi32, #tpu.memory_space<hbm>>
      %dma_wait3A_56 = tpu.memref_squeeze %dma_wait3A_55 : memref<1x1x40x128xi32, #tpu.memory_space<hbm>> -> memref<40x128xi32, #tpu.memory_space<hbm>>
      tpu.wait_dma2 semaphore(%run_scoped3A : memref<!tpu.dma_semaphore, #tpu.memory_space<semaphore_mem>>) src(%dma_wait3A_56 : memref<40x128xi32, #tpu.memory_space<hbm>>) dst(%arg13 : memref<40x128xi32, #tpu.memory_space<vmem>>)
      tpu.yield
    }) : () -> ()
    %dma_start3A_18 = arith.constant 0 : i32
    %dma_start3A_19 = arith.constant 0 : i32
    %dma_start3A_20 = tpu.memref_slice %arg12[%dma_start3A_18, %dma_start3A_19] : memref<40x128xi32, #tpu.memory_space<vmem>> -> memref<1x128xi32, #tpu.memory_space<vmem>>
    %dma_start3A_21 = tpu.memref_squeeze %dma_start3A_20 : memref<1x128xi32, #tpu.memory_space<vmem>> -> memref<128xi32, #tpu.memory_space<vmem>>
    %dma_start3A_22 = arith.constant 0 : i32
    %dma_start3A_23 = arith.constant 0 : i32
    %dma_start3A_24 = tpu.memref_slice %arg11[%dma_start3A_22, %dma_start3A_23] : memref<5120x128xf32, #tpu.memory_space<vmem_shared>> -> memref<5120x128xf32, #tpu.memory_space<vmem_shared>>
    tpu.enqueue_indirect_dma source(%dma_start3A_24 : memref<5120x128xf32, #tpu.memory_space<vmem_shared>>) target(%arg14 : memref<128x128xf32, #tpu.memory_space<vmem>>) offsets(%dma_start3A_21 : memref<128xi32, #tpu.memory_space<vmem>>) semaphore(%arg16 : memref<!tpu.dma_semaphore, #tpu.memory_space<semaphore_mem>>)
    %scan3A_25 = arith.constant 0 : i32
    %scan3A_26 = arith.constant 0 : i32
    %scan3A_27 = arith.constant 20 : i32
    %scan3A_28 = arith.addi %scan3A_26, %scan3A_27 : i32
    %scan3A_29 = arith.constant 1 : i32
    scf.for %scan3A_42 = %scan3A_26 to %scan3A_28 step %scan3A_29  : i32 {
      %mul3A_43 = arith.constant 2 : i32
      %mul3A_44 = arith.muli %mul3A_43, %scan3A_42 : i32
      %dma_wait3A = arith.constant 0 : i32
      %dma_wait3A_45 = tpu.memref_slice %arg12[%mul3A_44, %dma_wait3A] : memref<40x128xi32, #tpu.memory_space<vmem>> -> memref<1x128xi32, #tpu.memory_space<vmem>>
      %dma_wait3A_46 = tpu.memref_squeeze %dma_wait3A_45 : memref<1x128xi32, #tpu.memory_space<vmem>> -> memref<128xi32, #tpu.memory_space<vmem>>
      %dma_wait3A_47 = arith.constant 0 : i32
      %dma_wait3A_48 = arith.constant 0 : i32
      %dma_wait3A_49 = tpu.memref_slice %arg11[%dma_wait3A_47, %dma_wait3A_48] : memref<5120x128xf32, #tpu.memory_space<vmem_shared>> -> memref<5120x128xf32, #tpu.memory_space<vmem_shared>>
      tpu.wait_indirect_dma semaphore(%arg16 : memref<!tpu.dma_semaphore, #tpu.memory_space<semaphore_mem>>) src(%dma_wait3A_49 : memref<5120x128xf32, #tpu.memory_space<vmem_shared>>) dst(%arg14 : memref<128x128xf32, #tpu.memory_space<vmem>>)
      %add3A = arith.constant 1 : i32
      %add3A_50 = arith.addi %mul3A_44, %add3A : i32
      %dma_start3A_51 = arith.constant 0 : i32
      %dma_start3A_52 = tpu.memref_slice %arg12[%add3A_50, %dma_start3A_51] : memref<40x128xi32, #tpu.memory_space<vmem>> -> memref<1x128xi32, #tpu.memory_space<vmem>>
      %dma_start3A_53 = tpu.memref_squeeze %dma_start3A_52 : memref<1x128xi32, #tpu.memory_space<vmem>> -> memref<128xi32, #tpu.memory_space<vmem>>
      %dma_start3A_54 = arith.constant 0 : i32
      %dma_start3A_55 = arith.constant 0 : i32
      %dma_start3A_56 = tpu.memref_slice %arg11[%dma_start3A_54, %dma_start3A_55] : memref<5120x128xf32, #tpu.memory_space<vmem_shared>> -> memref<5120x128xf32, #tpu.memory_space<vmem_shared>>
      tpu.enqueue_indirect_dma source(%dma_start3A_56 : memref<5120x128xf32, #tpu.memory_space<vmem_shared>>) target(%arg15 : memref<128x128xf32, #tpu.memory_space<vmem>>) offsets(%dma_start3A_53 : memref<128xi32, #tpu.memory_space<vmem>>) semaphore(%arg16 : memref<!tpu.dma_semaphore, #tpu.memory_space<semaphore_mem>>)
      "tpu.region"() ({
        %run_scoped3A = tpu.sem_alloc : memref<!tpu.dma_semaphore, #tpu.memory_space<semaphore_mem>>
        %dma_start3A_71 = arith.constant 0 : i32
        %dma_start3A_72 = tpu.memref_slice %arg13[%mul3A_44, %dma_start3A_71] : memref<40x128xi32, #tpu.memory_space<vmem>> -> memref<1x128xi32, #tpu.memory_space<vmem>>
        %dma_start3A_73 = tpu.memref_squeeze %dma_start3A_72 : memref<1x128xi32, #tpu.memory_space<vmem>> -> memref<128xi32, #tpu.memory_space<vmem>>
        %dma_start3A_74 = arith.constant 0 : i32
        %dma_start3A_75 = arith.constant 0 : i32
        %dma_start3A_76 = tpu.memref_slice %arg10[%dma_start3A_74, %dma_start3A_75] : memref<5120x128xf32, #tpu.memory_space<vmem_shared>> -> memref<5120x128xf32, #tpu.memory_space<vmem_shared>>
        tpu.enqueue_indirect_dma source(%arg14 : memref<128x128xf32, #tpu.memory_space<vmem>>) target(%dma_start3A_76 : memref<5120x128xf32, #tpu.memory_space<vmem_shared>>) offsets(%dma_start3A_73 : memref<128xi32, #tpu.memory_space<vmem>>) semaphore(%run_scoped3A : memref<!tpu.dma_semaphore, #tpu.memory_space<semaphore_mem>>) {add = true}
        %dma_wait3A_77 = arith.constant 0 : i32
        %dma_wait3A_78 = tpu.memref_slice %arg13[%mul3A_44, %dma_wait3A_77] : memref<40x128xi32, #tpu.memory_space<vmem>> -> memref<1x128xi32, #tpu.memory_space<vmem>>
        %dma_wait3A_79 = tpu.memref_squeeze %dma_wait3A_78 : memref<1x128xi32, #tpu.memory_space<vmem>> -> memref<128xi32, #tpu.memory_space<vmem>>
        %dma_wait3A_80 = arith.constant 0 : i32
        %dma_wait3A_81 = arith.constant 0 : i32
        %dma_wait3A_82 = tpu.memref_slice %arg10[%dma_wait3A_80, %dma_wait3A_81] : memref<5120x128xf32, #tpu.memory_space<vmem_shared>> -> memref<5120x128xf32, #tpu.memory_space<vmem_shared>>
        tpu.wait_indirect_dma semaphore(%run_scoped3A : memref<!tpu.dma_semaphore, #tpu.memory_space<semaphore_mem>>) src(%arg14 : memref<128x128xf32, #tpu.memory_space<vmem>>) dst(%dma_wait3A_82 : memref<5120x128xf32, #tpu.memory_space<vmem_shared>>)
        tpu.yield
      }) : () -> ()
      %dma_wait3A_57 = arith.constant 0 : i32
      %dma_wait3A_58 = tpu.memref_slice %arg12[%mul3A_44, %dma_wait3A_57] : memref<40x128xi32, #tpu.memory_space<vmem>> -> memref<1x128xi32, #tpu.memory_space<vmem>>
      %dma_wait3A_59 = tpu.memref_squeeze %dma_wait3A_58 : memref<1x128xi32, #tpu.memory_space<vmem>> -> memref<128xi32, #tpu.memory_space<vmem>>
      %dma_wait3A_60 = arith.constant 0 : i32
      %dma_wait3A_61 = arith.constant 0 : i32
      %dma_wait3A_62 = tpu.memref_slice %arg11[%dma_wait3A_60, %dma_wait3A_61] : memref<5120x128xf32, #tpu.memory_space<vmem_shared>> -> memref<5120x128xf32, #tpu.memory_space<vmem_shared>>
      tpu.wait_indirect_dma semaphore(%arg16 : memref<!tpu.dma_semaphore, #tpu.memory_space<semaphore_mem>>) src(%dma_wait3A_62 : memref<5120x128xf32, #tpu.memory_space<vmem_shared>>) dst(%arg15 : memref<128x128xf32, #tpu.memory_space<vmem>>)
      %add3A_63 = arith.constant 2 : i32
      %add3A_64 = arith.addi %mul3A_44, %add3A_63 : i32
      %lt3A = arith.constant 40 : i32
      %lt3A_65 = arith.cmpi slt, %add3A_64, %lt3A : i32
      %convert_element_type3A_66 = arith.extui %lt3A_65 : i1 to i32
      %cond3A_67 = arith.constant 0 : i32
      %cond3A_68 = arith.cmpi ne, %convert_element_type3A_66, %cond3A_67 : i32
      scf.if %cond3A_68 {
        %add3A_71 = arith.constant 2 : i32
        %add3A_72 = arith.addi %mul3A_44, %add3A_71 : i32
        %dma_start3A_73 = arith.constant 0 : i32
        %dma_start3A_74 = tpu.memref_slice %arg12[%add3A_72, %dma_start3A_73] : memref<40x128xi32, #tpu.memory_space<vmem>> -> memref<1x128xi32, #tpu.memory_space<vmem>>
        %dma_start3A_75 = tpu.memref_squeeze %dma_start3A_74 : memref<1x128xi32, #tpu.memory_space<vmem>> -> memref<128xi32, #tpu.memory_space<vmem>>
        %dma_start3A_76 = arith.constant 0 : i32
        %dma_start3A_77 = arith.constant 0 : i32
        %dma_start3A_78 = tpu.memref_slice %arg11[%dma_start3A_76, %dma_start3A_77] : memref<5120x128xf32, #tpu.memory_space<vmem_shared>> -> memref<5120x128xf32, #tpu.memory_space<vmem_shared>>
        tpu.enqueue_indirect_dma source(%dma_start3A_78 : memref<5120x128xf32, #tpu.memory_space<vmem_shared>>) target(%arg14 : memref<128x128xf32, #tpu.memory_space<vmem>>) offsets(%dma_start3A_75 : memref<128xi32, #tpu.memory_space<vmem>>) semaphore(%arg16 : memref<!tpu.dma_semaphore, #tpu.memory_space<semaphore_mem>>)
      } else {
      }
      %add3A_69 = arith.constant 1 : i32
      %add3A_70 = arith.addi %mul3A_44, %add3A_69 : i32
      "tpu.region"() ({
        %run_scoped3A = tpu.sem_alloc : memref<!tpu.dma_semaphore, #tpu.memory_space<semaphore_mem>>
        %dma_start3A_71 = arith.constant 0 : i32
        %dma_start3A_72 = tpu.memref_slice %arg13[%add3A_70, %dma_start3A_71] : memref<40x128xi32, #tpu.memory_space<vmem>> -> memref<1x128xi32, #tpu.memory_space<vmem>>
        %dma_start3A_73 = tpu.memref_squeeze %dma_start3A_72 : memref<1x128xi32, #tpu.memory_space<vmem>> -> memref<128xi32, #tpu.memory_space<vmem>>
        %dma_start3A_74 = arith.constant 0 : i32
        %dma_start3A_75 = arith.constant 0 : i32
        %dma_start3A_76 = tpu.memref_slice %arg10[%dma_start3A_74, %dma_start3A_75] : memref<5120x128xf32, #tpu.memory_space<vmem_shared>> -> memref<5120x128xf32, #tpu.memory_space<vmem_shared>>
        tpu.enqueue_indirect_dma source(%arg15 : memref<128x128xf32, #tpu.memory_space<vmem>>) target(%dma_start3A_76 : memref<5120x128xf32, #tpu.memory_space<vmem_shared>>) offsets(%dma_start3A_73 : memref<128xi32, #tpu.memory_space<vmem>>) semaphore(%run_scoped3A : memref<!tpu.dma_semaphore, #tpu.memory_space<semaphore_mem>>) {add = true}
        %dma_wait3A_77 = arith.constant 0 : i32
        %dma_wait3A_78 = tpu.memref_slice %arg13[%add3A_70, %dma_wait3A_77] : memref<40x128xi32, #tpu.memory_space<vmem>> -> memref<1x128xi32, #tpu.memory_space<vmem>>
        %dma_wait3A_79 = tpu.memref_squeeze %dma_wait3A_78 : memref<1x128xi32, #tpu.memory_space<vmem>> -> memref<128xi32, #tpu.memory_space<vmem>>
        %dma_wait3A_80 = arith.constant 0 : i32
        %dma_wait3A_81 = arith.constant 0 : i32
        %dma_wait3A_82 = tpu.memref_slice %arg10[%dma_wait3A_80, %dma_wait3A_81] : memref<5120x128xf32, #tpu.memory_space<vmem_shared>> -> memref<5120x128xf32, #tpu.memory_space<vmem_shared>>
        tpu.wait_indirect_dma semaphore(%run_scoped3A : memref<!tpu.dma_semaphore, #tpu.memory_space<semaphore_mem>>) src(%arg15 : memref<128x128xf32, #tpu.memory_space<vmem>>) dst(%dma_wait3A_82 : memref<5120x128xf32, #tpu.memory_space<vmem_shared>>)
        tpu.yield
      }) : () -> ()
    }
    %scan3A_30 = arith.constant 20 : i32
    %barrier3A_31 = arith.constant 0 : index
    tpu.barrier barrier_id(%barrier3A_31)
    %mul3A_32 = arith.constant 320 : i32
    %mul3A_33 = arith.muli %arg1, %mul3A_32 : i32
    %min3A = arith.constant 4680 : i32
    %min3A_34 = arith.minsi %mul3A_33, %min3A : i32
    %eq3A = arith.constant 0 : i32
    %eq3A_35 = arith.cmpi eq, %arg0, %eq3A : i32
    %convert_element_type3A = arith.extui %eq3A_35 : i1 to i32
    %cond3A = arith.constant 0 : i32
    %cond3A_36 = arith.cmpi ne, %convert_element_type3A, %cond3A : i32
    scf.if %cond3A_36 {
      %scan3A_42 = arith.constant 0 : i32
      %scan3A_43 = arith.constant 0 : i32
      %scan3A_44 = arith.constant 5 : i32
      %scan3A_45 = arith.addi %scan3A_43, %scan3A_44 : i32
      %scan3A_46 = arith.constant 1 : i32
      scf.for %scan3A_48 = %scan3A_43 to %scan3A_45 step %scan3A_46  : i32 {
        %mul3A_49 = arith.constant 64 : i32
        %mul3A_50 = arith.muli %scan3A_48, %mul3A_49 : i32
        %add3A = arith.addi %min3A_34, %mul3A_50 : i32
        "tpu.region"() ({
          %run_scoped3A = tpu.sem_alloc : memref<!tpu.dma_semaphore, #tpu.memory_space<semaphore_mem>>
          %dma_start3A_60 = arith.constant 0 : i32
          %dma_start3A_61 = arith.constant 0 : i32
          %dma_start3A_62 = tpu.memref_slice %arg14[%dma_start3A_60, %dma_start3A_61] : memref<128x128xf32, #tpu.memory_space<vmem>> -> memref<64x128xf32, #tpu.memory_space<vmem>>
          %dma_start3A_63 = arith.constant 0 : i32
          %dma_start3A_64 = tpu.memref_slice %arg10[%add3A, %dma_start3A_63] : memref<5120x128xf32, #tpu.memory_space<vmem_shared>> -> memref<64x128xf32, #tpu.memory_space<vmem_shared>>
          %dma_start3A_65 = arith.constant 0 : i32
          %dma_start3A_66 = arith.constant 0 : i32
          %dma_start3A_67 = tpu.memref_slice %arg14[%dma_start3A_65, %dma_start3A_66] : memref<128x128xf32, #tpu.memory_space<vmem>> -> memref<64x128xf32, #tpu.memory_space<vmem>>
          %dma_start3A_68 = arith.constant 0 : i32
          %dma_start3A_69 = tpu.memref_slice %arg10[%add3A, %dma_start3A_68] : memref<5120x128xf32, #tpu.memory_space<vmem_shared>> -> memref<64x128xf32, #tpu.memory_space<vmem_shared>>
          tpu.enqueue_dma source(%dma_start3A_69 : memref<64x128xf32, #tpu.memory_space<vmem_shared>>) target(%dma_start3A_67 : memref<64x128xf32, #tpu.memory_space<vmem>>) target_semaphore(%run_scoped3A : memref<!tpu.dma_semaphore, #tpu.memory_space<semaphore_mem>>)
          %dma_wait3A = arith.constant 0 : i32
          %dma_wait3A_70 = arith.constant 0 : i32
          %dma_wait3A_71 = tpu.memref_slice %arg14[%dma_wait3A, %dma_wait3A_70] : memref<128x128xf32, #tpu.memory_space<vmem>> -> memref<64x128xf32, #tpu.memory_space<vmem>>
          %dma_wait3A_72 = arith.constant 0 : i32
          %dma_wait3A_73 = tpu.memref_slice %arg10[%add3A, %dma_wait3A_72] : memref<5120x128xf32, #tpu.memory_space<vmem_shared>> -> memref<64x128xf32, #tpu.memory_space<vmem_shared>>
          %dma_wait3A_74 = arith.constant 0 : i32
          %dma_wait3A_75 = arith.constant 0 : i32
          %dma_wait3A_76 = tpu.memref_slice %arg14[%dma_wait3A_74, %dma_wait3A_75] : memref<128x128xf32, #tpu.memory_space<vmem>> -> memref<64x128xf32, #tpu.memory_space<vmem>>
          %dma_wait3A_77 = arith.constant 0 : i32
          %dma_wait3A_78 = tpu.memref_slice %arg10[%add3A, %dma_wait3A_77] : memref<5120x128xf32, #tpu.memory_space<vmem_shared>> -> memref<64x128xf32, #tpu.memory_space<vmem_shared>>
          tpu.wait_dma2 semaphore(%run_scoped3A : memref<!tpu.dma_semaphore, #tpu.memory_space<semaphore_mem>>) src(%dma_wait3A_78 : memref<64x128xf32, #tpu.memory_space<vmem_shared>>) dst(%dma_wait3A_76 : memref<64x128xf32, #tpu.memory_space<vmem>>)
          tpu.yield
        }) : () -> ()
        "tpu.region"() ({
          %run_scoped3A = tpu.sem_alloc : memref<!tpu.dma_semaphore, #tpu.memory_space<semaphore_mem>>
          %dma_start3A_60 = arith.constant 64 : i32
          %dma_start3A_61 = arith.constant 0 : i32
          %dma_start3A_62 = tpu.memref_slice %arg14[%dma_start3A_60, %dma_start3A_61] : memref<128x128xf32, #tpu.memory_space<vmem>> -> memref<64x128xf32, #tpu.memory_space<vmem>>
          %dma_start3A_63 = arith.constant 0 : i32
          %dma_start3A_64 = tpu.memref_slice %arg2[%arg0, %add3A, %dma_start3A_63] : memref<2x5120x128xf32, #tpu.memory_space<hbm>> -> memref<1x64x128xf32, #tpu.memory_space<hbm>>
          %dma_start3A_65 = tpu.memref_squeeze %dma_start3A_64 : memref<1x64x128xf32, #tpu.memory_space<hbm>> -> memref<64x128xf32, #tpu.memory_space<hbm>>
          %dma_start3A_66 = arith.constant 64 : i32
          %dma_start3A_67 = arith.constant 0 : i32
          %dma_start3A_68 = tpu.memref_slice %arg14[%dma_start3A_66, %dma_start3A_67] : memref<128x128xf32, #tpu.memory_space<vmem>> -> memref<64x128xf32, #tpu.memory_space<vmem>>
          %dma_start3A_69 = arith.constant 0 : i32
          %dma_start3A_70 = tpu.memref_slice %arg2[%arg0, %add3A, %dma_start3A_69] : memref<2x5120x128xf32, #tpu.memory_space<hbm>> -> memref<1x64x128xf32, #tpu.memory_space<hbm>>
          %dma_start3A_71 = tpu.memref_squeeze %dma_start3A_70 : memref<1x64x128xf32, #tpu.memory_space<hbm>> -> memref<64x128xf32, #tpu.memory_space<hbm>>
          tpu.enqueue_dma source(%dma_start3A_71 : memref<64x128xf32, #tpu.memory_space<hbm>>) target(%dma_start3A_68 : memref<64x128xf32, #tpu.memory_space<vmem>>) target_semaphore(%run_scoped3A : memref<!tpu.dma_semaphore, #tpu.memory_space<semaphore_mem>>)
          %dma_wait3A = arith.constant 64 : i32
          %dma_wait3A_72 = arith.constant 0 : i32
          %dma_wait3A_73 = tpu.memref_slice %arg14[%dma_wait3A, %dma_wait3A_72] : memref<128x128xf32, #tpu.memory_space<vmem>> -> memref<64x128xf32, #tpu.memory_space<vmem>>
          %dma_wait3A_74 = arith.constant 0 : i32
          %dma_wait3A_75 = tpu.memref_slice %arg2[%arg0, %add3A, %dma_wait3A_74] : memref<2x5120x128xf32, #tpu.memory_space<hbm>> -> memref<1x64x128xf32, #tpu.memory_space<hbm>>
          %dma_wait3A_76 = tpu.memref_squeeze %dma_wait3A_75 : memref<1x64x128xf32, #tpu.memory_space<hbm>> -> memref<64x128xf32, #tpu.memory_space<hbm>>
          %dma_wait3A_77 = arith.constant 64 : i32
          %dma_wait3A_78 = arith.constant 0 : i32
          %dma_wait3A_79 = tpu.memref_slice %arg14[%dma_wait3A_77, %dma_wait3A_78] : memref<128x128xf32, #tpu.memory_space<vmem>> -> memref<64x128xf32, #tpu.memory_space<vmem>>
          %dma_wait3A_80 = arith.constant 0 : i32
          %dma_wait3A_81 = tpu.memref_slice %arg2[%arg0, %add3A, %dma_wait3A_80] : memref<2x5120x128xf32, #tpu.memory_space<hbm>> -> memref<1x64x128xf32, #tpu.memory_space<hbm>>
          %dma_wait3A_82 = tpu.memref_squeeze %dma_wait3A_81 : memref<1x64x128xf32, #tpu.memory_space<hbm>> -> memref<64x128xf32, #tpu.memory_space<hbm>>
          tpu.wait_dma2 semaphore(%run_scoped3A : memref<!tpu.dma_semaphore, #tpu.memory_space<semaphore_mem>>) src(%dma_wait3A_82 : memref<64x128xf32, #tpu.memory_space<hbm>>) dst(%dma_wait3A_79 : memref<64x128xf32, #tpu.memory_space<vmem>>)
          tpu.yield
        }) : () -> ()
        %sub3A = arith.constant 1 : i32
        %sub3A_51 = arith.subi %sub3A, %arg0 : i32
        "tpu.region"() ({
          %run_scoped3A = tpu.sem_alloc : memref<!tpu.dma_semaphore, #tpu.memory_space<semaphore_mem>>
          %dma_start3A_60 = arith.constant 0 : i32
          %dma_start3A_61 = arith.constant 0 : i32
          %dma_start3A_62 = tpu.memref_slice %arg15[%dma_start3A_60, %dma_start3A_61] : memref<128x128xf32, #tpu.memory_space<vmem>> -> memref<64x128xf32, #tpu.memory_space<vmem>>
          %dma_start3A_63 = arith.constant 0 : i32
          %dma_start3A_64 = tpu.memref_slice %arg4[%sub3A_51, %add3A, %dma_start3A_63] : memref<2x5120x128xf32, #tpu.memory_space<hbm>> -> memref<1x64x128xf32, #tpu.memory_space<hbm>>
          %dma_start3A_65 = tpu.memref_squeeze %dma_start3A_64 : memref<1x64x128xf32, #tpu.memory_space<hbm>> -> memref<64x128xf32, #tpu.memory_space<hbm>>
          %dma_start3A_66 = arith.constant 0 : i32
          %dma_start3A_67 = arith.constant 0 : i32
          %dma_start3A_68 = tpu.memref_slice %arg15[%dma_start3A_66, %dma_start3A_67] : memref<128x128xf32, #tpu.memory_space<vmem>> -> memref<64x128xf32, #tpu.memory_space<vmem>>
          %dma_start3A_69 = arith.constant 0 : i32
          %dma_start3A_70 = tpu.memref_slice %arg4[%sub3A_51, %add3A, %dma_start3A_69] : memref<2x5120x128xf32, #tpu.memory_space<hbm>> -> memref<1x64x128xf32, #tpu.memory_space<hbm>>
          %dma_start3A_71 = tpu.memref_squeeze %dma_start3A_70 : memref<1x64x128xf32, #tpu.memory_space<hbm>> -> memref<64x128xf32, #tpu.memory_space<hbm>>
          tpu.enqueue_dma source(%dma_start3A_71 : memref<64x128xf32, #tpu.memory_space<hbm>>) target(%dma_start3A_68 : memref<64x128xf32, #tpu.memory_space<vmem>>) target_semaphore(%run_scoped3A : memref<!tpu.dma_semaphore, #tpu.memory_space<semaphore_mem>>)
          %dma_wait3A = arith.constant 0 : i32
          %dma_wait3A_72 = arith.constant 0 : i32
          %dma_wait3A_73 = tpu.memref_slice %arg15[%dma_wait3A, %dma_wait3A_72] : memref<128x128xf32, #tpu.memory_space<vmem>> -> memref<64x128xf32, #tpu.memory_space<vmem>>
          %dma_wait3A_74 = arith.constant 0 : i32
          %dma_wait3A_75 = tpu.memref_slice %arg4[%sub3A_51, %add3A, %dma_wait3A_74] : memref<2x5120x128xf32, #tpu.memory_space<hbm>> -> memref<1x64x128xf32, #tpu.memory_space<hbm>>
          %dma_wait3A_76 = tpu.memref_squeeze %dma_wait3A_75 : memref<1x64x128xf32, #tpu.memory_space<hbm>> -> memref<64x128xf32, #tpu.memory_space<hbm>>
          %dma_wait3A_77 = arith.constant 0 : i32
          %dma_wait3A_78 = arith.constant 0 : i32
          %dma_wait3A_79 = tpu.memref_slice %arg15[%dma_wait3A_77, %dma_wait3A_78] : memref<128x128xf32, #tpu.memory_space<vmem>> -> memref<64x128xf32, #tpu.memory_space<vmem>>
          %dma_wait3A_80 = arith.constant 0 : i32
          %dma_wait3A_81 = tpu.memref_slice %arg4[%sub3A_51, %add3A, %dma_wait3A_80] : memref<2x5120x128xf32, #tpu.memory_space<hbm>> -> memref<1x64x128xf32, #tpu.memory_space<hbm>>
          %dma_wait3A_82 = tpu.memref_squeeze %dma_wait3A_81 : memref<1x64x128xf32, #tpu.memory_space<hbm>> -> memref<64x128xf32, #tpu.memory_space<hbm>>
          tpu.wait_dma2 semaphore(%run_scoped3A : memref<!tpu.dma_semaphore, #tpu.memory_space<semaphore_mem>>) src(%dma_wait3A_82 : memref<64x128xf32, #tpu.memory_space<hbm>>) dst(%dma_wait3A_79 : memref<64x128xf32, #tpu.memory_space<vmem>>)
          tpu.yield
        }) : () -> ()
        %sub3A_52 = arith.constant 1 : i32
        %sub3A_53 = arith.subi %sub3A_52, %arg0 : i32
        "tpu.region"() ({
          %run_scoped3A = tpu.sem_alloc : memref<!tpu.dma_semaphore, #tpu.memory_space<semaphore_mem>>
          %dma_start3A_60 = arith.constant 64 : i32
          %dma_start3A_61 = arith.constant 0 : i32
          %dma_start3A_62 = tpu.memref_slice %arg15[%dma_start3A_60, %dma_start3A_61] : memref<128x128xf32, #tpu.memory_space<vmem>> -> memref<64x128xf32, #tpu.memory_space<vmem>>
          %dma_start3A_63 = arith.constant 0 : i32
          %dma_start3A_64 = tpu.memref_slice %arg3[%sub3A_53, %add3A, %dma_start3A_63] : memref<2x5120x128xf32, #tpu.memory_space<hbm>> -> memref<1x64x128xf32, #tpu.memory_space<hbm>>
          %dma_start3A_65 = tpu.memref_squeeze %dma_start3A_64 : memref<1x64x128xf32, #tpu.memory_space<hbm>> -> memref<64x128xf32, #tpu.memory_space<hbm>>
          %dma_start3A_66 = arith.constant 64 : i32
          %dma_start3A_67 = arith.constant 0 : i32
          %dma_start3A_68 = tpu.memref_slice %arg15[%dma_start3A_66, %dma_start3A_67] : memref<128x128xf32, #tpu.memory_space<vmem>> -> memref<64x128xf32, #tpu.memory_space<vmem>>
          %dma_start3A_69 = arith.constant 0 : i32
          %dma_start3A_70 = tpu.memref_slice %arg3[%sub3A_53, %add3A, %dma_start3A_69] : memref<2x5120x128xf32, #tpu.memory_space<hbm>> -> memref<1x64x128xf32, #tpu.memory_space<hbm>>
          %dma_start3A_71 = tpu.memref_squeeze %dma_start3A_70 : memref<1x64x128xf32, #tpu.memory_space<hbm>> -> memref<64x128xf32, #tpu.memory_space<hbm>>
          tpu.enqueue_dma source(%dma_start3A_71 : memref<64x128xf32, #tpu.memory_space<hbm>>) target(%dma_start3A_68 : memref<64x128xf32, #tpu.memory_space<vmem>>) target_semaphore(%run_scoped3A : memref<!tpu.dma_semaphore, #tpu.memory_space<semaphore_mem>>)
          %dma_wait3A = arith.constant 64 : i32
          %dma_wait3A_72 = arith.constant 0 : i32
          %dma_wait3A_73 = tpu.memref_slice %arg15[%dma_wait3A, %dma_wait3A_72] : memref<128x128xf32, #tpu.memory_space<vmem>> -> memref<64x128xf32, #tpu.memory_space<vmem>>
          %dma_wait3A_74 = arith.constant 0 : i32
          %dma_wait3A_75 = tpu.memref_slice %arg3[%sub3A_53, %add3A, %dma_wait3A_74] : memref<2x5120x128xf32, #tpu.memory_space<hbm>> -> memref<1x64x128xf32, #tpu.memory_space<hbm>>
          %dma_wait3A_76 = tpu.memref_squeeze %dma_wait3A_75 : memref<1x64x128xf32, #tpu.memory_space<hbm>> -> memref<64x128xf32, #tpu.memory_space<hbm>>
          %dma_wait3A_77 = arith.constant 64 : i32
          %dma_wait3A_78 = arith.constant 0 : i32
          %dma_wait3A_79 = tpu.memref_slice %arg15[%dma_wait3A_77, %dma_wait3A_78] : memref<128x128xf32, #tpu.memory_space<vmem>> -> memref<64x128xf32, #tpu.memory_space<vmem>>
          %dma_wait3A_80 = arith.constant 0 : i32
          %dma_wait3A_81 = tpu.memref_slice %arg3[%sub3A_53, %add3A, %dma_wait3A_80] : memref<2x5120x128xf32, #tpu.memory_space<hbm>> -> memref<1x64x128xf32, #tpu.memory_space<hbm>>
          %dma_wait3A_82 = tpu.memref_squeeze %dma_wait3A_81 : memref<1x64x128xf32, #tpu.memory_space<hbm>> -> memref<64x128xf32, #tpu.memory_space<hbm>>
          tpu.wait_dma2 semaphore(%run_scoped3A : memref<!tpu.dma_semaphore, #tpu.memory_space<semaphore_mem>>) src(%dma_wait3A_82 : memref<64x128xf32, #tpu.memory_space<hbm>>) dst(%dma_wait3A_79 : memref<64x128xf32, #tpu.memory_space<vmem>>)
          tpu.yield
        }) : () -> ()
        %scan3A_54 = arith.constant 0 : i32
        %scan3A_55 = arith.constant 0 : i32
        %scan3A_56 = arith.constant 64 : i32
        %scan3A_57 = arith.addi %scan3A_55, %scan3A_56 : i32
        %scan3A_58 = arith.constant 1 : i32
        scf.for %scan3A_60 = %scan3A_55 to %scan3A_57 step %scan3A_58  : i32 {
          %add3A_61 = arith.constant 64 : i32
          %add3A_62 = arith.addi %scan3A_60, %add3A_61 : i32
          %get3A = arith.index_cast %add3A_62 : i32 to index
          %get3A_63 = arith.constant 0 : index
          %get3A_64 = tpu.vector_load %arg15[%get3A, %get3A_63] {strides = array<i32>} : memref<128x128xf32, #tpu.memory_space<vmem>>, vector<1x16xf32>,
          %get3A_65 = vector.shape_cast %get3A_64 : vector<1x16xf32> to vector<16xf32>
          %gt3A = arith.constant 0.000000e+00 : f32
          %gt3A_66 = vector.broadcast %gt3A : f32 to vector<16xf32>
          %gt3A_67 = arith.cmpf ogt, %get3A_65, %gt3A_66 : vector<16xf32>
          %bitcast_convert_type3A = tpu.bitcast %get3A_65 : vector<16xf32> -> vector<16xi32>
          %shift_right_logical3A = arith.constant 1 : i32
          %shift_right_logical3A_68 = vector.broadcast %shift_right_logical3A : i32 to vector<16xi32>
          %shift_right_logical3A_69 = arith.shrui %bitcast_convert_type3A, %shift_right_logical3A_68 : vector<16xi32>
          %sub3A_70 = arith.constant 1597463007 : i32
          %sub3A_71 = vector.broadcast %sub3A_70 : i32 to vector<16xi32>
          %sub3A_72 = arith.subi %sub3A_71, %shift_right_logical3A_69 : vector<16xi32>
          %bitcast_convert_type3A_73 = tpu.bitcast %sub3A_72 : vector<16xi32> -> vector<16xf32>
          %mul3A_74 = arith.constant 5.000000e-01 : f32
          %mul3A_75 = vector.broadcast %mul3A_74 : f32 to vector<16xf32>
          %mul3A_76 = arith.mulf %mul3A_75, %get3A_65 : vector<16xf32>
          %mul3A_77 = arith.mulf %mul3A_76, %bitcast_convert_type3A_73 : vector<16xf32>
          %mul3A_78 = arith.mulf %mul3A_77, %bitcast_convert_type3A_73 : vector<16xf32>
          %sub3A_79 = arith.constant 1.500000e+00 : f32
          %sub3A_80 = vector.broadcast %sub3A_79 : f32 to vector<16xf32>
          %sub3A_81 = arith.subf %sub3A_80, %mul3A_78 : vector<16xf32>
          %mul3A_82 = arith.mulf %bitcast_convert_type3A_73, %sub3A_81 : vector<16xf32>
          %mul3A_83 = arith.constant 5.000000e-01 : f32
          %mul3A_84 = vector.broadcast %mul3A_83 : f32 to vector<16xf32>
          %mul3A_85 = arith.mulf %mul3A_84, %get3A_65 : vector<16xf32>
          %mul3A_86 = arith.mulf %mul3A_85, %mul3A_82 : vector<16xf32>
          %mul3A_87 = arith.mulf %mul3A_86, %mul3A_82 : vector<16xf32>
          %sub3A_88 = arith.constant 1.500000e+00 : f32
          %sub3A_89 = vector.broadcast %sub3A_88 : f32 to vector<16xf32>
          %sub3A_90 = arith.subf %sub3A_89, %mul3A_87 : vector<16xf32>
          %mul3A_91 = arith.mulf %mul3A_82, %sub3A_90 : vector<16xf32>
          %mul3A_92 = arith.constant 5.000000e-01 : f32
          %mul3A_93 = vector.broadcast %mul3A_92 : f32 to vector<16xf32>
          %mul3A_94 = arith.mulf %mul3A_93, %get3A_65 : vector<16xf32>
          %mul3A_95 = arith.mulf %mul3A_94, %mul3A_91 : vector<16xf32>
          %mul3A_96 = arith.mulf %mul3A_95, %mul3A_91 : vector<16xf32>
          %sub3A_97 = arith.constant 1.500000e+00 : f32
          %sub3A_98 = vector.broadcast %sub3A_97 : f32 to vector<16xf32>
          %sub3A_99 = arith.subf %sub3A_98, %mul3A_96 : vector<16xf32>
          %mul3A_100 = arith.mulf %mul3A_91, %sub3A_99 : vector<16xf32>
          %jit3A = arith.constant 0.000000e+00 : f32
          %broadcast_in_dim3A = vector.broadcast %jit3A : f32 to vector<16xf32>
          %select_n3A = arith.select %gt3A_67, %mul3A_100, %broadcast_in_dim3A : vector<16xi1>, vector<16xf32>
          %get3A_101 = arith.index_cast %scan3A_60 : i32 to index
          %get3A_102 = arith.constant 0 : index
          %get3A_103 = tpu.vector_load %arg14[%get3A_101, %get3A_102] {strides = array<i32>} : memref<128x128xf32, #tpu.memory_space<vmem>>, vector<1x16xf32>,
          %get3A_104 = vector.shape_cast %get3A_103 : vector<1x16xf32> to vector<16xf32>
          %add3A_105 = arith.constant 64 : i32
          %add3A_106 = arith.addi %scan3A_60, %add3A_105 : i32
          %get3A_107 = arith.index_cast %add3A_106 : i32 to index
          %get3A_108 = arith.constant 0 : index
          %get3A_109 = tpu.vector_load %arg14[%get3A_107, %get3A_108] {strides = array<i32>} : memref<128x128xf32, #tpu.memory_space<vmem>>, vector<1x16xf32>,
          %get3A_110 = vector.shape_cast %get3A_109 : vector<1x16xf32> to vector<16xf32>
          %get3A_111 = arith.index_cast %scan3A_60 : i32 to index
          %get3A_112 = arith.constant 0 : index
          %get3A_113 = tpu.vector_load %arg15[%get3A_111, %get3A_112] {strides = array<i32>} : memref<128x128xf32, #tpu.memory_space<vmem>>, vector<1x16xf32>,
          %get3A_114 = vector.shape_cast %get3A_113 : vector<1x16xf32> to vector<16xf32>
          %add3A_115 = arith.addf %get3A_110, %get3A_104 : vector<16xf32>
          %mul3A_116 = arith.mulf %select_n3A, %add3A_115 : vector<16xf32>
          %add3A_117 = arith.addf %get3A_114, %mul3A_116 : vector<16xf32>
          %mul3A_118 = arith.constant 0.333333343 : f32
          %mul3A_119 = vector.broadcast %mul3A_118 : f32 to vector<16xf32>
          %mul3A_120 = arith.mulf %add3A_117, %mul3A_119 : vector<16xf32>
          %swap3A = arith.index_cast %scan3A_60 : i32 to index
          %swap3A_121 = arith.constant 0 : index
          %swap3A_122 = tpu.vector_load %arg14[%swap3A, %swap3A_121] {strides = array<i32>} : memref<128x128xf32, #tpu.memory_space<vmem>>, vector<1x16xf32>,
          %swap3A_123 = vector.shape_cast %swap3A_122 : vector<1x16xf32> to vector<16xf32>
          %swap3A_124 = vector.shape_cast %mul3A_120 : vector<16xf32> to vector<1x16xf32>
          tpu.vector_store %arg14[%swap3A, %swap3A_121], %swap3A_124 {strides = array<i32>} : memref<128x128xf32, #tpu.memory_space<vmem>>, vector<1x16xf32>,
          %get3A_125 = arith.index_cast %scan3A_60 : i32 to index
          %get3A_126 = arith.constant 16 : index
          %get3A_127 = tpu.vector_load %arg14[%get3A_125, %get3A_126] {strides = array<i32>} : memref<128x128xf32, #tpu.memory_space<vmem>>, vector<1x16xf32>,
          %get3A_128 = vector.shape_cast %get3A_127 : vector<1x16xf32> to vector<16xf32>
          %add3A_129 = arith.constant 64 : i32
          %add3A_130 = arith.addi %scan3A_60, %add3A_129 : i32
          %get3A_131 = arith.index_cast %add3A_130 : i32 to index
          %get3A_132 = arith.constant 16 : index
          %get3A_133 = tpu.vector_load %arg14[%get3A_131, %get3A_132] {strides = array<i32>} : memref<128x128xf32, #tpu.memory_space<vmem>>, vector<1x16xf32>,
          %get3A_134 = vector.shape_cast %get3A_133 : vector<1x16xf32> to vector<16xf32>
          %get3A_135 = arith.index_cast %scan3A_60 : i32 to index
          %get3A_136 = arith.constant 16 : index
          %get3A_137 = tpu.vector_load %arg15[%get3A_135, %get3A_136] {strides = array<i32>} : memref<128x128xf32, #tpu.memory_space<vmem>>, vector<1x16xf32>,
          %get3A_138 = vector.shape_cast %get3A_137 : vector<1x16xf32> to vector<16xf32>
          %add3A_139 = arith.addf %get3A_134, %get3A_128 : vector<16xf32>
          %mul3A_140 = arith.mulf %select_n3A, %add3A_139 : vector<16xf32>
          %add3A_141 = arith.addf %get3A_138, %mul3A_140 : vector<16xf32>
          %mul3A_142 = arith.constant 0.333333343 : f32
          %mul3A_143 = vector.broadcast %mul3A_142 : f32 to vector<16xf32>
          %mul3A_144 = arith.mulf %add3A_141, %mul3A_143 : vector<16xf32>
          %swap3A_145 = arith.index_cast %scan3A_60 : i32 to index
          %swap3A_146 = arith.constant 16 : index
          %swap3A_147 = tpu.vector_load %arg14[%swap3A_145, %swap3A_146] {strides = array<i32>} : memref<128x128xf32, #tpu.memory_space<vmem>>, vector<1x16xf32>,
          %swap3A_148 = vector.shape_cast %swap3A_147 : vector<1x16xf32> to vector<16xf32>
          %swap3A_149 = vector.shape_cast %mul3A_144 : vector<16xf32> to vector<1x16xf32>
          tpu.vector_store %arg14[%swap3A_145, %swap3A_146], %swap3A_149 {strides = array<i32>} : memref<128x128xf32, #tpu.memory_space<vmem>>, vector<1x16xf32>,
          %get3A_150 = arith.index_cast %scan3A_60 : i32 to index
          %get3A_151 = arith.constant 32 : index
          %get3A_152 = tpu.vector_load %arg14[%get3A_150, %get3A_151] {strides = array<i32>} : memref<128x128xf32, #tpu.memory_space<vmem>>, vector<1x16xf32>,
          %get3A_153 = vector.shape_cast %get3A_152 : vector<1x16xf32> to vector<16xf32>
          %add3A_154 = arith.constant 64 : i32
          %add3A_155 = arith.addi %scan3A_60, %add3A_154 : i32
          %get3A_156 = arith.index_cast %add3A_155 : i32 to index
          %get3A_157 = arith.constant 32 : index
          %get3A_158 = tpu.vector_load %arg14[%get3A_156, %get3A_157] {strides = array<i32>} : memref<128x128xf32, #tpu.memory_space<vmem>>, vector<1x16xf32>,
          %get3A_159 = vector.shape_cast %get3A_158 : vector<1x16xf32> to vector<16xf32>
          %get3A_160 = arith.index_cast %scan3A_60 : i32 to index
          %get3A_161 = arith.constant 32 : index
          %get3A_162 = tpu.vector_load %arg15[%get3A_160, %get3A_161] {strides = array<i32>} : memref<128x128xf32, #tpu.memory_space<vmem>>, vector<1x16xf32>,
          %get3A_163 = vector.shape_cast %get3A_162 : vector<1x16xf32> to vector<16xf32>
          %add3A_164 = arith.addf %get3A_159, %get3A_153 : vector<16xf32>
          %mul3A_165 = arith.mulf %select_n3A, %add3A_164 : vector<16xf32>
          %add3A_166 = arith.addf %get3A_163, %mul3A_165 : vector<16xf32>
          %mul3A_167 = arith.constant 0.333333343 : f32
          %mul3A_168 = vector.broadcast %mul3A_167 : f32 to vector<16xf32>
          %mul3A_169 = arith.mulf %add3A_166, %mul3A_168 : vector<16xf32>
          %swap3A_170 = arith.index_cast %scan3A_60 : i32 to index
          %swap3A_171 = arith.constant 32 : index
          %swap3A_172 = tpu.vector_load %arg14[%swap3A_170, %swap3A_171] {strides = array<i32>} : memref<128x128xf32, #tpu.memory_space<vmem>>, vector<1x16xf32>,
          %swap3A_173 = vector.shape_cast %swap3A_172 : vector<1x16xf32> to vector<16xf32>
          %swap3A_174 = vector.shape_cast %mul3A_169 : vector<16xf32> to vector<1x16xf32>
          tpu.vector_store %arg14[%swap3A_170, %swap3A_171], %swap3A_174 {strides = array<i32>} : memref<128x128xf32, #tpu.memory_space<vmem>>, vector<1x16xf32>,
          %get3A_175 = arith.index_cast %scan3A_60 : i32 to index
          %get3A_176 = arith.constant 48 : index
          %get3A_177 = tpu.vector_load %arg14[%get3A_175, %get3A_176] {strides = array<i32>} : memref<128x128xf32, #tpu.memory_space<vmem>>, vector<1x16xf32>,
          %get3A_178 = vector.shape_cast %get3A_177 : vector<1x16xf32> to vector<16xf32>
          %add3A_179 = arith.constant 64 : i32
          %add3A_180 = arith.addi %scan3A_60, %add3A_179 : i32
          %get3A_181 = arith.index_cast %add3A_180 : i32 to index
          %get3A_182 = arith.constant 48 : index
          %get3A_183 = tpu.vector_load %arg14[%get3A_181, %get3A_182] {strides = array<i32>} : memref<128x128xf32, #tpu.memory_space<vmem>>, vector<1x16xf32>,
          %get3A_184 = vector.shape_cast %get3A_183 : vector<1x16xf32> to vector<16xf32>
          %get3A_185 = arith.index_cast %scan3A_60 : i32 to index
          %get3A_186 = arith.constant 48 : index
          %get3A_187 = tpu.vector_load %arg15[%get3A_185, %get3A_186] {strides = array<i32>} : memref<128x128xf32, #tpu.memory_space<vmem>>, vector<1x16xf32>,
          %get3A_188 = vector.shape_cast %get3A_187 : vector<1x16xf32> to vector<16xf32>
          %add3A_189 = arith.addf %get3A_184, %get3A_178 : vector<16xf32>
          %mul3A_190 = arith.mulf %select_n3A, %add3A_189 : vector<16xf32>
          %add3A_191 = arith.addf %get3A_188, %mul3A_190 : vector<16xf32>
          %mul3A_192 = arith.constant 0.333333343 : f32
          %mul3A_193 = vector.broadcast %mul3A_192 : f32 to vector<16xf32>
          %mul3A_194 = arith.mulf %add3A_191, %mul3A_193 : vector<16xf32>
          %swap3A_195 = arith.index_cast %scan3A_60 : i32 to index
          %swap3A_196 = arith.constant 48 : index
          %swap3A_197 = tpu.vector_load %arg14[%swap3A_195, %swap3A_196] {strides = array<i32>} : memref<128x128xf32, #tpu.memory_space<vmem>>, vector<1x16xf32>,
          %swap3A_198 = vector.shape_cast %swap3A_197 : vector<1x16xf32> to vector<16xf32>
          %swap3A_199 = vector.shape_cast %mul3A_194 : vector<16xf32> to vector<1x16xf32>
          tpu.vector_store %arg14[%swap3A_195, %swap3A_196], %swap3A_199 {strides = array<i32>} : memref<128x128xf32, #tpu.memory_space<vmem>>, vector<1x16xf32>,
          %get3A_200 = arith.index_cast %scan3A_60 : i32 to index
          %get3A_201 = arith.constant 64 : index
          %get3A_202 = tpu.vector_load %arg14[%get3A_200, %get3A_201] {strides = array<i32>} : memref<128x128xf32, #tpu.memory_space<vmem>>, vector<1x16xf32>,
          %get3A_203 = vector.shape_cast %get3A_202 : vector<1x16xf32> to vector<16xf32>
          %add3A_204 = arith.constant 64 : i32
          %add3A_205 = arith.addi %scan3A_60, %add3A_204 : i32
          %get3A_206 = arith.index_cast %add3A_205 : i32 to index
          %get3A_207 = arith.constant 64 : index
          %get3A_208 = tpu.vector_load %arg14[%get3A_206, %get3A_207] {strides = array<i32>} : memref<128x128xf32, #tpu.memory_space<vmem>>, vector<1x16xf32>,
          %get3A_209 = vector.shape_cast %get3A_208 : vector<1x16xf32> to vector<16xf32>
          %get3A_210 = arith.index_cast %scan3A_60 : i32 to index
          %get3A_211 = arith.constant 64 : index
          %get3A_212 = tpu.vector_load %arg15[%get3A_210, %get3A_211] {strides = array<i32>} : memref<128x128xf32, #tpu.memory_space<vmem>>, vector<1x16xf32>,
          %get3A_213 = vector.shape_cast %get3A_212 : vector<1x16xf32> to vector<16xf32>
          %add3A_214 = arith.addf %get3A_209, %get3A_203 : vector<16xf32>
          %mul3A_215 = arith.mulf %select_n3A, %add3A_214 : vector<16xf32>
          %add3A_216 = arith.addf %get3A_213, %mul3A_215 : vector<16xf32>
          %mul3A_217 = arith.constant 0.333333343 : f32
          %mul3A_218 = vector.broadcast %mul3A_217 : f32 to vector<16xf32>
          %mul3A_219 = arith.mulf %add3A_216, %mul3A_218 : vector<16xf32>
          %swap3A_220 = arith.index_cast %scan3A_60 : i32 to index
          %swap3A_221 = arith.constant 64 : index
          %swap3A_222 = tpu.vector_load %arg14[%swap3A_220, %swap3A_221] {strides = array<i32>} : memref<128x128xf32, #tpu.memory_space<vmem>>, vector<1x16xf32>,
          %swap3A_223 = vector.shape_cast %swap3A_222 : vector<1x16xf32> to vector<16xf32>
          %swap3A_224 = vector.shape_cast %mul3A_219 : vector<16xf32> to vector<1x16xf32>
          tpu.vector_store %arg14[%swap3A_220, %swap3A_221], %swap3A_224 {strides = array<i32>} : memref<128x128xf32, #tpu.memory_space<vmem>>, vector<1x16xf32>,
          %get3A_225 = arith.index_cast %scan3A_60 : i32 to index
          %get3A_226 = arith.constant 80 : index
          %get3A_227 = tpu.vector_load %arg14[%get3A_225, %get3A_226] {strides = array<i32>} : memref<128x128xf32, #tpu.memory_space<vmem>>, vector<1x16xf32>,
          %get3A_228 = vector.shape_cast %get3A_227 : vector<1x16xf32> to vector<16xf32>
          %add3A_229 = arith.constant 64 : i32
          %add3A_230 = arith.addi %scan3A_60, %add3A_229 : i32
          %get3A_231 = arith.index_cast %add3A_230 : i32 to index
          %get3A_232 = arith.constant 80 : index
          %get3A_233 = tpu.vector_load %arg14[%get3A_231, %get3A_232] {strides = array<i32>} : memref<128x128xf32, #tpu.memory_space<vmem>>, vector<1x16xf32>,
          %get3A_234 = vector.shape_cast %get3A_233 : vector<1x16xf32> to vector<16xf32>
          %get3A_235 = arith.index_cast %scan3A_60 : i32 to index
          %get3A_236 = arith.constant 80 : index
          %get3A_237 = tpu.vector_load %arg15[%get3A_235, %get3A_236] {strides = array<i32>} : memref<128x128xf32, #tpu.memory_space<vmem>>, vector<1x16xf32>,
          %get3A_238 = vector.shape_cast %get3A_237 : vector<1x16xf32> to vector<16xf32>
          %add3A_239 = arith.addf %get3A_234, %get3A_228 : vector<16xf32>
          %mul3A_240 = arith.mulf %select_n3A, %add3A_239 : vector<16xf32>
          %add3A_241 = arith.addf %get3A_238, %mul3A_240 : vector<16xf32>
          %mul3A_242 = arith.constant 0.333333343 : f32
          %mul3A_243 = vector.broadcast %mul3A_242 : f32 to vector<16xf32>
          %mul3A_244 = arith.mulf %add3A_241, %mul3A_243 : vector<16xf32>
          %swap3A_245 = arith.index_cast %scan3A_60 : i32 to index
          %swap3A_246 = arith.constant 80 : index
          %swap3A_247 = tpu.vector_load %arg14[%swap3A_245, %swap3A_246] {strides = array<i32>} : memref<128x128xf32, #tpu.memory_space<vmem>>, vector<1x16xf32>,
          %swap3A_248 = vector.shape_cast %swap3A_247 : vector<1x16xf32> to vector<16xf32>
          %swap3A_249 = vector.shape_cast %mul3A_244 : vector<16xf32> to vector<1x16xf32>
          tpu.vector_store %arg14[%swap3A_245, %swap3A_246], %swap3A_249 {strides = array<i32>} : memref<128x128xf32, #tpu.memory_space<vmem>>, vector<1x16xf32>,
          %get3A_250 = arith.index_cast %scan3A_60 : i32 to index
          %get3A_251 = arith.constant 96 : index
          %get3A_252 = tpu.vector_load %arg14[%get3A_250, %get3A_251] {strides = array<i32>} : memref<128x128xf32, #tpu.memory_space<vmem>>, vector<1x16xf32>,
          %get3A_253 = vector.shape_cast %get3A_252 : vector<1x16xf32> to vector<16xf32>
          %add3A_254 = arith.constant 64 : i32
          %add3A_255 = arith.addi %scan3A_60, %add3A_254 : i32
          %get3A_256 = arith.index_cast %add3A_255 : i32 to index
          %get3A_257 = arith.constant 96 : index
          %get3A_258 = tpu.vector_load %arg14[%get3A_256, %get3A_257] {strides = array<i32>} : memref<128x128xf32, #tpu.memory_space<vmem>>, vector<1x16xf32>,
          %get3A_259 = vector.shape_cast %get3A_258 : vector<1x16xf32> to vector<16xf32>
          %get3A_260 = arith.index_cast %scan3A_60 : i32 to index
          %get3A_261 = arith.constant 96 : index
          %get3A_262 = tpu.vector_load %arg15[%get3A_260, %get3A_261] {strides = array<i32>} : memref<128x128xf32, #tpu.memory_space<vmem>>, vector<1x16xf32>,
          %get3A_263 = vector.shape_cast %get3A_262 : vector<1x16xf32> to vector<16xf32>
          %add3A_264 = arith.addf %get3A_259, %get3A_253 : vector<16xf32>
          %mul3A_265 = arith.mulf %select_n3A, %add3A_264 : vector<16xf32>
          %add3A_266 = arith.addf %get3A_263, %mul3A_265 : vector<16xf32>
          %mul3A_267 = arith.constant 0.333333343 : f32
          %mul3A_268 = vector.broadcast %mul3A_267 : f32 to vector<16xf32>
          %mul3A_269 = arith.mulf %add3A_266, %mul3A_268 : vector<16xf32>
          %swap3A_270 = arith.index_cast %scan3A_60 : i32 to index
          %swap3A_271 = arith.constant 96 : index
          %swap3A_272 = tpu.vector_load %arg14[%swap3A_270, %swap3A_271] {strides = array<i32>} : memref<128x128xf32, #tpu.memory_space<vmem>>, vector<1x16xf32>,
          %swap3A_273 = vector.shape_cast %swap3A_272 : vector<1x16xf32> to vector<16xf32>
          %swap3A_274 = vector.shape_cast %mul3A_269 : vector<16xf32> to vector<1x16xf32>
          tpu.vector_store %arg14[%swap3A_270, %swap3A_271], %swap3A_274 {strides = array<i32>} : memref<128x128xf32, #tpu.memory_space<vmem>>, vector<1x16xf32>,
          %get3A_275 = arith.index_cast %scan3A_60 : i32 to index
          %get3A_276 = arith.constant 112 : index
          %get3A_277 = tpu.vector_load %arg14[%get3A_275, %get3A_276] {strides = array<i32>} : memref<128x128xf32, #tpu.memory_space<vmem>>, vector<1x16xf32>,
          %get3A_278 = vector.shape_cast %get3A_277 : vector<1x16xf32> to vector<16xf32>
          %add3A_279 = arith.constant 64 : i32
          %add3A_280 = arith.addi %scan3A_60, %add3A_279 : i32
          %get3A_281 = arith.index_cast %add3A_280 : i32 to index
          %get3A_282 = arith.constant 112 : index
          %get3A_283 = tpu.vector_load %arg14[%get3A_281, %get3A_282] {strides = array<i32>} : memref<128x128xf32, #tpu.memory_space<vmem>>, vector<1x16xf32>,
          %get3A_284 = vector.shape_cast %get3A_283 : vector<1x16xf32> to vector<16xf32>
          %get3A_285 = arith.index_cast %scan3A_60 : i32 to index
          %get3A_286 = arith.constant 112 : index
          %get3A_287 = tpu.vector_load %arg15[%get3A_285, %get3A_286] {strides = array<i32>} : memref<128x128xf32, #tpu.memory_space<vmem>>, vector<1x16xf32>,
          %get3A_288 = vector.shape_cast %get3A_287 : vector<1x16xf32> to vector<16xf32>
          %add3A_289 = arith.addf %get3A_284, %get3A_278 : vector<16xf32>
          %mul3A_290 = arith.mulf %select_n3A, %add3A_289 : vector<16xf32>
          %add3A_291 = arith.addf %get3A_288, %mul3A_290 : vector<16xf32>
          %mul3A_292 = arith.constant 0.333333343 : f32
          %mul3A_293 = vector.broadcast %mul3A_292 : f32 to vector<16xf32>
          %mul3A_294 = arith.mulf %add3A_291, %mul3A_293 : vector<16xf32>
          %swap3A_295 = arith.index_cast %scan3A_60 : i32 to index
          %swap3A_296 = arith.constant 112 : index
          %swap3A_297 = tpu.vector_load %arg14[%swap3A_295, %swap3A_296] {strides = array<i32>} : memref<128x128xf32, #tpu.memory_space<vmem>>, vector<1x16xf32>,
          %swap3A_298 = vector.shape_cast %swap3A_297 : vector<1x16xf32> to vector<16xf32>
          %swap3A_299 = vector.shape_cast %mul3A_294 : vector<16xf32> to vector<1x16xf32>
          tpu.vector_store %arg14[%swap3A_295, %swap3A_296], %swap3A_299 {strides = array<i32>} : memref<128x128xf32, #tpu.memory_space<vmem>>, vector<1x16xf32>,
        }
        %scan3A_59 = arith.constant 64 : i32
        "tpu.region"() ({
          %run_scoped3A = tpu.sem_alloc : memref<!tpu.dma_semaphore, #tpu.memory_space<semaphore_mem>>
          %dma_start3A_60 = arith.constant 0 : i32
          %dma_start3A_61 = arith.constant 0 : i32
          %dma_start3A_62 = tpu.memref_slice %arg14[%dma_start3A_60, %dma_start3A_61] : memref<128x128xf32, #tpu.memory_space<vmem>> -> memref<64x128xf32, #tpu.memory_space<vmem>>
          %dma_start3A_63 = arith.constant 0 : i32
          %dma_start3A_64 = tpu.memref_slice %arg9[%add3A, %dma_start3A_63] : memref<5000x128xf32, #tpu.memory_space<hbm>> -> memref<64x128xf32, #tpu.memory_space<hbm>>
          %dma_start3A_65 = arith.constant 0 : i32
          %dma_start3A_66 = tpu.memref_slice %arg9[%add3A, %dma_start3A_65] : memref<5000x128xf32, #tpu.memory_space<hbm>> -> memref<64x128xf32, #tpu.memory_space<hbm>>
          %dma_start3A_67 = arith.constant 0 : i32
          %dma_start3A_68 = arith.constant 0 : i32
          %dma_start3A_69 = tpu.memref_slice %arg14[%dma_start3A_67, %dma_start3A_68] : memref<128x128xf32, #tpu.memory_space<vmem>> -> memref<64x128xf32, #tpu.memory_space<vmem>>
          tpu.enqueue_dma source(%dma_start3A_69 : memref<64x128xf32, #tpu.memory_space<vmem>>) target(%dma_start3A_66 : memref<64x128xf32, #tpu.memory_space<hbm>>) target_semaphore(%run_scoped3A : memref<!tpu.dma_semaphore, #tpu.memory_space<semaphore_mem>>)
          %dma_wait3A = arith.constant 0 : i32
          %dma_wait3A_70 = arith.constant 0 : i32
          %dma_wait3A_71 = tpu.memref_slice %arg14[%dma_wait3A, %dma_wait3A_70] : memref<128x128xf32, #tpu.memory_space<vmem>> -> memref<64x128xf32, #tpu.memory_space<vmem>>
          %dma_wait3A_72 = arith.constant 0 : i32
          %dma_wait3A_73 = tpu.memref_slice %arg9[%add3A, %dma_wait3A_72] : memref<5000x128xf32, #tpu.memory_space<hbm>> -> memref<64x128xf32, #tpu.memory_space<hbm>>
          %dma_wait3A_74 = arith.constant 0 : i32
          %dma_wait3A_75 = tpu.memref_slice %arg9[%add3A, %dma_wait3A_74] : memref<5000x128xf32, #tpu.memory_space<hbm>> -> memref<64x128xf32, #tpu.memory_space<hbm>>
          %dma_wait3A_76 = arith.constant 0 : i32
          %dma_wait3A_77 = arith.constant 0 : i32
          %dma_wait3A_78 = tpu.memref_slice %arg14[%dma_wait3A_76, %dma_wait3A_77] : memref<128x128xf32, #tpu.memory_space<vmem>> -> memref<64x128xf32, #tpu.memory_space<vmem>>
          tpu.wait_dma2 semaphore(%run_scoped3A : memref<!tpu.dma_semaphore, #tpu.memory_space<semaphore_mem>>) src(%dma_wait3A_78 : memref<64x128xf32, #tpu.memory_space<vmem>>) dst(%dma_wait3A_75 : memref<64x128xf32, #tpu.memory_space<hbm>>)
          tpu.yield
        }) : () -> ()
      }
      %scan3A_47 = arith.constant 5 : i32
    } else {
    }
    %eq3A_37 = arith.constant 1 : i32
    %eq3A_38 = arith.cmpi eq, %arg0, %eq3A_37 : i32
    %convert_element_type3A_39 = arith.extui %eq3A_38 : i1 to i32
    %cond3A_40 = arith.constant 0 : i32
    %cond3A_41 = arith.cmpi ne, %convert_element_type3A_39, %cond3A_40 : i32
    scf.if %cond3A_41 {
      %scan3A_42 = arith.constant 0 : i32
      %scan3A_43 = arith.constant 0 : i32
      %scan3A_44 = arith.constant 5 : i32
      %scan3A_45 = arith.addi %scan3A_43, %scan3A_44 : i32
      %scan3A_46 = arith.constant 1 : i32
      scf.for %scan3A_48 = %scan3A_43 to %scan3A_45 step %scan3A_46  : i32 {
        %mul3A_49 = arith.constant 64 : i32
        %mul3A_50 = arith.muli %scan3A_48, %mul3A_49 : i32
        %add3A = arith.addi %min3A_34, %mul3A_50 : i32
        "tpu.region"() ({
          %run_scoped3A = tpu.sem_alloc : memref<!tpu.dma_semaphore, #tpu.memory_space<semaphore_mem>>
          %dma_start3A_60 = arith.constant 0 : i32
          %dma_start3A_61 = arith.constant 0 : i32
          %dma_start3A_62 = tpu.memref_slice %arg14[%dma_start3A_60, %dma_start3A_61] : memref<128x128xf32, #tpu.memory_space<vmem>> -> memref<64x128xf32, #tpu.memory_space<vmem>>
          %dma_start3A_63 = arith.constant 0 : i32
          %dma_start3A_64 = tpu.memref_slice %arg10[%add3A, %dma_start3A_63] : memref<5120x128xf32, #tpu.memory_space<vmem_shared>> -> memref<64x128xf32, #tpu.memory_space<vmem_shared>>
          %dma_start3A_65 = arith.constant 0 : i32
          %dma_start3A_66 = arith.constant 0 : i32
          %dma_start3A_67 = tpu.memref_slice %arg14[%dma_start3A_65, %dma_start3A_66] : memref<128x128xf32, #tpu.memory_space<vmem>> -> memref<64x128xf32, #tpu.memory_space<vmem>>
          %dma_start3A_68 = arith.constant 0 : i32
          %dma_start3A_69 = tpu.memref_slice %arg10[%add3A, %dma_start3A_68] : memref<5120x128xf32, #tpu.memory_space<vmem_shared>> -> memref<64x128xf32, #tpu.memory_space<vmem_shared>>
          tpu.enqueue_dma source(%dma_start3A_69 : memref<64x128xf32, #tpu.memory_space<vmem_shared>>) target(%dma_start3A_67 : memref<64x128xf32, #tpu.memory_space<vmem>>) target_semaphore(%run_scoped3A : memref<!tpu.dma_semaphore, #tpu.memory_space<semaphore_mem>>)
          %dma_wait3A = arith.constant 0 : i32
          %dma_wait3A_70 = arith.constant 0 : i32
          %dma_wait3A_71 = tpu.memref_slice %arg14[%dma_wait3A, %dma_wait3A_70] : memref<128x128xf32, #tpu.memory_space<vmem>> -> memref<64x128xf32, #tpu.memory_space<vmem>>
          %dma_wait3A_72 = arith.constant 0 : i32
          %dma_wait3A_73 = tpu.memref_slice %arg10[%add3A, %dma_wait3A_72] : memref<5120x128xf32, #tpu.memory_space<vmem_shared>> -> memref<64x128xf32, #tpu.memory_space<vmem_shared>>
          %dma_wait3A_74 = arith.constant 0 : i32
          %dma_wait3A_75 = arith.constant 0 : i32
          %dma_wait3A_76 = tpu.memref_slice %arg14[%dma_wait3A_74, %dma_wait3A_75] : memref<128x128xf32, #tpu.memory_space<vmem>> -> memref<64x128xf32, #tpu.memory_space<vmem>>
          %dma_wait3A_77 = arith.constant 0 : i32
          %dma_wait3A_78 = tpu.memref_slice %arg10[%add3A, %dma_wait3A_77] : memref<5120x128xf32, #tpu.memory_space<vmem_shared>> -> memref<64x128xf32, #tpu.memory_space<vmem_shared>>
          tpu.wait_dma2 semaphore(%run_scoped3A : memref<!tpu.dma_semaphore, #tpu.memory_space<semaphore_mem>>) src(%dma_wait3A_78 : memref<64x128xf32, #tpu.memory_space<vmem_shared>>) dst(%dma_wait3A_76 : memref<64x128xf32, #tpu.memory_space<vmem>>)
          tpu.yield
        }) : () -> ()
        "tpu.region"() ({
          %run_scoped3A = tpu.sem_alloc : memref<!tpu.dma_semaphore, #tpu.memory_space<semaphore_mem>>
          %dma_start3A_60 = arith.constant 64 : i32
          %dma_start3A_61 = arith.constant 0 : i32
          %dma_start3A_62 = tpu.memref_slice %arg14[%dma_start3A_60, %dma_start3A_61] : memref<128x128xf32, #tpu.memory_space<vmem>> -> memref<64x128xf32, #tpu.memory_space<vmem>>
          %dma_start3A_63 = arith.constant 0 : i32
          %dma_start3A_64 = tpu.memref_slice %arg2[%arg0, %add3A, %dma_start3A_63] : memref<2x5120x128xf32, #tpu.memory_space<hbm>> -> memref<1x64x128xf32, #tpu.memory_space<hbm>>
          %dma_start3A_65 = tpu.memref_squeeze %dma_start3A_64 : memref<1x64x128xf32, #tpu.memory_space<hbm>> -> memref<64x128xf32, #tpu.memory_space<hbm>>
          %dma_start3A_66 = arith.constant 64 : i32
          %dma_start3A_67 = arith.constant 0 : i32
          %dma_start3A_68 = tpu.memref_slice %arg14[%dma_start3A_66, %dma_start3A_67] : memref<128x128xf32, #tpu.memory_space<vmem>> -> memref<64x128xf32, #tpu.memory_space<vmem>>
          %dma_start3A_69 = arith.constant 0 : i32
          %dma_start3A_70 = tpu.memref_slice %arg2[%arg0, %add3A, %dma_start3A_69] : memref<2x5120x128xf32, #tpu.memory_space<hbm>> -> memref<1x64x128xf32, #tpu.memory_space<hbm>>
          %dma_start3A_71 = tpu.memref_squeeze %dma_start3A_70 : memref<1x64x128xf32, #tpu.memory_space<hbm>> -> memref<64x128xf32, #tpu.memory_space<hbm>>
          tpu.enqueue_dma source(%dma_start3A_71 : memref<64x128xf32, #tpu.memory_space<hbm>>) target(%dma_start3A_68 : memref<64x128xf32, #tpu.memory_space<vmem>>) target_semaphore(%run_scoped3A : memref<!tpu.dma_semaphore, #tpu.memory_space<semaphore_mem>>)
          %dma_wait3A = arith.constant 64 : i32
          %dma_wait3A_72 = arith.constant 0 : i32
          %dma_wait3A_73 = tpu.memref_slice %arg14[%dma_wait3A, %dma_wait3A_72] : memref<128x128xf32, #tpu.memory_space<vmem>> -> memref<64x128xf32, #tpu.memory_space<vmem>>
          %dma_wait3A_74 = arith.constant 0 : i32
          %dma_wait3A_75 = tpu.memref_slice %arg2[%arg0, %add3A, %dma_wait3A_74] : memref<2x5120x128xf32, #tpu.memory_space<hbm>> -> memref<1x64x128xf32, #tpu.memory_space<hbm>>
          %dma_wait3A_76 = tpu.memref_squeeze %dma_wait3A_75 : memref<1x64x128xf32, #tpu.memory_space<hbm>> -> memref<64x128xf32, #tpu.memory_space<hbm>>
          %dma_wait3A_77 = arith.constant 64 : i32
          %dma_wait3A_78 = arith.constant 0 : i32
          %dma_wait3A_79 = tpu.memref_slice %arg14[%dma_wait3A_77, %dma_wait3A_78] : memref<128x128xf32, #tpu.memory_space<vmem>> -> memref<64x128xf32, #tpu.memory_space<vmem>>
          %dma_wait3A_80 = arith.constant 0 : i32
          %dma_wait3A_81 = tpu.memref_slice %arg2[%arg0, %add3A, %dma_wait3A_80] : memref<2x5120x128xf32, #tpu.memory_space<hbm>> -> memref<1x64x128xf32, #tpu.memory_space<hbm>>
          %dma_wait3A_82 = tpu.memref_squeeze %dma_wait3A_81 : memref<1x64x128xf32, #tpu.memory_space<hbm>> -> memref<64x128xf32, #tpu.memory_space<hbm>>
          tpu.wait_dma2 semaphore(%run_scoped3A : memref<!tpu.dma_semaphore, #tpu.memory_space<semaphore_mem>>) src(%dma_wait3A_82 : memref<64x128xf32, #tpu.memory_space<hbm>>) dst(%dma_wait3A_79 : memref<64x128xf32, #tpu.memory_space<vmem>>)
          tpu.yield
        }) : () -> ()
        %sub3A = arith.constant 1 : i32
        %sub3A_51 = arith.subi %sub3A, %arg0 : i32
        "tpu.region"() ({
          %run_scoped3A = tpu.sem_alloc : memref<!tpu.dma_semaphore, #tpu.memory_space<semaphore_mem>>
          %dma_start3A_60 = arith.constant 0 : i32
          %dma_start3A_61 = arith.constant 0 : i32
          %dma_start3A_62 = tpu.memref_slice %arg15[%dma_start3A_60, %dma_start3A_61] : memref<128x128xf32, #tpu.memory_space<vmem>> -> memref<64x128xf32, #tpu.memory_space<vmem>>
          %dma_start3A_63 = arith.constant 0 : i32
          %dma_start3A_64 = tpu.memref_slice %arg4[%sub3A_51, %add3A, %dma_start3A_63] : memref<2x5120x128xf32, #tpu.memory_space<hbm>> -> memref<1x64x128xf32, #tpu.memory_space<hbm>>
          %dma_start3A_65 = tpu.memref_squeeze %dma_start3A_64 : memref<1x64x128xf32, #tpu.memory_space<hbm>> -> memref<64x128xf32, #tpu.memory_space<hbm>>
          %dma_start3A_66 = arith.constant 0 : i32
          %dma_start3A_67 = arith.constant 0 : i32
          %dma_start3A_68 = tpu.memref_slice %arg15[%dma_start3A_66, %dma_start3A_67] : memref<128x128xf32, #tpu.memory_space<vmem>> -> memref<64x128xf32, #tpu.memory_space<vmem>>
          %dma_start3A_69 = arith.constant 0 : i32
          %dma_start3A_70 = tpu.memref_slice %arg4[%sub3A_51, %add3A, %dma_start3A_69] : memref<2x5120x128xf32, #tpu.memory_space<hbm>> -> memref<1x64x128xf32, #tpu.memory_space<hbm>>
          %dma_start3A_71 = tpu.memref_squeeze %dma_start3A_70 : memref<1x64x128xf32, #tpu.memory_space<hbm>> -> memref<64x128xf32, #tpu.memory_space<hbm>>
          tpu.enqueue_dma source(%dma_start3A_71 : memref<64x128xf32, #tpu.memory_space<hbm>>) target(%dma_start3A_68 : memref<64x128xf32, #tpu.memory_space<vmem>>) target_semaphore(%run_scoped3A : memref<!tpu.dma_semaphore, #tpu.memory_space<semaphore_mem>>)
          %dma_wait3A = arith.constant 0 : i32
          %dma_wait3A_72 = arith.constant 0 : i32
          %dma_wait3A_73 = tpu.memref_slice %arg15[%dma_wait3A, %dma_wait3A_72] : memref<128x128xf32, #tpu.memory_space<vmem>> -> memref<64x128xf32, #tpu.memory_space<vmem>>
          %dma_wait3A_74 = arith.constant 0 : i32
          %dma_wait3A_75 = tpu.memref_slice %arg4[%sub3A_51, %add3A, %dma_wait3A_74] : memref<2x5120x128xf32, #tpu.memory_space<hbm>> -> memref<1x64x128xf32, #tpu.memory_space<hbm>>
          %dma_wait3A_76 = tpu.memref_squeeze %dma_wait3A_75 : memref<1x64x128xf32, #tpu.memory_space<hbm>> -> memref<64x128xf32, #tpu.memory_space<hbm>>
          %dma_wait3A_77 = arith.constant 0 : i32
          %dma_wait3A_78 = arith.constant 0 : i32
          %dma_wait3A_79 = tpu.memref_slice %arg15[%dma_wait3A_77, %dma_wait3A_78] : memref<128x128xf32, #tpu.memory_space<vmem>> -> memref<64x128xf32, #tpu.memory_space<vmem>>
          %dma_wait3A_80 = arith.constant 0 : i32
          %dma_wait3A_81 = tpu.memref_slice %arg4[%sub3A_51, %add3A, %dma_wait3A_80] : memref<2x5120x128xf32, #tpu.memory_space<hbm>> -> memref<1x64x128xf32, #tpu.memory_space<hbm>>
          %dma_wait3A_82 = tpu.memref_squeeze %dma_wait3A_81 : memref<1x64x128xf32, #tpu.memory_space<hbm>> -> memref<64x128xf32, #tpu.memory_space<hbm>>
          tpu.wait_dma2 semaphore(%run_scoped3A : memref<!tpu.dma_semaphore, #tpu.memory_space<semaphore_mem>>) src(%dma_wait3A_82 : memref<64x128xf32, #tpu.memory_space<hbm>>) dst(%dma_wait3A_79 : memref<64x128xf32, #tpu.memory_space<vmem>>)
          tpu.yield
        }) : () -> ()
        %sub3A_52 = arith.constant 1 : i32
        %sub3A_53 = arith.subi %sub3A_52, %arg0 : i32
        "tpu.region"() ({
          %run_scoped3A = tpu.sem_alloc : memref<!tpu.dma_semaphore, #tpu.memory_space<semaphore_mem>>
          %dma_start3A_60 = arith.constant 64 : i32
          %dma_start3A_61 = arith.constant 0 : i32
          %dma_start3A_62 = tpu.memref_slice %arg15[%dma_start3A_60, %dma_start3A_61] : memref<128x128xf32, #tpu.memory_space<vmem>> -> memref<64x128xf32, #tpu.memory_space<vmem>>
          %dma_start3A_63 = arith.constant 0 : i32
          %dma_start3A_64 = tpu.memref_slice %arg3[%sub3A_53, %add3A, %dma_start3A_63] : memref<2x5120x128xf32, #tpu.memory_space<hbm>> -> memref<1x64x128xf32, #tpu.memory_space<hbm>>
          %dma_start3A_65 = tpu.memref_squeeze %dma_start3A_64 : memref<1x64x128xf32, #tpu.memory_space<hbm>> -> memref<64x128xf32, #tpu.memory_space<hbm>>
          %dma_start3A_66 = arith.constant 64 : i32
          %dma_start3A_67 = arith.constant 0 : i32
          %dma_start3A_68 = tpu.memref_slice %arg15[%dma_start3A_66, %dma_start3A_67] : memref<128x128xf32, #tpu.memory_space<vmem>> -> memref<64x128xf32, #tpu.memory_space<vmem>>
          %dma_start3A_69 = arith.constant 0 : i32
          %dma_start3A_70 = tpu.memref_slice %arg3[%sub3A_53, %add3A, %dma_start3A_69] : memref<2x5120x128xf32, #tpu.memory_space<hbm>> -> memref<1x64x128xf32, #tpu.memory_space<hbm>>
          %dma_start3A_71 = tpu.memref_squeeze %dma_start3A_70 : memref<1x64x128xf32, #tpu.memory_space<hbm>> -> memref<64x128xf32, #tpu.memory_space<hbm>>
          tpu.enqueue_dma source(%dma_start3A_71 : memref<64x128xf32, #tpu.memory_space<hbm>>) target(%dma_start3A_68 : memref<64x128xf32, #tpu.memory_space<vmem>>) target_semaphore(%run_scoped3A : memref<!tpu.dma_semaphore, #tpu.memory_space<semaphore_mem>>)
          %dma_wait3A = arith.constant 64 : i32
          %dma_wait3A_72 = arith.constant 0 : i32
          %dma_wait3A_73 = tpu.memref_slice %arg15[%dma_wait3A, %dma_wait3A_72] : memref<128x128xf32, #tpu.memory_space<vmem>> -> memref<64x128xf32, #tpu.memory_space<vmem>>
          %dma_wait3A_74 = arith.constant 0 : i32
          %dma_wait3A_75 = tpu.memref_slice %arg3[%sub3A_53, %add3A, %dma_wait3A_74] : memref<2x5120x128xf32, #tpu.memory_space<hbm>> -> memref<1x64x128xf32, #tpu.memory_space<hbm>>
          %dma_wait3A_76 = tpu.memref_squeeze %dma_wait3A_75 : memref<1x64x128xf32, #tpu.memory_space<hbm>> -> memref<64x128xf32, #tpu.memory_space<hbm>>
          %dma_wait3A_77 = arith.constant 64 : i32
          %dma_wait3A_78 = arith.constant 0 : i32
          %dma_wait3A_79 = tpu.memref_slice %arg15[%dma_wait3A_77, %dma_wait3A_78] : memref<128x128xf32, #tpu.memory_space<vmem>> -> memref<64x128xf32, #tpu.memory_space<vmem>>
          %dma_wait3A_80 = arith.constant 0 : i32
          %dma_wait3A_81 = tpu.memref_slice %arg3[%sub3A_53, %add3A, %dma_wait3A_80] : memref<2x5120x128xf32, #tpu.memory_space<hbm>> -> memref<1x64x128xf32, #tpu.memory_space<hbm>>
          %dma_wait3A_82 = tpu.memref_squeeze %dma_wait3A_81 : memref<1x64x128xf32, #tpu.memory_space<hbm>> -> memref<64x128xf32, #tpu.memory_space<hbm>>
          tpu.wait_dma2 semaphore(%run_scoped3A : memref<!tpu.dma_semaphore, #tpu.memory_space<semaphore_mem>>) src(%dma_wait3A_82 : memref<64x128xf32, #tpu.memory_space<hbm>>) dst(%dma_wait3A_79 : memref<64x128xf32, #tpu.memory_space<vmem>>)
          tpu.yield
        }) : () -> ()
        %scan3A_54 = arith.constant 0 : i32
        %scan3A_55 = arith.constant 0 : i32
        %scan3A_56 = arith.constant 64 : i32
        %scan3A_57 = arith.addi %scan3A_55, %scan3A_56 : i32
        %scan3A_58 = arith.constant 1 : i32
        scf.for %scan3A_60 = %scan3A_55 to %scan3A_57 step %scan3A_58  : i32 {
          %add3A_61 = arith.constant 64 : i32
          %add3A_62 = arith.addi %scan3A_60, %add3A_61 : i32
          %get3A = arith.index_cast %add3A_62 : i32 to index
          %get3A_63 = arith.constant 0 : index
          %get3A_64 = tpu.vector_load %arg15[%get3A, %get3A_63] {strides = array<i32>} : memref<128x128xf32, #tpu.memory_space<vmem>>, vector<1x16xf32>,
          %get3A_65 = vector.shape_cast %get3A_64 : vector<1x16xf32> to vector<16xf32>
          %gt3A = arith.constant 0.000000e+00 : f32
          %gt3A_66 = vector.broadcast %gt3A : f32 to vector<16xf32>
          %gt3A_67 = arith.cmpf ogt, %get3A_65, %gt3A_66 : vector<16xf32>
          %bitcast_convert_type3A = tpu.bitcast %get3A_65 : vector<16xf32> -> vector<16xi32>
          %shift_right_logical3A = arith.constant 1 : i32
          %shift_right_logical3A_68 = vector.broadcast %shift_right_logical3A : i32 to vector<16xi32>
          %shift_right_logical3A_69 = arith.shrui %bitcast_convert_type3A, %shift_right_logical3A_68 : vector<16xi32>
          %sub3A_70 = arith.constant 1597463007 : i32
          %sub3A_71 = vector.broadcast %sub3A_70 : i32 to vector<16xi32>
          %sub3A_72 = arith.subi %sub3A_71, %shift_right_logical3A_69 : vector<16xi32>
          %bitcast_convert_type3A_73 = tpu.bitcast %sub3A_72 : vector<16xi32> -> vector<16xf32>
          %mul3A_74 = arith.constant 5.000000e-01 : f32
          %mul3A_75 = vector.broadcast %mul3A_74 : f32 to vector<16xf32>
          %mul3A_76 = arith.mulf %mul3A_75, %get3A_65 : vector<16xf32>
          %mul3A_77 = arith.mulf %mul3A_76, %bitcast_convert_type3A_73 : vector<16xf32>
          %mul3A_78 = arith.mulf %mul3A_77, %bitcast_convert_type3A_73 : vector<16xf32>
          %sub3A_79 = arith.constant 1.500000e+00 : f32
          %sub3A_80 = vector.broadcast %sub3A_79 : f32 to vector<16xf32>
          %sub3A_81 = arith.subf %sub3A_80, %mul3A_78 : vector<16xf32>
          %mul3A_82 = arith.mulf %bitcast_convert_type3A_73, %sub3A_81 : vector<16xf32>
          %mul3A_83 = arith.constant 5.000000e-01 : f32
          %mul3A_84 = vector.broadcast %mul3A_83 : f32 to vector<16xf32>
          %mul3A_85 = arith.mulf %mul3A_84, %get3A_65 : vector<16xf32>
          %mul3A_86 = arith.mulf %mul3A_85, %mul3A_82 : vector<16xf32>
          %mul3A_87 = arith.mulf %mul3A_86, %mul3A_82 : vector<16xf32>
          %sub3A_88 = arith.constant 1.500000e+00 : f32
          %sub3A_89 = vector.broadcast %sub3A_88 : f32 to vector<16xf32>
          %sub3A_90 = arith.subf %sub3A_89, %mul3A_87 : vector<16xf32>
          %mul3A_91 = arith.mulf %mul3A_82, %sub3A_90 : vector<16xf32>
          %mul3A_92 = arith.constant 5.000000e-01 : f32
          %mul3A_93 = vector.broadcast %mul3A_92 : f32 to vector<16xf32>
          %mul3A_94 = arith.mulf %mul3A_93, %get3A_65 : vector<16xf32>
          %mul3A_95 = arith.mulf %mul3A_94, %mul3A_91 : vector<16xf32>
          %mul3A_96 = arith.mulf %mul3A_95, %mul3A_91 : vector<16xf32>
          %sub3A_97 = arith.constant 1.500000e+00 : f32
          %sub3A_98 = vector.broadcast %sub3A_97 : f32 to vector<16xf32>
          %sub3A_99 = arith.subf %sub3A_98, %mul3A_96 : vector<16xf32>
          %mul3A_100 = arith.mulf %mul3A_91, %sub3A_99 : vector<16xf32>
          %jit3A = arith.constant 0.000000e+00 : f32
          %broadcast_in_dim3A = vector.broadcast %jit3A : f32 to vector<16xf32>
          %select_n3A = arith.select %gt3A_67, %mul3A_100, %broadcast_in_dim3A : vector<16xi1>, vector<16xf32>
          %get3A_101 = arith.index_cast %scan3A_60 : i32 to index
          %get3A_102 = arith.constant 0 : index
          %get3A_103 = tpu.vector_load %arg14[%get3A_101, %get3A_102] {strides = array<i32>} : memref<128x128xf32, #tpu.memory_space<vmem>>, vector<1x16xf32>,
          %get3A_104 = vector.shape_cast %get3A_103 : vector<1x16xf32> to vector<16xf32>
          %add3A_105 = arith.constant 64 : i32
          %add3A_106 = arith.addi %scan3A_60, %add3A_105 : i32
          %get3A_107 = arith.index_cast %add3A_106 : i32 to index
          %get3A_108 = arith.constant 0 : index
          %get3A_109 = tpu.vector_load %arg14[%get3A_107, %get3A_108] {strides = array<i32>} : memref<128x128xf32, #tpu.memory_space<vmem>>, vector<1x16xf32>,
          %get3A_110 = vector.shape_cast %get3A_109 : vector<1x16xf32> to vector<16xf32>
          %get3A_111 = arith.index_cast %scan3A_60 : i32 to index
          %get3A_112 = arith.constant 0 : index
          %get3A_113 = tpu.vector_load %arg15[%get3A_111, %get3A_112] {strides = array<i32>} : memref<128x128xf32, #tpu.memory_space<vmem>>, vector<1x16xf32>,
          %get3A_114 = vector.shape_cast %get3A_113 : vector<1x16xf32> to vector<16xf32>
          %add3A_115 = arith.addf %get3A_110, %get3A_104 : vector<16xf32>
          %mul3A_116 = arith.mulf %select_n3A, %add3A_115 : vector<16xf32>
          %add3A_117 = arith.addf %get3A_114, %mul3A_116 : vector<16xf32>
          %mul3A_118 = arith.constant 0.333333343 : f32
          %mul3A_119 = vector.broadcast %mul3A_118 : f32 to vector<16xf32>
          %mul3A_120 = arith.mulf %add3A_117, %mul3A_119 : vector<16xf32>
          %swap3A = arith.index_cast %scan3A_60 : i32 to index
          %swap3A_121 = arith.constant 0 : index
          %swap3A_122 = tpu.vector_load %arg14[%swap3A, %swap3A_121] {strides = array<i32>} : memref<128x128xf32, #tpu.memory_space<vmem>>, vector<1x16xf32>,
          %swap3A_123 = vector.shape_cast %swap3A_122 : vector<1x16xf32> to vector<16xf32>
          %swap3A_124 = vector.shape_cast %mul3A_120 : vector<16xf32> to vector<1x16xf32>
          tpu.vector_store %arg14[%swap3A, %swap3A_121], %swap3A_124 {strides = array<i32>} : memref<128x128xf32, #tpu.memory_space<vmem>>, vector<1x16xf32>,
          %get3A_125 = arith.index_cast %scan3A_60 : i32 to index
          %get3A_126 = arith.constant 16 : index
          %get3A_127 = tpu.vector_load %arg14[%get3A_125, %get3A_126] {strides = array<i32>} : memref<128x128xf32, #tpu.memory_space<vmem>>, vector<1x16xf32>,
          %get3A_128 = vector.shape_cast %get3A_127 : vector<1x16xf32> to vector<16xf32>
          %add3A_129 = arith.constant 64 : i32
          %add3A_130 = arith.addi %scan3A_60, %add3A_129 : i32
          %get3A_131 = arith.index_cast %add3A_130 : i32 to index
          %get3A_132 = arith.constant 16 : index
          %get3A_133 = tpu.vector_load %arg14[%get3A_131, %get3A_132] {strides = array<i32>} : memref<128x128xf32, #tpu.memory_space<vmem>>, vector<1x16xf32>,
          %get3A_134 = vector.shape_cast %get3A_133 : vector<1x16xf32> to vector<16xf32>
          %get3A_135 = arith.index_cast %scan3A_60 : i32 to index
          %get3A_136 = arith.constant 16 : index
          %get3A_137 = tpu.vector_load %arg15[%get3A_135, %get3A_136] {strides = array<i32>} : memref<128x128xf32, #tpu.memory_space<vmem>>, vector<1x16xf32>,
          %get3A_138 = vector.shape_cast %get3A_137 : vector<1x16xf32> to vector<16xf32>
          %add3A_139 = arith.addf %get3A_134, %get3A_128 : vector<16xf32>
          %mul3A_140 = arith.mulf %select_n3A, %add3A_139 : vector<16xf32>
          %add3A_141 = arith.addf %get3A_138, %mul3A_140 : vector<16xf32>
          %mul3A_142 = arith.constant 0.333333343 : f32
          %mul3A_143 = vector.broadcast %mul3A_142 : f32 to vector<16xf32>
          %mul3A_144 = arith.mulf %add3A_141, %mul3A_143 : vector<16xf32>
          %swap3A_145 = arith.index_cast %scan3A_60 : i32 to index
          %swap3A_146 = arith.constant 16 : index
          %swap3A_147 = tpu.vector_load %arg14[%swap3A_145, %swap3A_146] {strides = array<i32>} : memref<128x128xf32, #tpu.memory_space<vmem>>, vector<1x16xf32>,
          %swap3A_148 = vector.shape_cast %swap3A_147 : vector<1x16xf32> to vector<16xf32>
          %swap3A_149 = vector.shape_cast %mul3A_144 : vector<16xf32> to vector<1x16xf32>
          tpu.vector_store %arg14[%swap3A_145, %swap3A_146], %swap3A_149 {strides = array<i32>} : memref<128x128xf32, #tpu.memory_space<vmem>>, vector<1x16xf32>,
          %get3A_150 = arith.index_cast %scan3A_60 : i32 to index
          %get3A_151 = arith.constant 32 : index
          %get3A_152 = tpu.vector_load %arg14[%get3A_150, %get3A_151] {strides = array<i32>} : memref<128x128xf32, #tpu.memory_space<vmem>>, vector<1x16xf32>,
          %get3A_153 = vector.shape_cast %get3A_152 : vector<1x16xf32> to vector<16xf32>
          %add3A_154 = arith.constant 64 : i32
          %add3A_155 = arith.addi %scan3A_60, %add3A_154 : i32
          %get3A_156 = arith.index_cast %add3A_155 : i32 to index
          %get3A_157 = arith.constant 32 : index
          %get3A_158 = tpu.vector_load %arg14[%get3A_156, %get3A_157] {strides = array<i32>} : memref<128x128xf32, #tpu.memory_space<vmem>>, vector<1x16xf32>,
          %get3A_159 = vector.shape_cast %get3A_158 : vector<1x16xf32> to vector<16xf32>
          %get3A_160 = arith.index_cast %scan3A_60 : i32 to index
          %get3A_161 = arith.constant 32 : index
          %get3A_162 = tpu.vector_load %arg15[%get3A_160, %get3A_161] {strides = array<i32>} : memref<128x128xf32, #tpu.memory_space<vmem>>, vector<1x16xf32>,
          %get3A_163 = vector.shape_cast %get3A_162 : vector<1x16xf32> to vector<16xf32>
          %add3A_164 = arith.addf %get3A_159, %get3A_153 : vector<16xf32>
          %mul3A_165 = arith.mulf %select_n3A, %add3A_164 : vector<16xf32>
          %add3A_166 = arith.addf %get3A_163, %mul3A_165 : vector<16xf32>
          %mul3A_167 = arith.constant 0.333333343 : f32
          %mul3A_168 = vector.broadcast %mul3A_167 : f32 to vector<16xf32>
          %mul3A_169 = arith.mulf %add3A_166, %mul3A_168 : vector<16xf32>
          %swap3A_170 = arith.index_cast %scan3A_60 : i32 to index
          %swap3A_171 = arith.constant 32 : index
          %swap3A_172 = tpu.vector_load %arg14[%swap3A_170, %swap3A_171] {strides = array<i32>} : memref<128x128xf32, #tpu.memory_space<vmem>>, vector<1x16xf32>,
          %swap3A_173 = vector.shape_cast %swap3A_172 : vector<1x16xf32> to vector<16xf32>
          %swap3A_174 = vector.shape_cast %mul3A_169 : vector<16xf32> to vector<1x16xf32>
          tpu.vector_store %arg14[%swap3A_170, %swap3A_171], %swap3A_174 {strides = array<i32>} : memref<128x128xf32, #tpu.memory_space<vmem>>, vector<1x16xf32>,
          %get3A_175 = arith.index_cast %scan3A_60 : i32 to index
          %get3A_176 = arith.constant 48 : index
          %get3A_177 = tpu.vector_load %arg14[%get3A_175, %get3A_176] {strides = array<i32>} : memref<128x128xf32, #tpu.memory_space<vmem>>, vector<1x16xf32>,
          %get3A_178 = vector.shape_cast %get3A_177 : vector<1x16xf32> to vector<16xf32>
          %add3A_179 = arith.constant 64 : i32
          %add3A_180 = arith.addi %scan3A_60, %add3A_179 : i32
          %get3A_181 = arith.index_cast %add3A_180 : i32 to index
          %get3A_182 = arith.constant 48 : index
          %get3A_183 = tpu.vector_load %arg14[%get3A_181, %get3A_182] {strides = array<i32>} : memref<128x128xf32, #tpu.memory_space<vmem>>, vector<1x16xf32>,
          %get3A_184 = vector.shape_cast %get3A_183 : vector<1x16xf32> to vector<16xf32>
          %get3A_185 = arith.index_cast %scan3A_60 : i32 to index
          %get3A_186 = arith.constant 48 : index
          %get3A_187 = tpu.vector_load %arg15[%get3A_185, %get3A_186] {strides = array<i32>} : memref<128x128xf32, #tpu.memory_space<vmem>>, vector<1x16xf32>,
          %get3A_188 = vector.shape_cast %get3A_187 : vector<1x16xf32> to vector<16xf32>
          %add3A_189 = arith.addf %get3A_184, %get3A_178 : vector<16xf32>
          %mul3A_190 = arith.mulf %select_n3A, %add3A_189 : vector<16xf32>
          %add3A_191 = arith.addf %get3A_188, %mul3A_190 : vector<16xf32>
          %mul3A_192 = arith.constant 0.333333343 : f32
          %mul3A_193 = vector.broadcast %mul3A_192 : f32 to vector<16xf32>
          %mul3A_194 = arith.mulf %add3A_191, %mul3A_193 : vector<16xf32>
          %swap3A_195 = arith.index_cast %scan3A_60 : i32 to index
          %swap3A_196 = arith.constant 48 : index
          %swap3A_197 = tpu.vector_load %arg14[%swap3A_195, %swap3A_196] {strides = array<i32>} : memref<128x128xf32, #tpu.memory_space<vmem>>, vector<1x16xf32>,
          %swap3A_198 = vector.shape_cast %swap3A_197 : vector<1x16xf32> to vector<16xf32>
          %swap3A_199 = vector.shape_cast %mul3A_194 : vector<16xf32> to vector<1x16xf32>
          tpu.vector_store %arg14[%swap3A_195, %swap3A_196], %swap3A_199 {strides = array<i32>} : memref<128x128xf32, #tpu.memory_space<vmem>>, vector<1x16xf32>,
          %get3A_200 = arith.index_cast %scan3A_60 : i32 to index
          %get3A_201 = arith.constant 64 : index
          %get3A_202 = tpu.vector_load %arg14[%get3A_200, %get3A_201] {strides = array<i32>} : memref<128x128xf32, #tpu.memory_space<vmem>>, vector<1x16xf32>,
          %get3A_203 = vector.shape_cast %get3A_202 : vector<1x16xf32> to vector<16xf32>
          %add3A_204 = arith.constant 64 : i32
          %add3A_205 = arith.addi %scan3A_60, %add3A_204 : i32
          %get3A_206 = arith.index_cast %add3A_205 : i32 to index
          %get3A_207 = arith.constant 64 : index
          %get3A_208 = tpu.vector_load %arg14[%get3A_206, %get3A_207] {strides = array<i32>} : memref<128x128xf32, #tpu.memory_space<vmem>>, vector<1x16xf32>,
          %get3A_209 = vector.shape_cast %get3A_208 : vector<1x16xf32> to vector<16xf32>
          %get3A_210 = arith.index_cast %scan3A_60 : i32 to index
          %get3A_211 = arith.constant 64 : index
          %get3A_212 = tpu.vector_load %arg15[%get3A_210, %get3A_211] {strides = array<i32>} : memref<128x128xf32, #tpu.memory_space<vmem>>, vector<1x16xf32>,
          %get3A_213 = vector.shape_cast %get3A_212 : vector<1x16xf32> to vector<16xf32>
          %add3A_214 = arith.addf %get3A_209, %get3A_203 : vector<16xf32>
          %mul3A_215 = arith.mulf %select_n3A, %add3A_214 : vector<16xf32>
          %add3A_216 = arith.addf %get3A_213, %mul3A_215 : vector<16xf32>
          %mul3A_217 = arith.constant 0.333333343 : f32
          %mul3A_218 = vector.broadcast %mul3A_217 : f32 to vector<16xf32>
          %mul3A_219 = arith.mulf %add3A_216, %mul3A_218 : vector<16xf32>
          %swap3A_220 = arith.index_cast %scan3A_60 : i32 to index
          %swap3A_221 = arith.constant 64 : index
          %swap3A_222 = tpu.vector_load %arg14[%swap3A_220, %swap3A_221] {strides = array<i32>} : memref<128x128xf32, #tpu.memory_space<vmem>>, vector<1x16xf32>,
          %swap3A_223 = vector.shape_cast %swap3A_222 : vector<1x16xf32> to vector<16xf32>
          %swap3A_224 = vector.shape_cast %mul3A_219 : vector<16xf32> to vector<1x16xf32>
          tpu.vector_store %arg14[%swap3A_220, %swap3A_221], %swap3A_224 {strides = array<i32>} : memref<128x128xf32, #tpu.memory_space<vmem>>, vector<1x16xf32>,
          %get3A_225 = arith.index_cast %scan3A_60 : i32 to index
          %get3A_226 = arith.constant 80 : index
          %get3A_227 = tpu.vector_load %arg14[%get3A_225, %get3A_226] {strides = array<i32>} : memref<128x128xf32, #tpu.memory_space<vmem>>, vector<1x16xf32>,
          %get3A_228 = vector.shape_cast %get3A_227 : vector<1x16xf32> to vector<16xf32>
          %add3A_229 = arith.constant 64 : i32
          %add3A_230 = arith.addi %scan3A_60, %add3A_229 : i32
          %get3A_231 = arith.index_cast %add3A_230 : i32 to index
          %get3A_232 = arith.constant 80 : index
          %get3A_233 = tpu.vector_load %arg14[%get3A_231, %get3A_232] {strides = array<i32>} : memref<128x128xf32, #tpu.memory_space<vmem>>, vector<1x16xf32>,
          %get3A_234 = vector.shape_cast %get3A_233 : vector<1x16xf32> to vector<16xf32>
          %get3A_235 = arith.index_cast %scan3A_60 : i32 to index
          %get3A_236 = arith.constant 80 : index
          %get3A_237 = tpu.vector_load %arg15[%get3A_235, %get3A_236] {strides = array<i32>} : memref<128x128xf32, #tpu.memory_space<vmem>>, vector<1x16xf32>,
          %get3A_238 = vector.shape_cast %get3A_237 : vector<1x16xf32> to vector<16xf32>
          %add3A_239 = arith.addf %get3A_234, %get3A_228 : vector<16xf32>
          %mul3A_240 = arith.mulf %select_n3A, %add3A_239 : vector<16xf32>
          %add3A_241 = arith.addf %get3A_238, %mul3A_240 : vector<16xf32>
          %mul3A_242 = arith.constant 0.333333343 : f32
          %mul3A_243 = vector.broadcast %mul3A_242 : f32 to vector<16xf32>
          %mul3A_244 = arith.mulf %add3A_241, %mul3A_243 : vector<16xf32>
          %swap3A_245 = arith.index_cast %scan3A_60 : i32 to index
          %swap3A_246 = arith.constant 80 : index
          %swap3A_247 = tpu.vector_load %arg14[%swap3A_245, %swap3A_246] {strides = array<i32>} : memref<128x128xf32, #tpu.memory_space<vmem>>, vector<1x16xf32>,
          %swap3A_248 = vector.shape_cast %swap3A_247 : vector<1x16xf32> to vector<16xf32>
          %swap3A_249 = vector.shape_cast %mul3A_244 : vector<16xf32> to vector<1x16xf32>
          tpu.vector_store %arg14[%swap3A_245, %swap3A_246], %swap3A_249 {strides = array<i32>} : memref<128x128xf32, #tpu.memory_space<vmem>>, vector<1x16xf32>,
          %get3A_250 = arith.index_cast %scan3A_60 : i32 to index
          %get3A_251 = arith.constant 96 : index
          %get3A_252 = tpu.vector_load %arg14[%get3A_250, %get3A_251] {strides = array<i32>} : memref<128x128xf32, #tpu.memory_space<vmem>>, vector<1x16xf32>,
          %get3A_253 = vector.shape_cast %get3A_252 : vector<1x16xf32> to vector<16xf32>
          %add3A_254 = arith.constant 64 : i32
          %add3A_255 = arith.addi %scan3A_60, %add3A_254 : i32
          %get3A_256 = arith.index_cast %add3A_255 : i32 to index
          %get3A_257 = arith.constant 96 : index
          %get3A_258 = tpu.vector_load %arg14[%get3A_256, %get3A_257] {strides = array<i32>} : memref<128x128xf32, #tpu.memory_space<vmem>>, vector<1x16xf32>,
          %get3A_259 = vector.shape_cast %get3A_258 : vector<1x16xf32> to vector<16xf32>
          %get3A_260 = arith.index_cast %scan3A_60 : i32 to index
          %get3A_261 = arith.constant 96 : index
          %get3A_262 = tpu.vector_load %arg15[%get3A_260, %get3A_261] {strides = array<i32>} : memref<128x128xf32, #tpu.memory_space<vmem>>, vector<1x16xf32>,
          %get3A_263 = vector.shape_cast %get3A_262 : vector<1x16xf32> to vector<16xf32>
          %add3A_264 = arith.addf %get3A_259, %get3A_253 : vector<16xf32>
          %mul3A_265 = arith.mulf %select_n3A, %add3A_264 : vector<16xf32>
          %add3A_266 = arith.addf %get3A_263, %mul3A_265 : vector<16xf32>
          %mul3A_267 = arith.constant 0.333333343 : f32
          %mul3A_268 = vector.broadcast %mul3A_267 : f32 to vector<16xf32>
          %mul3A_269 = arith.mulf %add3A_266, %mul3A_268 : vector<16xf32>
          %swap3A_270 = arith.index_cast %scan3A_60 : i32 to index
          %swap3A_271 = arith.constant 96 : index
          %swap3A_272 = tpu.vector_load %arg14[%swap3A_270, %swap3A_271] {strides = array<i32>} : memref<128x128xf32, #tpu.memory_space<vmem>>, vector<1x16xf32>,
          %swap3A_273 = vector.shape_cast %swap3A_272 : vector<1x16xf32> to vector<16xf32>
          %swap3A_274 = vector.shape_cast %mul3A_269 : vector<16xf32> to vector<1x16xf32>
          tpu.vector_store %arg14[%swap3A_270, %swap3A_271], %swap3A_274 {strides = array<i32>} : memref<128x128xf32, #tpu.memory_space<vmem>>, vector<1x16xf32>,
          %get3A_275 = arith.index_cast %scan3A_60 : i32 to index
          %get3A_276 = arith.constant 112 : index
          %get3A_277 = tpu.vector_load %arg14[%get3A_275, %get3A_276] {strides = array<i32>} : memref<128x128xf32, #tpu.memory_space<vmem>>, vector<1x16xf32>,
          %get3A_278 = vector.shape_cast %get3A_277 : vector<1x16xf32> to vector<16xf32>
          %add3A_279 = arith.constant 64 : i32
          %add3A_280 = arith.addi %scan3A_60, %add3A_279 : i32
          %get3A_281 = arith.index_cast %add3A_280 : i32 to index
          %get3A_282 = arith.constant 112 : index
          %get3A_283 = tpu.vector_load %arg14[%get3A_281, %get3A_282] {strides = array<i32>} : memref<128x128xf32, #tpu.memory_space<vmem>>, vector<1x16xf32>,
          %get3A_284 = vector.shape_cast %get3A_283 : vector<1x16xf32> to vector<16xf32>
          %get3A_285 = arith.index_cast %scan3A_60 : i32 to index
          %get3A_286 = arith.constant 112 : index
          %get3A_287 = tpu.vector_load %arg15[%get3A_285, %get3A_286] {strides = array<i32>} : memref<128x128xf32, #tpu.memory_space<vmem>>, vector<1x16xf32>,
          %get3A_288 = vector.shape_cast %get3A_287 : vector<1x16xf32> to vector<16xf32>
          %add3A_289 = arith.addf %get3A_284, %get3A_278 : vector<16xf32>
          %mul3A_290 = arith.mulf %select_n3A, %add3A_289 : vector<16xf32>
          %add3A_291 = arith.addf %get3A_288, %mul3A_290 : vector<16xf32>
          %mul3A_292 = arith.constant 0.333333343 : f32
          %mul3A_293 = vector.broadcast %mul3A_292 : f32 to vector<16xf32>
          %mul3A_294 = arith.mulf %add3A_291, %mul3A_293 : vector<16xf32>
          %swap3A_295 = arith.index_cast %scan3A_60 : i32 to index
          %swap3A_296 = arith.constant 112 : index
          %swap3A_297 = tpu.vector_load %arg14[%swap3A_295, %swap3A_296] {strides = array<i32>} : memref<128x128xf32, #tpu.memory_space<vmem>>, vector<1x16xf32>,
          %swap3A_298 = vector.shape_cast %swap3A_297 : vector<1x16xf32> to vector<16xf32>
          %swap3A_299 = vector.shape_cast %mul3A_294 : vector<16xf32> to vector<1x16xf32>
          tpu.vector_store %arg14[%swap3A_295, %swap3A_296], %swap3A_299 {strides = array<i32>} : memref<128x128xf32, #tpu.memory_space<vmem>>, vector<1x16xf32>,
        }
        %scan3A_59 = arith.constant 64 : i32
        "tpu.region"() ({
          %run_scoped3A = tpu.sem_alloc : memref<!tpu.dma_semaphore, #tpu.memory_space<semaphore_mem>>
          %dma_start3A_60 = arith.constant 0 : i32
          %dma_start3A_61 = arith.constant 0 : i32
          %dma_start3A_62 = tpu.memref_slice %arg14[%dma_start3A_60, %dma_start3A_61] : memref<128x128xf32, #tpu.memory_space<vmem>> -> memref<64x128xf32, #tpu.memory_space<vmem>>
          %dma_start3A_63 = arith.constant 0 : i32
          %dma_start3A_64 = tpu.memref_slice %arg8[%add3A, %dma_start3A_63] : memref<5000x128xf32, #tpu.memory_space<hbm>> -> memref<64x128xf32, #tpu.memory_space<hbm>>
          %dma_start3A_65 = arith.constant 0 : i32
          %dma_start3A_66 = tpu.memref_slice %arg8[%add3A, %dma_start3A_65] : memref<5000x128xf32, #tpu.memory_space<hbm>> -> memref<64x128xf32, #tpu.memory_space<hbm>>
          %dma_start3A_67 = arith.constant 0 : i32
          %dma_start3A_68 = arith.constant 0 : i32
          %dma_start3A_69 = tpu.memref_slice %arg14[%dma_start3A_67, %dma_start3A_68] : memref<128x128xf32, #tpu.memory_space<vmem>> -> memref<64x128xf32, #tpu.memory_space<vmem>>
          tpu.enqueue_dma source(%dma_start3A_69 : memref<64x128xf32, #tpu.memory_space<vmem>>) target(%dma_start3A_66 : memref<64x128xf32, #tpu.memory_space<hbm>>) target_semaphore(%run_scoped3A : memref<!tpu.dma_semaphore, #tpu.memory_space<semaphore_mem>>)
          %dma_wait3A = arith.constant 0 : i32
          %dma_wait3A_70 = arith.constant 0 : i32
          %dma_wait3A_71 = tpu.memref_slice %arg14[%dma_wait3A, %dma_wait3A_70] : memref<128x128xf32, #tpu.memory_space<vmem>> -> memref<64x128xf32, #tpu.memory_space<vmem>>
          %dma_wait3A_72 = arith.constant 0 : i32
          %dma_wait3A_73 = tpu.memref_slice %arg8[%add3A, %dma_wait3A_72] : memref<5000x128xf32, #tpu.memory_space<hbm>> -> memref<64x128xf32, #tpu.memory_space<hbm>>
          %dma_wait3A_74 = arith.constant 0 : i32
          %dma_wait3A_75 = tpu.memref_slice %arg8[%add3A, %dma_wait3A_74] : memref<5000x128xf32, #tpu.memory_space<hbm>> -> memref<64x128xf32, #tpu.memory_space<hbm>>
          %dma_wait3A_76 = arith.constant 0 : i32
          %dma_wait3A_77 = arith.constant 0 : i32
          %dma_wait3A_78 = tpu.memref_slice %arg14[%dma_wait3A_76, %dma_wait3A_77] : memref<128x128xf32, #tpu.memory_space<vmem>> -> memref<64x128xf32, #tpu.memory_space<vmem>>
          tpu.wait_dma2 semaphore(%run_scoped3A : memref<!tpu.dma_semaphore, #tpu.memory_space<semaphore_mem>>) src(%dma_wait3A_78 : memref<64x128xf32, #tpu.memory_space<vmem>>) dst(%dma_wait3A_75 : memref<64x128xf32, #tpu.memory_space<hbm>>)
          tpu.yield
        }) : () -> ()
      }
      %scan3A_47 = arith.constant 5 : i32
    } else {
    }
    return
  }
}

module attributes {stable_mosaic.version = 14 : i64} {
  func.func @_proj_tc(%arg0: memref<5000x128xf32, #tpu.memory_space<vmem>>, %arg1: memref<128x128xf32, #tpu.memory_space<vmem>>, %arg2: memref<1x128xf32, #tpu.memory_space<vmem>>, %arg3: memref<5000x128xf32, #tpu.memory_space<vmem>>, %arg4: memref<128x128xf32, #tpu.memory_space<vmem>>, %arg5: memref<1x128xf32, #tpu.memory_space<vmem>>, %arg6: memref<2x5120x128xf32, #tpu.memory_space<vmem>>) attributes {dimension_semantics = [], scalar_prefetch = 0 : i64, scratch_operands = 0 : i64, tpu.core_type = #tpu.core_type<tc>} {
    %get3A = arith.constant 0 : index
    %get3A_0 = arith.constant 0 : index
    %get3A_1 = vector.load %arg0[%get3A, %get3A_0] : memref<5000x128xf32, #tpu.memory_space<vmem>>, vector<5000x128xf32>
    %get3A_2 = arith.constant 0 : index
    %get3A_3 = arith.constant 0 : index
    %get3A_4 = vector.load %arg1[%get3A_2, %get3A_3] : memref<128x128xf32, #tpu.memory_space<vmem>>, vector<128x128xf32>
    %dot_general3A = arith.constant dense<0.000000e+00> : vector<5000x128xf32>
    %dot_general3A_5 = tpu.matmul %get3A_1, %get3A_4, %dot_general3A {dimension_numbers = #tpu.dot_dimension_numbers<[1], [1], [0], [0], [0, 0, 1, 0], [], []>, transpose_lhs_hint = false} : vector<5000x128xf32>, vector<128x128xf32>, vector<5000x128xf32> -> vector<5000x128xf32>
    %get3A_6 = arith.constant 0 : index
    %get3A_7 = arith.constant 0 : index
    %get3A_8 = vector.load %arg2[%get3A_6, %get3A_7] : memref<1x128xf32, #tpu.memory_space<vmem>>, vector<1x128xf32>
    %add3A = vector.broadcast %get3A_8 : vector<1x128xf32> to vector<5000x128xf32>
    %add3A_9 = arith.addf %dot_general3A_5, %add3A : vector<5000x128xf32>
    %swap3A = arith.constant 0 : index
    %swap3A_10 = arith.constant 0 : index
    %swap3A_11 = arith.constant 0 : index
    %swap3A_12 = vector.load %arg6[%swap3A, %swap3A_10, %swap3A_11] : memref<2x5120x128xf32, #tpu.memory_space<vmem>>, vector<1x5000x128xf32>
    %swap3A_13 = vector.shape_cast %swap3A_12 : vector<1x5000x128xf32> to vector<5000x128xf32>
    %swap3A_14 = vector.shape_cast %add3A_9 : vector<5000x128xf32> to vector<1x5000x128xf32>
    tpu.vector_store %arg6[%swap3A, %swap3A_10, %swap3A_11], %swap3A_14 {strides = array<i32>} : memref<2x5120x128xf32, #tpu.memory_space<vmem>>, vector<1x5000x128xf32>,
    %get3A_15 = arith.constant 0 : index
    %get3A_16 = arith.constant 0 : index
    %get3A_17 = vector.load %arg3[%get3A_15, %get3A_16] : memref<5000x128xf32, #tpu.memory_space<vmem>>, vector<5000x128xf32>
    %get3A_18 = arith.constant 0 : index
    %get3A_19 = arith.constant 0 : index
    %get3A_20 = vector.load %arg4[%get3A_18, %get3A_19] : memref<128x128xf32, #tpu.memory_space<vmem>>, vector<128x128xf32>
    %dot_general3A_21 = arith.constant dense<0.000000e+00> : vector<5000x128xf32>
    %dot_general3A_22 = tpu.matmul %get3A_17, %get3A_20, %dot_general3A_21 {dimension_numbers = #tpu.dot_dimension_numbers<[1], [1], [0], [0], [0, 0, 1, 0], [], []>, transpose_lhs_hint = false} : vector<5000x128xf32>, vector<128x128xf32>, vector<5000x128xf32> -> vector<5000x128xf32>
    %get3A_23 = arith.constant 0 : index
    %get3A_24 = arith.constant 0 : index
    %get3A_25 = vector.load %arg5[%get3A_23, %get3A_24] : memref<1x128xf32, #tpu.memory_space<vmem>>, vector<1x128xf32>
    %add3A_26 = vector.broadcast %get3A_25 : vector<1x128xf32> to vector<5000x128xf32>
    %add3A_27 = arith.addf %dot_general3A_22, %add3A_26 : vector<5000x128xf32>
    %swap3A_28 = arith.constant 1 : index
    %swap3A_29 = arith.constant 0 : index
    %swap3A_30 = arith.constant 0 : index
    %swap3A_31 = vector.load %arg6[%swap3A_28, %swap3A_29, %swap3A_30] : memref<2x5120x128xf32, #tpu.memory_space<vmem>>, vector<1x5000x128xf32>
    %swap3A_32 = vector.shape_cast %swap3A_31 : vector<1x5000x128xf32> to vector<5000x128xf32>
    %swap3A_33 = vector.shape_cast %add3A_27 : vector<5000x128xf32> to vector<1x5000x128xf32>
    tpu.vector_store %arg6[%swap3A_28, %swap3A_29, %swap3A_30], %swap3A_33 {strides = array<i32>} : memref<2x5120x128xf32, #tpu.memory_space<vmem>>, vector<1x5000x128xf32>,
    return
  }
}

</mosaic_0001>

<sc_bundles>
// kernel: kernel.5.cloned.1.call-start
scs
__scs_entry_jumppad:
0x0: {  	(pc) =	sbr.rel $0x88, $3  }
0x1: {  	(tag) =	ssettag $0x0;
	lr =	simm.s32 $0x1  }
0x2: {  	[smem:$0x3F99] =	sst lr;
	_ =	strace $0xD0000000  }
0x3: {  	_ = 	snop  }
0x4: {  	_ = 	snop  }
0x5: {  	_ = 	snop  }
0x6: {  	_ = 	snop  }
0x7: {  	_ = 	snop  }
__scs_overlays_trampoline_lowered:
0x8: {  	[smem:$0x3FA8] =	sst s0  }
0x9: {  	[smem:$0x3FA9] =	sst s1  }
0xa: {  	[smem:$0x3FAA] =	sst s2  }
0xb: {  	[smem:$0x3FAB] =	sst s3  }
0xc: {  	[smem:$0x3FAC] =	sst s4  }
0xd: {  	[smem:$0x3FAD] =	sst s5  }
0xe: {  	[smem:$0x3FAE] =	sst s6  }
0xf: {  	[smem:$0x3FAF] =	sst s7  }
0x10: {  	[smem:$0x3FB0] =	sst s8  }
0x11: {  	[smem:$0x3FB1] =	sst s9;
	s0 =	simm.s32 @!p0 $0x0  }
0x12: {  	s1 =	sld [smem:$0x3F97];
	s0 =	simm.s32 @p0 $0x1  }
0x13: {  	[smem:$0x3FB2] =	sst s0;
	s0 =	simm.s32 @!p1 $0x0  }
0x14: {  	s2 =	sld [smem:$0x3F96];
	s0 =	simm.s32 @p1 $0x1  }
0x15: {  	[smem:$0x3FB3] =	sst s0;
	s0 =	simm.s32 @!p2 $0x0  }
0x16: {  	s3 =	sld [smem:$0x3FDB];
	s0 =	simm.s32 @p2 $0x1  }
0x17: {  	s4 =	simm.s32 $0x1BF5;
	[smem:$0x3FB5] =	sst s0  }
0x18: {  	s0 =	sld [smem:$0x3F98];
	_ =	swait.ge [sflag:s4], $0x0  }
0x19: {  	s7 =	sld [smem:$0x3F99]  }
0x1a: {  	s8 =	sadd.s32 $0xFFFFE003, lr  }
0x1b: {  	s9 =	sadd.s32 $0xFFFFFEF7, lr;
	s5 =	simm.s32 $0xFFFFFFFF;
	p2 =	slt.u32 s8, $0xFFFFF086  }
0x1c: {  	p1 =	slt.u32 s9, $0xF7A;
	s5 =	simm.s32 @!p2 $0x0  }
0x1d: {  	s5 =	simm.s32 @p1 $0x1;
	p0 =	seq.s32 s7, s2  }
0x1e: {  	s7 =	smul.u32 @!p0 $0xF7A, s2;
	p2 =	seq.s32 @!p0 s5, $0x0  }
0x1f: {  	s9 =	smul.u32 $0xF7A, s1;
	s8 =	simm.s32 @!p0 $0x1BF5;
	p2 =	por !p2, p0  }
0x20: {  	[sflag:s8] =	ssyncset.s32 @!p0 $0xFFFFF086;
	s6 =	sadd.s32 @!p0 s3, s7;
	s7 =	simm.s32 @!p0 $0x108  }
0x21: {  	s3 =	sadd.s32 s3, s9;
	s6 =	sadd.s32 @!p0 $0x88, s6;
	s7 =	simm.s32 @p2 $0x1082  }
0x22: {  	[simem:s7], [sflag:s8] =	dma.local @!p0 [hbm:s6], $0xF7A  }
0x23: {  	s9 =	sor.u32 $0xD0000000, s2;
	s6 =	simm.s32 $0x108;
	_ =	swait.ge @!p0 [sflag:s8], $0x0  }
0x24: {  	s3 =	sadd.s32 $0x88, s3;
	s6 =	simm.s32 @!p1 $0x1082;
	[sflag:s4] =	ssyncset.s32 $0xFFFFF086  }
0x25: {  	[simem:s6], [sflag:s4] =	dma.local [hbm:s3], $0xF7A  }
0x26: {  	[smem:$0x3F99] =	sst s1;
	(tag) =	ssettag s2;
	_ =	strace s9  }
0x27: {  	s1 =	sld [smem:$0x3FA9]  }
0x28: {  	s2 =	sld [smem:$0x3FAA]  }
0x29: {  	s4 =	sld [smem:$0x3FAC]  }
0x2a: {  	p0 =	seq.s32 s5, $0x0;
	s5 =	sld [smem:$0x3FAD]  }
0x2b: {  	s6 =	sld [smem:$0x3FAE]  }
0x2c: {  	s7 =	sld [smem:$0x3FAF]  }
0x2d: {  	s3 =	simm.s32 $0x108;
	s8 =	sld [smem:$0x3FB0]  }
0x2e: {  	s3 =	simm.s32 @!p0 $0x1082;
	s9 =	sld [smem:$0x3FB1]  }
0x2f: {  	lr =	sadd.s32 s0, s3;
	s0 =	sld [smem:$0x3FA8]  }
0x30: {  	s3 =	sld [smem:$0x3FAB]  }
0x31: {  	[smem:$0x3FB4] =	sst s10  }
0x32: {  	s10 =	sld [smem:$0x3FB2];
	_ =	sdelay $0x3  }
0x33: {  	p0 =	seq.s32 s10, $0x1;
	s10 =	sld [smem:$0x3FB4];
	_ =	sdelay $0x3  }
0x34: {  	[smem:$0x3FB4] =	sst s10  }
0x35: {  	s10 =	sld [smem:$0x3FB3];
	_ =	sdelay $0x3  }
0x36: {  	p1 =	seq.s32 s10, $0x1;
	s10 =	sld [smem:$0x3FB4];
	_ =	sdelay $0x3  }
0x37: {  	[smem:$0x3FB4] =	sst s10  }
0x38: {  	s10 =	sld [smem:$0x3FB5]  }
0x39: {  	_ = 	snop;
	(pc) =	sbr.ind lr, $3  }
0x3a: {  	_ = 	snop  }
0x3b: {  	_ = 	snop  }
0x3c: {  	p2 =	seq.s32 s10, $0x1;
	s10 =	sld [smem:$0x3FB4]  }
0x3d: {  	_ =	shalt  }
0x3e: {  	_ =	shalt  }
0x3f: {  	_ =	shalt  }
0x40: {  	_ =	shalt  }
0x41: {  	_ =	shalt  }
0x42: {  	_ =	shalt  }
0x43: {  	_ =	shalt  }
0x44: {  	_ =	shalt  }
0x45: {  	_ =	shalt  }
0x46: {  	_ =	shalt  }
0x47: {  	_ =	shalt  }
0x48: {  	_ =	shalt  }
0x49: {  	_ =	shalt  }
0x4a: {  	_ =	shalt  }
0x4b: {  	_ =	shalt  }
0x4c: {  	_ =	shalt  }
0x4d: {  	_ =	shalt  }
0x4e: {  	_ =	shalt  }
0x4f: {  	_ =	shalt  }
0x50: {  	_ =	shalt  }
0x51: {  	_ =	shalt  }
0x52: {  	_ =	shalt  }
0x53: {  	_ =	shalt  }
0x54: {  	_ =	shalt  }
0x55: {  	_ =	shalt  }
0x56: {  	_ =	shalt  }
0x57: {  	_ =	shalt  }
0x58: {  	_ =	shalt  }
0x59: {  	_ =	shalt  }
0x5a: {  	_ =	shalt  }
0x5b: {  	_ =	shalt  }
0x5c: {  	_ =	shalt  }
0x5d: {  	_ =	shalt  }
0x5e: {  	_ =	shalt  }
0x5f: {  	_ =	shalt  }
0x60: {  	_ =	shalt  }
0x61: {  	_ =	shalt  }
0x62: {  	_ =	shalt  }
0x63: {  	_ =	shalt  }
0x64: {  	_ =	shalt  }
0x65: {  	_ =	shalt  }
0x66: {  	_ =	shalt  }
0x67: {  	_ =	shalt  }
0x68: {  	_ =	shalt  }
0x69: {  	_ =	shalt  }
0x6a: {  	_ =	shalt  }
0x6b: {  	_ =	shalt  }
0x6c: {  	_ =	shalt  }
0x6d: {  	_ =	shalt  }
0x6e: {  	_ =	shalt  }
0x6f: {  	_ =	shalt  }
0x70: {  	_ =	shalt  }
0x71: {  	_ =	shalt  }
0x72: {  	_ =	shalt  }
0x73: {  	_ =	shalt  }
0x74: {  	_ =	shalt  }
0x75: {  	_ =	shalt  }
0x76: {  	_ =	shalt  }
0x77: {  	_ =	shalt  }
0x78: {  	_ =	shalt  }
0x79: {  	_ =	shalt  }
0x7a: {  	_ =	shalt  }
0x7b: {  	_ =	shalt  }
0x7c: {  	_ =	shalt  }
0x7d: {  	_ =	shalt  }
0x7e: {  	_ =	shalt  }
0x7f: {  	_ =	shalt  }
0x80: {  	_ =	shalt  }
0x81: {  	_ =	shalt  }
0x82: {  	_ =	shalt  }
0x83: {  	_ =	shalt  }
0x84: {  	_ =	shalt  }
0x85: {  	_ =	shalt  }
0x86: {  	_ =	shalt  }
0x87: {  	_ =	shalt  }
.Lfunc_end0:
.L_simem_size_0:
called_computation_lowered:
.L_overlay_start_0:
0x88: {  	s2 =	sld [smem:$0x3FD9]  }
0x89: {  	s3 =	sld [smem:$0x3FFE];
	_ =	sdelay $0x1  }
0x8a: {  	s1 =	srdreg.scid  }
0x8b: {  	s0 =	sand.u32 $0x1, s1  }
0x8c: {  	s14 =	sshll.u32 s0, $0xA;
	s2 =	sadd.s32 s3, s2  }
0x8d: {  	s2 =	sadd.s32 s2, s14  }
0x8e: {  	[smem:$0x3FC0] =	sst s2  }
0x8f: {  	_ = 	snop  }
0x90: {  	s2 =	sld [smem:$0x3FD0];
	_ =	sdelay $0x2  }
0x91: {  	s15 =	simm.s32 $0xA;
	s4 =	simm.s32 $0x10  }
0x92: {  	[smem:s4], [sflag:s15] =	dma.local [hbm:s2], $0x1  }
0x93: {  	_ =	swait.eq [sflag:s15], $0x1  }
0x94: {  	[sflag:s15] =	ssyncset.done $0x0  }
0x95: {  	[sflag:s15] =	ssyncadd.s32 $0xFFFFFFFF  }
0x96: {  	s16 =	sld [smem:$0x11];
	(tm) =	ssettm $0x1  }
0x97: {  	s17 =	sld [smem:$0x3FFB];
	_ =	sdelay $0x3  }
0x98: {  	_ =	strace s17  }
0x99: {  	s3 =	sld [smem:$0x3FFC];
	_ =	sdelay $0x3  }
0x9a: {  	_ =	strace s3  }
0x9b: {  	s3 =	sld [smem:$0x3FFD];
	_ =	sdelay $0x3  }
0x9c: {  	_ =	strace s3  }
0x9d: {  	_ =	strace $0x8FFFFFFF  }
0x9e: {  	s18 =	sld [smem:$0x3FDB];
	_ =	sdelay $0x1  }
0x9f: {  	s19 =	simm.s32 $_scs_section_size  }
0xa0: {  	s5 =	simm.s32 $_size__tile_overlayer_lowered;
	s6 =	simm.s32 $_tile_overlayer_lowered  }
0xa1: {  	s22 =	simm.s32 $0x1BFF;
	s21 =	sshll.u32 s6, $0x1;
	s3 =	sadd.s32 s19, s18  }
0xa2: {  	s7 =	simm.s32 $0x0;
	s20 =	sshll.u32 s5, $0x1;
	s5 =	sadd.s32 s21, s3  }
0xa3: {  	[timem:s7], [sflag:s22] =	dma.local [hbm:s5], s20  }
0xa4: {  	_ =	swait.ge [sflag:s22], s20  }
0xa5: {  	s4 =	ssub.s32 $0x0, s20;
	[sflag:s22] =	ssyncset.done $0x0  }
0xa6: {  	[sflag:s22] =	ssyncadd.s32 s4;
	_ =	sdelay $0x1  }
0xa7: {  	s23 =	simm.s32 $0x1B8B  }
0xa8: {  	_ =	swait.ge [sflag:s23], $0x1  }
0xa9: {  	[sflag:s23] =	ssyncset.done $0x0  }
0xaa: {  	s25 =	simm.s32 $0x1B8E;
	s24 =	sld [smem:$0x3FFE];
	[sflag:s23] =	ssyncadd.s32 $0xFFFFFFFF  }
0xab: {  	s26 =	simm.s32 $execute0_lowered;
	[smem:$0x3FD2] =	sst s25  }
0xac: {  	s5 =	sshll.u32 s26, $0x1;
	_ =	strace $0x80000046;
	[dreg:$0x1] =	wrdreg $0xFFFFFFFF  }
0xad: {  	s28 =	simm.s32 $_size_execute0_lowered;
	s3 =	sadd.s32 s3, s5;
	[dreg:$0x0] =	wrdreg $0x0  }
0xae: {  	s5 =	sshll.u32 s28, $0x1;
	[dreg:$0x2] =	wrdreg s3  }
0xaf: {  	[dreg:$0x3] =	wrdreg s5  }
0xb0: {  	[dreg:$0x4] =	wrdreg $0xC0  }
0xb1: {  	_ =	task [dreg:s7], $0x5FFFF  }
0xb2: {  	[dreg:$0x1] =	wrdreg $0xFFFFFFFF  }
0xb3: {  	[dreg:$0x0] =	wrdreg $0x60  }
0xb4: {  	[dreg:$0x2] =	wrdreg s24  }
0xb5: {  	[dreg:$0x3] =	wrdreg s16  }
0xb6: {  	[dreg:$0x4] =	wrdreg $0x0  }
0xb7: {  	[dreg:$0x5] =	wrdreg $0xA0000  }
0xb8: {  	[dreg:$0x6] =	wrdreg $0x9  }
0xb9: {  	_ =	task.clear_ibuf [dreg:s7], $0x7FFFF;
	_ =	strace $0x90000046  }
0xba: {  	s29 =	simm.s32 $0x9;
	_ =	strace $0x80000048  }
0xbb: {  	_ =	swait.ge [sflag:s29], $0x1  }
0xbc: {  	[sflag:s29] =	ssyncadd.s32 $0xFFFFFFFF  }
0xbd: {  	_ =	strace $0x90000048  }
0xbe: {  	_ =	sfence  }
0xbf: {  	s30 =	sld [smem:$0x0];
	_ =	sdelay $0x2  }
0xc0: {  	s31 =	sshll.u32 s1, $0xD;
	s1 =	sshrl.u32 s1, $0x2  }
0xc1: {  	s3 =	sand.u32 $0x4000, s31;
	s1 =	sadd.s32 s1, s30  }
0xc2: {  	s0 =	sor.u32 s3, s0;
	s1 =	sshll.u32 s1, $0x11  }
0xc3: {  	s0 =	sor.u32 s1, s0  }
0xc4: {  	s0 =	sadd.s32 $0x8F2B, s0  }
0xc5: {  	[sflag:s0] =	ssyncadd.remote.s32 $0x1  }
0xc6: {  	_ =	sfence.sel $0xFFFF  }
0xc7: {  	[dreg:$0x0] =	wrdreg $0xFFFFFFFF;
	(pc) =	sbr.abs _section_cstart, $3  }
0xc8: {  	[dreg:$0x1] =	wrdreg $0xFFFFFFFF  }
0xc9: {  	_ =	task.clear_ibuf [dreg:s7], $0x2FFFF;
	_ =	strace $0x9FFFFFFF  }
0xca: {  	(tm) =	ssettm $0x7FFFFFFF  }
0xcb: {  	_ =	shalt  }
tec
execute0_lowered:
.L_overlay_start_1:
0x0: {  	(tag) =	ssettag $0x1  }
0x1: {  	s0 =	rddreg [dreg:$0x0]  }
0x2: {  	s2 =	rddreg [dreg:$0x2]  }
0x3: {  	s4 =	rddreg [dreg:$0x3];
	s3 =	simm.s32 $0x0;
	s1 =	srdreg.scid  }
0x4: {  	s16 =	stileid.u32;
	s28 =	simm.s32 $0x14000;
	s29 =	simm.s32 $0x1  }
0x5: {  	[smem:$0x7FF] =	sst s3;
	s1 =	sand.u32 $0x1, s1;
	s31 =	smul.u32 $0xA000, s16  }
0x6: {  	s7 =	sadd.s32 $0x14E00, s0;
	s5 =	sadd.s32 $0xE00, s0;
	s15 =	smul.u32 $0x2800, s16  }
0x7: {  	s11 =	sadd.s32 $0xAE00, s0;
	s8 =	sadd.s32 $0x3CE00, s0;
	s6 =	smul.u32 $0xA0000, s1  }
0x8: {  	s10 =	sxor.u32 $0x1, s1;
	s12 =	ssub.s32 $0x2, s1;
	s1 =	smul.u32 $0x28000, s1  }
0x9: {  	s21 =	sshll.u32 s16, $0x6;
	_ =	strace $0x80000047;
	s13 =	smul.u32 $0x28000, s10  }
0xa: {  	s17 =	sshrl.u32 s12, $0x1;
	s10 =	smul.u32 $0x140, s16;
	s19 =	sadd.s32 s31, s2  }
0xb: {  	s3 =	sadd.s32 s31, s4;
	s9 =	sadd.s32 s31, s6;
	s18 =	ssub.s32 s12, s17  }
0xc: {  	[dreg:$0x5] =	wrdreg s19;
	s1 =	sadd.s32 s15, s1;
	s12 =	sor.u32 $0x1C02, s21  }
0xd: {  	s21 =	simm.s32 $0x2;
	s9 =	sshrl.u32 s9, $0x3;
	s20 =	sadd.s32 s15, s13  }
0xe: {  	s1 =	sshrl.u32 s1, $0x3;
	s14 =	sadd.s32 s9, s0;
	s9 =	sadd.s32 $0x66200, s0  }
0xf: {  	s22 =	sshrl.u32 s20, $0x3;
	s24 =	sadd.s32 $0x280, s1;
	s25 =	sadd.s32 s5, s1  }
0x10: {  	s1 =	sadd.s32 s11, s1;
	s0 =	smax.u32 s18, $0x1;
	[dreg:$0x7] =	wrdreg s25  }
0x11: {  	s13 =	sadd.s32 s11, s22;
	[dreg:$0x8] =	wrdreg s1;
	s26 =	sadd.s32 s5, s24  }
0x12: {  	s30 =	sadd.s32 s11, s24;
	s31 =	sadd.s32 $0x3E200, s14;
	[dreg:$0xc] =	wrdreg s0  }
0x13: {  	s22 =	sshrl.u32 s3, $0x3;
	s24 =	simm.s32 $0x15400;
	[dreg:$0x9] =	wrdreg s26  }
0x14: {  	s25 =	simm.s32 $0x80;
	s0 =	simm.s32 $0x16780;
	[dreg:$0xa] =	wrdreg s30  }
0x15: {  	s3 =	simm.s32 $0x0;
	s23 =	sadd.s32 $0x280, s13;
	[dreg:$0xb] =	wrdreg s31  }
0x16: {  	s26 =	simm.s32 $0x1A800;
	[dreg:$0x6] =	wrdreg s23;
	s23 =	simm.s32 $0x16800  }
.LBB2_1:
0x17: {  	s1 =	rddreg [dreg:$0x5]  }
0x18: {  	s1 =	sshrl.u32 s1, $0x3  }
0x19: {  	[spmem:s1], [sflag:s12] =	dma.local [hbm:s8], $0x1400  }
0x1a: {  	_ =	swait.ge [sflag:s21], $0x1400  }
0x1b: {  	[sflag:s21] =	ssyncset.done $0x0  }
0x1c: {  	[sflag:s21] =	ssyncadd.s32 $0xFFFFEC00  }
0x1d: {  	[spmem:s22], [sflag:s12] =	dma.local [hbm:s8], $0x1400  }
0x1e: {  	_ =	swait.ge [sflag:s21], $0x1400  }
0x1f: {  	[sflag:s21] =	ssyncset.done $0x0  }
0x20: {  	[sflag:s21] =	ssyncadd.s32 $0xFFFFEC00  }
0x21: {  	s11 =	simm.s32 $0x0;
	s5 =	rddreg [dreg:$0x1]  }
0x22: {  	[tilespmem:s23], [sflag:$0x2] =	stream.linear.gather [hbm4b:s5+s11], $0x4000, $0x38;
	[tilespmem:$0x1E800] =	vst v63  }
0x23: {  	_ =	swait.ge [sflag:s21], $0x4000  }
0x24: {  	[sflag:s21] =	ssyncset.done $0x0  }
0x25: {  	[sflag:s21] =	ssyncadd.s32 $0xFFFFC000  }
0x26: {  	[bflag:$0x0] =	sbarrier.arrive $0xFFFF  }
0x27: {  	[tilespmem:s24], [sflag:$0x2] =	stream.linear.gather [hbm4b:s13+s11], $0x1400, $0x38;
	[tilespmem:$0x1E800] =	vst v63  }
0x28: {  	_ =	swait.ge [sflag:s21], $0x1400  }
0x29: {  	[sflag:s21] =	ssyncset.done $0x0  }
0x2a: {  	s31 =	simm.s32 $0x15400;
	[sflag:s21] =	ssyncadd.s32 $0xFFFFEC00  }
0x2b: {  	[spmem:s4] =	stream.indirect.scatter.add.f32 [tilespmem:s23], [sflag:$0x2], $0x80, s31, s25, $0xb8;
	[tilespmem:$0x1E800] =	vst v63  }
0x2c: {  	s5 =	simm.s32 $0x200;
	_ =	swait.ge [sflag:s21], $0x4000  }
.LBB2_2:
0x2d: {  	s11 =	sshra.s32 s5, $0x2;
	[sflag:s21] =	ssyncset.done $0x0;
	p0 =	sne.s32 s5, $0x4E00  }
.Ltmp0:
0x2e: {  	s11 =	sadd.s32 $0x15400, s11;
	[sflag:s21] =	ssyncadd.s32 $0xFFFFC000;
	(pc) =	sbr.rel @p0 .LBB2_2-.Ltmp0, $3  }
0x2f: {  	[spmem:s4] =	stream.indirect.scatter.add.f32 [tilespmem:s23], [sflag:$0x2], $0x80, s11, s25, $0xb8;
	[tilespmem:$0x1E800] =	vst v63  }
0x30: {  	s5 =	sadd.s32 $0x200, s5;
	_ =	sdelay $0x1  }
0x31: {  	_ =	swait.ge [sflag:s21], $0x4000  }
0x32: {  	[sflag:s21] =	ssyncset.done $0x0  }
0x33: {  	s5 =	simm.s32 $0x0;
	s11 =	rddreg [dreg:$0x6];
	[sflag:s21] =	ssyncadd.s32 $0xFFFFC000  }
0x34: {  	[tilespmem:s24], [sflag:$0x2] =	stream.linear.gather [hbm4b:s11+s5], $0x1400, $0x38;
	[tilespmem:$0x1E800] =	vst v63  }
0x35: {  	_ =	swait.ge [sflag:s21], $0x1400  }
0x36: {  	[sflag:s21] =	ssyncset.done $0x0  }
0x37: {  	s31 =	simm.s32 $0x15400;
	[sflag:s21] =	ssyncadd.s32 $0xFFFFEC00  }
0x38: {  	[spmem:s4] =	stream.indirect.scatter.add.f32 [tilespmem:s23], [sflag:$0x2], $0x80, s31, s25, $0xb8;
	[tilespmem:$0x1E800] =	vst v63  }
0x39: {  	s5 =	simm.s32 $0x200;
	_ =	swait.ge [sflag:s21], $0x4000  }
.LBB2_4:
0x3a: {  	s11 =	sshra.s32 s5, $0x2;
	[sflag:s21] =	ssyncset.done $0x0;
	p0 =	sne.s32 s5, $0x4E00  }
.Ltmp1:
0x3b: {  	s11 =	sadd.s32 $0x15400, s11;
	[sflag:s21] =	ssyncadd.s32 $0xFFFFC000;
	(pc) =	sbr.rel @p0 .LBB2_4-.Ltmp1, $3  }
0x3c: {  	[spmem:s4] =	stream.indirect.scatter.add.f32 [tilespmem:s23], [sflag:$0x2], $0x80, s11, s25, $0xb8;
	[tilespmem:$0x1E800] =	vst v63  }
0x3d: {  	s5 =	sadd.s32 $0x200, s5;
	_ =	sdelay $0x1  }
0x3e: {  	_ =	swait.ge [sflag:s21], $0x4000  }
0x3f: {  	[sflag:s21] =	ssyncset.done $0x0  }
0x40: {  	[sflag:s21] =	ssyncadd.s32 $0xFFFFC000  }
0x41: {  	s5 =	simm.s32 $0x0;
	s11 =	simm.s32 $0x0;
	[bflag:$0x0] =	sbarrier.arrive $0xFFFF  }
.LBB2_6:
0x42: {  	s14 =	sshll.u32 s11, $0x6  }
0x43: {  	s14 =	sadd.s32 s10, s14  }
0x44: {  	s15 =	sshll.u32 s14, $0x7  }
0x45: {  	s14 =	sand.u32 $0x3FFFFF80, s15  }
0x46: {  	s14 =	sadd.s32 s14, s4  }
0x47: {  	[tilespmem:s23], [sflag:$0x2] =	stream.linear.gather [spmem:s14], $0x2000, $0x38;
	[tilespmem:$0x1E800] =	vst v63  }
0x48: {  	s15 =	sadd.s32 s6, s15;
	_ =	swait.ge [sflag:s21], $0x2000  }
0x49: {  	s15 =	sshrl.u32 s15, $0x3;
	[sflag:s21] =	ssyncset.done $0x0  }
0x4a: {  	s16 =	sadd.s32 s7, s15;
	[sflag:s21] =	ssyncadd.s32 $0xFFFFE000  }
0x4b: {  	[tilespmem:s26], [sflag:$0x2] =	stream.linear.gather [hbm4b:s16+s5], $0x2000, $0x38;
	[tilespmem:$0x1E800] =	vst v63  }
0x4c: {  	_ =	swait.ge [sflag:s21], $0x2000  }
0x4d: {  	[sflag:s21] =	ssyncset.done $0x0  }
0x4e: {  	s15 =	sadd.s32 s9, s15;
	[sflag:s21] =	ssyncadd.s32 $0xFFFFE000  }
0x4f: {  	[hbm4b:s15+s5] =	stream.linear.scatter [tilespmem:s23], [sflag:$0x2], $0x2000, $0x38;
	[tilespmem:$0x1E800] =	vst v63  }
0x50: {  	_ =	swait.ge [sflag:s21], $0x2000  }
0x51: {  	[sflag:s21] =	ssyncset.done $0x0  }
0x52: {  	s19 =	simm.s32 $0x0;
	[sflag:s21] =	ssyncadd.s32 $0xFFFFE000  }
0x53: {  	v1 =	vld [tilespmem:s19+$0x16800];
	_ =	sdelay $0x4  }
0x54: {  	v0 =	vmul.f32 $5.000000000e-01, v1;
	v2 =	vshrl.u32 v1, $0x1  }
0x55: {  	v2 =	vsub.s32 $0x5F3759DF, v2  }
0x56: {  	v3 =	vmul.f32 v2, v0  }
0x57: {  	s30 =	simm.s32 $0x80  }
0x58: {  	v18 =	vld [tilespmem:s30+$0x16800];
	v3 =	vmul.f32 v2, v3;
	_ =	sdelay $0x1  }
0x59: {  	v3 =	vsub.f32 $1.500000000e+00, v3;
	_ =	sdelay $0x1  }
0x5a: {  	v2 =	vmul.f32 v2, v3  }
0x5b: {  	v4 =	vshrl.u32 v18, $0x1;
	v3 =	vmul.f32 $5.000000000e-01, v18  }
0x5c: {  	s18 =	simm.s32 $0x100;
	v5 =	vsub.s32 $0x5F3759DF, v4;
	v6 =	vmul.f32 v2, v0  }
0x5d: {  	v4 =	vld [tilespmem:s18+$0x16800];
	v7 =	vmul.f32 v5, v3  }
0x5e: {  	v6 =	vmul.f32 v6, v2  }
0x5f: {  	v7 =	vmul.f32 v5, v7  }
0x60: {  	v8 =	vsub.f32 $1.500000000e+00, v6  }
0x61: {  	v7 =	vsub.f32 $1.500000000e+00, v7  }
0x62: {  	v6 =	vmul.f32 $5.000000000e-01, v4;
	v8 =	vmul.f32 v8, v2;
	v2 =	vshrl.u32 v4, $0x1  }
0x63: {  	v7 =	vmul.f32 v5, v7;
	v9 =	vsub.s32 $0x5F3759DF, v2  }
0x64: {  	v10 =	vmul.f32 v9, v6  }
0x65: {  	s17 =	simm.s32 $0x180;
	v11 =	vmul.f32 v7, v3  }
0x66: {  	v2 =	vld [tilespmem:s17+$0x16800];
	v5 =	vmul.f32 v8, v0;
	v10 =	vmul.f32 v9, v10  }
0x67: {  	v11 =	vmul.f32 v11, v7  }
0x68: {  	s15 =	simm.s32 $0x200;
	v13 =	vld [tilespmem:s19+$0x1A850];
	v5 =	vmul.f32 v5, v8;
	v10 =	vsub.f32 $1.500000000e+00, v10  }
0x69: {  	v0 =	vld [tilespmem:s15+$0x16800];
	v11 =	vsub.f32 $1.500000000e+00, v11  }
0x6a: {  	v14 =	vld [tilespmem:s19+$0x1A840];
	vm0 =	vgt.f32 v1, $0.0e+00;
	v12 =	vsub.f32 $1.500000000e+00, v5;
	v10 =	vmul.f32 v9, v10  }
0x6b: {  	v16 =	vld [tilespmem:s19+$0x1A860];
	v5 =	vmul.f32 $5.000000000e-01, v2;
	v1 =	vshrl.u32 v2, $0x1;
	v9 =	vmul.f32 v11, v7  }
0x6c: {  	v15 =	vld [tilespmem:s19+$0x1A870];
	v8 =	vmul.f32 v12, v8;
	v7 =	vsub.s32 $0x5F3759DF, v1;
	v1 =	vmul.f32 v10, v6  }
0x6d: {  	v17 =	vld [tilespmem:s19+$0x1A800];
	v20 =	vmul.f32 v7, v5;
	v21 =	vmul.f32 v9, v3  }
0x6e: {  	v19 =	vld [tilespmem:s19+$0x1A820];
	v8 =	vnsel vm0, $0x0, v8;
	v3 =	vmul.f32 $5.000000000e-01, v0;
	v22 =	vmul.f32 v1, v10  }
0x6f: {  	v12 =	vld [tilespmem:s19+$0x1A830];
	v13 =	vmul.f32 v8, v13;
	v20 =	vmul.f32 v7, v20  }
0x70: {  	s16 =	simm.s32 $0x280;
	v11 =	vld [tilespmem:s19+$0x1A810];
	v14 =	vmul.f32 v8, v14;
	v16 =	vmul.f32 v8, v16;
	v22 =	vsub.f32 $1.500000000e+00, v22  }
0x71: {  	v23 =	vmul.f32 v8, v15;
	v1 =	vld [tilespmem:s16+$0x16800];
	v21 =	vmul.f32 v21, v9;
	[tilespmem:s19+$0x1A850] =	vst v13;
	v20 =	vsub.f32 $1.500000000e+00, v20  }
0x72: {  	vm0 =	vgt.f32 v18, $0.0e+00;
	v17 =	vmul.f32 v8, v17;
	v13 =	vld [tilespmem:s30+$0x1A850];
	[tilespmem:s19+$0x1A840] =	vst v14;
	v10 =	vmul.f32 v22, v10  }
0x73: {  	s31 =	simm.s32 $0xC00;
	v18 =	vmul.f32 v8, v19;
	v15 =	vsub.f32 $1.500000000e+00, v21;
	v14 =	vld [tilespmem:s30+$0x1A840];
	v7 =	vmul.f32 v7, v20;
	[tilespmem:s19+$0x1A870] =	vst v23  }
.LBB2_7:
0x74: {  	s20 =	sshra.s32 s31, $0x2;
	p0 =	sne.s32 s31, $0x7E00;
	s31 =	sadd.s32 $0x200, s31;
	v19 =	vshrl.u32 v0, $0x1;
	v20 =	vmul.f32 v10, v6;
	v21 =	vld [tilespmem:s30+$0x1A870];
	v12 =	vmul.f32 v8, v12;
	[tilespmem:s19+$0x1A860] =	vst v16;
	v6 =	vmovc v5  }
0x75: {  	v24 =	vmul.f32 v15, v9;
	v5 =	vmovc v3;
	v19 =	vsub.s32 $0x5F3759DF, v19;
	v16 =	vmul.f32 v7, v6;
	v15 =	vld [tilespmem:s30+$0x1A860];
	[tilespmem:s19+$0x1A800] =	vst v17  }
0x76: {  	v23 =	vmovc v2;
	v2 =	vmov v0;
	v11 =	vmul.f32 v8, v11;
	v17 =	vmul.f32 v19, v5;
	v22 =	vld [tilespmem:s30+$0x1A800];
	[tilespmem:s19+$0x1A820] =	vst v18  }
0x77: {  	v9 =	vmovc v10;
	v3 =	vmul.f32 $5.000000000e-01, v1;
	v8 =	vnsel vm0, $0x0, v24;
	v0 =	vmovc v1;
	v16 =	vmul.f32 v16, v7;
	v18 =	vld [tilespmem:s30+$0x1A820];
	[tilespmem:s19+$0x1A830] =	vst v12  }
.Ltmp2:
0x78: {  	v13 =	vmul.f32 v8, v13;
	v10 =	vmul.f32 v19, v17;
	v12 =	vld [tilespmem:s30+$0x1A830];
	[tilespmem:s19+$0x1A810] =	vst v11;
	s19 =	smov.u32 s30;
	s30 =	smov.u32 s18;
	(pc) =	sbr.rel @p0 .LBB2_7-.Ltmp2, $4  }
0x79: {  	v20 =	vmul.f32 v20, v9;
	v14 =	vmul.f32 v8, v14;
	s18 =	smov.u32 s17;
	s17 =	smov.u32 s15;
	s15 =	smov.u32 s16;
	v17 =	vsub.f32 $1.500000000e+00, v16;
	v11 =	vld [tilespmem:s19+$0x1A810]  }
0x7a: {  	s16 =	smov.u32 s20;
	v21 =	vmul.f32 v8, v21;
	v1 =	vld [tilespmem:s20+$0x16800];
	v24 =	vsub.f32 $1.500000000e+00, v10;
	[tilespmem:s19+$0x1A850] =	vst v13;
	v16 =	vmul.f32 v8, v15  }
0x7b: {  	v15 =	vsub.f32 $1.500000000e+00, v20;
	v10 =	vmul.f32 v17, v7;
	v13 =	vld [tilespmem:s30+$0x1A850];
	v17 =	vmul.f32 v8, v22;
	[tilespmem:s19+$0x1A840] =	vst v14  }
0x7c: {  	vm0 =	vgt.f32 v4, $0.0e+00;
	v4 =	vmovc v23;
	v7 =	vmul.f32 v19, v24;
	v14 =	vld [tilespmem:s30+$0x1A840];
	v18 =	vmul.f32 v8, v18;
	[tilespmem:s19+$0x1A870] =	vst v21  }
0x7d: {  	v19 =	vld [tilespmem:s30+$0x1A870];
	[tilespmem:s19+$0x1A860] =	vst v16;
	v9 =	vmul.f32 v15, v9  }
0x7e: {  	v12 =	vmul.f32 v8, v12;
	v16 =	vld [tilespmem:s30+$0x1A860];
	[tilespmem:s19+$0x1A800] =	vst v17  }
0x7f: {  	v6 =	vmul.f32 v10, v6;
	v52 =	vmul.f32 v8, v11;
	v17 =	vld [tilespmem:s30+$0x1A800];
	[tilespmem:s19+$0x1A820] =	vst v18;
	v9 =	vnsel vm0, $0x0, v9  }
0x80: {  	v59 =	vmul.f32 v7, v5;
	v51 =	vld [tilespmem:s30+$0x1A820];
	[tilespmem:s19+$0x1A830] =	vst v12;
	v54 =	vmul.f32 v9, v13  }
0x81: {  	v6 =	vmul.f32 v6, v10;
	v53 =	vld [tilespmem:s30+$0x1A830];
	[tilespmem:s19+$0x1A810] =	vst v52  }
0x82: {  	v62 =	vmul.f32 v59, v7;
	[tilespmem:s30+$0x1A850] =	vst v54  }
0x83: {  	v55 =	vmul.f32 v9, v14;
	v6 =	vsub.f32 $1.500000000e+00, v6;
	v12 =	vld [tilespmem:s18+$0x1A850]  }
0x84: {  	vm12 =	vgt.f32 v4, $0.0e+00;
	v8 =	vld [tilespmem:s30+$0x1A810];
	v56 =	vmul.f32 v9, v19;
	v4 =	vsub.f32 $1.500000000e+00, v62  }
0x85: {  	[tilespmem:s30+$0x1A840] =	vst v55;
	v16 =	vmul.f32 v9, v16;
	v6 =	vmul.f32 v6, v10  }
0x86: {  	v22 =	vshrl.u32 v0, $0x1;
	v13 =	vld [tilespmem:s18+$0x1A840];
	[tilespmem:s30+$0x1A870] =	vst v56;
	v17 =	vmul.f32 v9, v17;
	v4 =	vmul.f32 v4, v7  }
0x87: {  	v14 =	vld [tilespmem:s18+$0x1A870];
	[tilespmem:s30+$0x1A860] =	vst v16;
	v15 =	vmul.f32 v9, v51;
	v6 =	vnsel vm12, $0x0, v6;
	v11 =	vmul.f32 v9, v53  }
0x88: {  	v16 =	vld [tilespmem:s18+$0x1A860];
	[tilespmem:s30+$0x1A800] =	vst v17;
	v26 =	vmul.f32 v4, v5;
	v61 =	vmul.f32 v6, v12;
	v12 =	vsub.s32 $0x5F3759DF, v22  }
0x89: {  	v17 =	vld [tilespmem:s18+$0x1A800];
	[tilespmem:s30+$0x1A820] =	vst v15;
	v58 =	vmul.f32 v9, v8;
	v25 =	vmul.f32 v12, v3  }
0x8a: {  	v57 =	vld [tilespmem:s18+$0x1A820];
	[tilespmem:s30+$0x1A830] =	vst v11;
	v5 =	vmul.f32 v26, v4  }
0x8b: {  	v60 =	vld [tilespmem:s18+$0x1A830];
	[tilespmem:s30+$0x1A810] =	vst v58;
	v20 =	vmul.f32 v6, v13;
	v13 =	vmul.f32 v12, v25  }
0x8c: {  	[tilespmem:s18+$0x1A850] =	vst v61  }
0x8d: {  	v5 =	vsub.f32 $1.500000000e+00, v5;
	v11 =	vld [tilespmem:s17+$0x1A850];
	v13 =	vsub.f32 $1.500000000e+00, v13  }
0x8e: {  	v37 =	vmul.f32 $5.000000000e-01, v1  }
0x8f: {  	v38 =	vshrl.u32 v1, $0x1;
	v4 =	vmul.f32 v5, v4;
	v28 =	vmul.f32 v12, v13  }
0x90: {  	vm13 =	vgt.f32 v2, $0.0e+00;
	v12 =	vsub.s32 $0x5F3759DF, v38  }
0x91: {  	v4 =	vnsel vm13, $0x0, v4;
	v41 =	vmul.f32 v12, v37;
	v31 =	vmul.f32 v28, v3  }
0x92: {  	v21 =	vmul.f32 v6, v14;
	v33 =	vmul.f32 v4, v11  }
0x93: {  	v63 =	vld [tilespmem:s18+$0x1A810];
	v11 =	vmul.f32 v12, v41;
	v34 =	vmul.f32 v31, v28  }
0x94: {  	[tilespmem:s18+$0x1A840] =	vst v20;
	v24 =	vmul.f32 v6, v16  }
0x95: {  	v23 =	vld [tilespmem:s17+$0x1A840];
	[tilespmem:s18+$0x1A870] =	vst v21;
	v27 =	vmul.f32 v6, v17;
	v11 =	vsub.f32 $1.500000000e+00, v11;
	v2 =	vsub.f32 $1.500000000e+00, v34  }
0x96: {  	v15 =	vld [tilespmem:s17+$0x1A870];
	[tilespmem:s18+$0x1A860] =	vst v24;
	v10 =	vmul.f32 v6, v57  }
0x97: {  	v14 =	vld [tilespmem:s17+$0x1A860];
	[tilespmem:s18+$0x1A800] =	vst v27;
	v45 =	vmul.f32 v12, v11;
	v2 =	vmul.f32 v2, v28  }
0x98: {  	v9 =	vmul.f32 v6, v60;
	v16 =	vld [tilespmem:s17+$0x1A800];
	[tilespmem:s18+$0x1A820] =	vst v10;
	v30 =	vmul.f32 v6, v63  }
0x99: {  	v29 =	vld [tilespmem:s17+$0x1A820];
	v48 =	vmul.f32 v45, v37;
	v42 =	vmul.f32 v2, v3  }
0x9a: {  	[tilespmem:s18+$0x1A830] =	vst v9;
	v7 =	vmul.f32 v4, v23  }
0x9b: {  	v32 =	vld [tilespmem:s17+$0x1A830];
	[tilespmem:s18+$0x1A810] =	vst v30;
	v51 =	vmul.f32 v48, v45;
	v3 =	vmul.f32 v42, v2  }
0x9c: {  	vm14 =	vgt.f32 v0, $0.0e+00;
	v35 =	vld [tilespmem:s17+$0x1A810];
	[tilespmem:s17+$0x1A850] =	vst v33;
	v36 =	vmul.f32 v4, v15  }
0x9d: {  	v9 =	vld [tilespmem:s15+$0x1A850];
	[tilespmem:s17+$0x1A840] =	vst v7;
	v40 =	vmul.f32 v4, v14;
	v0 =	vsub.f32 $1.500000000e+00, v51;
	v3 =	vsub.f32 $1.500000000e+00, v3  }
0x9e: {  	v39 =	vld [tilespmem:s15+$0x1A840];
	[tilespmem:s17+$0x1A870] =	vst v36;
	v44 =	vmul.f32 v4, v16;
	v5 =	vmul.f32 v4, v29  }
0x9f: {  	v43 =	vld [tilespmem:s15+$0x1A870];
	[tilespmem:s17+$0x1A860] =	vst v40;
	v0 =	vmul.f32 v0, v45;
	v2 =	vmul.f32 v3, v2  }
0xa0: {  	v13 =	vld [tilespmem:s15+$0x1A860];
	[tilespmem:s17+$0x1A800] =	vst v44;
	v8 =	vmul.f32 v4, v32  }
0xa1: {  	v15 =	vld [tilespmem:s15+$0x1A800];
	[tilespmem:s17+$0x1A820] =	vst v5;
	v47 =	vmul.f32 v4, v35;
	v7 =	vmul.f32 v0, v37;
	v2 =	vnsel vm14, $0x0, v2  }
0xa2: {  	v46 =	vld [tilespmem:s15+$0x1A820];
	[tilespmem:s17+$0x1A830] =	vst v8;
	v50 =	vmul.f32 v2, v9  }
0xa3: {  	v49 =	vld [tilespmem:s15+$0x1A830];
	[tilespmem:s17+$0x1A810] =	vst v47;
	v53 =	vmul.f32 v2, v39;
	v7 =	vmul.f32 v7, v0  }
0xa4: {  	v52 =	vld [tilespmem:s15+$0x1A810];
	v54 =	vmul.f32 v2, v43;
	[tilespmem:s15+$0x1A850] =	vst v50  }
0xa5: {  	v56 =	vmul.f32 v2, v13;
	v7 =	vsub.f32 $1.500000000e+00, v7;
	v8 =	vld [tilespmem:s16+$0x1A850];
	[tilespmem:s15+$0x1A840] =	vst v53  }
0xa6: {  	v57 =	vmul.f32 v2, v15;
	v55 =	vld [tilespmem:s16+$0x1A840];
	[tilespmem:s15+$0x1A870] =	vst v54  }
0xa7: {  	v3 =	vmul.f32 v2, v46;
	v0 =	vmul.f32 v7, v0;
	v10 =	vld [tilespmem:s16+$0x1A870];
	[tilespmem:s15+$0x1A860] =	vst v56  }
0xa8: {  	vm15 =	vgt.f32 v1, $0.0e+00;
	v6 =	vmul.f32 v2, v49;
	v9 =	vld [tilespmem:s16+$0x1A860];
	[tilespmem:s15+$0x1A800] =	vst v57  }
0xa9: {  	v58 =	vmul.f32 v2, v52;
	v0 =	vnsel vm15, $0x0, v0;
	v11 =	vld [tilespmem:s16+$0x1A800];
	[tilespmem:s15+$0x1A820] =	vst v3  }
0xaa: {  	v3 =	vld [tilespmem:s16+$0x1A820];
	[tilespmem:s15+$0x1A830] =	vst v6;
	v60 =	vmul.f32 v0, v8  }
0xab: {  	v59 =	vld [tilespmem:s16+$0x1A830];
	[tilespmem:s15+$0x1A810] =	vst v58;
	v5 =	vmul.f32 v0, v55  }
0xac: {  	v1 =	vld [tilespmem:s16+$0x1A810];
	[tilespmem:s16+$0x1A850] =	vst v60;
	v61 =	vmul.f32 v0, v10  }
0xad: {  	v62 =	vmul.f32 v0, v9;
	[tilespmem:s16+$0x1A840] =	vst v5  }
0xae: {  	v63 =	vmul.f32 v0, v11;
	[tilespmem:s16+$0x1A870] =	vst v61  }
0xaf: {  	v3 =	vmul.f32 v0, v3;
	[tilespmem:s16+$0x1A860] =	vst v62  }
0xb0: {  	v2 =	vmul.f32 v0, v59;
	[tilespmem:s16+$0x1A800] =	vst v63  }
0xb1: {  	s11 =	sadd.s32 $0x1, s11;
	v0 =	vmul.f32 v0, v1;
	[tilespmem:s16+$0x1A820] =	vst v3  }
0xb2: {  	p0 =	sne.s32 s11, $0x5;
	[tilespmem:s16+$0x1A830] =	vst v2  }
.Ltmp3:
0xb3: {  	[tilespmem:s16+$0x1A810] =	vst v0;
	(pc) =	sbr.rel @p0 .LBB2_6-.Ltmp3, $4  }
0xb4: {  	[spmem:s14] =	stream.linear.scatter [tilespmem:s26], [sflag:$0x2], $0x2000, $0x38;
	[tilespmem:$0x1E800] =	vst v63  }
0xb5: {  	_ =	swait.ge [sflag:s21], $0x2000  }
0xb6: {  	[sflag:s21] =	ssyncset.done $0x0  }
0xb7: {  	[sflag:s21] =	ssyncadd.s32 $0xFFFFE000  }
0xb8: {  	[bflag:$0x0] =	sbarrier.arrive $0xFFFF  }
0xb9: {  	s5 =	simm.s32 $0x0;
	s11 =	rddreg [dreg:$0x7]  }
0xba: {  	[tilespmem:s28], [sflag:$0x2] =	stream.linear.gather [hbm4b:s11+s5], $0x1400, $0x38;
	[tilespmem:$0x1E800] =	vst v63  }
0xbb: {  	_ =	swait.ge [sflag:s21], $0x1400  }
0xbc: {  	[sflag:s21] =	ssyncset.done $0x0  }
0xbd: {  	s18 =	rddreg [dreg:$0x8];
	[sflag:s21] =	ssyncadd.s32 $0xFFFFEC00  }
0xbe: {  	[tilespmem:s24], [sflag:$0x2] =	stream.linear.gather [hbm4b:s18+s5], $0x1400, $0x38;
	[tilespmem:$0x1E800] =	vst v63  }
0xbf: {  	_ =	swait.ge [sflag:s21], $0x1400  }
0xc0: {  	[sflag:s21] =	ssyncset.done $0x0  }
0xc1: {  	[sflag:s21] =	ssyncadd.s32 $0xFFFFEC00  }
0xc2: {  	[tilespmem:s23], [sflag:$0x1] =	stream.indirect.gather [spmem:s4], $0x80, s28, s25, $0xb8;
	[tilespmem:$0x1E800] =	vst v63  }
0xc3: {  	_ =	swait.ge [sflag:s29], $0x4000  }
0xc4: {  	[sflag:s29] =	ssyncset.done $0x0  }
0xc5: {  	s19 =	simm.s32 $0x14080;
	[sflag:s29] =	ssyncadd.s32 $0xFFFFC000  }
0xc6: {  	[tilespmem:s26], [sflag:$0x1] =	stream.indirect.gather [spmem:s4], $0x80, s19, s25, $0xb8;
	[tilespmem:$0x1E800] =	vst v63  }
0xc7: {  	s20 =	simm.s32 $0x15400  }
0xc8: {  	[spmem:s2] =	stream.indirect.scatter.add.f32 [tilespmem:s23], [sflag:$0x2], $0x80, s20, s25, $0xb8;
	[tilespmem:$0x1E800] =	vst v63  }
0xc9: {  	_ =	swait.ge [sflag:s21], $0x4000  }
0xca: {  	[sflag:s21] =	ssyncset.done $0x0  }
0xcb: {  	[sflag:s21] =	ssyncadd.s32 $0xFFFFC000  }
0xcc: {  	_ =	swait.ge [sflag:s29], $0x4000  }
0xcd: {  	[sflag:s29] =	ssyncset.done $0x0  }
0xce: {  	s30 =	simm.s32 $0x14100;
	[sflag:s29] =	ssyncadd.s32 $0xFFFFC000  }
0xcf: {  	[tilespmem:s23], [sflag:$0x1] =	stream.indirect.gather [spmem:s4], $0x80, s30, s25, $0xb8;
	[tilespmem:$0x1E800] =	vst v63  }
0xd0: {  	s31 =	simm.s32 $0x15480  }
0xd1: {  	[spmem:s2] =	stream.indirect.scatter.add.f32 [tilespmem:s26], [sflag:$0x2], $0x80, s31, s25, $0xb8;
	[tilespmem:$0x1E800] =	vst v63  }
0xd2: {  	_ =	swait.ge [sflag:s21], $0x4000  }
0xd3: {  	s5 =	simm.s32 $0x400;
	[sflag:s21] =	ssyncset.done $0x0  }
.LBB2_10:
0xd4: {  	p0 =	sne.s32 s5, $0x4800  }
0xd5: {  	[sflag:s21] =	ssyncadd.s32 $0xFFFFC000;
	s11 =	smov.u32 s5;
	s5 =	sadd.s32 $0x400, s5  }
0xd6: {  	_ = 	snop  }
0xd7: {  	_ =	swait.ge [sflag:s29], $0x4000  }
0xd8: {  	s11 =	sshra.s32 s11, $0x2;
	[sflag:s29] =	ssyncset.done $0x0  }
0xd9: {  	s14 =	sadd.s32 $0x14080, s11;
	[sflag:s29] =	ssyncadd.s32 $0xFFFFC000  }
0xda: {  	[tilespmem:s26], [sflag:$0x1] =	stream.indirect.gather [spmem:s4], $0x80, s14, s25, $0xb8;
	[tilespmem:$0x1E800] =	vst v63  }
0xdb: {  	s14 =	sadd.s32 $0x15400, s11  }
0xdc: {  	[spmem:s2] =	stream.indirect.scatter.add.f32 [tilespmem:s23], [sflag:$0x2], $0x80, s14, s25, $0xb8;
	[tilespmem:$0x1E800] =	vst v63  }
0xdd: {  	_ =	swait.ge [sflag:s21], $0x4000  }
0xde: {  	[sflag:s21] =	ssyncset.done $0x0  }
0xdf: {  	[sflag:s21] =	ssyncadd.s32 $0xFFFFC000  }
0xe0: {  	_ =	swait.ge [sflag:s29], $0x4000  }
0xe1: {  	[sflag:s29] =	ssyncset.done $0x0  }
0xe2: {  	s14 =	sadd.s32 $0x14100, s11;
	[sflag:s29] =	ssyncadd.s32 $0xFFFFC000  }
0xe3: {  	[tilespmem:s23], [sflag:$0x1] =	stream.indirect.gather [spmem:s4], $0x80, s14, s25, $0xb8;
	[tilespmem:$0x1E800] =	vst v63  }
.Ltmp4:
0xe4: {  	_ = 	snop;
	(pc) =	sbr.rel @p0 .LBB2_10-.Ltmp4, $4  }
0xe5: {  	s11 =	sadd.s32 $0x15480, s11  }
0xe6: {  	[spmem:s2] =	stream.indirect.scatter.add.f32 [tilespmem:s26], [sflag:$0x2], $0x80, s11, s25, $0xb8;
	[tilespmem:$0x1E800] =	vst v63  }
0xe7: {  	_ =	swait.ge [sflag:s21], $0x4000  }
0xe8: {  	[sflag:s21] =	ssyncset.done $0x0  }
0xe9: {  	[sflag:s21] =	ssyncadd.s32 $0xFFFFC000  }
0xea: {  	_ =	swait.ge [sflag:s29], $0x4000  }
0xeb: {  	[sflag:s29] =	ssyncset.done $0x0  }
0xec: {  	s15 =	simm.s32 $0x15380;
	[sflag:s29] =	ssyncadd.s32 $0xFFFFC000  }
0xed: {  	[tilespmem:s26], [sflag:$0x1] =	stream.indirect.gather [spmem:s4], $0x80, s15, s25, $0xb8;
	[tilespmem:$0x1E800] =	vst v63  }
0xee: {  	s16 =	simm.s32 $0x16700  }
0xef: {  	[spmem:s2] =	stream.indirect.scatter.add.f32 [tilespmem:s23], [sflag:$0x2], $0x80, s16, s25, $0xb8;
	[tilespmem:$0x1E800] =	vst v63  }
0xf0: {  	_ =	swait.ge [sflag:s21], $0x4000  }
0xf1: {  	[sflag:s21] =	ssyncset.done $0x0  }
0xf2: {  	[sflag:s21] =	ssyncadd.s32 $0xFFFFC000  }
0xf3: {  	_ =	swait.ge [sflag:s29], $0x4000  }
0xf4: {  	[sflag:s29] =	ssyncset.done $0x0  }
0xf5: {  	[sflag:s29] =	ssyncadd.s32 $0xFFFFC000  }
0xf6: {  	[spmem:s2] =	stream.indirect.scatter.add.f32 [tilespmem:s26], [sflag:$0x2], $0x80, s0, s25, $0xb8;
	[tilespmem:$0x1E800] =	vst v63  }
0xf7: {  	_ =	swait.ge [sflag:s21], $0x4000  }
0xf8: {  	[sflag:s21] =	ssyncset.done $0x0  }
0xf9: {  	s5 =	simm.s32 $0x0;
	s11 =	rddreg [dreg:$0x9];
	[sflag:s21] =	ssyncadd.s32 $0xFFFFC000  }
0xfa: {  	[tilespmem:s28], [sflag:$0x2] =	stream.linear.gather [hbm4b:s11+s5], $0x1400, $0x38;
	[tilespmem:$0x1E800] =	vst v63  }
0xfb: {  	_ =	swait.ge [sflag:s21], $0x1400  }
0xfc: {  	[sflag:s21] =	ssyncset.done $0x0  }
0xfd: {  	s18 =	rddreg [dreg:$0xa];
	[sflag:s21] =	ssyncadd.s32 $0xFFFFEC00  }
0xfe: {  	[tilespmem:s24], [sflag:$0x2] =	stream.linear.gather [hbm4b:s18+s5], $0x1400, $0x38;
	[tilespmem:$0x1E800] =	vst v63  }
0xff: {  	_ =	swait.ge [sflag:s21], $0x1400  }
0x100: {  	[sflag:s21] =	ssyncset.done $0x0  }
0x101: {  	[sflag:s21] =	ssyncadd.s32 $0xFFFFEC00  }
0x102: {  	[tilespmem:s23], [sflag:$0x1] =	stream.indirect.gather [spmem:s4], $0x80, s28, s25, $0xb8;
	[tilespmem:$0x1E800] =	vst v63  }
0x103: {  	_ =	swait.ge [sflag:s29], $0x4000  }
0x104: {  	[sflag:s29] =	ssyncset.done $0x0  }
0x105: {  	s19 =	simm.s32 $0x14080;
	[sflag:s29] =	ssyncadd.s32 $0xFFFFC000  }
0x106: {  	[tilespmem:s26], [sflag:$0x1] =	stream.indirect.gather [spmem:s4], $0x80, s19, s25, $0xb8;
	[tilespmem:$0x1E800] =	vst v63  }
0x107: {  	s20 =	simm.s32 $0x15400  }
0x108: {  	[spmem:s2] =	stream.indirect.scatter.add.f32 [tilespmem:s23], [sflag:$0x2], $0x80, s20, s25, $0xb8;
	[tilespmem:$0x1E800] =	vst v63  }
0x109: {  	_ =	swait.ge [sflag:s21], $0x4000  }
0x10a: {  	[sflag:s21] =	ssyncset.done $0x0  }
0x10b: {  	[sflag:s21] =	ssyncadd.s32 $0xFFFFC000  }
0x10c: {  	_ =	swait.ge [sflag:s29], $0x4000  }
0x10d: {  	[sflag:s29] =	ssyncset.done $0x0  }
0x10e: {  	s30 =	simm.s32 $0x14100;
	[sflag:s29] =	ssyncadd.s32 $0xFFFFC000  }
0x10f: {  	[tilespmem:s23], [sflag:$0x1] =	stream.indirect.gather [spmem:s4], $0x80, s30, s25, $0xb8;
	[tilespmem:$0x1E800] =	vst v63  }
0x110: {  	s31 =	simm.s32 $0x15480  }
0x111: {  	[spmem:s2] =	stream.indirect.scatter.add.f32 [tilespmem:s26], [sflag:$0x2], $0x80, s31, s25, $0xb8;
	[tilespmem:$0x1E800] =	vst v63  }
0x112: {  	_ =	swait.ge [sflag:s21], $0x4000  }
0x113: {  	s5 =	simm.s32 $0x400;
	[sflag:s21] =	ssyncset.done $0x0  }
.LBB2_12:
0x114: {  	p0 =	sne.s32 s5, $0x4800  }
0x115: {  	[sflag:s21] =	ssyncadd.s32 $0xFFFFC000;
	s11 =	smov.u32 s5;
	s5 =	sadd.s32 $0x400, s5  }
0x116: {  	_ = 	snop  }
0x117: {  	_ =	swait.ge [sflag:s29], $0x4000  }
0x118: {  	s11 =	sshra.s32 s11, $0x2;
	[sflag:s29] =	ssyncset.done $0x0  }
0x119: {  	s14 =	sadd.s32 $0x14080, s11;
	[sflag:s29] =	ssyncadd.s32 $0xFFFFC000  }
0x11a: {  	[tilespmem:s26], [sflag:$0x1] =	stream.indirect.gather [spmem:s4], $0x80, s14, s25, $0xb8;
	[tilespmem:$0x1E800] =	vst v63  }
0x11b: {  	s14 =	sadd.s32 $0x15400, s11  }
0x11c: {  	[spmem:s2] =	stream.indirect.scatter.add.f32 [tilespmem:s23], [sflag:$0x2], $0x80, s14, s25, $0xb8;
	[tilespmem:$0x1E800] =	vst v63  }
0x11d: {  	_ =	swait.ge [sflag:s21], $0x4000  }
0x11e: {  	[sflag:s21] =	ssyncset.done $0x0  }
0x11f: {  	[sflag:s21] =	ssyncadd.s32 $0xFFFFC000  }
0x120: {  	_ =	swait.ge [sflag:s29], $0x4000  }
0x121: {  	[sflag:s29] =	ssyncset.done $0x0  }
0x122: {  	s14 =	sadd.s32 $0x14100, s11;
	[sflag:s29] =	ssyncadd.s32 $0xFFFFC000  }
0x123: {  	[tilespmem:s23], [sflag:$0x1] =	stream.indirect.gather [spmem:s4], $0x80, s14, s25, $0xb8;
	[tilespmem:$0x1E800] =	vst v63  }
.Ltmp5:
0x124: {  	_ = 	snop;
	(pc) =	sbr.rel @p0 .LBB2_12-.Ltmp5, $4  }
0x125: {  	s11 =	sadd.s32 $0x15480, s11  }
0x126: {  	[spmem:s2] =	stream.indirect.scatter.add.f32 [tilespmem:s26], [sflag:$0x2], $0x80, s11, s25, $0xb8;
	[tilespmem:$0x1E800] =	vst v63  }
0x127: {  	_ =	swait.ge [sflag:s21], $0x4000  }
0x128: {  	[sflag:s21] =	ssyncset.done $0x0  }
0x129: {  	[sflag:s21] =	ssyncadd.s32 $0xFFFFC000  }
0x12a: {  	_ =	swait.ge [sflag:s29], $0x4000  }
0x12b: {  	[sflag:s29] =	ssyncset.done $0x0  }
0x12c: {  	[sflag:s29] =	ssyncadd.s32 $0xFFFFC000  }
0x12d: {  	[tilespmem:s26], [sflag:$0x1] =	stream.indirect.gather [spmem:s4], $0x80, s15, s25, $0xb8;
	[tilespmem:$0x1E800] =	vst v63  }
0x12e: {  	_ = 	snop  }
0x12f: {  	[spmem:s2] =	stream.indirect.scatter.add.f32 [tilespmem:s23], [sflag:$0x2], $0x80, s16, s25, $0xb8;
	[tilespmem:$0x1E800] =	vst v63  }
0x130: {  	_ =	swait.ge [sflag:s21], $0x4000  }
0x131: {  	[sflag:s21] =	ssyncset.done $0x0  }
0x132: {  	[sflag:s21] =	ssyncadd.s32 $0xFFFFC000  }
0x133: {  	_ =	swait.ge [sflag:s29], $0x4000  }
0x134: {  	[sflag:s29] =	ssyncset.done $0x0  }
0x135: {  	[sflag:s29] =	ssyncadd.s32 $0xFFFFC000  }
0x136: {  	[spmem:s2] =	stream.indirect.scatter.add.f32 [tilespmem:s26], [sflag:$0x2], $0x80, s0, s25, $0xb8;
	[tilespmem:$0x1E800] =	vst v63  }
0x137: {  	_ =	swait.ge [sflag:s21], $0x4000  }
0x138: {  	[sflag:s21] =	ssyncset.done $0x0  }
0x139: {  	[sflag:s21] =	ssyncadd.s32 $0xFFFFC000  }
0x13a: {  	[bflag:$0x0] =	sbarrier.arrive $0xFFFF  }
0x13b: {  	s5 =	rddreg [dreg:$0xb]  }
0x13c: {  	[hbm:s5], [sflag:s12] =	dma.local [spmem:s1], $0x1400  }
0x13d: {  	_ =	swait.ge [sflag:s21], $0x1400  }
0x13e: {  	s3 =	sadd.s32 $0x1, s3;
	s31 =	rddreg [dreg:$0xc]  }
0x13f: {  	p0 =	sne.s32 s3, s31  }
.Ltmp6:
0x140: {  	_ = 	snop;
	(pc) =	sbr.rel @p0 .LBB2_1-.Ltmp6, $3  }
0x141: {  	_ =	sdelay $0x1  }
0x142: {  	[sflag:s21] =	ssyncset.done $0x0  }
0x143: {  	[sflag:s21] =	ssyncadd.s32 $0xFFFFEC00  }
0x144: {  	_ =	sfence.sel $0x180000  }
0x145: {  	[bflag:$0x0] =	sbarrier.arrive $0xFFFF  }
0x146: {  	_ =	strace $0x90000047  }
0x147: {  	s0 =	stileid.u32;
	[bflag:$0x2] =	sbarrier.arrive $0xFFFF  }
0x148: {  	p0 =	sne.s32 s0, $0x0;
	s0 =	rddreg [dreg:$0x4]  }
0x149: {  	s0 =	sadd.s32 @!p0 $0x100000, s0  }
0x14a: {  	[sflag:s0] =	ssyncadd.tile.s32 @!p0 $0x1;
	_ =	shalt  }
.Lfunc_end2:
_tile_overlayer_lowered:
.L_overlay_start_2:
0x14b: {  	(tag) =	ssettag $0x2  }
0x14c: {  	s0 =	rddreg [dreg:$0x0];
	s2 =	stileid.u32  }
0x14d: {  	s1 =	rddreg [dreg:$0x1];
	p0 =	sne.s32 s2, $0x0  }
0x14e: {  	s3 =	rddreg [dreg:$0x2];
	[bflag:$0x3] =	sbarrier.arrive $0xFFFF;
	s2 =	simm.s32 @!p0 $0x1C02  }
0x14f: {  	[timem:s3], [sflag:s2] =	dma.local @!p0 [hbm:s0], s1  }
0x150: {  	s0 =	simm.s32 @!p0 $0x2  }
0x151: {  	_ =	swait.ge @!p0 [sflag:s0], s1  }
0x152: {  	s1 =	ssub.s32 @!p0 $0x0, s1;
	[sflag:s0] =	ssyncset.done @!p0 $0x0  }
0x153: {  	[sflag:s0] =	ssyncadd.s32 @!p0 s1  }
0x154: {  	[bflag:$0x3] =	sbarrier.arrive $0xFFFF  }
0x155: {  	_ =	shalt  }

// kernel: kernel.8.cloned.1.call-start
scs
__scs_entry_jumppad:
0x0: {  	(pc) =	sbr.rel $0x88, $3  }
0x1: {  	(tag) =	ssettag $0x0;
	lr =	simm.s32 $0x1  }
0x2: {  	[smem:$0x3F99] =	sst lr;
	_ =	strace $0xD0000000  }
0x3: {  	_ = 	snop  }
0x4: {  	_ = 	snop  }
0x5: {  	_ = 	snop  }
0x6: {  	_ = 	snop  }
0x7: {  	_ = 	snop  }
__scs_overlays_trampoline_lowered:
0x8: {  	[smem:$0x3FA8] =	sst s0  }
0x9: {  	[smem:$0x3FA9] =	sst s1  }
0xa: {  	[smem:$0x3FAA] =	sst s2  }
0xb: {  	[smem:$0x3FAB] =	sst s3  }
0xc: {  	[smem:$0x3FAC] =	sst s4  }
0xd: {  	[smem:$0x3FAD] =	sst s5  }
0xe: {  	[smem:$0x3FAE] =	sst s6  }
0xf: {  	[smem:$0x3FAF] =	sst s7  }
0x10: {  	[smem:$0x3FB0] =	sst s8  }
0x11: {  	[smem:$0x3FB1] =	sst s9;
	s0 =	simm.s32 @!p0 $0x0  }
0x12: {  	s1 =	sld [smem:$0x3F97];
	s0 =	simm.s32 @p0 $0x1  }
0x13: {  	[smem:$0x3FB2] =	sst s0;
	s0 =	simm.s32 @!p1 $0x0  }
0x14: {  	s2 =	sld [smem:$0x3F96];
	s0 =	simm.s32 @p1 $0x1  }
0x15: {  	[smem:$0x3FB3] =	sst s0;
	s0 =	simm.s32 @!p2 $0x0  }
0x16: {  	s3 =	sld [smem:$0x3FDB];
	s0 =	simm.s32 @p2 $0x1  }
0x17: {  	s4 =	simm.s32 $0x1BF5;
	[smem:$0x3FB5] =	sst s0  }
0x18: {  	s0 =	sld [smem:$0x3F98];
	_ =	swait.ge [sflag:s4], $0x0  }
0x19: {  	s7 =	sld [smem:$0x3F99]  }
0x1a: {  	s8 =	sadd.s32 $0xFFFFE003, lr  }
0x1b: {  	s9 =	sadd.s32 $0xFFFFFEF7, lr;
	s5 =	simm.s32 $0xFFFFFFFF;
	p2 =	slt.u32 s8, $0xFFFFF086  }
0x1c: {  	p1 =	slt.u32 s9, $0xF7A;
	s5 =	simm.s32 @!p2 $0x0  }
0x1d: {  	s5 =	simm.s32 @p1 $0x1;
	p0 =	seq.s32 s7, s2  }
0x1e: {  	s7 =	smul.u32 @!p0 $0xF7A, s2;
	p2 =	seq.s32 @!p0 s5, $0x0  }
0x1f: {  	s9 =	smul.u32 $0xF7A, s1;
	s8 =	simm.s32 @!p0 $0x1BF5;
	p2 =	por !p2, p0  }
0x20: {  	[sflag:s8] =	ssyncset.s32 @!p0 $0xFFFFF086;
	s6 =	sadd.s32 @!p0 s3, s7;
	s7 =	simm.s32 @!p0 $0x108  }
0x21: {  	s3 =	sadd.s32 s3, s9;
	s6 =	sadd.s32 @!p0 $0x88, s6;
	s7 =	simm.s32 @p2 $0x1082  }
0x22: {  	[simem:s7], [sflag:s8] =	dma.local @!p0 [hbm:s6], $0xF7A  }
0x23: {  	s9 =	sor.u32 $0xD0000000, s2;
	s6 =	simm.s32 $0x108;
	_ =	swait.ge @!p0 [sflag:s8], $0x0  }
0x24: {  	s3 =	sadd.s32 $0x88, s3;
	s6 =	simm.s32 @!p1 $0x1082;
	[sflag:s4] =	ssyncset.s32 $0xFFFFF086  }
0x25: {  	[simem:s6], [sflag:s4] =	dma.local [hbm:s3], $0xF7A  }
0x26: {  	[smem:$0x3F99] =	sst s1;
	(tag) =	ssettag s2;
	_ =	strace s9  }
0x27: {  	s1 =	sld [smem:$0x3FA9]  }
0x28: {  	s2 =	sld [smem:$0x3FAA]  }
0x29: {  	s4 =	sld [smem:$0x3FAC]  }
0x2a: {  	p0 =	seq.s32 s5, $0x0;
	s5 =	sld [smem:$0x3FAD]  }
0x2b: {  	s6 =	sld [smem:$0x3FAE]  }
0x2c: {  	s7 =	sld [smem:$0x3FAF]  }
0x2d: {  	s3 =	simm.s32 $0x108;
	s8 =	sld [smem:$0x3FB0]  }
0x2e: {  	s3 =	simm.s32 @!p0 $0x1082;
	s9 =	sld [smem:$0x3FB1]  }
0x2f: {  	lr =	sadd.s32 s0, s3;
	s0 =	sld [smem:$0x3FA8]  }
0x30: {  	s3 =	sld [smem:$0x3FAB]  }
0x31: {  	[smem:$0x3FB4] =	sst s10  }
0x32: {  	s10 =	sld [smem:$0x3FB2];
	_ =	sdelay $0x3  }
0x33: {  	p0 =	seq.s32 s10, $0x1;
	s10 =	sld [smem:$0x3FB4];
	_ =	sdelay $0x3  }
0x34: {  	[smem:$0x3FB4] =	sst s10  }
0x35: {  	s10 =	sld [smem:$0x3FB3];
	_ =	sdelay $0x3  }
0x36: {  	p1 =	seq.s32 s10, $0x1;
	s10 =	sld [smem:$0x3FB4];
	_ =	sdelay $0x3  }
0x37: {  	[smem:$0x3FB4] =	sst s10  }
0x38: {  	s10 =	sld [smem:$0x3FB5]  }
0x39: {  	_ = 	snop;
	(pc) =	sbr.ind lr, $3  }
0x3a: {  	_ = 	snop  }
0x3b: {  	_ = 	snop  }
0x3c: {  	p2 =	seq.s32 s10, $0x1;
	s10 =	sld [smem:$0x3FB4]  }
0x3d: {  	_ =	shalt  }
0x3e: {  	_ =	shalt  }
0x3f: {  	_ =	shalt  }
0x40: {  	_ =	shalt  }
0x41: {  	_ =	shalt  }
0x42: {  	_ =	shalt  }
0x43: {  	_ =	shalt  }
0x44: {  	_ =	shalt  }
0x45: {  	_ =	shalt  }
0x46: {  	_ =	shalt  }
0x47: {  	_ =	shalt  }
0x48: {  	_ =	shalt  }
0x49: {  	_ =	shalt  }
0x4a: {  	_ =	shalt  }
0x4b: {  	_ =	shalt  }
0x4c: {  	_ =	shalt  }
0x4d: {  	_ =	shalt  }
0x4e: {  	_ =	shalt  }
0x4f: {  	_ =	shalt  }
0x50: {  	_ =	shalt  }
0x51: {  	_ =	shalt  }
0x52: {  	_ =	shalt  }
0x53: {  	_ =	shalt  }
0x54: {  	_ =	shalt  }
0x55: {  	_ =	shalt  }
0x56: {  	_ =	shalt  }
0x57: {  	_ =	shalt  }
0x58: {  	_ =	shalt  }
0x59: {  	_ =	shalt  }
0x5a: {  	_ =	shalt  }
0x5b: {  	_ =	shalt  }
0x5c: {  	_ =	shalt  }
0x5d: {  	_ =	shalt  }
0x5e: {  	_ =	shalt  }
0x5f: {  	_ =	shalt  }
0x60: {  	_ =	shalt  }
0x61: {  	_ =	shalt  }
0x62: {  	_ =	shalt  }
0x63: {  	_ =	shalt  }
0x64: {  	_ =	shalt  }
0x65: {  	_ =	shalt  }
0x66: {  	_ =	shalt  }
0x67: {  	_ =	shalt  }
0x68: {  	_ =	shalt  }
0x69: {  	_ =	shalt  }
0x6a: {  	_ =	shalt  }
0x6b: {  	_ =	shalt  }
0x6c: {  	_ =	shalt  }
0x6d: {  	_ =	shalt  }
0x6e: {  	_ =	shalt  }
0x6f: {  	_ =	shalt  }
0x70: {  	_ =	shalt  }
0x71: {  	_ =	shalt  }
0x72: {  	_ =	shalt  }
0x73: {  	_ =	shalt  }
0x74: {  	_ =	shalt  }
0x75: {  	_ =	shalt  }
0x76: {  	_ =	shalt  }
0x77: {  	_ =	shalt  }
0x78: {  	_ =	shalt  }
0x79: {  	_ =	shalt  }
0x7a: {  	_ =	shalt  }
0x7b: {  	_ =	shalt  }
0x7c: {  	_ =	shalt  }
0x7d: {  	_ =	shalt  }
0x7e: {  	_ =	shalt  }
0x7f: {  	_ =	shalt  }
0x80: {  	_ =	shalt  }
0x81: {  	_ =	shalt  }
0x82: {  	_ =	shalt  }
0x83: {  	_ =	shalt  }
0x84: {  	_ =	shalt  }
0x85: {  	_ =	shalt  }
0x86: {  	_ =	shalt  }
0x87: {  	_ =	shalt  }
.Lfunc_end0:
.L_simem_size_0:
called_computation.1_lowered:
.L_overlay_start_0:
0x88: {  	s2 =	sld [smem:$0x3FD9]  }
0x89: {  	s3 =	sld [smem:$0x3FFE];
	_ =	sdelay $0x1  }
0x8a: {  	s1 =	srdreg.scid  }
0x8b: {  	s0 =	sand.u32 $0x1, s1  }
0x8c: {  	s14 =	sshll.u32 s0, $0xA;
	s2 =	sadd.s32 s3, s2  }
0x8d: {  	s2 =	sadd.s32 s2, s14  }
0x8e: {  	[smem:$0x3FC0] =	sst s2  }
0x8f: {  	_ = 	snop  }
0x90: {  	s2 =	sld [smem:$0x3FD0];
	_ =	sdelay $0x2  }
0x91: {  	s15 =	simm.s32 $0xA;
	s4 =	simm.s32 $0x10  }
0x92: {  	[smem:s4], [sflag:s15] =	dma.local [hbm:s2], $0x1  }
0x93: {  	_ =	swait.eq [sflag:s15], $0x1  }
0x94: {  	[sflag:s15] =	ssyncset.done $0x0  }
0x95: {  	s16 =	sld [smem:$0x10];
	[sflag:s15] =	ssyncadd.s32 $0xFFFFFFFF  }
0x96: {  	s17 =	sld [smem:$0x11];
	(tm) =	ssettm $0x1  }
0x97: {  	s18 =	sld [smem:$0x3FFB];
	_ =	sdelay $0x3  }
0x98: {  	_ =	strace s18  }
0x99: {  	s4 =	sld [smem:$0x3FFC];
	_ =	sdelay $0x3  }
0x9a: {  	_ =	strace s4  }
0x9b: {  	s4 =	sld [smem:$0x3FFD];
	_ =	sdelay $0x3  }
0x9c: {  	_ =	strace s4  }
0x9d: {  	_ =	strace $0x8FFFFFFF  }
0x9e: {  	s19 =	sld [smem:$0x3FDB];
	_ =	sdelay $0x1  }
0x9f: {  	s5 =	simm.s32 $_scs_section_size  }
0xa0: {  	s6 =	simm.s32 $_size__tile_overlayer_lowered;
	s7 =	simm.s32 $_tile_overlayer_lowered  }
0xa1: {  	s22 =	simm.s32 $0x1BFF;
	s21 =	sshll.u32 s7, $0x1;
	s4 =	sadd.s32 s5, s19  }
0xa2: {  	s8 =	simm.s32 $0x0;
	s20 =	sshll.u32 s6, $0x1;
	s6 =	sadd.s32 s21, s4  }
0xa3: {  	[timem:s8], [sflag:s22] =	dma.local [hbm:s6], s20  }
0xa4: {  	_ =	swait.ge [sflag:s22], s20  }
0xa5: {  	s5 =	ssub.s32 $0x0, s20;
	[sflag:s22] =	ssyncset.done $0x0  }
0xa6: {  	[sflag:s22] =	ssyncadd.s32 s5;
	_ =	sdelay $0x1  }
0xa7: {  	s23 =	simm.s32 $0x1B8B  }
0xa8: {  	_ =	swait.ge [sflag:s23], $0x1  }
0xa9: {  	[sflag:s23] =	ssyncset.done $0x0  }
0xaa: {  	s25 =	simm.s32 $0x1B8E;
	s24 =	sld [smem:$0x3FFE];
	[sflag:s23] =	ssyncadd.s32 $0xFFFFFFFF  }
0xab: {  	s26 =	simm.s32 $execute0_lowered;
	[smem:$0x3FD2] =	sst s25  }
0xac: {  	s6 =	sshll.u32 s26, $0x1;
	_ =	strace $0x80000049;
	[dreg:$0x1] =	wrdreg $0xFFFFFFFF  }
0xad: {  	s28 =	simm.s32 $_size_execute0_lowered;
	s4 =	sadd.s32 s4, s6;
	[dreg:$0x0] =	wrdreg $0x0  }
0xae: {  	s6 =	sshll.u32 s28, $0x1;
	[dreg:$0x2] =	wrdreg s4  }
0xaf: {  	[dreg:$0x3] =	wrdreg s6  }
0xb0: {  	[dreg:$0x4] =	wrdreg $0xC0  }
0xb1: {  	_ =	task [dreg:s8], $0x5FFFF  }
0xb2: {  	[dreg:$0x1] =	wrdreg $0xFFFFFFFF  }
0xb3: {  	[dreg:$0x0] =	wrdreg $0x60  }
0xb4: {  	[dreg:$0x2] =	wrdreg s24  }
0xb5: {  	[dreg:$0x3] =	wrdreg s16  }
0xb6: {  	[dreg:$0x4] =	wrdreg s17  }
0xb7: {  	[dreg:$0x5] =	wrdreg $0x0  }
0xb8: {  	[dreg:$0x6] =	wrdreg $0xA0000  }
0xb9: {  	[dreg:$0x7] =	wrdreg $0x9  }
0xba: {  	_ =	task.clear_ibuf [dreg:s8], $0x8FFFF;
	_ =	strace $0x90000049  }
0xbb: {  	s29 =	simm.s32 $0x9;
	_ =	strace $0x8000004B  }
0xbc: {  	_ =	swait.ge [sflag:s29], $0x1  }
0xbd: {  	[sflag:s29] =	ssyncadd.s32 $0xFFFFFFFF  }
0xbe: {  	_ =	strace $0x9000004B  }
0xbf: {  	_ =	sfence  }
0xc0: {  	s30 =	sld [smem:$0x0];
	_ =	sdelay $0x2  }
0xc1: {  	s31 =	sshll.u32 s1, $0xD;
	s1 =	sshrl.u32 s1, $0x2  }
0xc2: {  	s3 =	sand.u32 $0x4000, s31;
	s1 =	sadd.s32 s1, s30  }
0xc3: {  	s0 =	sor.u32 s3, s0;
	s1 =	sshll.u32 s1, $0x11  }
0xc4: {  	s0 =	sor.u32 s1, s0  }
0xc5: {  	s0 =	sadd.s32 $0x8F2B, s0  }
0xc6: {  	[sflag:s0] =	ssyncadd.remote.s32 $0x1  }
0xc7: {  	_ =	sfence.sel $0xFFFF  }
0xc8: {  	[dreg:$0x0] =	wrdreg $0xFFFFFFFF;
	(pc) =	sbr.abs _section_cstart, $3  }
0xc9: {  	[dreg:$0x1] =	wrdreg $0xFFFFFFFF  }
0xca: {  	_ =	task.clear_ibuf [dreg:s8], $0x2FFFF;
	_ =	strace $0x9FFFFFFF  }
0xcb: {  	(tm) =	ssettm $0x7FFFFFFF  }
tec
execute0_lowered:
.L_overlay_start_1:
0x0: {  	(tag) =	ssettag $0x1  }
0x1: {  	s0 =	rddreg [dreg:$0x0]  }
0x2: {  	s1 =	rddreg [dreg:$0x1]  }
0x3: {  	s2 =	rddreg [dreg:$0x2]  }
0x4: {  	s3 =	rddreg [dreg:$0x3]  }
0x5: {  	s4 =	rddreg [dreg:$0x4]  }
0x6: {  	s5 =	simm.s32 $0x0;
	s6 =	srdreg.scid;
	s17 =	stileid.u32  }
0x7: {  	s28 =	simm.s32 $0x80;
	s29 =	simm.s32 $0x1;
	[smem:$0x7FF] =	sst s5  }
0x8: {  	s7 =	sadd.s32 $0x3E200, s0;
	s8 =	sadd.s32 $0x66200, s0;
	s9 =	sadd.s32 $0x14E00, s0  }
0x9: {  	s10 =	sadd.s32 $0xE00, s0;
	s6 =	sand.u32 $0x1, s6;
	s12 =	smul.u32 $0x28000, s17  }
0xa: {  	s13 =	sadd.s32 $0xAE00, s0;
	s0 =	sadd.s32 $0x3CE00, s0;
	s15 =	smul.u32 $0x2800, s17  }
0xb: {  	s24 =	sshll.u32 s17, $0x6;
	_ =	strace $0x8000004A;
	s11 =	ssub.s32 $0x2, s6  }
0xc: {  	s14 =	smul.u32 $0x28000, s6;
	[dreg:$0x6] =	wrdreg s0;
	s23 =	sxor.u32 $0x1, s6  }
0xd: {  	s26 =	sor.u32 $0x1C02, s24;
	p0 =	seq.s32 s6, $0x1;
	s24 =	simm.s32 $0x1A800  }
0xe: {  	s22 =	sshrl.u32 s11, $0x1;
	s12 =	sshrl.u32 s12, $0x2;
	[dreg:$0x7] =	wrdreg s26  }
0xf: {  	s26 =	simm.s32 $0x0;
	s0 =	ssub.s32 s11, s22;
	s11 =	smul.u32 $0x140, s17  }
0x10: {  	s16 =	sadd.s32 s12, s3;
	s14 =	sadd.s32 s15, s14;
	s12 =	smul.u32 $0xA0000, s23  }
0x11: {  	s22 =	simm.s32 $0x2;
	s23 =	simm.s32 $0x16800;
	s25 =	sshrl.u32 s14, $0x3  }
0x12: {  	s14 =	smul.u32 $0xA0000, s6;
	s0 =	smax.u32 s0, $0x1;
	s21 =	sshrl.u32 s16, $0x3  }
.Ltmp0:
0x13: {  	s18 =	sadd.s32 s10, s25;
	[dreg:$0xc] =	wrdreg s0;
	(pc) =	sbr.rel .LBB2_1-.Ltmp0, $4  }
0x14: {  	s30 =	sadd.s32 $0x280, s25;
	s17 =	sadd.s32 s13, s25;
	[dreg:$0x8] =	wrdreg s18  }
0x15: {  	s6 =	simm.s32 $0x18800;
	[dreg:$0x9] =	wrdreg s17;
	s10 =	sadd.s32 s10, s30  }
0x16: {  	s19 =	smin.u32 s11, $0x1248;
	s31 =	sadd.s32 s13, s30;
	[dreg:$0xa] =	wrdreg s10  }
0x17: {  	s25 =	simm.s32 $0x14000;
	[dreg:$0xb] =	wrdreg s31;
	s10 =	simm.s32 $0x1C800  }
.LBB2_16:
0x18: {  	s26 =	sadd.s32 $0x1, s26;
	s0 =	rddreg [dreg:$0xc]  }
0x19: {  	p1 =	sne.s32 s26, s0  }
.Ltmp1:
0x1a: {  	_ = 	snop;
	(pc) =	sbr.rel @!p1 .LBB2_17-.Ltmp1, $1  }
0x1b: {  	_ =	sdelay $0x3  }
.LBB2_1:
0x1c: {  	s0 =	rddreg [dreg:$0x6]  }
0x1d: {  	s13 =	rddreg [dreg:$0x7]  }
0x1e: {  	[spmem:s21], [sflag:s13] =	dma.local [hbm:s0], $0x1400  }
0x1f: {  	_ =	swait.ge [sflag:s22], $0x1400  }
0x20: {  	[sflag:s22] =	ssyncset.done $0x0  }
0x21: {  	s13 =	simm.s32 $0x0;
	[sflag:s22] =	ssyncadd.s32 $0xFFFFEC00  }
.LBB2_2:
0x22: {  	s0 =	sshll.u32 s13, $0x6  }
0x23: {  	s0 =	sadd.s32 s11, s0  }
0x24: {  	s0 =	sshll.u32 s0, $0x7  }
0x25: {  	s15 =	sadd.s32 s12, s0  }
0x26: {  	s15 =	sshrl.u32 s15, $0x3  }
0x27: {  	s16 =	simm.s32 $0x0;
	s15 =	sadd.s32 s7, s15  }
0x28: {  	[tilespmem:s23], [sflag:$0x2] =	stream.linear.gather [hbm4b:s15+s16], $0x2000, $0x38;
	[tilespmem:$0x1E800] =	vst v63  }
0x29: {  	s20 =	sadd.s32 s14, s0;
	_ =	swait.ge [sflag:s22], $0x2000  }
0x2a: {  	s15 =	sshrl.u32 s20, $0x3;
	[sflag:s22] =	ssyncset.done $0x0  }
0x2b: {  	s15 =	sadd.s32 s8, s15;
	[sflag:s22] =	ssyncadd.s32 $0xFFFFE000  }
0x2c: {  	[tilespmem:s24], [sflag:$0x2] =	stream.linear.gather [hbm4b:s15+s16], $0x2000, $0x38;
	[tilespmem:$0x1E800] =	vst v63  }
0x2d: {  	_ =	swait.ge [sflag:s22], $0x2000  }
0x2e: {  	[sflag:s22] =	ssyncset.done $0x0  }
0x2f: {  	s16 =	simm.s32 $0x0;
	[sflag:s22] =	ssyncadd.s32 $0xFFFFE000  }
0x30: {  	v5 =	vld [tilespmem:s16+$0x1A800];
	_ =	sdelay $0x4  }
0x31: {  	v0 =	vshrl.u32 v5, $0x1;
	v2 =	vmul.f32 $5.000000000e-01, v5  }
0x32: {  	v0 =	vsub.s32 $0x5F3759DF, v0  }
0x33: {  	v1 =	vmul.f32 v0, v2  }
0x34: {  	s31 =	simm.s32 $0x80  }
0x35: {  	v3 =	vld [tilespmem:s31+$0x1A800];
	v1 =	vmul.f32 v0, v1;
	_ =	sdelay $0x1  }
0x36: {  	v1 =	vsub.f32 $1.500000000e+00, v1;
	_ =	sdelay $0x1  }
0x37: {  	v0 =	vmul.f32 v0, v1  }
0x38: {  	v8 =	vmul.f32 $5.000000000e-01, v3;
	v1 =	vshrl.u32 v3, $0x1  }
0x39: {  	v4 =	vsub.s32 $0x5F3759DF, v1;
	v1 =	vmul.f32 v0, v2  }
0x3a: {  	v6 =	vmul.f32 v4, v8  }
0x3b: {  	v7 =	vmul.f32 v1, v0  }
0x3c: {  	s30 =	simm.s32 $0x100;
	v6 =	vmul.f32 v4, v6  }
0x3d: {  	v1 =	vld [tilespmem:s30+$0x1A800];
	v7 =	vsub.f32 $1.500000000e+00, v7  }
0x3e: {  	v6 =	vsub.f32 $1.500000000e+00, v6  }
0x3f: {  	v7 =	vmul.f32 v7, v0  }
0x40: {  	v6 =	vmul.f32 v4, v6  }
0x41: {  	v0 =	vmul.f32 v7, v2  }
0x42: {  	v4 =	vmul.f32 $5.000000000e-01, v1;
	v2 =	vshrl.u32 v1, $0x1;
	v9 =	vmul.f32 v6, v8  }
0x43: {  	s15 =	simm.s32 $0x180;
	v14 =	vsub.s32 $0x5F3759DF, v2;
	v2 =	vmul.f32 v0, v7  }
0x44: {  	v10 =	vmul.f32 v14, v4;
	v0 =	vld [tilespmem:s15+$0x1A800];
	v9 =	vmul.f32 v9, v6  }
0x45: {  	v2 =	vsub.f32 $1.500000000e+00, v2  }
0x46: {  	v18 =	vld [tilespmem:s16+$0x16820];
	v12 =	vmul.f32 v14, v10;
	v9 =	vsub.f32 $1.500000000e+00, v9  }
0x47: {  	v11 =	vld [tilespmem:s16+$0x16860];
	v13 =	vmul.f32 v2, v7  }
0x48: {  	v10 =	vld [tilespmem:s16+$0x16870];
	v15 =	vsub.f32 $1.500000000e+00, v12;
	v7 =	vmul.f32 v9, v6  }
0x49: {  	v12 =	vld [tilespmem:s16+$0x16850];
	v6 =	vshrl.u32 v0, $0x1;
	v2 =	vmul.f32 $5.000000000e-01, v0;
	v16 =	vmul.f32 v13, v13  }
0x4a: {  	vm0 =	vgt.f32 v5, $0.0e+00;
	v13 =	vld [tilespmem:s16+$0x16810];
	v5 =	vsub.s32 $0x5F3759DF, v6;
	v6 =	vmul.f32 v14, v15  }
0x4b: {  	v17 =	vmul.f32 v7, v8;
	v15 =	vld [tilespmem:s16+$0x16840];
	v9 =	vmul.f32 v5, v2;
	v8 =	vnsel vm0, $0x0, v16  }
0x4c: {  	s17 =	simm.s32 $0x800;
	v14 =	vld [tilespmem:s16+$0x16800];
	v16 =	vmul.f32 v6, v4;
	v18 =	vmul.f32 v8, v18  }
.LBB2_3:
0x4d: {  	s18 =	sshra.s32 s17, $0x2;
	p1 =	sne.s32 s17, $0x7E00;
	s17 =	sadd.s32 $0x200, s17;
	v17 =	vmul.f32 v17, v7;
	v19 =	vld [tilespmem:s16+$0x16830];
	v10 =	vmul.f32 v8, v10  }
0x4e: {  	v11 =	vmul.f32 v8, v11;
	s20 =	smov.u32 s15;
	v20 =	vld [tilespmem:s18+$0x1A800];
	v16 =	vmul.f32 v16, v6;
	[tilespmem:s16+$0x16820] =	vst v18;
	s15 =	smov.u32 s18  }
0x4f: {  	v12 =	vmul.f32 v8, v12;
	v17 =	vsub.f32 $1.500000000e+00, v17;
	v18 =	vld [tilespmem:s31+$0x16820];
	[tilespmem:s16+$0x16870] =	vst v10  }
0x50: {  	v9 =	vmul.f32 v5, v9;
	v13 =	vmul.f32 v8, v13;
	v16 =	vsub.f32 $1.500000000e+00, v16;
	v10 =	vld [tilespmem:s31+$0x16870];
	[tilespmem:s16+$0x16860] =	vst v11  }
0x51: {  	vm0 =	vgt.f32 v3, $0.0e+00;
	v3 =	vmovc v1;
	v15 =	vmul.f32 v8, v15;
	v17 =	vmul.f32 v17, v7;
	v11 =	vld [tilespmem:s31+$0x16860];
	[tilespmem:s16+$0x16850] =	vst v12  }
.Ltmp2:
0x52: {  	v1 =	vmovc v0;
	v9 =	vsub.f32 $1.500000000e+00, v9;
	v14 =	vmul.f32 v8, v14;
	v7 =	vmul.f32 v16, v6;
	v12 =	vld [tilespmem:s31+$0x16850];
	[tilespmem:s16+$0x16810] =	vst v13;
	(pc) =	sbr.rel @p1 .LBB2_3-.Ltmp2, $4  }
0x53: {  	v16 =	vshrl.u32 v20, $0x1;
	v21 =	vmul.f32 $5.000000000e-01, v20;
	v22 =	vmul.f32 v17, v17;
	v13 =	vld [tilespmem:s31+$0x16810];
	[tilespmem:s16+$0x16840] =	vst v15;
	v0 =	vmovc v20  }
0x54: {  	v6 =	vmul.f32 v5, v9;
	v19 =	vmul.f32 v8, v19;
	v5 =	vsub.s32 $0x5F3759DF, v16;
	[tilespmem:s16+$0x16800] =	vst v14  }
0x55: {  	v17 =	vmul.f32 v7, v4;
	v4 =	vmovc v2;
	v9 =	vmul.f32 v5, v21;
	v8 =	vnsel vm0, $0x0, v22;
	v15 =	vld [tilespmem:s31+$0x16840];
	v2 =	vmovc v21  }
0x56: {  	v16 =	vmul.f32 v6, v4;
	v14 =	vld [tilespmem:s31+$0x16800];
	v18 =	vmul.f32 v8, v18;
	[tilespmem:s16+$0x16830] =	vst v19;
	s16 =	smov.u32 s31;
	s31 =	smov.u32 s30;
	s30 =	smov.u32 s20  }
0x57: {  	v10 =	vmul.f32 v8, v10  }
0x58: {  	v11 =	vmul.f32 v8, v11;
	v29 =	vmul.f32 v17, v7;
	[tilespmem:s16+$0x16820] =	vst v18  }
0x59: {  	v35 =	vmul.f32 v16, v6;
	v18 =	vld [tilespmem:s31+$0x16820];
	[tilespmem:s16+$0x16870] =	vst v10  }
0x5a: {  	v9 =	vmul.f32 v5, v9;
	v10 =	vld [tilespmem:s31+$0x16870];
	[tilespmem:s16+$0x16860] =	vst v11;
	v11 =	vsub.f32 $1.500000000e+00, v29  }
0x5b: {  	v19 =	vld [tilespmem:s16+$0x16830];
	v12 =	vmul.f32 v8, v12;
	v13 =	vmul.f32 v8, v13;
	v38 =	vsub.f32 $1.500000000e+00, v35  }
0x5c: {  	v9 =	vsub.f32 $1.500000000e+00, v9;
	v15 =	vmul.f32 v8, v15;
	v31 =	vmul.f32 v11, v7  }
0x5d: {  	vm0 =	vgt.f32 v3, $0.0e+00;
	v30 =	vld [tilespmem:s31+$0x16860];
	[tilespmem:s16+$0x16850] =	vst v12;
	v32 =	vmul.f32 v8, v14;
	v3 =	vmul.f32 v38, v6  }
0x5e: {  	v42 =	vmul.f32 v5, v9;
	v12 =	vld [tilespmem:s31+$0x16850];
	[tilespmem:s16+$0x16810] =	vst v13;
	v7 =	vmul.f32 v31, v31  }
0x5f: {  	v13 =	vld [tilespmem:s31+$0x16810];
	[tilespmem:s16+$0x16840] =	vst v15;
	v4 =	vmul.f32 v3, v4  }
0x60: {  	v33 =	vmul.f32 v8, v19;
	[tilespmem:s16+$0x16800] =	vst v32;
	v45 =	vmul.f32 v42, v2;
	v7 =	vnsel vm0, $0x0, v7  }
0x61: {  	v34 =	vld [tilespmem:s31+$0x16840];
	v4 =	vmul.f32 v4, v3;
	v37 =	vmul.f32 v7, v18  }
0x62: {  	v36 =	vld [tilespmem:s31+$0x16800];
	[tilespmem:s16+$0x16830] =	vst v33;
	v47 =	vmul.f32 v45, v42;
	v10 =	vmul.f32 v7, v10  }
0x63: {  	v39 =	vld [tilespmem:s31+$0x16830];
	v41 =	vmul.f32 v7, v30;
	v4 =	vsub.f32 $1.500000000e+00, v4;
	[tilespmem:s31+$0x16820] =	vst v37  }
0x64: {  	v12 =	vmul.f32 v7, v12;
	v49 =	vsub.f32 $1.500000000e+00, v47;
	v40 =	vld [tilespmem:s30+$0x16820];
	[tilespmem:s31+$0x16870] =	vst v10  }
0x65: {  	v13 =	vmul.f32 v7, v13;
	v3 =	vmul.f32 v4, v3;
	v10 =	vld [tilespmem:s30+$0x16870];
	[tilespmem:s31+$0x16860] =	vst v41  }
0x66: {  	vm14 =	vgt.f32 v1, $0.0e+00;
	v8 =	vmul.f32 v7, v34;
	v1 =	vmul.f32 v49, v42;
	v15 =	vld [tilespmem:s30+$0x16860];
	[tilespmem:s31+$0x16850] =	vst v12  }
0x67: {  	v43 =	vmul.f32 v7, v36;
	v3 =	vmul.f32 v3, v3;
	v12 =	vld [tilespmem:s30+$0x16850];
	[tilespmem:s31+$0x16810] =	vst v13  }
0x68: {  	v53 =	vmul.f32 v1, v2;
	v44 =	vld [tilespmem:s30+$0x16810];
	[tilespmem:s31+$0x16840] =	vst v8  }
0x69: {  	v46 =	vmul.f32 v7, v39;
	[tilespmem:s31+$0x16800] =	vst v43;
	v3 =	vnsel vm14, $0x0, v3  }
0x6a: {  	v2 =	vmul.f32 v53, v1;
	v4 =	vld [tilespmem:s30+$0x16840];
	v6 =	vmul.f32 v3, v40  }
0x6b: {  	v48 =	vld [tilespmem:s30+$0x16800];
	[tilespmem:s31+$0x16830] =	vst v46;
	v10 =	vmul.f32 v3, v10  }
0x6c: {  	v2 =	vsub.f32 $1.500000000e+00, v2;
	v50 =	vld [tilespmem:s30+$0x16830];
	[tilespmem:s30+$0x16820] =	vst v6;
	v52 =	vmul.f32 v3, v15  }
0x6d: {  	v51 =	vld [tilespmem:s15+$0x16820];
	[tilespmem:s30+$0x16870] =	vst v10;
	v54 =	vmul.f32 v3, v12  }
0x6e: {  	v1 =	vmul.f32 v2, v1;
	v10 =	vld [tilespmem:s15+$0x16870];
	[tilespmem:s30+$0x16860] =	vst v52;
	v9 =	vmul.f32 v3, v44  }
0x6f: {  	v6 =	vld [tilespmem:s15+$0x16860];
	[tilespmem:s30+$0x16850] =	vst v54;
	v4 =	vmul.f32 v3, v4  }
0x70: {  	v1 =	vmul.f32 v1, v1;
	v55 =	vmul.f32 v3, v48;
	v11 =	vld [tilespmem:s15+$0x16850];
	[tilespmem:s30+$0x16810] =	vst v9  }
0x71: {  	vm15 =	vgt.f32 v0, $0.0e+00;
	v56 =	vld [tilespmem:s15+$0x16810];
	[tilespmem:s30+$0x16840] =	vst v4  }
0x72: {  	v57 =	vmul.f32 v3, v50;
	v1 =	vnsel vm15, $0x0, v1;
	[tilespmem:s30+$0x16800] =	vst v55  }
0x73: {  	v2 =	vld [tilespmem:s15+$0x16840];
	v59 =	vmul.f32 v1, v51  }
0x74: {  	v58 =	vld [tilespmem:s15+$0x16800];
	[tilespmem:s30+$0x16830] =	vst v57;
	v60 =	vmul.f32 v1, v10  }
0x75: {  	v0 =	vld [tilespmem:s15+$0x16830];
	[tilespmem:s15+$0x16820] =	vst v59;
	v61 =	vmul.f32 v1, v6  }
0x76: {  	v62 =	vmul.f32 v1, v11;
	[tilespmem:s15+$0x16870] =	vst v60  }
0x77: {  	v63 =	vmul.f32 v1, v56;
	[tilespmem:s15+$0x16860] =	vst v61  }
0x78: {  	v2 =	vmul.f32 v1, v2;
	[tilespmem:s15+$0x16850] =	vst v62  }
0x79: {  	v3 =	vmul.f32 v1, v58;
	[tilespmem:s15+$0x16810] =	vst v63  }
0x7a: {  	s13 =	sadd.s32 $0x1, s13;
	v0 =	vmul.f32 v1, v0;
	[tilespmem:s15+$0x16840] =	vst v2  }
0x7b: {  	s0 =	sand.u32 $0x3FFFFF80, s0;
	p1 =	sne.s32 s13, $0x5;
	[tilespmem:s15+$0x16800] =	vst v3  }
.Ltmp3:
0x7c: {  	s0 =	sadd.s32 s0, s4;
	[tilespmem:s15+$0x16830] =	vst v0;
	(pc) =	sbr.rel @p1 .LBB2_2-.Ltmp3, $4  }
0x7d: {  	[spmem:s0] =	stream.linear.scatter [tilespmem:s23], [sflag:$0x2], $0x2000, $0x38;
	[tilespmem:$0x1E800] =	vst v63  }
0x7e: {  	_ =	swait.ge [sflag:s22], $0x2000  }
0x7f: {  	[sflag:s22] =	ssyncset.done $0x0  }
0x80: {  	[sflag:s22] =	ssyncadd.s32 $0xFFFFE000  }
0x81: {  	[bflag:$0x0] =	sbarrier.arrive $0xFFFF  }
0x82: {  	s0 =	simm.s32 $0x0;
	s13 =	rddreg [dreg:$0x8]  }
0x83: {  	[tilespmem:s25], [sflag:$0x2] =	stream.linear.gather [hbm4b:s13+s0], $0x1400, $0x38;
	[tilespmem:$0x1E800] =	vst v63  }
0x84: {  	_ =	swait.ge [sflag:s22], $0x1400  }
0x85: {  	[sflag:s22] =	ssyncset.done $0x0  }
0x86: {  	s16 =	simm.s32 $0x15400;
	s17 =	rddreg [dreg:$0x9];
	[sflag:s22] =	ssyncadd.s32 $0xFFFFEC00  }
0x87: {  	[tilespmem:s16], [sflag:$0x2] =	stream.linear.gather [hbm4b:s17+s0], $0x1400, $0x38;
	[tilespmem:$0x1E800] =	vst v63  }
0x88: {  	_ =	swait.ge [sflag:s22], $0x1400  }
0x89: {  	[sflag:s22] =	ssyncset.done $0x0  }
0x8a: {  	[sflag:s22] =	ssyncadd.s32 $0xFFFFEC00  }
0x8b: {  	[tilespmem:s23], [sflag:$0x1] =	stream.indirect.gather [spmem:s4], $0x80, s25, s28, $0xb8;
	[tilespmem:$0x1E800] =	vst v63  }
0x8c: {  	_ =	swait.ge [sflag:s29], $0x4000  }
0x8d: {  	[sflag:s29] =	ssyncset.done $0x0  }
0x8e: {  	s18 =	simm.s32 $0x14080;
	[sflag:s29] =	ssyncadd.s32 $0xFFFFC000  }
0x8f: {  	[tilespmem:s24], [sflag:$0x1] =	stream.indirect.gather [spmem:s4], $0x80, s18, s28, $0xb8;
	[tilespmem:$0x1E800] =	vst v63  }
0x90: {  	s20 =	simm.s32 $0x15400  }
0x91: {  	[spmem:s3] =	stream.indirect.scatter.add.f32 [tilespmem:s23], [sflag:$0x2], $0x80, s20, s28, $0xb8;
	[tilespmem:$0x1E800] =	vst v63  }
0x92: {  	_ =	swait.ge [sflag:s22], $0x4000  }
0x93: {  	[sflag:s22] =	ssyncset.done $0x0  }
0x94: {  	[sflag:s22] =	ssyncadd.s32 $0xFFFFC000  }
0x95: {  	_ =	swait.ge [sflag:s29], $0x4000  }
0x96: {  	[sflag:s29] =	ssyncset.done $0x0  }
0x97: {  	s30 =	simm.s32 $0x14100;
	[sflag:s29] =	ssyncadd.s32 $0xFFFFC000  }
0x98: {  	[tilespmem:s23], [sflag:$0x1] =	stream.indirect.gather [spmem:s4], $0x80, s30, s28, $0xb8;
	[tilespmem:$0x1E800] =	vst v63  }
0x99: {  	s31 =	simm.s32 $0x15480  }
0x9a: {  	[spmem:s3] =	stream.indirect.scatter.add.f32 [tilespmem:s24], [sflag:$0x2], $0x80, s31, s28, $0xb8;
	[tilespmem:$0x1E800] =	vst v63  }
0x9b: {  	_ =	swait.ge [sflag:s22], $0x4000  }
0x9c: {  	s0 =	simm.s32 $0x400;
	[sflag:s22] =	ssyncset.done $0x0  }
.LBB2_6:
0x9d: {  	p1 =	sne.s32 s0, $0x4800  }
0x9e: {  	[sflag:s22] =	ssyncadd.s32 $0xFFFFC000;
	s13 =	smov.u32 s0;
	s0 =	sadd.s32 $0x400, s0  }
0x9f: {  	_ = 	snop  }
0xa0: {  	_ =	swait.ge [sflag:s29], $0x4000  }
0xa1: {  	s13 =	sshra.s32 s13, $0x2;
	[sflag:s29] =	ssyncset.done $0x0  }
0xa2: {  	s15 =	sadd.s32 $0x14080, s13;
	[sflag:s29] =	ssyncadd.s32 $0xFFFFC000  }
0xa3: {  	[tilespmem:s24], [sflag:$0x1] =	stream.indirect.gather [spmem:s4], $0x80, s15, s28, $0xb8;
	[tilespmem:$0x1E800] =	vst v63  }
0xa4: {  	s15 =	sadd.s32 $0x15400, s13  }
0xa5: {  	[spmem:s3] =	stream.indirect.scatter.add.f32 [tilespmem:s23], [sflag:$0x2], $0x80, s15, s28, $0xb8;
	[tilespmem:$0x1E800] =	vst v63  }
0xa6: {  	_ =	swait.ge [sflag:s22], $0x4000  }
0xa7: {  	[sflag:s22] =	ssyncset.done $0x0  }
0xa8: {  	[sflag:s22] =	ssyncadd.s32 $0xFFFFC000  }
0xa9: {  	_ =	swait.ge [sflag:s29], $0x4000  }
0xaa: {  	[sflag:s29] =	ssyncset.done $0x0  }
0xab: {  	s15 =	sadd.s32 $0x14100, s13;
	[sflag:s29] =	ssyncadd.s32 $0xFFFFC000  }
0xac: {  	[tilespmem:s23], [sflag:$0x1] =	stream.indirect.gather [spmem:s4], $0x80, s15, s28, $0xb8;
	[tilespmem:$0x1E800] =	vst v63  }
.Ltmp4:
0xad: {  	_ = 	snop;
	(pc) =	sbr.rel @p1 .LBB2_6-.Ltmp4, $4  }
0xae: {  	s13 =	sadd.s32 $0x15480, s13  }
0xaf: {  	[spmem:s3] =	stream.indirect.scatter.add.f32 [tilespmem:s24], [sflag:$0x2], $0x80, s13, s28, $0xb8;
	[tilespmem:$0x1E800] =	vst v63  }
0xb0: {  	_ =	swait.ge [sflag:s22], $0x4000  }
0xb1: {  	[sflag:s22] =	ssyncset.done $0x0  }
0xb2: {  	[sflag:s22] =	ssyncadd.s32 $0xFFFFC000  }
0xb3: {  	_ =	swait.ge [sflag:s29], $0x4000  }
0xb4: {  	[sflag:s29] =	ssyncset.done $0x0  }
0xb5: {  	s17 =	simm.s32 $0x15380;
	[sflag:s29] =	ssyncadd.s32 $0xFFFFC000  }
0xb6: {  	[tilespmem:s24], [sflag:$0x1] =	stream.indirect.gather [spmem:s4], $0x80, s17, s28, $0xb8;
	[tilespmem:$0x1E800] =	vst v63  }
0xb7: {  	s18 =	simm.s32 $0x16700  }
0xb8: {  	[spmem:s3] =	stream.indirect.scatter.add.f32 [tilespmem:s23], [sflag:$0x2], $0x80, s18, s28, $0xb8;
	[tilespmem:$0x1E800] =	vst v63  }
0xb9: {  	_ =	swait.ge [sflag:s22], $0x4000  }
0xba: {  	[sflag:s22] =	ssyncset.done $0x0  }
0xbb: {  	[sflag:s22] =	ssyncadd.s32 $0xFFFFC000  }
0xbc: {  	_ =	swait.ge [sflag:s29], $0x4000  }
0xbd: {  	[sflag:s29] =	ssyncset.done $0x0  }
0xbe: {  	s20 =	simm.s32 $0x16780;
	[sflag:s29] =	ssyncadd.s32 $0xFFFFC000  }
0xbf: {  	[spmem:s3] =	stream.indirect.scatter.add.f32 [tilespmem:s24], [sflag:$0x2], $0x80, s20, s28, $0xb8;
	[tilespmem:$0x1E800] =	vst v63  }
0xc0: {  	_ =	swait.ge [sflag:s22], $0x4000  }
0xc1: {  	[sflag:s22] =	ssyncset.done $0x0  }
0xc2: {  	s0 =	simm.s32 $0x0;
	s13 =	rddreg [dreg:$0xa];
	[sflag:s22] =	ssyncadd.s32 $0xFFFFC000  }
0xc3: {  	[tilespmem:s25], [sflag:$0x2] =	stream.linear.gather [hbm4b:s13+s0], $0x1400, $0x38;
	[tilespmem:$0x1E800] =	vst v63  }
0xc4: {  	_ =	swait.ge [sflag:s22], $0x1400  }
0xc5: {  	[sflag:s22] =	ssyncset.done $0x0  }
0xc6: {  	s31 =	rddreg [dreg:$0xb];
	[sflag:s22] =	ssyncadd.s32 $0xFFFFEC00  }
0xc7: {  	[tilespmem:s16], [sflag:$0x2] =	stream.linear.gather [hbm4b:s31+s0], $0x1400, $0x38;
	[tilespmem:$0x1E800] =	vst v63  }
0xc8: {  	_ =	swait.ge [sflag:s22], $0x1400  }
0xc9: {  	[sflag:s22] =	ssyncset.done $0x0  }
0xca: {  	[sflag:s22] =	ssyncadd.s32 $0xFFFFEC00  }
0xcb: {  	[tilespmem:s23], [sflag:$0x1] =	stream.indirect.gather [spmem:s4], $0x80, s25, s28, $0xb8;
	[tilespmem:$0x1E800] =	vst v63  }
0xcc: {  	_ =	swait.ge [sflag:s29], $0x4000  }
0xcd: {  	[sflag:s29] =	ssyncset.done $0x0  }
0xce: {  	s15 =	simm.s32 $0x14080;
	[sflag:s29] =	ssyncadd.s32 $0xFFFFC000  }
0xcf: {  	[tilespmem:s24], [sflag:$0x1] =	stream.indirect.gather [spmem:s4], $0x80, s15, s28, $0xb8;
	[tilespmem:$0x1E800] =	vst v63  }
0xd0: {  	s16 =	simm.s32 $0x15400  }
0xd1: {  	[spmem:s3] =	stream.indirect.scatter.add.f32 [tilespmem:s23], [sflag:$0x2], $0x80, s16, s28, $0xb8;
	[tilespmem:$0x1E800] =	vst v63  }
0xd2: {  	_ =	swait.ge [sflag:s22], $0x4000  }
0xd3: {  	[sflag:s22] =	ssyncset.done $0x0  }
0xd4: {  	[sflag:s22] =	ssyncadd.s32 $0xFFFFC000  }
0xd5: {  	_ =	swait.ge [sflag:s29], $0x4000  }
0xd6: {  	[sflag:s29] =	ssyncset.done $0x0  }
0xd7: {  	s30 =	simm.s32 $0x14100;
	[sflag:s29] =	ssyncadd.s32 $0xFFFFC000  }
0xd8: {  	[tilespmem:s23], [sflag:$0x1] =	stream.indirect.gather [spmem:s4], $0x80, s30, s28, $0xb8;
	[tilespmem:$0x1E800] =	vst v63  }
0xd9: {  	s31 =	simm.s32 $0x15480  }
0xda: {  	[spmem:s3] =	stream.indirect.scatter.add.f32 [tilespmem:s24], [sflag:$0x2], $0x80, s31, s28, $0xb8;
	[tilespmem:$0x1E800] =	vst v63  }
0xdb: {  	_ =	swait.ge [sflag:s22], $0x4000  }
0xdc: {  	s0 =	simm.s32 $0x400;
	[sflag:s22] =	ssyncset.done $0x0  }
.LBB2_8:
0xdd: {  	p1 =	sne.s32 s0, $0x4800  }
0xde: {  	[sflag:s22] =	ssyncadd.s32 $0xFFFFC000;
	s13 =	smov.u32 s0;
	s0 =	sadd.s32 $0x400, s0  }
0xdf: {  	_ = 	snop  }
0xe0: {  	_ =	swait.ge [sflag:s29], $0x4000  }
0xe1: {  	s13 =	sshra.s32 s13, $0x2;
	[sflag:s29] =	ssyncset.done $0x0  }
0xe2: {  	s15 =	sadd.s32 $0x14080, s13;
	[sflag:s29] =	ssyncadd.s32 $0xFFFFC000  }
0xe3: {  	[tilespmem:s24], [sflag:$0x1] =	stream.indirect.gather [spmem:s4], $0x80, s15, s28, $0xb8;
	[tilespmem:$0x1E800] =	vst v63  }
0xe4: {  	s15 =	sadd.s32 $0x15400, s13  }
0xe5: {  	[spmem:s3] =	stream.indirect.scatter.add.f32 [tilespmem:s23], [sflag:$0x2], $0x80, s15, s28, $0xb8;
	[tilespmem:$0x1E800] =	vst v63  }
0xe6: {  	_ =	swait.ge [sflag:s22], $0x4000  }
0xe7: {  	[sflag:s22] =	ssyncset.done $0x0  }
0xe8: {  	[sflag:s22] =	ssyncadd.s32 $0xFFFFC000  }
0xe9: {  	_ =	swait.ge [sflag:s29], $0x4000  }
0xea: {  	[sflag:s29] =	ssyncset.done $0x0  }
0xeb: {  	s15 =	sadd.s32 $0x14100, s13;
	[sflag:s29] =	ssyncadd.s32 $0xFFFFC000  }
0xec: {  	[tilespmem:s23], [sflag:$0x1] =	stream.indirect.gather [spmem:s4], $0x80, s15, s28, $0xb8;
	[tilespmem:$0x1E800] =	vst v63  }
.Ltmp5:
0xed: {  	_ = 	snop;
	(pc) =	sbr.rel @p1 .LBB2_8-.Ltmp5, $4  }
0xee: {  	s13 =	sadd.s32 $0x15480, s13  }
0xef: {  	[spmem:s3] =	stream.indirect.scatter.add.f32 [tilespmem:s24], [sflag:$0x2], $0x80, s13, s28, $0xb8;
	[tilespmem:$0x1E800] =	vst v63  }
0xf0: {  	_ =	swait.ge [sflag:s22], $0x4000  }
0xf1: {  	[sflag:s22] =	ssyncset.done $0x0  }
0xf2: {  	[sflag:s22] =	ssyncadd.s32 $0xFFFFC000  }
0xf3: {  	_ =	swait.ge [sflag:s29], $0x4000  }
0xf4: {  	[sflag:s29] =	ssyncset.done $0x0  }
0xf5: {  	[sflag:s29] =	ssyncadd.s32 $0xFFFFC000  }
0xf6: {  	[tilespmem:s24], [sflag:$0x1] =	stream.indirect.gather [spmem:s4], $0x80, s17, s28, $0xb8;
	[tilespmem:$0x1E800] =	vst v63  }
0xf7: {  	_ = 	snop  }
0xf8: {  	[spmem:s3] =	stream.indirect.scatter.add.f32 [tilespmem:s23], [sflag:$0x2], $0x80, s18, s28, $0xb8;
	[tilespmem:$0x1E800] =	vst v63  }
0xf9: {  	_ =	swait.ge [sflag:s22], $0x4000  }
0xfa: {  	[sflag:s22] =	ssyncset.done $0x0  }
0xfb: {  	[sflag:s22] =	ssyncadd.s32 $0xFFFFC000  }
0xfc: {  	_ =	swait.ge [sflag:s29], $0x4000  }
0xfd: {  	[sflag:s29] =	ssyncset.done $0x0  }
0xfe: {  	[sflag:s29] =	ssyncadd.s32 $0xFFFFC000  }
0xff: {  	[spmem:s3] =	stream.indirect.scatter.add.f32 [tilespmem:s24], [sflag:$0x2], $0x80, s20, s28, $0xb8;
	[tilespmem:$0x1E800] =	vst v63  }
.Ltmp6:
0x100: {  	_ =	swait.ge [sflag:s22], $0x4000;
	(pc) =	sbr.rel @!p0 .LBB2_10-.Ltmp6, $4  }
0x101: {  	[sflag:s22] =	ssyncset.done $0x0  }
0x102: {  	[sflag:s22] =	ssyncadd.s32 $0xFFFFC000  }
0x103: {  	[bflag:$0x0] =	sbarrier.arrive $0xFFFF  }
0x104: {  	s13 =	simm.s32 $0x0;
	s30 =	simm.s32 $0x0;
	s31 =	simm.s32 $0x0  }
.LBB2_13:
0x105: {  	s0 =	sshll.u32 s31, $0x6  }
0x106: {  	s0 =	sadd.s32 s19, s0  }
0x107: {  	s15 =	sshll.u32 s0, $0x7  }
0x108: {  	s15 =	sand.u32 $0x3FFFFF80, s15  }
0x109: {  	s30 =	sshll.u32 s0, $0x4;
	s15 =	sadd.s32 s15, s3  }
0x10a: {  	[tilespmem:s23], [sflag:$0x2] =	stream.linear.gather [spmem:s15], $0x2000, $0x38;
	[tilespmem:$0x1E800] =	vst v63  }
0x10b: {  	s0 =	sand.u32 $0x1FFFFFF0, s30;
	_ =	swait.ge [sflag:s22], $0x2000  }
0x10c: {  	s0 =	sadd.s32 s7, s0;
	[sflag:s22] =	ssyncset.done $0x0  }
0x10d: {  	s0 =	sadd.s32 $0x14000, s0;
	[sflag:s22] =	ssyncadd.s32 $0xFFFFE000  }
0x10e: {  	[tilespmem:s6], [sflag:$0x2] =	stream.linear.gather [hbm4b:s0+s13], $0x2000, $0x38;
	[tilespmem:$0x1E800] =	vst v63  }
0x10f: {  	_ =	swait.ge [sflag:s22], $0x2000  }
0x110: {  	[sflag:s22] =	ssyncset.done $0x0  }
0x111: {  	s18 =	sadd.s32 s9, s30;
	[sflag:s22] =	ssyncadd.s32 $0xFFFFE000  }
0x112: {  	[tilespmem:s24], [sflag:$0x2] =	stream.linear.gather [hbm4b:s18+s13], $0x2000, $0x38;
	[tilespmem:$0x1E800] =	vst v63  }
0x113: {  	_ =	swait.ge [sflag:s22], $0x2000  }
0x114: {  	[sflag:s22] =	ssyncset.done $0x0  }
0x115: {  	s20 =	sadd.s32 s8, s30;
	[sflag:s22] =	ssyncadd.s32 $0xFFFFE000  }
0x116: {  	[tilespmem:s10], [sflag:$0x2] =	stream.linear.gather [hbm4b:s20+s13], $0x2000, $0x38;
	[tilespmem:$0x1E800] =	vst v63  }
0x117: {  	_ =	swait.ge [sflag:s22], $0x2000  }
0x118: {  	[sflag:s22] =	ssyncset.done $0x0  }
0x119: {  	s15 =	simm.s32 $0x0;
	[sflag:s22] =	ssyncadd.s32 $0xFFFFE000  }
0x11a: {  	v6 =	vld [tilespmem:s15+$0x1C800];
	_ =	sdelay $0x4  }
0x11b: {  	v0 =	vshrl.u32 v6, $0x1;
	v1 =	vmul.f32 $5.000000000e-01, v6  }
0x11c: {  	v0 =	vsub.s32 $0x5F3759DF, v0  }
0x11d: {  	v2 =	vmul.f32 v0, v1;
	_ =	sdelay $0x1  }
0x11e: {  	v2 =	vmul.f32 v0, v2;
	_ =	sdelay $0x1  }
0x11f: {  	v2 =	vsub.f32 $1.500000000e+00, v2;
	_ =	sdelay $0x1  }
0x120: {  	v7 =	vmul.f32 v0, v2  }
0x121: {  	v5 =	vld [tilespmem:s15+$0x1A800]  }
0x122: {  	v4 =	vld [tilespmem:s15+$0x1A810];
	v0 =	vmul.f32 v7, v1  }
0x123: {  	v3 =	vld [tilespmem:s15+$0x1A820]  }
0x124: {  	v9 =	vld [tilespmem:s15+$0x18800];
	v0 =	vmul.f32 v0, v7  }
0x125: {  	v14 =	vld [tilespmem:s15+$0x18810]  }
0x126: {  	s0 =	simm.s32 $0x80;
	v16 =	vld [tilespmem:s15+$0x16800];
	v8 =	vsub.f32 $1.500000000e+00, v0  }
0x127: {  	v0 =	vld [tilespmem:s0+$0x1C800]  }
0x128: {  	v17 =	vld [tilespmem:s15+$0x16810];
	v15 =	vmul.f32 v8, v7  }
0x129: {  	v13 =	vld [tilespmem:s15+$0x18820]  }
0x12a: {  	v11 =	vld [tilespmem:s15+$0x18830];
	v8 =	vmul.f32 v15, v1  }
0x12b: {  	v10 =	vld [tilespmem:s15+$0x18840];
	vm0 =	vgt.f32 v6, $0.0e+00;
	v6 =	vadd.f32 v9, v16  }
0x12c: {  	v16 =	vld [tilespmem:s15+$0x16830];
	v12 =	vshrl.u32 v0, $0x1;
	v1 =	vmul.f32 $5.000000000e-01, v0;
	v8 =	vmul.f32 v8, v15  }
0x12d: {  	v14 =	vadd.f32 v14, v17;
	v17 =	vld [tilespmem:s15+$0x16840];
	v20 =	vsub.s32 $0x5F3759DF, v12  }
0x12e: {  	v2 =	vld [tilespmem:s15+$0x1A830];
	v18 =	vmul.f32 v20, v1;
	v19 =	vsub.f32 $1.500000000e+00, v8  }
0x12f: {  	v7 =	vld [tilespmem:s15+$0x18850]  }
0x130: {  	v21 =	vmul.f32 v20, v18;
	v18 =	vld [tilespmem:s15+$0x16820];
	v15 =	vmul.f32 v19, v15  }
0x131: {  	v12 =	vld [tilespmem:s15+$0x18860]  }
0x132: {  	v8 =	vld [tilespmem:s15+$0x18870];
	v21 =	vsub.f32 $1.500000000e+00, v21;
	v9 =	vnsel vm0, $0x0, v15  }
0x133: {  	v15 =	vld [tilespmem:s15+$0x16850];
	v19 =	vmul.f32 v9, v6  }
0x134: {  	s16 =	simm.s32 $0x400;
	v6 =	vmul.f32 v20, v21;
	v20 =	vmul.f32 v9, v14;
	v14 =	vld [tilespmem:s15+$0x16860]  }
.LBB2_14:
0x135: {  	p1 =	sne.s32 s16, $0x7E00;
	v5 =	vadd.f32 v19, v5;
	v13 =	vadd.f32 v13, v18;
	v18 =	vld [tilespmem:s15+$0x16870]  }
0x136: {  	v19 =	vmul.f32 v6, v1;
	v4 =	vadd.f32 v20, v4;
	v11 =	vadd.f32 v11, v16;
	v16 =	vld [tilespmem:s15+$0x1A840]  }
0x137: {  	v20 =	vmul.f32 $3.333333430e-01, v5;
	v5 =	vmul.f32 v9, v13;
	v10 =	vadd.f32 v10, v17;
	v13 =	vld [tilespmem:s15+$0x1A850]  }
0x138: {  	v17 =	vmul.f32 $3.333333430e-01, v4;
	v4 =	vmul.f32 v9, v11;
	v7 =	vadd.f32 v7, v15;
	v11 =	vld [tilespmem:s15+$0x1A860]  }
0x139: {  	v3 =	vadd.f32 v5, v3;
	v10 =	vmul.f32 v10, v9;
	v12 =	vadd.f32 v12, v14;
	v14 =	vld [tilespmem:s15+$0x1A870]  }
0x13a: {  	v5 =	vld [tilespmem:s0+$0x1A800];
	v2 =	vadd.f32 v4, v2;
	v7 =	vmul.f32 v7, v9;
	v8 =	vadd.f32 v8, v18  }
0x13b: {  	v4 =	vld [tilespmem:s0+$0x1A810];
	[tilespmem:s15+$0x16800] =	vst v20;
	v15 =	vmul.f32 $3.333333430e-01, v3;
	v10 =	vadd.f32 v10, v16;
	v12 =	vmul.f32 v12, v9  }
0x13c: {  	v3 =	vld [tilespmem:s0+$0x1A820];
	[tilespmem:s15+$0x16810] =	vst v17;
	v16 =	vmul.f32 $3.333333430e-01, v2;
	v7 =	vadd.f32 v7, v13;
	v8 =	vmul.f32 v8, v9  }
0x13d: {  	v9 =	vmul.f32 v19, v6;
	v2 =	vld [tilespmem:s0+$0x1A830];
	[tilespmem:s15+$0x16820] =	vst v15;
	v10 =	vmul.f32 $3.333333430e-01, v10;
	v11 =	vadd.f32 v12, v11  }
0x13e: {  	v15 =	vld [tilespmem:s0+$0x18800];
	[tilespmem:s15+$0x16830] =	vst v16;
	v7 =	vmul.f32 $3.333333430e-01, v7;
	v8 =	vadd.f32 v8, v14  }
0x13f: {  	s17 =	sshra.s32 s16, $0x2;
	v9 =	vsub.f32 $1.500000000e+00, v9;
	v14 =	vld [tilespmem:s0+$0x18810];
	[tilespmem:s15+$0x16840] =	vst v10;
	v10 =	vmul.f32 $3.333333430e-01, v11  }
0x140: {  	v17 =	vld [tilespmem:s17+$0x1C800];
	[tilespmem:s15+$0x16850] =	vst v7;
	v7 =	vmul.f32 $3.333333430e-01, v8  }
0x141: {  	v6 =	vmul.f32 v9, v6;
	v13 =	vld [tilespmem:s0+$0x18820];
	[tilespmem:s15+$0x16860] =	vst v10  }
0x142: {  	v11 =	vld [tilespmem:s0+$0x18830];
	[tilespmem:s15+$0x16870] =	vst v7;
	s15 =	smov.u32 s0;
	s0 =	smov.u32 s17  }
0x143: {  	v8 =	vmul.f32 v6, v1;
	v10 =	vld [tilespmem:s15+$0x18840]  }
0x144: {  	v7 =	vld [tilespmem:s15+$0x18850]  }
0x145: {  	v8 =	vmul.f32 v8, v6;
	v9 =	vshrl.u32 v17, $0x1;
	v1 =	vmul.f32 $5.000000000e-01, v17;
	v16 =	vld [tilespmem:s15+$0x16800]  }
0x146: {  	v20 =	vsub.s32 $0x5F3759DF, v9;
	v19 =	vld [tilespmem:s15+$0x16810]  }
0x147: {  	v18 =	vsub.f32 $1.500000000e+00, v8;
	v9 =	vmul.f32 v20, v1;
	v12 =	vld [tilespmem:s15+$0x18860]  }
0x148: {  	v8 =	vld [tilespmem:s15+$0x18870]  }
.Ltmp7:
0x149: {  	v6 =	vmul.f32 v18, v6;
	v9 =	vmul.f32 v20, v9;
	v18 =	vld [tilespmem:s15+$0x16820];
	(pc) =	sbr.rel @p1 .LBB2_14-.Ltmp7, $4  }
0x14a: {  	vm0 =	vgt.f32 v0, $0.0e+00;
	v0 =	vmov v17;
	v15 =	vadd.f32 v15, v16;
	v16 =	vld [tilespmem:s15+$0x16830]  }
0x14b: {  	v21 =	vsub.f32 $1.500000000e+00, v9;
	v9 =	vnsel vm0, $0x0, v6;
	v14 =	vadd.f32 v14, v19;
	v17 =	vld [tilespmem:s15+$0x16840]  }
0x14c: {  	v19 =	vmul.f32 v9, v15;
	v15 =	vld [tilespmem:s15+$0x16850]  }
0x14d: {  	s16 =	sadd.s32 $0x200, s16;
	v6 =	vmul.f32 v20, v21;
	v20 =	vmul.f32 v9, v14;
	v14 =	vld [tilespmem:s15+$0x16860]  }
0x14e: {  	v21 =	vld [tilespmem:s15+$0x16870];
	v13 =	vadd.f32 v13, v18  }
0x14f: {  	v22 =	vld [tilespmem:s15+$0x1A840];
	v5 =	vadd.f32 v19, v5  }
0x150: {  	v23 =	vld [tilespmem:s15+$0x1A850];
	v11 =	vadd.f32 v11, v16;
	v13 =	vmul.f32 v9, v13  }
0x151: {  	v60 =	vld [tilespmem:s15+$0x1A860];
	v4 =	vadd.f32 v20, v4;
	v5 =	vmul.f32 $3.333333430e-01, v5;
	v10 =	vadd.f32 v10, v17  }
0x152: {  	v61 =	vld [tilespmem:s15+$0x1A870];
	v7 =	vadd.f32 v7, v15;
	v3 =	vadd.f32 v13, v3;
	v13 =	vmul.f32 v9, v11  }
0x153: {  	v62 =	vld [tilespmem:s0+$0x1A800];
	v4 =	vmul.f32 $3.333333430e-01, v4;
	v10 =	vmul.f32 v10, v9;
	v24 =	vadd.f32 v12, v14  }
0x154: {  	v63 =	vld [tilespmem:s0+$0x1A810];
	[tilespmem:s15+$0x16800] =	vst v5;
	v25 =	vmul.f32 v7, v9;
	v27 =	vadd.f32 v8, v21;
	v2 =	vadd.f32 v13, v2  }
0x155: {  	v20 =	vld [tilespmem:s0+$0x1A820];
	[tilespmem:s15+$0x16810] =	vst v4;
	v3 =	vmul.f32 $3.333333430e-01, v3;
	v10 =	vadd.f32 v10, v22;
	v4 =	vmul.f32 v24, v9  }
0x156: {  	v5 =	vadd.f32 v25, v23;
	v30 =	vmul.f32 v27, v9;
	v2 =	vmul.f32 $3.333333430e-01, v2  }
0x157: {  	v26 =	vld [tilespmem:s0+$0x1A830];
	[tilespmem:s15+$0x16820] =	vst v3;
	v10 =	vmul.f32 $3.333333430e-01, v10;
	v31 =	vadd.f32 v4, v60  }
0x158: {  	v28 =	vld [tilespmem:s0+$0x18800];
	v32 =	vmul.f32 $3.333333430e-01, v5;
	[tilespmem:s15+$0x16830] =	vst v2;
	v2 =	vadd.f32 v30, v61  }
0x159: {  	v29 =	vmul.f32 v6, v1;
	v3 =	vmul.f32 $3.333333430e-01, v31;
	v33 =	vld [tilespmem:s0+$0x18810];
	[tilespmem:s15+$0x16840] =	vst v10  }
0x15a: {  	[tilespmem:s15+$0x16850] =	vst v32;
	v2 =	vmul.f32 $3.333333430e-01, v2  }
0x15b: {  	v34 =	vmul.f32 v29, v6;
	v36 =	vld [tilespmem:s0+$0x18820];
	[tilespmem:s15+$0x16860] =	vst v3  }
0x15c: {  	v38 =	vld [tilespmem:s0+$0x18830];
	[tilespmem:s15+$0x16870] =	vst v2  }
0x15d: {  	v35 =	vsub.f32 $1.500000000e+00, v34;
	v2 =	vld [tilespmem:s0+$0x18840]  }
0x15e: {  	v40 =	vld [tilespmem:s0+$0x18850]  }
0x15f: {  	v37 =	vmul.f32 v35, v6;
	v10 =	vld [tilespmem:s0+$0x16800]  }
0x160: {  	v41 =	vld [tilespmem:s0+$0x16810]  }
0x161: {  	v39 =	vmul.f32 v37, v1;
	v42 =	vld [tilespmem:s0+$0x18860]  }
0x162: {  	v43 =	vld [tilespmem:s0+$0x18870]  }
0x163: {  	v1 =	vmul.f32 v39, v37;
	v44 =	vld [tilespmem:s0+$0x16820]  }
0x164: {  	v46 =	vld [tilespmem:s0+$0x16830]  }
0x165: {  	v1 =	vsub.f32 $1.500000000e+00, v1;
	v47 =	vld [tilespmem:s0+$0x16840]  }
0x166: {  	v48 =	vld [tilespmem:s0+$0x16850]  }
0x167: {  	v1 =	vmul.f32 v1, v37;
	v49 =	vld [tilespmem:s0+$0x16860]  }
0x168: {  	vm0 =	vgt.f32 v0, $0.0e+00;
	v50 =	vld [tilespmem:s0+$0x16870];
	v45 =	vadd.f32 v28, v10  }
0x169: {  	v1 =	vnsel vm0, $0x0, v1;
	v5 =	vadd.f32 v33, v41  }
0x16a: {  	v3 =	vadd.f32 v36, v44;
	v4 =	vadd.f32 v38, v46;
	v0 =	vmul.f32 v1, v45  }
0x16b: {  	v51 =	vld [tilespmem:s0+$0x1A840];
	v2 =	vadd.f32 v2, v47;
	v6 =	vadd.f32 v40, v48;
	v5 =	vmul.f32 v1, v5  }
0x16c: {  	v52 =	vld [tilespmem:s0+$0x1A850];
	v54 =	vadd.f32 v42, v49;
	v3 =	vmul.f32 v1, v3;
	v0 =	vadd.f32 v0, v62  }
0x16d: {  	v53 =	vld [tilespmem:s0+$0x1A860];
	v56 =	vadd.f32 v43, v50;
	v4 =	vmul.f32 v1, v4;
	v5 =	vadd.f32 v5, v63  }
0x16e: {  	v55 =	vld [tilespmem:s0+$0x1A870];
	v2 =	vmul.f32 v2, v1;
	v3 =	vadd.f32 v3, v20;
	v0 =	vmul.f32 $3.333333430e-01, v0  }
0x16f: {  	v6 =	vmul.f32 v6, v1;
	v4 =	vadd.f32 v4, v26;
	v5 =	vmul.f32 $3.333333430e-01, v5  }
0x170: {  	v58 =	vmul.f32 v54, v1;
	v2 =	vadd.f32 v2, v51;
	v57 =	vmul.f32 $3.333333430e-01, v3;
	[tilespmem:s0+$0x16800] =	vst v0  }
0x171: {  	v1 =	vmul.f32 v56, v1;
	v59 =	vadd.f32 v6, v52;
	v4 =	vmul.f32 $3.333333430e-01, v4;
	[tilespmem:s0+$0x16810] =	vst v5  }
0x172: {  	v61 =	vadd.f32 v58, v53;
	v60 =	vmul.f32 $3.333333430e-01, v2;
	[tilespmem:s0+$0x16820] =	vst v57  }
0x173: {  	v1 =	vadd.f32 v1, v55;
	v62 =	vmul.f32 $3.333333430e-01, v59;
	[tilespmem:s0+$0x16830] =	vst v4  }
0x174: {  	v63 =	vmul.f32 $3.333333430e-01, v61;
	[tilespmem:s0+$0x16840] =	vst v60  }
0x175: {  	v1 =	vmul.f32 $3.333333430e-01, v1;
	[tilespmem:s0+$0x16850] =	vst v62  }
0x176: {  	s31 =	sadd.s32 $0x1, s31;
	[tilespmem:s0+$0x16860] =	vst v63  }
0x177: {  	s30 =	sadd.s32 s1, s30;
	p1 =	sne.s32 s31, $0x5;
	[tilespmem:s0+$0x16870] =	vst v1  }
0x178: {  	[hbm4b:s30+s5] =	stream.linear.scatter [tilespmem:s23], [sflag:$0x2], $0x2000, $0x38;
	[tilespmem:$0x1E800] =	vst v63  }
.Ltmp8:
0x179: {  	_ = 	snop;
	(pc) =	sbr.rel @p1 .LBB2_13-.Ltmp8, $4  }
.Ltmp9:
0x17a: {  	_ = 	snop;
	(pc) =	sbr.rel @!p1 .LBB2_16-.Ltmp9, $4  }
0x17b: {  	_ =	swait.ge [sflag:s22], $0x2000  }
0x17c: {  	[sflag:s22] =	ssyncset.done $0x0  }
0x17d: {  	[sflag:s22] =	ssyncadd.s32 $0xFFFFE000  }
0x17e: {  	_ = 	snop  }
.LBB2_10:
0x17f: {  	s0 =	sshll.u32 s30, $0x6  }
0x180: {  	s0 =	sadd.s32 s19, s0  }
0x181: {  	s15 =	sshll.u32 s0, $0x7  }
0x182: {  	s15 =	sand.u32 $0x3FFFFF80, s15  }
0x183: {  	s15 =	sadd.s32 s15, s3  }
0x184: {  	[tilespmem:s23], [sflag:$0x2] =	stream.linear.gather [spmem:s15], $0x2000, $0x38;
	[tilespmem:$0x1E800] =	vst v63  }
0x185: {  	_ =	swait.ge [sflag:s22], $0x2000  }
0x186: {  	s31 =	sshll.u32 s0, $0x4;
	[sflag:s22] =	ssyncset.done $0x0  }
0x187: {  	s0 =	sadd.s32 s7, s31;
	[sflag:s22] =	ssyncadd.s32 $0xFFFFE000  }
0x188: {  	[tilespmem:s6], [sflag:$0x2] =	stream.linear.gather [hbm4b:s0+s13], $0x2000, $0x38;
	[tilespmem:$0x1E800] =	vst v63  }
0x189: {  	_ =	swait.ge [sflag:s22], $0x2000  }
0x18a: {  	s18 =	sadd.s32 $0x14000, s31;
	[sflag:s22] =	ssyncset.done $0x0  }
0x18b: {  	s20 =	sadd.s32 s9, s18;
	[sflag:s22] =	ssyncadd.s32 $0xFFFFE000  }
0x18c: {  	[tilespmem:s24], [sflag:$0x2] =	stream.linear.gather [hbm4b:s20+s13], $0x2000, $0x38;
	[tilespmem:$0x1E800] =	vst v63  }
0x18d: {  	_ =	swait.ge [sflag:s22], $0x2000  }
0x18e: {  	[sflag:s22] =	ssyncset.done $0x0  }
0x18f: {  	s0 =	sadd.s32 s8, s18;
	[sflag:s22] =	ssyncadd.s32 $0xFFFFE000  }
0x190: {  	[tilespmem:s10], [sflag:$0x2] =	stream.linear.gather [hbm4b:s0+s13], $0x2000, $0x38;
	[tilespmem:$0x1E800] =	vst v63  }
0x191: {  	_ =	swait.ge [sflag:s22], $0x2000  }
0x192: {  	[sflag:s22] =	ssyncset.done $0x0  }
0x193: {  	s15 =	simm.s32 $0x0;
	[sflag:s22] =	ssyncadd.s32 $0xFFFFE000  }
0x194: {  	v6 =	vld [tilespmem:s15+$0x1C800];
	_ =	sdelay $0x4  }
0x195: {  	v0 =	vshrl.u32 v6, $0x1;
	v1 =	vmul.f32 $5.000000000e-01, v6  }
0x196: {  	v0 =	vsub.s32 $0x5F3759DF, v0  }
0x197: {  	v2 =	vmul.f32 v0, v1;
	_ =	sdelay $0x1  }
0x198: {  	v2 =	vmul.f32 v0, v2;
	_ =	sdelay $0x1  }
0x199: {  	v2 =	vsub.f32 $1.500000000e+00, v2;
	_ =	sdelay $0x1  }
0x19a: {  	v7 =	vmul.f32 v0, v2  }
0x19b: {  	v5 =	vld [tilespmem:s15+$0x1A800]  }
0x19c: {  	v4 =	vld [tilespmem:s15+$0x1A810];
	v0 =	vmul.f32 v7, v1  }
0x19d: {  	v3 =	vld [tilespmem:s15+$0x1A820]  }
0x19e: {  	v9 =	vld [tilespmem:s15+$0x18800];
	v0 =	vmul.f32 v0, v7  }
0x19f: {  	v14 =	vld [tilespmem:s15+$0x18810]  }
0x1a0: {  	s0 =	simm.s32 $0x80;
	v16 =	vld [tilespmem:s15+$0x16800];
	v8 =	vsub.f32 $1.500000000e+00, v0  }
0x1a1: {  	v0 =	vld [tilespmem:s0+$0x1C800]  }
0x1a2: {  	v17 =	vld [tilespmem:s15+$0x16810];
	v15 =	vmul.f32 v8, v7  }
0x1a3: {  	v13 =	vld [tilespmem:s15+$0x18820]  }
0x1a4: {  	v11 =	vld [tilespmem:s15+$0x18830];
	v8 =	vmul.f32 v15, v1  }
0x1a5: {  	v10 =	vld [tilespmem:s15+$0x18840];
	vm0 =	vgt.f32 v6, $0.0e+00;
	v6 =	vadd.f32 v9, v16  }
0x1a6: {  	v16 =	vld [tilespmem:s15+$0x16830];
	v12 =	vshrl.u32 v0, $0x1;
	v1 =	vmul.f32 $5.000000000e-01, v0;
	v8 =	vmul.f32 v8, v15  }
0x1a7: {  	v14 =	vadd.f32 v14, v17;
	v17 =	vld [tilespmem:s15+$0x16840];
	v20 =	vsub.s32 $0x5F3759DF, v12  }
0x1a8: {  	v2 =	vld [tilespmem:s15+$0x1A830];
	v18 =	vmul.f32 v20, v1;
	v19 =	vsub.f32 $1.500000000e+00, v8  }
0x1a9: {  	v7 =	vld [tilespmem:s15+$0x18850]  }
0x1aa: {  	v21 =	vmul.f32 v20, v18;
	v18 =	vld [tilespmem:s15+$0x16820];
	v15 =	vmul.f32 v19, v15  }
0x1ab: {  	v12 =	vld [tilespmem:s15+$0x18860]  }
0x1ac: {  	v8 =	vld [tilespmem:s15+$0x18870];
	v21 =	vsub.f32 $1.500000000e+00, v21;
	v9 =	vnsel vm0, $0x0, v15  }
0x1ad: {  	v15 =	vld [tilespmem:s15+$0x16850];
	v19 =	vmul.f32 v9, v6  }
0x1ae: {  	s16 =	simm.s32 $0x400;
	v6 =	vmul.f32 v20, v21;
	v20 =	vmul.f32 v9, v14;
	v14 =	vld [tilespmem:s15+$0x16860]  }
.LBB2_11:
0x1af: {  	p1 =	sne.s32 s16, $0x7E00;
	v5 =	vadd.f32 v19, v5;
	v13 =	vadd.f32 v13, v18;
	v18 =	vld [tilespmem:s15+$0x16870]  }
0x1b0: {  	v19 =	vmul.f32 v6, v1;
	v4 =	vadd.f32 v20, v4;
	v11 =	vadd.f32 v11, v16;
	v16 =	vld [tilespmem:s15+$0x1A840]  }
0x1b1: {  	v20 =	vmul.f32 $3.333333430e-01, v5;
	v5 =	vmul.f32 v9, v13;
	v10 =	vadd.f32 v10, v17;
	v13 =	vld [tilespmem:s15+$0x1A850]  }
0x1b2: {  	v17 =	vmul.f32 $3.333333430e-01, v4;
	v4 =	vmul.f32 v9, v11;
	v7 =	vadd.f32 v7, v15;
	v11 =	vld [tilespmem:s15+$0x1A860]  }
0x1b3: {  	v3 =	vadd.f32 v5, v3;
	v10 =	vmul.f32 v10, v9;
	v12 =	vadd.f32 v12, v14;
	v14 =	vld [tilespmem:s15+$0x1A870]  }
0x1b4: {  	v5 =	vld [tilespmem:s0+$0x1A800];
	v2 =	vadd.f32 v4, v2;
	v7 =	vmul.f32 v7, v9;
	v8 =	vadd.f32 v8, v18  }
0x1b5: {  	v4 =	vld [tilespmem:s0+$0x1A810];
	[tilespmem:s15+$0x16800] =	vst v20;
	v15 =	vmul.f32 $3.333333430e-01, v3;
	v10 =	vadd.f32 v10, v16;
	v12 =	vmul.f32 v12, v9  }
0x1b6: {  	v3 =	vld [tilespmem:s0+$0x1A820];
	[tilespmem:s15+$0x16810] =	vst v17;
	v16 =	vmul.f32 $3.333333430e-01, v2;
	v7 =	vadd.f32 v7, v13;
	v8 =	vmul.f32 v8, v9  }
0x1b7: {  	v9 =	vmul.f32 v19, v6;
	v2 =	vld [tilespmem:s0+$0x1A830];
	[tilespmem:s15+$0x16820] =	vst v15;
	v10 =	vmul.f32 $3.333333430e-01, v10;
	v11 =	vadd.f32 v12, v11  }
0x1b8: {  	v15 =	vld [tilespmem:s0+$0x18800];
	[tilespmem:s15+$0x16830] =	vst v16;
	v7 =	vmul.f32 $3.333333430e-01, v7;
	v8 =	vadd.f32 v8, v14  }
0x1b9: {  	s17 =	sshra.s32 s16, $0x2;
	v9 =	vsub.f32 $1.500000000e+00, v9;
	v14 =	vld [tilespmem:s0+$0x18810];
	[tilespmem:s15+$0x16840] =	vst v10;
	v10 =	vmul.f32 $3.333333430e-01, v11  }
0x1ba: {  	v17 =	vld [tilespmem:s17+$0x1C800];
	[tilespmem:s15+$0x16850] =	vst v7;
	v7 =	vmul.f32 $3.333333430e-01, v8  }
0x1bb: {  	v6 =	vmul.f32 v9, v6;
	v13 =	vld [tilespmem:s0+$0x18820];
	[tilespmem:s15+$0x16860] =	vst v10  }
0x1bc: {  	v11 =	vld [tilespmem:s0+$0x18830];
	[tilespmem:s15+$0x16870] =	vst v7;
	s15 =	smov.u32 s0;
	s0 =	smov.u32 s17  }
0x1bd: {  	v8 =	vmul.f32 v6, v1;
	v10 =	vld [tilespmem:s15+$0x18840]  }
0x1be: {  	v7 =	vld [tilespmem:s15+$0x18850]  }
0x1bf: {  	v8 =	vmul.f32 v8, v6;
	v9 =	vshrl.u32 v17, $0x1;
	v1 =	vmul.f32 $5.000000000e-01, v17;
	v16 =	vld [tilespmem:s15+$0x16800]  }
0x1c0: {  	v20 =	vsub.s32 $0x5F3759DF, v9;
	v19 =	vld [tilespmem:s15+$0x16810]  }
0x1c1: {  	v18 =	vsub.f32 $1.500000000e+00, v8;
	v9 =	vmul.f32 v20, v1;
	v12 =	vld [tilespmem:s15+$0x18860]  }
0x1c2: {  	v8 =	vld [tilespmem:s15+$0x18870]  }
.Ltmp10:
0x1c3: {  	v6 =	vmul.f32 v18, v6;
	v9 =	vmul.f32 v20, v9;
	v18 =	vld [tilespmem:s15+$0x16820];
	(pc) =	sbr.rel @p1 .LBB2_11-.Ltmp10, $4  }
0x1c4: {  	vm0 =	vgt.f32 v0, $0.0e+00;
	v0 =	vmov v17;
	v15 =	vadd.f32 v15, v16;
	v16 =	vld [tilespmem:s15+$0x16830]  }
0x1c5: {  	v21 =	vsub.f32 $1.500000000e+00, v9;
	v9 =	vnsel vm0, $0x0, v6;
	v14 =	vadd.f32 v14, v19;
	v17 =	vld [tilespmem:s15+$0x16840]  }
0x1c6: {  	v19 =	vmul.f32 v9, v15;
	v15 =	vld [tilespmem:s15+$0x16850]  }
0x1c7: {  	s16 =	sadd.s32 $0x200, s16;
	v6 =	vmul.f32 v20, v21;
	v20 =	vmul.f32 v9, v14;
	v14 =	vld [tilespmem:s15+$0x16860]  }
0x1c8: {  	v21 =	vld [tilespmem:s15+$0x16870];
	v13 =	vadd.f32 v13, v18  }
0x1c9: {  	v22 =	vld [tilespmem:s15+$0x1A840];
	v5 =	vadd.f32 v19, v5  }
0x1ca: {  	v23 =	vld [tilespmem:s15+$0x1A850];
	v11 =	vadd.f32 v11, v16;
	v13 =	vmul.f32 v9, v13  }
0x1cb: {  	v60 =	vld [tilespmem:s15+$0x1A860];
	v4 =	vadd.f32 v20, v4;
	v5 =	vmul.f32 $3.333333430e-01, v5;
	v10 =	vadd.f32 v10, v17  }
0x1cc: {  	v61 =	vld [tilespmem:s15+$0x1A870];
	v7 =	vadd.f32 v7, v15;
	v3 =	vadd.f32 v13, v3;
	v13 =	vmul.f32 v9, v11  }
0x1cd: {  	v62 =	vld [tilespmem:s0+$0x1A800];
	v4 =	vmul.f32 $3.333333430e-01, v4;
	v10 =	vmul.f32 v10, v9;
	v24 =	vadd.f32 v12, v14  }
0x1ce: {  	v63 =	vld [tilespmem:s0+$0x1A810];
	[tilespmem:s15+$0x16800] =	vst v5;
	v25 =	vmul.f32 v7, v9;
	v27 =	vadd.f32 v8, v21;
	v2 =	vadd.f32 v13, v2  }
0x1cf: {  	v20 =	vld [tilespmem:s0+$0x1A820];
	[tilespmem:s15+$0x16810] =	vst v4;
	v3 =	vmul.f32 $3.333333430e-01, v3;
	v10 =	vadd.f32 v10, v22;
	v4 =	vmul.f32 v24, v9  }
0x1d0: {  	v5 =	vadd.f32 v25, v23;
	v30 =	vmul.f32 v27, v9;
	v2 =	vmul.f32 $3.333333430e-01, v2  }
0x1d1: {  	v26 =	vld [tilespmem:s0+$0x1A830];
	[tilespmem:s15+$0x16820] =	vst v3;
	v10 =	vmul.f32 $3.333333430e-01, v10;
	v31 =	vadd.f32 v4, v60  }
0x1d2: {  	v28 =	vld [tilespmem:s0+$0x18800];
	v32 =	vmul.f32 $3.333333430e-01, v5;
	[tilespmem:s15+$0x16830] =	vst v2;
	v2 =	vadd.f32 v30, v61  }
0x1d3: {  	v29 =	vmul.f32 v6, v1;
	v3 =	vmul.f32 $3.333333430e-01, v31;
	v33 =	vld [tilespmem:s0+$0x18810];
	[tilespmem:s15+$0x16840] =	vst v10  }
0x1d4: {  	[tilespmem:s15+$0x16850] =	vst v32;
	v2 =	vmul.f32 $3.333333430e-01, v2  }
0x1d5: {  	v34 =	vmul.f32 v29, v6;
	v36 =	vld [tilespmem:s0+$0x18820];
	[tilespmem:s15+$0x16860] =	vst v3  }
0x1d6: {  	v38 =	vld [tilespmem:s0+$0x18830];
	[tilespmem:s15+$0x16870] =	vst v2  }
0x1d7: {  	v35 =	vsub.f32 $1.500000000e+00, v34;
	v2 =	vld [tilespmem:s0+$0x18840]  }
0x1d8: {  	v40 =	vld [tilespmem:s0+$0x18850]  }
0x1d9: {  	v37 =	vmul.f32 v35, v6;
	v10 =	vld [tilespmem:s0+$0x16800]  }
0x1da: {  	v41 =	vld [tilespmem:s0+$0x16810]  }
0x1db: {  	v39 =	vmul.f32 v37, v1;
	v42 =	vld [tilespmem:s0+$0x18860]  }
0x1dc: {  	v43 =	vld [tilespmem:s0+$0x18870]  }
0x1dd: {  	v1 =	vmul.f32 v39, v37;
	v44 =	vld [tilespmem:s0+$0x16820]  }
0x1de: {  	v46 =	vld [tilespmem:s0+$0x16830]  }
0x1df: {  	v1 =	vsub.f32 $1.500000000e+00, v1;
	v47 =	vld [tilespmem:s0+$0x16840]  }
0x1e0: {  	v48 =	vld [tilespmem:s0+$0x16850]  }
0x1e1: {  	v1 =	vmul.f32 v1, v37;
	v49 =	vld [tilespmem:s0+$0x16860]  }
0x1e2: {  	vm0 =	vgt.f32 v0, $0.0e+00;
	v50 =	vld [tilespmem:s0+$0x16870];
	v45 =	vadd.f32 v28, v10  }
0x1e3: {  	v1 =	vnsel vm0, $0x0, v1;
	v5 =	vadd.f32 v33, v41  }
0x1e4: {  	v3 =	vadd.f32 v36, v44;
	v4 =	vadd.f32 v38, v46;
	v0 =	vmul.f32 v1, v45  }
0x1e5: {  	v51 =	vld [tilespmem:s0+$0x1A840];
	v2 =	vadd.f32 v2, v47;
	v6 =	vadd.f32 v40, v48;
	v5 =	vmul.f32 v1, v5  }
0x1e6: {  	v52 =	vld [tilespmem:s0+$0x1A850];
	v54 =	vadd.f32 v42, v49;
	v3 =	vmul.f32 v1, v3;
	v0 =	vadd.f32 v0, v62  }
0x1e7: {  	v53 =	vld [tilespmem:s0+$0x1A860];
	v56 =	vadd.f32 v43, v50;
	v4 =	vmul.f32 v1, v4;
	v5 =	vadd.f32 v5, v63  }
0x1e8: {  	v55 =	vld [tilespmem:s0+$0x1A870];
	v2 =	vmul.f32 v2, v1;
	v3 =	vadd.f32 v3, v20;
	v0 =	vmul.f32 $3.333333430e-01, v0  }
0x1e9: {  	v6 =	vmul.f32 v6, v1;
	v4 =	vadd.f32 v4, v26;
	v5 =	vmul.f32 $3.333333430e-01, v5  }
0x1ea: {  	v58 =	vmul.f32 v54, v1;
	v2 =	vadd.f32 v2, v51;
	v57 =	vmul.f32 $3.333333430e-01, v3;
	[tilespmem:s0+$0x16800] =	vst v0  }
0x1eb: {  	v1 =	vmul.f32 v56, v1;
	v59 =	vadd.f32 v6, v52;
	v4 =	vmul.f32 $3.333333430e-01, v4;
	[tilespmem:s0+$0x16810] =	vst v5  }
0x1ec: {  	v61 =	vadd.f32 v58, v53;
	v60 =	vmul.f32 $3.333333430e-01, v2;
	[tilespmem:s0+$0x16820] =	vst v57  }
0x1ed: {  	v1 =	vadd.f32 v1, v55;
	v62 =	vmul.f32 $3.333333430e-01, v59;
	[tilespmem:s0+$0x16830] =	vst v4  }
0x1ee: {  	v63 =	vmul.f32 $3.333333430e-01, v61;
	[tilespmem:s0+$0x16840] =	vst v60  }
0x1ef: {  	v1 =	vmul.f32 $3.333333430e-01, v1;
	[tilespmem:s0+$0x16850] =	vst v62  }
0x1f0: {  	s30 =	sadd.s32 $0x1, s30;
	[tilespmem:s0+$0x16860] =	vst v63  }
0x1f1: {  	s31 =	sadd.s32 s2, s31;
	p1 =	seq.s32 s30, $0x5;
	[tilespmem:s0+$0x16870] =	vst v1  }
0x1f2: {  	[hbm4b:s31+s5] =	stream.linear.scatter [tilespmem:s23], [sflag:$0x2], $0x2000, $0x38;
	[tilespmem:$0x1E800] =	vst v63  }
.Ltmp11:
0x1f3: {  	_ = 	snop;
	(pc) =	sbr.rel @!p1 .LBB2_10-.Ltmp11, $4  }
.Ltmp12:
0x1f4: {  	_ = 	snop;
	(pc) =	sbr.rel @p1 .LBB2_16-.Ltmp12, $4  }
0x1f5: {  	_ =	swait.ge [sflag:s22], $0x2000  }
0x1f6: {  	[sflag:s22] =	ssyncset.done $0x0  }
0x1f7: {  	[sflag:s22] =	ssyncadd.s32 $0xFFFFE000  }
0x1f8: {  	_ = 	snop  }
.LBB2_17:
0x1f9: {  	_ =	sfence.sel $0x180000  }
0x1fa: {  	[bflag:$0x0] =	sbarrier.arrive $0xFFFF  }
0x1fb: {  	_ =	strace $0x9000004A  }
0x1fc: {  	s0 =	stileid.u32;
	[bflag:$0x2] =	sbarrier.arrive $0xFFFF  }
0x1fd: {  	p0 =	sne.s32 s0, $0x0;
	s0 =	rddreg [dreg:$0x5]  }
0x1fe: {  	s0 =	sadd.s32 @!p0 $0x100000, s0  }
0x1ff: {  	[sflag:s0] =	ssyncadd.tile.s32 @!p0 $0x1;
	_ =	shalt  }
.Lfunc_end2:
_tile_overlayer_lowered:
.L_overlay_start_2:
0x200: {  	(tag) =	ssettag $0x2  }
0x201: {  	s0 =	rddreg [dreg:$0x0];
	s2 =	stileid.u32  }
0x202: {  	s1 =	rddreg [dreg:$0x1];
	p0 =	sne.s32 s2, $0x0  }
0x203: {  	s3 =	rddreg [dreg:$0x2];
	[bflag:$0x3] =	sbarrier.arrive $0xFFFF;
	s2 =	simm.s32 @!p0 $0x1C02  }
0x204: {  	[timem:s3], [sflag:s2] =	dma.local @!p0 [hbm:s0], s1  }
0x205: {  	s0 =	simm.s32 @!p0 $0x2  }
0x206: {  	_ =	swait.ge @!p0 [sflag:s0], s1  }
0x207: {  	s1 =	ssub.s32 @!p0 $0x0, s1;
	[sflag:s0] =	ssyncset.done @!p0 $0x0  }
0x208: {  	[sflag:s0] =	ssyncadd.s32 @!p0 s1  }
0x209: {  	[bflag:$0x3] =	sbarrier.arrive $0xFFFF  }
0x20a: {  	_ =	shalt  }

</sc_bundles>
